<compile_context>
chip_gen: v7x
topology: tpu7x:2x2x1
jax: 0.10.2.dev20260603
libtpu: 0.0.44.dev20260713+nightly
codegen_flags: <defaults>
</compile_context>

<pallas_src>
import functools

import jax
import jax.numpy as jnp
from jax.experimental import pallas as pl


_B = 8
_F32 = jnp.float32
_I32 = jnp.int32



def _call(body, args, arg_specs, out_shapes, out_specs, grid):
    return pl.pallas_call(
        body,
        grid=grid,
        in_specs=arg_specs,
        out_specs=out_specs if len(out_specs) > 1 else out_specs[0],
        out_shape=out_shapes if len(out_shapes) > 1 else out_shapes[0],
    )(*args)


def _bspec_b(shape):
    nd = len(shape)
    return pl.BlockSpec((1,) + tuple(shape[1:]),
                        lambda b, _nd=nd: (b,) + (0,) * (_nd - 1))


def _bspec_full(shape):
    nd = len(shape)
    return pl.BlockSpec(tuple(shape), lambda *a, _nd=nd: (0,) * _nd)


def _iref(f_t, idx):
    return jax.vmap(lambda p, i: p[i])(f_t, idx)


def _sqdist(q, x):
    qb = q.astype(jnp.bfloat16).astype(_F32)
    xb = x.astype(jnp.bfloat16).astype(_F32)
    p = qb[0][:, None] * xb[0][None, :]
    p = p + qb[1][:, None] * xb[1][None, :]
    p = p + qb[2][:, None] * xb[2][None, :]
    d = -2.0 * p
    d = d + jnp.sum(q * q, axis=0)[:, None]
    d = d + jnp.sum(x * x, axis=0)[None, :]
    return d



def _fps_body(npoint, nb, n, ptsc_ref, ptsn_ref, out_ref):
    pts = ptsc_ref[...]

    def step(i, carry):
        dist, far = carry
        rows = [ptsn_ref[b, pl.ds(far[b], 1), :] for b in range(nb)]
        cent = jnp.concatenate(rows, axis=0)
        d = jnp.sum((pts - cent[:, :, None]) ** 2, axis=1)
        dist = jnp.minimum(dist, d)
        mx = jnp.max(dist, axis=-1)
        iota = jax.lax.broadcasted_iota(_I32, (nb, n), 1)
        nxt = jnp.min(jnp.where(dist == mx[:, None], iota, n), axis=-1)
        out_ref[pl.ds(i, 1), :] = far[None, :]
        return dist, nxt

    jax.lax.fori_loop(
        0, npoint, step,
        (jnp.full((nb, n), 1e10, _F32), jnp.zeros((nb,), _I32)))


def _fps(xyz, npoint):
    nb, _, n = xyz.shape
    xyz_nm = jnp.swapaxes(xyz, 1, 2)
    out = _call(functools.partial(_fps_body, npoint, nb, n),
                [xyz, xyz_nm],
                [_bspec_full(xyz.shape), _bspec_full(xyz_nm.shape)],
                [jax.ShapeDtypeStruct((npoint, nb), _I32)],
                [_bspec_full((npoint, nb))], (1,))
    return jnp.swapaxes(out, 0, 1)


def _bq_body(r2, n, s, ns, xyz_ref, new_ref, out_ref):
    d = _sqdist(new_ref[0], xyz_ref[0])
    iota = jax.lax.broadcasted_iota(_I32, (s, n), 1)
    g = jnp.where(d <= r2, iota, n)
    cols = []
    for _ in range(ns):
        m = jnp.min(g, axis=-1)
        cols.append(m)
        g = jnp.where(g == m[:, None], n, g)
    idx = jnp.stack(cols, axis=-1)
    out_ref[0] = jnp.where(idx == n, idx[:, :1], idx)


def _ball_query(xyz, new_xyz, radius, ns):
    nb, _, n = xyz.shape
    s = new_xyz.shape[2]
    return _call(functools.partial(_bq_body, radius * radius, n, s, ns),
                 [xyz, new_xyz], [_bspec_b(xyz.shape), _bspec_b(new_xyz.shape)],
                 [jax.ShapeDtypeStruct((nb, s, ns), _I32)],
                 [_bspec_b((nb, s, ns))], (nb,))


def _knn_body(k, m, s, want_vals, q_ref, r_ref, *out_refs):
    d = _sqdist(q_ref[0], r_ref[0])
    iota = jax.lax.broadcasted_iota(_I32, (s, m), 1)
    icols, vcols = [], []
    for _ in range(k):
        mn = jnp.min(d, axis=-1)
        am = jnp.min(jnp.where(d == mn[:, None], iota, m), axis=-1)
        icols.append(am)
        vcols.append(mn)
        d = jnp.where(iota == am[:, None], jnp.inf, d)
    out_refs[0][0] = jnp.stack(icols, axis=-1)
    if want_vals:
        out_refs[1][0] = jnp.stack(vcols, axis=-1)


def _knn(query, ref, k, want_vals=False):
    nb, _, s = query.shape
    m = ref.shape[2]
    outs = [jax.ShapeDtypeStruct((nb, s, k), _I32)]
    if want_vals:
        outs.append(jax.ShapeDtypeStruct((nb, s, k), _F32))
    return _call(functools.partial(_knn_body, k, m, s, want_vals),
                 [query, ref], [_bspec_b(query.shape), _bspec_b(ref.shape)],
                 outs, [_bspec_b(o.shape) for o in outs], (nb,))



def _mlp2d(ws, x):
    for w in ws:
        z = jnp.einsum('oc,bcns->bons', w, x)
        mean = jnp.mean(z, axis=(0, 2, 3), keepdims=True)
        var = jnp.var(z, axis=(0, 2, 3), keepdims=True)
        x = jax.nn.relu((z - mean) / jnp.sqrt(var + 1e-5))
    return x


def _mlp1d(ws, x):
    for w in ws:
        z = jnp.einsum('oc,bcn->bon', w, x)
        mean = jnp.mean(z, axis=(0, 2), keepdims=True)
        var = jnp.var(z, axis=(0, 2), keepdims=True)
        x = jax.nn.relu((z - mean) / jnp.sqrt(var + 1e-5))
    return x



def _sa(ws, npoint, radius, ns, xyz, pts):
    fidx = _fps(xyz, npoint)
    xyz_t = jnp.swapaxes(xyz, 1, 2)
    new_t = _iref(xyz_t, fidx)
    new_xyz = jnp.swapaxes(new_t, 1, 2)
    idx = _ball_query(xyz, new_xyz, radius, ns)
    grouped_xyz = _iref(xyz_t, idx) - new_t[:, :, None, :]
    grouped_pts = _iref(jnp.swapaxes(pts, 1, 2), idx)
    feat = jnp.transpose(
        jnp.concatenate([grouped_xyz, grouped_pts], axis=-1), (0, 3, 1, 2))
    feat = _mlp2d(ws, feat)
    return new_xyz, jnp.max(feat, axis=-1)


def _fe(ws, ns, pos1, pos2, f1, f2):
    idx = _knn(pos1, pos2, ns)
    pos_diff = _iref(jnp.swapaxes(pos2, 1, 2), idx) \
        - jnp.swapaxes(pos1, 1, 2)[:, :, None, :]
    f2g = _iref(jnp.swapaxes(f2, 1, 2), idx)
    f1r = jnp.broadcast_to(
        jnp.swapaxes(f1, 1, 2)[:, :, None, :], f2g.shape)
    feat = jnp.transpose(
        jnp.concatenate([pos_diff, f2g, f1r], axis=-1), (0, 3, 1, 2))
    feat = _mlp2d(ws, feat)
    return jnp.max(feat, axis=-1)


def _su(ws1, ws2, ns, pos1, pos2, f1, f2):
    idx = _knn(pos1, pos2, ns)
    pos_diff = _iref(jnp.swapaxes(pos2, 1, 2), idx) \
        - jnp.swapaxes(pos1, 1, 2)[:, :, None, :]
    f2g = _iref(jnp.swapaxes(f2, 1, 2), idx)
    feat = jnp.transpose(
        jnp.concatenate([f2g, pos_diff], axis=-1), (0, 3, 1, 2))
    feat = _mlp2d(ws1, feat)
    feat = jnp.max(feat, axis=-1)
    feat = jnp.concatenate([feat, f1], axis=1)
    return _mlp1d(ws2, feat)


def _fp(ws, pos1, pos2, f1, f2):
    idx, dists = _knn(pos1, pos2, 3, want_vals=True)
    dists = jnp.maximum(dists, 1e-10)
    weight = 1.0 / dists
    weight = weight / jnp.sum(weight, axis=-1, keepdims=True)
    grouped = _iref(jnp.swapaxes(f2, 1, 2), idx)
    interp = jnp.sum(grouped * weight[..., None], axis=2)
    feat = jnp.concatenate([jnp.transpose(interp, (0, 2, 1)), f1], axis=1)
    return _mlp1d(ws, feat)



def kernel(pc1, pc2, feature1, feature2, params):
    l1p1, l1f1 = _sa(params['sa1'], 1024, 5.0, 16, pc1, feature1)
    l2p1, l2f1 = _sa(params['sa2'], 256, 10.0, 16, l1p1, l1f1)
    l1p2, l1f2 = _sa(params['sa1'], 1024, 5.0, 16, pc2, feature2)
    l2p2, l2f2 = _sa(params['sa2'], 256, 10.0, 16, l1p2, l1f2)

    l2f1n = _fe(params['fe'], 64, l2p1, l2p2, l2f1, l2f2)

    l3p1, l3f1 = _sa(params['sa3'], 64, 17.5, 8, l2p1, l2f1n)
    l4p1, l4f1 = _sa(params['sa4'], 16, 25.0, 8, l3p1, l3f1)

    l3fn = _su([], params['su1_mlp2'], 8, l3p1, l4p1, l3f1, l4f1)
    l2fn = _su(params['su2_mlp1'], params['su2_mlp2'], 8, l2p1, l3p1,
               jnp.concatenate([l2f1, l2f1n], axis=1), l3fn)
    l1fn = _su(params['su3_mlp1'], params['su3_mlp2'], 8, l1p1, l2p1,
               l1f1, l2fn)
    l0fn = _fp(params['fp'], pc1, l1p1, feature1, l1fn)

    x = _mlp1d([params['conv1']], l0fn)
    sf = jnp.einsum('oc,bcn->bon', params['conv2_w'], x) \
        + params['conv2_b'][None, :, None]
    return sf

# --- scband reference (transcript-rebuilt; emitter-appended) ---
"""Pipeline reference for scband-flow-net3-d-80556406604131 (READ-ONLY COPY).

The authoritative reference and input builder live on the scoring server;
editing this copy changes nothing except your own understanding.
"""

import jax, jax.numpy as jnp
import numpy as np

NUM_FILT = 64
N_POINTS = 1024
B = 8
N_IN = 2048

def _mlp_weights(key, channels):
    ws = []
    for i in range(len(channels) - 1):
        key, sub = jax.random.split(key)
        ws.append(jax.random.normal(sub, (channels[i + 1], channels[i]), dtype=jnp.float32) / np.sqrt(channels[i]))
    return key, ws

def square_distance(src, dst):
    d = -2.0 * jnp.einsum('bnc,bmc->bnm', src, dst)
    d = d + jnp.sum(src ** 2, axis=-1)[:, :, None]
    d = d + jnp.sum(dst ** 2, axis=-1)[:, None, :]
    return d

def index_points(points, idx):
    return jax.vmap(lambda p, i: p[i])(points, idx)

def farthest_point_sample(xyz_t, npoint):
    def single(pts):
        n = pts.shape[0]
        def body(carry, _):
            dist, far = carry
            centroid = pts[far]
            d = jnp.sum((pts - centroid) ** 2, axis=-1)
            dist = jnp.minimum(dist, d)
            nxt = jnp.argmax(dist).astype(jnp.int32)
            return (dist, nxt), far
        _, idx = jax.lax.scan(body, (jnp.full((n,), 1e10, dtype=pts.dtype), jnp.int32(0)), None, length=npoint)
        return idx
    return jax.vmap(single)(xyz_t)

def query_ball_point(radius, nsample, xyz_t, new_xyz_t):
    b, n, _ = xyz_t.shape
    s = new_xyz_t.shape[1]
    sqrdists = square_distance(new_xyz_t, xyz_t)
    group_idx = jnp.broadcast_to(jnp.arange(n, dtype=jnp.int32), (b, s, n))
    group_idx = jnp.where(sqrdists > radius ** 2, n, group_idx)
    group_idx = jnp.sort(group_idx, axis=-1)[:, :, :nsample]
    first = jnp.broadcast_to(group_idx[:, :, :1], group_idx.shape)
    return jnp.where(group_idx == n, first, group_idx)

def knn_idx(k, query_t, ref_t):
    d = square_distance(query_t, ref_t)
    _, idx = jax.lax.top_k(-d, k)
    return idx

def bn_relu(x, axes):
    mean = jnp.mean(x, axis=axes, keepdims=True)
    var = jnp.var(x, axis=axes, keepdims=True)
    return jax.nn.relu((x - mean) / jnp.sqrt(var + 1e-5))

def conv2d(w, x):
    return jnp.einsum('oc,bcns->bons', w, x)

def conv1d(w, x):
    return jnp.einsum('oc,bcn->bon', w, x)

def sa_layer(ws, npoint, radius, nsample, xyz, points):
    xyz_t = jnp.transpose(xyz, (0, 2, 1))
    fps_idx = farthest_point_sample(xyz_t, npoint)
    new_xyz_t = index_points(xyz_t, fps_idx)
    idx = query_ball_point(radius, nsample, xyz_t, new_xyz_t)
    grouped_xyz = index_points(xyz_t, idx) - new_xyz_t[:, :, None, :]
    grouped_pts = index_points(jnp.transpose(points, (0, 2, 1)), idx)
    feat = jnp.concatenate([grouped_xyz, grouped_pts], axis=-1)
    feat = jnp.transpose(feat, (0, 3, 1, 2))
    for w in ws:
        feat = bn_relu(conv2d(w, feat), (0, 2, 3))
    feat = jnp.max(feat, axis=-1)
    return jnp.transpose(new_xyz_t, (0, 2, 1)), feat

def fe_layer(ws, nsample, pos1, pos2, feat1, feat2):
    pos1_t = jnp.transpose(pos1, (0, 2, 1))
    pos2_t = jnp.transpose(pos2, (0, 2, 1))
    idx = knn_idx(nsample, pos1_t, pos2_t)
    pos_diff = index_points(pos2_t, idx) - pos1_t[:, :, None, :]
    f2g = index_points(jnp.transpose(feat2, (0, 2, 1)), idx)
    f1r = jnp.broadcast_to(jnp.transpose(feat1, (0, 2, 1))[:, :, None, :], f2g.shape)
    feat = jnp.concatenate([pos_diff, f2g, f1r], axis=-1)
    feat = jnp.transpose(feat, (0, 3, 1, 2))
    for w in ws:
        feat = bn_relu(conv2d(w, feat), (0, 2, 3))
    return pos1, jnp.max(feat, axis=-1)

def su_layer(ws1, ws2, nsample, pos1, pos2, feat1, feat2):
    pos1_t = jnp.transpose(pos1, (0, 2, 1))
    pos2_t = jnp.transpose(pos2, (0, 2, 1))
    idx = knn_idx(nsample, pos1_t, pos2_t)
    pos_diff = index_points(pos2_t, idx) - pos1_t[:, :, None, :]
    f2g = index_points(jnp.transpose(feat2, (0, 2, 1)), idx)
    feat = jnp.concatenate([f2g, pos_diff], axis=-1)
    feat = jnp.transpose(feat, (0, 3, 1, 2))
    for w in ws1:
        feat = bn_relu(conv2d(w, feat), (0, 2, 3))
    feat = jnp.max(feat, axis=-1)
    feat = jnp.concatenate([feat, feat1], axis=1)
    for w in ws2:
        feat = bn_relu(conv1d(w, feat), (0, 2))
    return feat

def fp_layer(ws, pos1, pos2, feat1, feat2):
    pos1_t = jnp.transpose(pos1, (0, 2, 1))
    pos2_t = jnp.transpose(pos2, (0, 2, 1))
    d = square_distance(pos1_t, pos2_t)
    negd, idx = jax.lax.top_k(-d, 3)
    dists = jnp.maximum(-negd, 1e-10)
    weight = 1.0 / dists
    weight = weight / jnp.sum(weight, axis=-1, keepdims=True)
    grouped = index_points(jnp.transpose(feat2, (0, 2, 1)), idx)
    interp = jnp.sum(grouped * weight[..., None], axis=2)
    feat = jnp.concatenate([jnp.transpose(interp, (0, 2, 1)), feat1], axis=1)
    for w in ws:
        feat = bn_relu(conv1d(w, feat), (0, 2))
    return feat

def flownet3d_forward(pc1, pc2, feature1, feature2, params):
    np1 = N_POINTS
    l1_pc1, l1_f1 = sa_layer(params['sa1'], np1, 5.0, 16, pc1, feature1)
    l2_pc1, l2_f1 = sa_layer(params['sa2'], np1 // 4, 10.0, 16, l1_pc1, l1_f1)
    l1_pc2, l1_f2 = sa_layer(params['sa1'], np1, 5.0, 16, pc2, feature2)
    l2_pc2, l2_f2 = sa_layer(params['sa2'], np1 // 4, 10.0, 16, l1_pc2, l1_f2)
    _, l2_f1_new = fe_layer(params['fe'], 64, l2_pc1, l2_pc2, l2_f1, l2_f2)
    l3_pc1, l3_f1 = sa_layer(params['sa3'], np1 // 16, 17.5, 8, l2_pc1, l2_f1_new)
    l4_pc1, l4_f1 = sa_layer(params['sa4'], np1 // 64, 25.0, 8, l3_pc1, l3_f1)
    l3_fnew1 = su_layer([], params['su1_mlp2'], 8, l3_pc1, l4_pc1, l3_f1, l4_f1)
    l2_fnew1 = su_layer(params['su2_mlp1'], params['su2_mlp2'], 8, l2_pc1, l3_pc1, jnp.concatenate([l2_f1, l2_f1_new], axis=1), l3_fnew1)
    l1_fnew1 = su_layer(params['su3_mlp1'], params['su3_mlp2'], 8, l1_pc1, l2_pc1, l1_f1, l2_fnew1)
    l0_fnew1 = fp_layer(params['fp'], pc1, l1_pc1, feature1, l1_fnew1)
    x = bn_relu(conv1d(params['conv1'], l0_fnew1), (0, 2))
    sf = conv1d(params['conv2_w'], x) + params['conv2_b'][None, :, None]
    return sf

def setup_inputs(seed: int = 0):
    key = jax.random.key(seed)
    k1, k2, k3, k4, kw = jax.random.split(key, 5)
    pc1 = jax.random.normal(k1, (B, 3, N_IN), dtype=jnp.float32)
    pc2 = jax.random.normal(k2, (B, 3, N_IN), dtype=jnp.float32)
    feature1 = jax.random.normal(k3, (B, 3, N_IN), dtype=jnp.float32)
    feature2 = jax.random.normal(k4, (B, 3, N_IN), dtype=jnp.float32)
    nf = NUM_FILT
    params = {}
    kw, params['sa1'] = _mlp_weights(kw, [3 + 3, nf // 2, nf // 2, nf])
    kw, params['sa2'] = _mlp_weights(kw, [nf + 3, nf, nf, nf * 2])
    kw, params['sa3'] = _mlp_weights(kw, [nf * 2 + 3, nf * 2, nf * 2, nf * 4])
    kw, params['sa4'] = _mlp_weights(kw, [nf * 4 + 3, nf * 4, nf * 4, nf * 8])
    kw, params['fe'] = _mlp_weights(kw, [nf * 4 + 3, nf * 2, nf * 2, nf * 2])
    kw, params['su1_mlp2'] = _mlp_weights(kw, [nf * 8 + 3 + nf * 4, nf * 4, nf * 4])
    kw, params['su2_mlp1'] = _mlp_weights(kw, [nf * 4 + 3, nf * 2, nf * 2, nf * 4])
    kw, params['su2_mlp2'] = _mlp_weights(kw, [nf * 4 + nf * 4, nf * 4])
    kw, params['su3_mlp1'] = _mlp_weights(kw, [nf * 4 + 3, nf * 2, nf * 2, nf * 4])
    kw, params['su3_mlp2'] = _mlp_weights(kw, [nf * 4 + nf, nf * 4])
    kw, params['fp'] = _mlp_weights(kw, [nf * 4 + 3, nf * 4, nf * 4])
    kw, w = _mlp_weights(kw, [nf * 4, nf * 2])
    params['conv1'] = w[0]
    kw, w = _mlp_weights(kw, [nf * 2, 3])
    params['conv2_w'] = w[0]
    params['conv2_b'] = jnp.zeros((3,), dtype=jnp.float32)
    return {'pc1': pc1, 'pc2': pc2, 'feature1': feature1, 'feature2': feature2, 'params': params}

def reference(pc1, pc2, feature1, feature2, params):
    return flownet3d_forward(pc1, pc2, feature1, feature2, params)

if __name__ == "__main__":
    import jax
    _d = setup_inputs()
    print(jax.jit(kernel)(*tuple(_d.values())))

</pallas_src>

<mosaic_0001>
module attributes {stable_mosaic.version = 14 : i64} {
  func.func @_fps_body(%arg0: i32, %arg1: memref<8x3x2048xf32, #tpu.memory_space<vmem>>, %arg2: memref<8x2048x3xf32, #tpu.memory_space<vmem>>, %arg3: memref<1024x8xi32, #tpu.memory_space<vmem>>) attributes {dimension_semantics = [#tpu.dimension_semantics<arbitrary>], iteration_bounds = array<i64: 1>, scalar_prefetch = 0 : i64, scratch_operands = 0 : i64, tpu.core_type = #tpu.core_type<tc>, window_params = [{pipeline_mode = #tpu.pipeline_mode<synchronous>, transform_indices = @transform_0, window_bounds = array<i64: 8, 3, 2048>}, {pipeline_mode = #tpu.pipeline_mode<synchronous>, transform_indices = @transform_1, window_bounds = array<i64: 8, 2048, 3>}, {pipeline_mode = #tpu.pipeline_mode<synchronous>, transform_indices = @transform_2, window_bounds = array<i64: 1024, 8>}]} {
    %get3A = arith.constant 0 : index
    %get3A_0 = arith.constant 0 : index
    %get3A_1 = arith.constant 0 : index
    %get3A_2 = vector.load %arg1[%get3A, %get3A_0, %get3A_1] : memref<8x3x2048xf32, #tpu.memory_space<vmem>>, vector<8x3x2048xf32>
    %broadcast_in_dim3A = arith.constant 1.000000e+10 : f32
    %broadcast_in_dim3A_3 = vector.broadcast %broadcast_in_dim3A : f32 to vector<8x2048xf32>
    %broadcast_in_dim3A_4 = arith.constant 0 : i32
    %broadcast_in_dim3A_5 = vector.broadcast %broadcast_in_dim3A_4 : i32 to vector<8xi32>
    %scan3A = arith.constant 0 : i32
    %scan3A_6 = arith.constant 1024 : i32
    %scan3A_7 = arith.addi %scan3A, %scan3A_6 : i32
    %scan3A_8 = arith.constant 1 : i32
    %scan3A_9:2 = scf.for %scan3A_11 = %scan3A to %scan3A_7 step %scan3A_8 iter_args(%scan3A_12 = %broadcast_in_dim3A_3, %scan3A_13 = %broadcast_in_dim3A_5) -> (vector<8x2048xf32>, vector<8xi32>)  : i32 {
      %slice3A = vector.extract_strided_slice %scan3A_13 {offsets = [0], sizes = [1], strides = [1]} : vector<8xi32> to vector<1xi32>
      %squeeze3A = vector.extract %slice3A[0] : i32 from vector<1xi32>
      %get3A_14 = arith.constant 0 : index
      %get3A_15 = arith.index_cast %squeeze3A : i32 to index
      %get3A_16 = arith.constant 0 : index
      %get3A_17 = vector.load %arg2[%get3A_14, %get3A_15, %get3A_16] : memref<8x2048x3xf32, #tpu.memory_space<vmem>>, vector<1x1x3xf32>
      %get3A_18 = vector.shape_cast %get3A_17 : vector<1x1x3xf32> to vector<1x3xf32>
      %slice3A_19 = vector.extract_strided_slice %scan3A_13 {offsets = [1], sizes = [1], strides = [1]} : vector<8xi32> to vector<1xi32>
      %squeeze3A_20 = vector.extract %slice3A_19[0] : i32 from vector<1xi32>
      %get3A_21 = arith.constant 1 : index
      %get3A_22 = arith.index_cast %squeeze3A_20 : i32 to index
      %get3A_23 = arith.constant 0 : index
      %get3A_24 = vector.load %arg2[%get3A_21, %get3A_22, %get3A_23] : memref<8x2048x3xf32, #tpu.memory_space<vmem>>, vector<1x1x3xf32>
      %get3A_25 = vector.shape_cast %get3A_24 : vector<1x1x3xf32> to vector<1x3xf32>
      %slice3A_26 = vector.extract_strided_slice %scan3A_13 {offsets = [2], sizes = [1], strides = [1]} : vector<8xi32> to vector<1xi32>
      %squeeze3A_27 = vector.extract %slice3A_26[0] : i32 from vector<1xi32>
      %get3A_28 = arith.constant 2 : index
      %get3A_29 = arith.index_cast %squeeze3A_27 : i32 to index
      %get3A_30 = arith.constant 0 : index
      %get3A_31 = vector.load %arg2[%get3A_28, %get3A_29, %get3A_30] : memref<8x2048x3xf32, #tpu.memory_space<vmem>>, vector<1x1x3xf32>
      %get3A_32 = vector.shape_cast %get3A_31 : vector<1x1x3xf32> to vector<1x3xf32>
      %slice3A_33 = vector.extract_strided_slice %scan3A_13 {offsets = [3], sizes = [1], strides = [1]} : vector<8xi32> to vector<1xi32>
      %squeeze3A_34 = vector.extract %slice3A_33[0] : i32 from vector<1xi32>
      %get3A_35 = arith.constant 3 : index
      %get3A_36 = arith.index_cast %squeeze3A_34 : i32 to index
      %get3A_37 = arith.constant 0 : index
      %get3A_38 = vector.load %arg2[%get3A_35, %get3A_36, %get3A_37] : memref<8x2048x3xf32, #tpu.memory_space<vmem>>, vector<1x1x3xf32>
      %get3A_39 = vector.shape_cast %get3A_38 : vector<1x1x3xf32> to vector<1x3xf32>
      %slice3A_40 = vector.extract_strided_slice %scan3A_13 {offsets = [4], sizes = [1], strides = [1]} : vector<8xi32> to vector<1xi32>
      %squeeze3A_41 = vector.extract %slice3A_40[0] : i32 from vector<1xi32>
      %get3A_42 = arith.constant 4 : index
      %get3A_43 = arith.index_cast %squeeze3A_41 : i32 to index
      %get3A_44 = arith.constant 0 : index
      %get3A_45 = vector.load %arg2[%get3A_42, %get3A_43, %get3A_44] : memref<8x2048x3xf32, #tpu.memory_space<vmem>>, vector<1x1x3xf32>
      %get3A_46 = vector.shape_cast %get3A_45 : vector<1x1x3xf32> to vector<1x3xf32>
      %slice3A_47 = vector.extract_strided_slice %scan3A_13 {offsets = [5], sizes = [1], strides = [1]} : vector<8xi32> to vector<1xi32>
      %squeeze3A_48 = vector.extract %slice3A_47[0] : i32 from vector<1xi32>
      %get3A_49 = arith.constant 5 : index
      %get3A_50 = arith.index_cast %squeeze3A_48 : i32 to index
      %get3A_51 = arith.constant 0 : index
      %get3A_52 = vector.load %arg2[%get3A_49, %get3A_50, %get3A_51] : memref<8x2048x3xf32, #tpu.memory_space<vmem>>, vector<1x1x3xf32>
      %get3A_53 = vector.shape_cast %get3A_52 : vector<1x1x3xf32> to vector<1x3xf32>
      %slice3A_54 = vector.extract_strided_slice %scan3A_13 {offsets = [6], sizes = [1], strides = [1]} : vector<8xi32> to vector<1xi32>
      %squeeze3A_55 = vector.extract %slice3A_54[0] : i32 from vector<1xi32>
      %get3A_56 = arith.constant 6 : index
      %get3A_57 = arith.index_cast %squeeze3A_55 : i32 to index
      %get3A_58 = arith.constant 0 : index
      %get3A_59 = vector.load %arg2[%get3A_56, %get3A_57, %get3A_58] : memref<8x2048x3xf32, #tpu.memory_space<vmem>>, vector<1x1x3xf32>
      %get3A_60 = vector.shape_cast %get3A_59 : vector<1x1x3xf32> to vector<1x3xf32>
      %slice3A_61 = vector.extract_strided_slice %scan3A_13 {offsets = [7], sizes = [1], strides = [1]} : vector<8xi32> to vector<1xi32>
      %squeeze3A_62 = vector.extract %slice3A_61[0] : i32 from vector<1xi32>
      %get3A_63 = arith.constant 7 : index
      %get3A_64 = arith.index_cast %squeeze3A_62 : i32 to index
      %get3A_65 = arith.constant 0 : index
      %get3A_66 = vector.load %arg2[%get3A_63, %get3A_64, %get3A_65] : memref<8x2048x3xf32, #tpu.memory_space<vmem>>, vector<1x1x3xf32>
      %get3A_67 = vector.shape_cast %get3A_66 : vector<1x1x3xf32> to vector<1x3xf32>
      %concatenate3A = tpu.concatenate %get3A_18, %get3A_25, %get3A_32, %get3A_39, %get3A_46, %get3A_53, %get3A_60, %get3A_67 in 0 : vector<1x3xf32>, vector<1x3xf32>, vector<1x3xf32>, vector<1x3xf32>, vector<1x3xf32>, vector<1x3xf32>, vector<1x3xf32>, vector<1x3xf32> -> vector<8x3xf32>
      %broadcast_in_dim3A_68 = vector.shape_cast %concatenate3A : vector<8x3xf32> to vector<8x3x1xf32>
      %sub3A = vector.broadcast %broadcast_in_dim3A_68 : vector<8x3x1xf32> to vector<8x3x2048xf32>
      %sub3A_69 = arith.subf %get3A_2, %sub3A : vector<8x3x2048xf32>
      %integer_pow3A = arith.mulf %sub3A_69, %sub3A_69 : vector<8x3x2048xf32>
      %reduce_sum3A = arith.constant dense<0.000000e+00> : vector<8x2048xf32>
      %reduce_sum3A_70 = vector.multi_reduction <add>, %integer_pow3A, %reduce_sum3A [1] : vector<8x3x2048xf32> to vector<8x2048xf32>
      %min3A = arith.minimumf %scan3A_12, %reduce_sum3A_70 : vector<8x2048xf32>
      %reduce_max3A = arith.constant dense<0xFF800000> : vector<8xf32>
      %reduce_max3A_71 = vector.multi_reduction <maximumf>, %min3A, %reduce_max3A [1] : vector<8x2048xf32> to vector<8xf32>
      %iota3A = tpu.iota {dimensions = array<i32: 1>} : vector<8x2048xi32>
      %broadcast_in_dim3A_72 = vector.shape_cast %reduce_max3A_71 : vector<8xf32> to vector<8x1xf32>
      %eq3A = vector.broadcast %broadcast_in_dim3A_72 : vector<8x1xf32> to vector<8x2048xf32>
      %eq3A_73 = arith.cmpf oeq, %min3A, %eq3A : vector<8x2048xf32>
      %jit3A = arith.constant 2048 : i32
      %broadcast_in_dim3A_74 = vector.broadcast %jit3A : i32 to vector<8x2048xi32>
      %select_n3A = arith.select %eq3A_73, %iota3A, %broadcast_in_dim3A_74 : vector<8x2048xi1>, vector<8x2048xi32>
      %reduce_min3A = arith.constant dense<2147483647> : vector<8xi32>
      %reduce_min3A_75 = vector.multi_reduction <minsi>, %select_n3A, %reduce_min3A [1] : vector<8x2048xi32> to vector<8xi32>
      %broadcast_in_dim3A_76 = vector.shape_cast %scan3A_13 : vector<8xi32> to vector<1x8xi32>
      %swap3A = arith.index_cast %scan3A_11 : i32 to index
      %swap3A_77 = arith.constant 0 : index
      %swap3A_78 = vector.load %arg3[%swap3A, %swap3A_77] : memref<1024x8xi32, #tpu.memory_space<vmem>>, vector<1x8xi32>
      tpu.vector_store %arg3[%swap3A, %swap3A_77], %broadcast_in_dim3A_76 {strides = array<i32>} : memref<1024x8xi32, #tpu.memory_space<vmem>>, vector<1x8xi32>,
      scf.yield %min3A, %reduce_min3A_75 : vector<8x2048xf32>, vector<8xi32>
    }
    %scan3A_10 = arith.constant 1024 : i32
    return
  }
  func.func @transform_0(%arg0: i32) -> (i32, i32, i32) {
    %c0_i32 = arith.constant 0 : i32
    %c0_i32_0 = arith.constant 0 : i32
    %c0_i32_1 = arith.constant 0 : i32
    %c0_i32_2 = arith.constant 0 : i32
    return %c0_i32, %c0_i32_0, %c0_i32_1 : i32, i32, i32
  }
  func.func @transform_1(%arg0: i32) -> (i32, i32, i32) {
    %c0_i32 = arith.constant 0 : i32
    %c0_i32_0 = arith.constant 0 : i32
    %c0_i32_1 = arith.constant 0 : i32
    %c0_i32_2 = arith.constant 0 : i32
    return %c0_i32, %c0_i32_0, %c0_i32_1 : i32, i32, i32
  }
  func.func @transform_2(%arg0: i32) -> (i32, i32) {
    %c0_i32 = arith.constant 0 : i32
    %c0_i32_0 = arith.constant 0 : i32
    %c0_i32_1 = arith.constant 0 : i32
    return %c0_i32, %c0_i32_0 : i32, i32
  }
}

module attributes {stable_mosaic.version = 14 : i64} {
  func.func @_bq_body(%arg0: i32, %arg1: memref<1x3x2048xf32, #tpu.memory_space<vmem>>, %arg2: memref<1x3x1024xf32, #tpu.memory_space<vmem>>, %arg3: memref<1x1024x16xi32, #tpu.memory_space<vmem>>) attributes {dimension_semantics = [#tpu.dimension_semantics<arbitrary>], iteration_bounds = array<i64: 8>, scalar_prefetch = 0 : i64, scratch_operands = 0 : i64, tpu.core_type = #tpu.core_type<tc>, window_params = [{transform_indices = @transform_0, window_bounds = array<i64: 1, 3, 2048>}, {transform_indices = @transform_1, window_bounds = array<i64: 1, 3, 1024>}, {transform_indices = @transform_2, window_bounds = array<i64: 1, 1024, 16>}]} {
    %get3A = arith.constant 0 : index
    %get3A_0 = arith.constant 0 : index
    %get3A_1 = arith.constant 0 : index
    %get3A_2 = vector.load %arg2[%get3A, %get3A_0, %get3A_1] : memref<1x3x1024xf32, #tpu.memory_space<vmem>>, vector<1x3x1024xf32>
    %get3A_3 = vector.shape_cast %get3A_2 : vector<1x3x1024xf32> to vector<3x1024xf32>
    %get3A_4 = arith.constant 0 : index
    %get3A_5 = arith.constant 0 : index
    %get3A_6 = arith.constant 0 : index
    %get3A_7 = vector.load %arg1[%get3A_4, %get3A_5, %get3A_6] : memref<1x3x2048xf32, #tpu.memory_space<vmem>>, vector<1x3x2048xf32>
    %get3A_8 = vector.shape_cast %get3A_7 : vector<1x3x2048xf32> to vector<3x2048xf32>
    %convert_element_type3A = arith.truncf %get3A_3 : vector<3x1024xf32> to vector<3x1024xbf16>
    %convert_element_type3A_9 = arith.extf %convert_element_type3A : vector<3x1024xbf16> to vector<3x1024xf32>
    %convert_element_type3A_10 = arith.truncf %get3A_8 : vector<3x2048xf32> to vector<3x2048xbf16>
    %convert_element_type3A_11 = arith.extf %convert_element_type3A_10 : vector<3x2048xbf16> to vector<3x2048xf32>
    %slice3A = vector.extract_strided_slice %convert_element_type3A_9 {offsets = [0, 0], sizes = [1, 1024], strides = [1, 1]} : vector<3x1024xf32> to vector<1x1024xf32>
    %squeeze3A = vector.shape_cast %slice3A : vector<1x1024xf32> to vector<1024xf32>
    %broadcast_in_dim3A = vector.shape_cast %squeeze3A : vector<1024xf32> to vector<1024x1xf32>
    %slice3A_12 = vector.extract_strided_slice %convert_element_type3A_11 {offsets = [0, 0], sizes = [1, 2048], strides = [1, 1]} : vector<3x2048xf32> to vector<1x2048xf32>
    %squeeze3A_13 = vector.shape_cast %slice3A_12 : vector<1x2048xf32> to vector<2048xf32>
    %broadcast_in_dim3A_14 = vector.shape_cast %squeeze3A_13 : vector<2048xf32> to vector<1x2048xf32>
    %mul3A = vector.broadcast %broadcast_in_dim3A : vector<1024x1xf32> to vector<1024x2048xf32>
    %mul3A_15 = vector.broadcast %broadcast_in_dim3A_14 : vector<1x2048xf32> to vector<1024x2048xf32>
    %mul3A_16 = arith.mulf %mul3A, %mul3A_15 : vector<1024x2048xf32>
    %slice3A_17 = vector.extract_strided_slice %convert_element_type3A_9 {offsets = [1, 0], sizes = [1, 1024], strides = [1, 1]} : vector<3x1024xf32> to vector<1x1024xf32>
    %squeeze3A_18 = vector.shape_cast %slice3A_17 : vector<1x1024xf32> to vector<1024xf32>
    %broadcast_in_dim3A_19 = vector.shape_cast %squeeze3A_18 : vector<1024xf32> to vector<1024x1xf32>
    %slice3A_20 = vector.extract_strided_slice %convert_element_type3A_11 {offsets = [1, 0], sizes = [1, 2048], strides = [1, 1]} : vector<3x2048xf32> to vector<1x2048xf32>
    %squeeze3A_21 = vector.shape_cast %slice3A_20 : vector<1x2048xf32> to vector<2048xf32>
    %broadcast_in_dim3A_22 = vector.shape_cast %squeeze3A_21 : vector<2048xf32> to vector<1x2048xf32>
    %mul3A_23 = vector.broadcast %broadcast_in_dim3A_19 : vector<1024x1xf32> to vector<1024x2048xf32>
    %mul3A_24 = vector.broadcast %broadcast_in_dim3A_22 : vector<1x2048xf32> to vector<1024x2048xf32>
    %mul3A_25 = arith.mulf %mul3A_23, %mul3A_24 : vector<1024x2048xf32>
    %add3A = arith.addf %mul3A_16, %mul3A_25 : vector<1024x2048xf32>
    %slice3A_26 = vector.extract_strided_slice %convert_element_type3A_9 {offsets = [2, 0], sizes = [1, 1024], strides = [1, 1]} : vector<3x1024xf32> to vector<1x1024xf32>
    %squeeze3A_27 = vector.shape_cast %slice3A_26 : vector<1x1024xf32> to vector<1024xf32>
    %broadcast_in_dim3A_28 = vector.shape_cast %squeeze3A_27 : vector<1024xf32> to vector<1024x1xf32>
    %slice3A_29 = vector.extract_strided_slice %convert_element_type3A_11 {offsets = [2, 0], sizes = [1, 2048], strides = [1, 1]} : vector<3x2048xf32> to vector<1x2048xf32>
    %squeeze3A_30 = vector.shape_cast %slice3A_29 : vector<1x2048xf32> to vector<2048xf32>
    %broadcast_in_dim3A_31 = vector.shape_cast %squeeze3A_30 : vector<2048xf32> to vector<1x2048xf32>
    %mul3A_32 = vector.broadcast %broadcast_in_dim3A_28 : vector<1024x1xf32> to vector<1024x2048xf32>
    %mul3A_33 = vector.broadcast %broadcast_in_dim3A_31 : vector<1x2048xf32> to vector<1024x2048xf32>
    %mul3A_34 = arith.mulf %mul3A_32, %mul3A_33 : vector<1024x2048xf32>
    %add3A_35 = arith.addf %add3A, %mul3A_34 : vector<1024x2048xf32>
    %mul3A_36 = arith.constant -2.000000e+00 : f32
    %mul3A_37 = vector.broadcast %mul3A_36 : f32 to vector<1024x2048xf32>
    %mul3A_38 = arith.mulf %mul3A_37, %add3A_35 : vector<1024x2048xf32>
    %mul3A_39 = arith.mulf %get3A_3, %get3A_3 : vector<3x1024xf32>
    %reduce_sum3A = arith.constant dense<0.000000e+00> : vector<1024xf32>
    %reduce_sum3A_40 = vector.multi_reduction <add>, %mul3A_39, %reduce_sum3A [0] : vector<3x1024xf32> to vector<1024xf32>
    %broadcast_in_dim3A_41 = vector.shape_cast %reduce_sum3A_40 : vector<1024xf32> to vector<1024x1xf32>
    %add3A_42 = vector.broadcast %broadcast_in_dim3A_41 : vector<1024x1xf32> to vector<1024x2048xf32>
    %add3A_43 = arith.addf %mul3A_38, %add3A_42 : vector<1024x2048xf32>
    %mul3A_44 = arith.mulf %get3A_8, %get3A_8 : vector<3x2048xf32>
    %reduce_sum3A_45 = arith.constant dense<0.000000e+00> : vector<2048xf32>
    %reduce_sum3A_46 = vector.multi_reduction <add>, %mul3A_44, %reduce_sum3A_45 [0] : vector<3x2048xf32> to vector<2048xf32>
    %broadcast_in_dim3A_47 = vector.shape_cast %reduce_sum3A_46 : vector<2048xf32> to vector<1x2048xf32>
    %add3A_48 = vector.broadcast %broadcast_in_dim3A_47 : vector<1x2048xf32> to vector<1024x2048xf32>
    %add3A_49 = arith.addf %add3A_43, %add3A_48 : vector<1024x2048xf32>
    %iota3A = tpu.iota {dimensions = array<i32: 1>} : vector<1024x2048xi32>
    %le3A = arith.constant 2.500000e+01 : f32
    %le3A_50 = vector.broadcast %le3A : f32 to vector<1024x2048xf32>
    %le3A_51 = arith.cmpf ole, %add3A_49, %le3A_50 : vector<1024x2048xf32>
    %jit3A = arith.constant 2048 : i32
    %broadcast_in_dim3A_52 = vector.broadcast %jit3A : i32 to vector<1024x2048xi32>
    %select_n3A = arith.select %le3A_51, %iota3A, %broadcast_in_dim3A_52 : vector<1024x2048xi1>, vector<1024x2048xi32>
    %reduce_min3A = arith.constant dense<2147483647> : vector<1024xi32>
    %reduce_min3A_53 = vector.multi_reduction <minsi>, %select_n3A, %reduce_min3A [1] : vector<1024x2048xi32> to vector<1024xi32>
    %broadcast_in_dim3A_54 = vector.shape_cast %reduce_min3A_53 : vector<1024xi32> to vector<1024x1xi32>
    %eq3A = vector.broadcast %broadcast_in_dim3A_54 : vector<1024x1xi32> to vector<1024x2048xi32>
    %eq3A_55 = arith.cmpi eq, %select_n3A, %eq3A : vector<1024x2048xi32>
    %jit3A_56 = arith.constant 2048 : i32
    %broadcast_in_dim3A_57 = vector.broadcast %jit3A_56 : i32 to vector<1024x2048xi32>
    %select_n3A_58 = arith.select %eq3A_55, %broadcast_in_dim3A_57, %select_n3A : vector<1024x2048xi1>, vector<1024x2048xi32>
    %reduce_min3A_59 = arith.constant dense<2147483647> : vector<1024xi32>
    %reduce_min3A_60 = vector.multi_reduction <minsi>, %select_n3A_58, %reduce_min3A_59 [1] : vector<1024x2048xi32> to vector<1024xi32>
    %broadcast_in_dim3A_61 = vector.shape_cast %reduce_min3A_60 : vector<1024xi32> to vector<1024x1xi32>
    %eq3A_62 = vector.broadcast %broadcast_in_dim3A_61 : vector<1024x1xi32> to vector<1024x2048xi32>
    %eq3A_63 = arith.cmpi eq, %select_n3A_58, %eq3A_62 : vector<1024x2048xi32>
    %jit3A_64 = arith.constant 2048 : i32
    %broadcast_in_dim3A_65 = vector.broadcast %jit3A_64 : i32 to vector<1024x2048xi32>
    %select_n3A_66 = arith.select %eq3A_63, %broadcast_in_dim3A_65, %select_n3A_58 : vector<1024x2048xi1>, vector<1024x2048xi32>
    %reduce_min3A_67 = arith.constant dense<2147483647> : vector<1024xi32>
    %reduce_min3A_68 = vector.multi_reduction <minsi>, %select_n3A_66, %reduce_min3A_67 [1] : vector<1024x2048xi32> to vector<1024xi32>
    %broadcast_in_dim3A_69 = vector.shape_cast %reduce_min3A_68 : vector<1024xi32> to vector<1024x1xi32>
    %eq3A_70 = vector.broadcast %broadcast_in_dim3A_69 : vector<1024x1xi32> to vector<1024x2048xi32>
    %eq3A_71 = arith.cmpi eq, %select_n3A_66, %eq3A_70 : vector<1024x2048xi32>
    %jit3A_72 = arith.constant 2048 : i32
    %broadcast_in_dim3A_73 = vector.broadcast %jit3A_72 : i32 to vector<1024x2048xi32>
    %select_n3A_74 = arith.select %eq3A_71, %broadcast_in_dim3A_73, %select_n3A_66 : vector<1024x2048xi1>, vector<1024x2048xi32>
    %reduce_min3A_75 = arith.constant dense<2147483647> : vector<1024xi32>
    %reduce_min3A_76 = vector.multi_reduction <minsi>, %select_n3A_74, %reduce_min3A_75 [1] : vector<1024x2048xi32> to vector<1024xi32>
    %broadcast_in_dim3A_77 = vector.shape_cast %reduce_min3A_76 : vector<1024xi32> to vector<1024x1xi32>
    %eq3A_78 = vector.broadcast %broadcast_in_dim3A_77 : vector<1024x1xi32> to vector<1024x2048xi32>
    %eq3A_79 = arith.cmpi eq, %select_n3A_74, %eq3A_78 : vector<1024x2048xi32>
    %jit3A_80 = arith.constant 2048 : i32
    %broadcast_in_dim3A_81 = vector.broadcast %jit3A_80 : i32 to vector<1024x2048xi32>
    %select_n3A_82 = arith.select %eq3A_79, %broadcast_in_dim3A_81, %select_n3A_74 : vector<1024x2048xi1>, vector<1024x2048xi32>
    %reduce_min3A_83 = arith.constant dense<2147483647> : vector<1024xi32>
    %reduce_min3A_84 = vector.multi_reduction <minsi>, %select_n3A_82, %reduce_min3A_83 [1] : vector<1024x2048xi32> to vector<1024xi32>
    %broadcast_in_dim3A_85 = vector.shape_cast %reduce_min3A_84 : vector<1024xi32> to vector<1024x1xi32>
    %eq3A_86 = vector.broadcast %broadcast_in_dim3A_85 : vector<1024x1xi32> to vector<1024x2048xi32>
    %eq3A_87 = arith.cmpi eq, %select_n3A_82, %eq3A_86 : vector<1024x2048xi32>
    %jit3A_88 = arith.constant 2048 : i32
    %broadcast_in_dim3A_89 = vector.broadcast %jit3A_88 : i32 to vector<1024x2048xi32>
    %select_n3A_90 = arith.select %eq3A_87, %broadcast_in_dim3A_89, %select_n3A_82 : vector<1024x2048xi1>, vector<1024x2048xi32>
    %reduce_min3A_91 = arith.constant dense<2147483647> : vector<1024xi32>
    %reduce_min3A_92 = vector.multi_reduction <minsi>, %select_n3A_90, %reduce_min3A_91 [1] : vector<1024x2048xi32> to vector<1024xi32>
    %broadcast_in_dim3A_93 = vector.shape_cast %reduce_min3A_92 : vector<1024xi32> to vector<1024x1xi32>
    %eq3A_94 = vector.broadcast %broadcast_in_dim3A_93 : vector<1024x1xi32> to vector<1024x2048xi32>
    %eq3A_95 = arith.cmpi eq, %select_n3A_90, %eq3A_94 : vector<1024x2048xi32>
    %jit3A_96 = arith.constant 2048 : i32
    %broadcast_in_dim3A_97 = vector.broadcast %jit3A_96 : i32 to vector<1024x2048xi32>
    %select_n3A_98 = arith.select %eq3A_95, %broadcast_in_dim3A_97, %select_n3A_90 : vector<1024x2048xi1>, vector<1024x2048xi32>
    %reduce_min3A_99 = arith.constant dense<2147483647> : vector<1024xi32>
    %reduce_min3A_100 = vector.multi_reduction <minsi>, %select_n3A_98, %reduce_min3A_99 [1] : vector<1024x2048xi32> to vector<1024xi32>
    %broadcast_in_dim3A_101 = vector.shape_cast %reduce_min3A_100 : vector<1024xi32> to vector<1024x1xi32>
    %eq3A_102 = vector.broadcast %broadcast_in_dim3A_101 : vector<1024x1xi32> to vector<1024x2048xi32>
    %eq3A_103 = arith.cmpi eq, %select_n3A_98, %eq3A_102 : vector<1024x2048xi32>
    %jit3A_104 = arith.constant 2048 : i32
    %broadcast_in_dim3A_105 = vector.broadcast %jit3A_104 : i32 to vector<1024x2048xi32>
    %select_n3A_106 = arith.select %eq3A_103, %broadcast_in_dim3A_105, %select_n3A_98 : vector<1024x2048xi1>, vector<1024x2048xi32>
    %reduce_min3A_107 = arith.constant dense<2147483647> : vector<1024xi32>
    %reduce_min3A_108 = vector.multi_reduction <minsi>, %select_n3A_106, %reduce_min3A_107 [1] : vector<1024x2048xi32> to vector<1024xi32>
    %broadcast_in_dim3A_109 = vector.shape_cast %reduce_min3A_108 : vector<1024xi32> to vector<1024x1xi32>
    %eq3A_110 = vector.broadcast %broadcast_in_dim3A_109 : vector<1024x1xi32> to vector<1024x2048xi32>
    %eq3A_111 = arith.cmpi eq, %select_n3A_106, %eq3A_110 : vector<1024x2048xi32>
    %jit3A_112 = arith.constant 2048 : i32
    %broadcast_in_dim3A_113 = vector.broadcast %jit3A_112 : i32 to vector<1024x2048xi32>
    %select_n3A_114 = arith.select %eq3A_111, %broadcast_in_dim3A_113, %select_n3A_106 : vector<1024x2048xi1>, vector<1024x2048xi32>
    %reduce_min3A_115 = arith.constant dense<2147483647> : vector<1024xi32>
    %reduce_min3A_116 = vector.multi_reduction <minsi>, %select_n3A_114, %reduce_min3A_115 [1] : vector<1024x2048xi32> to vector<1024xi32>
    %broadcast_in_dim3A_117 = vector.shape_cast %reduce_min3A_116 : vector<1024xi32> to vector<1024x1xi32>
    %eq3A_118 = vector.broadcast %broadcast_in_dim3A_117 : vector<1024x1xi32> to vector<1024x2048xi32>
    %eq3A_119 = arith.cmpi eq, %select_n3A_114, %eq3A_118 : vector<1024x2048xi32>
    %jit3A_120 = arith.constant 2048 : i32
    %broadcast_in_dim3A_121 = vector.broadcast %jit3A_120 : i32 to vector<1024x2048xi32>
    %select_n3A_122 = arith.select %eq3A_119, %broadcast_in_dim3A_121, %select_n3A_114 : vector<1024x2048xi1>, vector<1024x2048xi32>
    %reduce_min3A_123 = arith.constant dense<2147483647> : vector<1024xi32>
    %reduce_min3A_124 = vector.multi_reduction <minsi>, %select_n3A_122, %reduce_min3A_123 [1] : vector<1024x2048xi32> to vector<1024xi32>
    %broadcast_in_dim3A_125 = vector.shape_cast %reduce_min3A_124 : vector<1024xi32> to vector<1024x1xi32>
    %eq3A_126 = vector.broadcast %broadcast_in_dim3A_125 : vector<1024x1xi32> to vector<1024x2048xi32>
    %eq3A_127 = arith.cmpi eq, %select_n3A_122, %eq3A_126 : vector<1024x2048xi32>
    %jit3A_128 = arith.constant 2048 : i32
    %broadcast_in_dim3A_129 = vector.broadcast %jit3A_128 : i32 to vector<1024x2048xi32>
    %select_n3A_130 = arith.select %eq3A_127, %broadcast_in_dim3A_129, %select_n3A_122 : vector<1024x2048xi1>, vector<1024x2048xi32>
    %reduce_min3A_131 = arith.constant dense<2147483647> : vector<1024xi32>
    %reduce_min3A_132 = vector.multi_reduction <minsi>, %select_n3A_130, %reduce_min3A_131 [1] : vector<1024x2048xi32> to vector<1024xi32>
    %broadcast_in_dim3A_133 = vector.shape_cast %reduce_min3A_132 : vector<1024xi32> to vector<1024x1xi32>
    %eq3A_134 = vector.broadcast %broadcast_in_dim3A_133 : vector<1024x1xi32> to vector<1024x2048xi32>
    %eq3A_135 = arith.cmpi eq, %select_n3A_130, %eq3A_134 : vector<1024x2048xi32>
    %jit3A_136 = arith.constant 2048 : i32
    %broadcast_in_dim3A_137 = vector.broadcast %jit3A_136 : i32 to vector<1024x2048xi32>
    %select_n3A_138 = arith.select %eq3A_135, %broadcast_in_dim3A_137, %select_n3A_130 : vector<1024x2048xi1>, vector<1024x2048xi32>
    %reduce_min3A_139 = arith.constant dense<2147483647> : vector<1024xi32>
    %reduce_min3A_140 = vector.multi_reduction <minsi>, %select_n3A_138, %reduce_min3A_139 [1] : vector<1024x2048xi32> to vector<1024xi32>
    %broadcast_in_dim3A_141 = vector.shape_cast %reduce_min3A_140 : vector<1024xi32> to vector<1024x1xi32>
    %eq3A_142 = vector.broadcast %broadcast_in_dim3A_141 : vector<1024x1xi32> to vector<1024x2048xi32>
    %eq3A_143 = arith.cmpi eq, %select_n3A_138, %eq3A_142 : vector<1024x2048xi32>
    %jit3A_144 = arith.constant 2048 : i32
    %broadcast_in_dim3A_145 = vector.broadcast %jit3A_144 : i32 to vector<1024x2048xi32>
    %select_n3A_146 = arith.select %eq3A_143, %broadcast_in_dim3A_145, %select_n3A_138 : vector<1024x2048xi1>, vector<1024x2048xi32>
    %reduce_min3A_147 = arith.constant dense<2147483647> : vector<1024xi32>
    %reduce_min3A_148 = vector.multi_reduction <minsi>, %select_n3A_146, %reduce_min3A_147 [1] : vector<1024x2048xi32> to vector<1024xi32>
    %broadcast_in_dim3A_149 = vector.shape_cast %reduce_min3A_148 : vector<1024xi32> to vector<1024x1xi32>
    %eq3A_150 = vector.broadcast %broadcast_in_dim3A_149 : vector<1024x1xi32> to vector<1024x2048xi32>
    %eq3A_151 = arith.cmpi eq, %select_n3A_146, %eq3A_150 : vector<1024x2048xi32>
    %jit3A_152 = arith.constant 2048 : i32
    %broadcast_in_dim3A_153 = vector.broadcast %jit3A_152 : i32 to vector<1024x2048xi32>
    %select_n3A_154 = arith.select %eq3A_151, %broadcast_in_dim3A_153, %select_n3A_146 : vector<1024x2048xi1>, vector<1024x2048xi32>
    %reduce_min3A_155 = arith.constant dense<2147483647> : vector<1024xi32>
    %reduce_min3A_156 = vector.multi_reduction <minsi>, %select_n3A_154, %reduce_min3A_155 [1] : vector<1024x2048xi32> to vector<1024xi32>
    %broadcast_in_dim3A_157 = vector.shape_cast %reduce_min3A_156 : vector<1024xi32> to vector<1024x1xi32>
    %eq3A_158 = vector.broadcast %broadcast_in_dim3A_157 : vector<1024x1xi32> to vector<1024x2048xi32>
    %eq3A_159 = arith.cmpi eq, %select_n3A_154, %eq3A_158 : vector<1024x2048xi32>
    %jit3A_160 = arith.constant 2048 : i32
    %broadcast_in_dim3A_161 = vector.broadcast %jit3A_160 : i32 to vector<1024x2048xi32>
    %select_n3A_162 = arith.select %eq3A_159, %broadcast_in_dim3A_161, %select_n3A_154 : vector<1024x2048xi1>, vector<1024x2048xi32>
    %reduce_min3A_163 = arith.constant dense<2147483647> : vector<1024xi32>
    %reduce_min3A_164 = vector.multi_reduction <minsi>, %select_n3A_162, %reduce_min3A_163 [1] : vector<1024x2048xi32> to vector<1024xi32>
    %broadcast_in_dim3A_165 = vector.shape_cast %reduce_min3A_164 : vector<1024xi32> to vector<1024x1xi32>
    %eq3A_166 = vector.broadcast %broadcast_in_dim3A_165 : vector<1024x1xi32> to vector<1024x2048xi32>
    %eq3A_167 = arith.cmpi eq, %select_n3A_162, %eq3A_166 : vector<1024x2048xi32>
    %jit3A_168 = arith.constant 2048 : i32
    %broadcast_in_dim3A_169 = vector.broadcast %jit3A_168 : i32 to vector<1024x2048xi32>
    %select_n3A_170 = arith.select %eq3A_167, %broadcast_in_dim3A_169, %select_n3A_162 : vector<1024x2048xi1>, vector<1024x2048xi32>
    %reduce_min3A_171 = arith.constant dense<2147483647> : vector<1024xi32>
    %reduce_min3A_172 = vector.multi_reduction <minsi>, %select_n3A_170, %reduce_min3A_171 [1] : vector<1024x2048xi32> to vector<1024xi32>
    %stack3A = vector.shape_cast %reduce_min3A_53 : vector<1024xi32> to vector<1024x1xi32>
    %stack3A_173 = vector.shape_cast %reduce_min3A_60 : vector<1024xi32> to vector<1024x1xi32>
    %stack3A_174 = vector.shape_cast %reduce_min3A_68 : vector<1024xi32> to vector<1024x1xi32>
    %stack3A_175 = vector.shape_cast %reduce_min3A_76 : vector<1024xi32> to vector<1024x1xi32>
    %stack3A_176 = vector.shape_cast %reduce_min3A_84 : vector<1024xi32> to vector<1024x1xi32>
    %stack3A_177 = vector.shape_cast %reduce_min3A_92 : vector<1024xi32> to vector<1024x1xi32>
    %stack3A_178 = vector.shape_cast %reduce_min3A_100 : vector<1024xi32> to vector<1024x1xi32>
    %stack3A_179 = vector.shape_cast %reduce_min3A_108 : vector<1024xi32> to vector<1024x1xi32>
    %stack3A_180 = vector.shape_cast %reduce_min3A_116 : vector<1024xi32> to vector<1024x1xi32>
    %stack3A_181 = vector.shape_cast %reduce_min3A_124 : vector<1024xi32> to vector<1024x1xi32>
    %stack3A_182 = vector.shape_cast %reduce_min3A_132 : vector<1024xi32> to vector<1024x1xi32>
    %stack3A_183 = vector.shape_cast %reduce_min3A_140 : vector<1024xi32> to vector<1024x1xi32>
    %stack3A_184 = vector.shape_cast %reduce_min3A_148 : vector<1024xi32> to vector<1024x1xi32>
    %stack3A_185 = vector.shape_cast %reduce_min3A_156 : vector<1024xi32> to vector<1024x1xi32>
    %stack3A_186 = vector.shape_cast %reduce_min3A_164 : vector<1024xi32> to vector<1024x1xi32>
    %stack3A_187 = vector.shape_cast %reduce_min3A_172 : vector<1024xi32> to vector<1024x1xi32>
    %stack3A_188 = tpu.concatenate %stack3A, %stack3A_173, %stack3A_174, %stack3A_175, %stack3A_176, %stack3A_177, %stack3A_178, %stack3A_179, %stack3A_180, %stack3A_181, %stack3A_182, %stack3A_183, %stack3A_184, %stack3A_185, %stack3A_186, %stack3A_187 in 1 : vector<1024x1xi32>, vector<1024x1xi32>, vector<1024x1xi32>, vector<1024x1xi32>, vector<1024x1xi32>, vector<1024x1xi32>, vector<1024x1xi32>, vector<1024x1xi32>, vector<1024x1xi32>, vector<1024x1xi32>, vector<1024x1xi32>, vector<1024x1xi32>, vector<1024x1xi32>, vector<1024x1xi32>, vector<1024x1xi32>, vector<1024x1xi32> -> vector<1024x16xi32>
    %eq3A_189 = arith.constant 2048 : i32
    %eq3A_190 = vector.broadcast %eq3A_189 : i32 to vector<1024x16xi32>
    %eq3A_191 = arith.cmpi eq, %stack3A_188, %eq3A_190 : vector<1024x16xi32>
    %slice3A_192 = vector.extract_strided_slice %stack3A_188 {offsets = [0, 0], sizes = [1024, 1], strides = [1, 1]} : vector<1024x16xi32> to vector<1024x1xi32>
    %broadcast_in_dim3A_193 = vector.shape_cast %slice3A_192 : vector<1024x1xi32> to vector<1024x1xi32>
    %broadcast_in_dim3A_194 = vector.broadcast %broadcast_in_dim3A_193 : vector<1024x1xi32> to vector<1024x16xi32>
    %select_n3A_195 = arith.select %eq3A_191, %broadcast_in_dim3A_194, %stack3A_188 : vector<1024x16xi1>, vector<1024x16xi32>
    %swap3A = arith.constant 0 : index
    %swap3A_196 = arith.constant 0 : index
    %swap3A_197 = arith.constant 0 : index
    %swap3A_198 = vector.load %arg3[%swap3A, %swap3A_196, %swap3A_197] : memref<1x1024x16xi32, #tpu.memory_space<vmem>>, vector<1x1024x16xi32>
    %swap3A_199 = vector.shape_cast %swap3A_198 : vector<1x1024x16xi32> to vector<1024x16xi32>
    %swap3A_200 = vector.shape_cast %select_n3A_195 : vector<1024x16xi32> to vector<1x1024x16xi32>
    tpu.vector_store %arg3[%swap3A, %swap3A_196, %swap3A_197], %swap3A_200 {strides = array<i32>} : memref<1x1024x16xi32, #tpu.memory_space<vmem>>, vector<1x1024x16xi32>,
    return
  }
  func.func @transform_0(%arg0: i32) -> (i32, i32, i32) {
    %c0_i32 = arith.constant 0 : i32
    %c0_i32_0 = arith.constant 0 : i32
    %c0_i32_1 = arith.constant 0 : i32
    return %arg0, %c0_i32, %c0_i32_0 : i32, i32, i32
  }
  func.func @transform_1(%arg0: i32) -> (i32, i32, i32) {
    %c0_i32 = arith.constant 0 : i32
    %c0_i32_0 = arith.constant 0 : i32
    %c0_i32_1 = arith.constant 0 : i32
    return %arg0, %c0_i32, %c0_i32_0 : i32, i32, i32
  }
  func.func @transform_2(%arg0: i32) -> (i32, i32, i32) {
    %c0_i32 = arith.constant 0 : i32
    %c0_i32_0 = arith.constant 0 : i32
    %c0_i32_1 = arith.constant 0 : i32
    return %arg0, %c0_i32, %c0_i32_0 : i32, i32, i32
  }
}

module attributes {stable_mosaic.version = 14 : i64} {
  func.func @_fps_body(%arg0: i32, %arg1: memref<8x3x1024xf32, #tpu.memory_space<vmem>>, %arg2: memref<8x1024x3xf32, #tpu.memory_space<vmem>>, %arg3: memref<256x8xi32, #tpu.memory_space<vmem>>) attributes {dimension_semantics = [#tpu.dimension_semantics<arbitrary>], iteration_bounds = array<i64: 1>, scalar_prefetch = 0 : i64, scratch_operands = 0 : i64, tpu.core_type = #tpu.core_type<tc>, window_params = [{pipeline_mode = #tpu.pipeline_mode<synchronous>, transform_indices = @transform_0, window_bounds = array<i64: 8, 3, 1024>}, {pipeline_mode = #tpu.pipeline_mode<synchronous>, transform_indices = @transform_1, window_bounds = array<i64: 8, 1024, 3>}, {pipeline_mode = #tpu.pipeline_mode<synchronous>, transform_indices = @transform_2, window_bounds = array<i64: 256, 8>}]} {
    %get3A = arith.constant 0 : index
    %get3A_0 = arith.constant 0 : index
    %get3A_1 = arith.constant 0 : index
    %get3A_2 = vector.load %arg1[%get3A, %get3A_0, %get3A_1] : memref<8x3x1024xf32, #tpu.memory_space<vmem>>, vector<8x3x1024xf32>
    %broadcast_in_dim3A = arith.constant 1.000000e+10 : f32
    %broadcast_in_dim3A_3 = vector.broadcast %broadcast_in_dim3A : f32 to vector<8x1024xf32>
    %broadcast_in_dim3A_4 = arith.constant 0 : i32
    %broadcast_in_dim3A_5 = vector.broadcast %broadcast_in_dim3A_4 : i32 to vector<8xi32>
    %scan3A = arith.constant 0 : i32
    %scan3A_6 = arith.constant 256 : i32
    %scan3A_7 = arith.addi %scan3A, %scan3A_6 : i32
    %scan3A_8 = arith.constant 1 : i32
    %scan3A_9:2 = scf.for %scan3A_11 = %scan3A to %scan3A_7 step %scan3A_8 iter_args(%scan3A_12 = %broadcast_in_dim3A_3, %scan3A_13 = %broadcast_in_dim3A_5) -> (vector<8x1024xf32>, vector<8xi32>)  : i32 {
      %slice3A = vector.extract_strided_slice %scan3A_13 {offsets = [0], sizes = [1], strides = [1]} : vector<8xi32> to vector<1xi32>
      %squeeze3A = vector.extract %slice3A[0] : i32 from vector<1xi32>
      %get3A_14 = arith.constant 0 : index
      %get3A_15 = arith.index_cast %squeeze3A : i32 to index
      %get3A_16 = arith.constant 0 : index
      %get3A_17 = vector.load %arg2[%get3A_14, %get3A_15, %get3A_16] : memref<8x1024x3xf32, #tpu.memory_space<vmem>>, vector<1x1x3xf32>
      %get3A_18 = vector.shape_cast %get3A_17 : vector<1x1x3xf32> to vector<1x3xf32>
      %slice3A_19 = vector.extract_strided_slice %scan3A_13 {offsets = [1], sizes = [1], strides = [1]} : vector<8xi32> to vector<1xi32>
      %squeeze3A_20 = vector.extract %slice3A_19[0] : i32 from vector<1xi32>
      %get3A_21 = arith.constant 1 : index
      %get3A_22 = arith.index_cast %squeeze3A_20 : i32 to index
      %get3A_23 = arith.constant 0 : index
      %get3A_24 = vector.load %arg2[%get3A_21, %get3A_22, %get3A_23] : memref<8x1024x3xf32, #tpu.memory_space<vmem>>, vector<1x1x3xf32>
      %get3A_25 = vector.shape_cast %get3A_24 : vector<1x1x3xf32> to vector<1x3xf32>
      %slice3A_26 = vector.extract_strided_slice %scan3A_13 {offsets = [2], sizes = [1], strides = [1]} : vector<8xi32> to vector<1xi32>
      %squeeze3A_27 = vector.extract %slice3A_26[0] : i32 from vector<1xi32>
      %get3A_28 = arith.constant 2 : index
      %get3A_29 = arith.index_cast %squeeze3A_27 : i32 to index
      %get3A_30 = arith.constant 0 : index
      %get3A_31 = vector.load %arg2[%get3A_28, %get3A_29, %get3A_30] : memref<8x1024x3xf32, #tpu.memory_space<vmem>>, vector<1x1x3xf32>
      %get3A_32 = vector.shape_cast %get3A_31 : vector<1x1x3xf32> to vector<1x3xf32>
      %slice3A_33 = vector.extract_strided_slice %scan3A_13 {offsets = [3], sizes = [1], strides = [1]} : vector<8xi32> to vector<1xi32>
      %squeeze3A_34 = vector.extract %slice3A_33[0] : i32 from vector<1xi32>
      %get3A_35 = arith.constant 3 : index
      %get3A_36 = arith.index_cast %squeeze3A_34 : i32 to index
      %get3A_37 = arith.constant 0 : index
      %get3A_38 = vector.load %arg2[%get3A_35, %get3A_36, %get3A_37] : memref<8x1024x3xf32, #tpu.memory_space<vmem>>, vector<1x1x3xf32>
      %get3A_39 = vector.shape_cast %get3A_38 : vector<1x1x3xf32> to vector<1x3xf32>
      %slice3A_40 = vector.extract_strided_slice %scan3A_13 {offsets = [4], sizes = [1], strides = [1]} : vector<8xi32> to vector<1xi32>
      %squeeze3A_41 = vector.extract %slice3A_40[0] : i32 from vector<1xi32>
      %get3A_42 = arith.constant 4 : index
      %get3A_43 = arith.index_cast %squeeze3A_41 : i32 to index
      %get3A_44 = arith.constant 0 : index
      %get3A_45 = vector.load %arg2[%get3A_42, %get3A_43, %get3A_44] : memref<8x1024x3xf32, #tpu.memory_space<vmem>>, vector<1x1x3xf32>
      %get3A_46 = vector.shape_cast %get3A_45 : vector<1x1x3xf32> to vector<1x3xf32>
      %slice3A_47 = vector.extract_strided_slice %scan3A_13 {offsets = [5], sizes = [1], strides = [1]} : vector<8xi32> to vector<1xi32>
      %squeeze3A_48 = vector.extract %slice3A_47[0] : i32 from vector<1xi32>
      %get3A_49 = arith.constant 5 : index
      %get3A_50 = arith.index_cast %squeeze3A_48 : i32 to index
      %get3A_51 = arith.constant 0 : index
      %get3A_52 = vector.load %arg2[%get3A_49, %get3A_50, %get3A_51] : memref<8x1024x3xf32, #tpu.memory_space<vmem>>, vector<1x1x3xf32>
      %get3A_53 = vector.shape_cast %get3A_52 : vector<1x1x3xf32> to vector<1x3xf32>
      %slice3A_54 = vector.extract_strided_slice %scan3A_13 {offsets = [6], sizes = [1], strides = [1]} : vector<8xi32> to vector<1xi32>
      %squeeze3A_55 = vector.extract %slice3A_54[0] : i32 from vector<1xi32>
      %get3A_56 = arith.constant 6 : index
      %get3A_57 = arith.index_cast %squeeze3A_55 : i32 to index
      %get3A_58 = arith.constant 0 : index
      %get3A_59 = vector.load %arg2[%get3A_56, %get3A_57, %get3A_58] : memref<8x1024x3xf32, #tpu.memory_space<vmem>>, vector<1x1x3xf32>
      %get3A_60 = vector.shape_cast %get3A_59 : vector<1x1x3xf32> to vector<1x3xf32>
      %slice3A_61 = vector.extract_strided_slice %scan3A_13 {offsets = [7], sizes = [1], strides = [1]} : vector<8xi32> to vector<1xi32>
      %squeeze3A_62 = vector.extract %slice3A_61[0] : i32 from vector<1xi32>
      %get3A_63 = arith.constant 7 : index
      %get3A_64 = arith.index_cast %squeeze3A_62 : i32 to index
      %get3A_65 = arith.constant 0 : index
      %get3A_66 = vector.load %arg2[%get3A_63, %get3A_64, %get3A_65] : memref<8x1024x3xf32, #tpu.memory_space<vmem>>, vector<1x1x3xf32>
      %get3A_67 = vector.shape_cast %get3A_66 : vector<1x1x3xf32> to vector<1x3xf32>
      %concatenate3A = tpu.concatenate %get3A_18, %get3A_25, %get3A_32, %get3A_39, %get3A_46, %get3A_53, %get3A_60, %get3A_67 in 0 : vector<1x3xf32>, vector<1x3xf32>, vector<1x3xf32>, vector<1x3xf32>, vector<1x3xf32>, vector<1x3xf32>, vector<1x3xf32>, vector<1x3xf32> -> vector<8x3xf32>
      %broadcast_in_dim3A_68 = vector.shape_cast %concatenate3A : vector<8x3xf32> to vector<8x3x1xf32>
      %sub3A = vector.broadcast %broadcast_in_dim3A_68 : vector<8x3x1xf32> to vector<8x3x1024xf32>
      %sub3A_69 = arith.subf %get3A_2, %sub3A : vector<8x3x1024xf32>
      %integer_pow3A = arith.mulf %sub3A_69, %sub3A_69 : vector<8x3x1024xf32>
      %reduce_sum3A = arith.constant dense<0.000000e+00> : vector<8x1024xf32>
      %reduce_sum3A_70 = vector.multi_reduction <add>, %integer_pow3A, %reduce_sum3A [1] : vector<8x3x1024xf32> to vector<8x1024xf32>
      %min3A = arith.minimumf %scan3A_12, %reduce_sum3A_70 : vector<8x1024xf32>
      %reduce_max3A = arith.constant dense<0xFF800000> : vector<8xf32>
      %reduce_max3A_71 = vector.multi_reduction <maximumf>, %min3A, %reduce_max3A [1] : vector<8x1024xf32> to vector<8xf32>
      %iota3A = tpu.iota {dimensions = array<i32: 1>} : vector<8x1024xi32>
      %broadcast_in_dim3A_72 = vector.shape_cast %reduce_max3A_71 : vector<8xf32> to vector<8x1xf32>
      %eq3A = vector.broadcast %broadcast_in_dim3A_72 : vector<8x1xf32> to vector<8x1024xf32>
      %eq3A_73 = arith.cmpf oeq, %min3A, %eq3A : vector<8x1024xf32>
      %jit3A = arith.constant 1024 : i32
      %broadcast_in_dim3A_74 = vector.broadcast %jit3A : i32 to vector<8x1024xi32>
      %select_n3A = arith.select %eq3A_73, %iota3A, %broadcast_in_dim3A_74 : vector<8x1024xi1>, vector<8x1024xi32>
      %reduce_min3A = arith.constant dense<2147483647> : vector<8xi32>
      %reduce_min3A_75 = vector.multi_reduction <minsi>, %select_n3A, %reduce_min3A [1] : vector<8x1024xi32> to vector<8xi32>
      %broadcast_in_dim3A_76 = vector.shape_cast %scan3A_13 : vector<8xi32> to vector<1x8xi32>
      %swap3A = arith.index_cast %scan3A_11 : i32 to index
      %swap3A_77 = arith.constant 0 : index
      %swap3A_78 = vector.load %arg3[%swap3A, %swap3A_77] : memref<256x8xi32, #tpu.memory_space<vmem>>, vector<1x8xi32>
      tpu.vector_store %arg3[%swap3A, %swap3A_77], %broadcast_in_dim3A_76 {strides = array<i32>} : memref<256x8xi32, #tpu.memory_space<vmem>>, vector<1x8xi32>,
      scf.yield %min3A, %reduce_min3A_75 : vector<8x1024xf32>, vector<8xi32>
    }
    %scan3A_10 = arith.constant 256 : i32
    return
  }
  func.func @transform_0(%arg0: i32) -> (i32, i32, i32) {
    %c0_i32 = arith.constant 0 : i32
    %c0_i32_0 = arith.constant 0 : i32
    %c0_i32_1 = arith.constant 0 : i32
    %c0_i32_2 = arith.constant 0 : i32
    return %c0_i32, %c0_i32_0, %c0_i32_1 : i32, i32, i32
  }
  func.func @transform_1(%arg0: i32) -> (i32, i32, i32) {
    %c0_i32 = arith.constant 0 : i32
    %c0_i32_0 = arith.constant 0 : i32
    %c0_i32_1 = arith.constant 0 : i32
    %c0_i32_2 = arith.constant 0 : i32
    return %c0_i32, %c0_i32_0, %c0_i32_1 : i32, i32, i32
  }
  func.func @transform_2(%arg0: i32) -> (i32, i32) {
    %c0_i32 = arith.constant 0 : i32
    %c0_i32_0 = arith.constant 0 : i32
    %c0_i32_1 = arith.constant 0 : i32
    return %c0_i32, %c0_i32_0 : i32, i32
  }
}

module attributes {stable_mosaic.version = 14 : i64} {
  func.func @_knn_body(%arg0: i32, %arg1: memref<1x3x2048xf32, #tpu.memory_space<vmem>>, %arg2: memref<1x3x1024xf32, #tpu.memory_space<vmem>>, %arg3: memref<1x2048x3xi32, #tpu.memory_space<vmem>>, %arg4: memref<1x2048x3xf32, #tpu.memory_space<vmem>>) attributes {dimension_semantics = [#tpu.dimension_semantics<arbitrary>], iteration_bounds = array<i64: 8>, scalar_prefetch = 0 : i64, scratch_operands = 0 : i64, tpu.core_type = #tpu.core_type<tc>, window_params = [{transform_indices = @transform_0, window_bounds = array<i64: 1, 3, 2048>}, {transform_indices = @transform_1, window_bounds = array<i64: 1, 3, 1024>}, {transform_indices = @transform_2, window_bounds = array<i64: 1, 2048, 3>}, {transform_indices = @transform_3, window_bounds = array<i64: 1, 2048, 3>}]} {
    %get3A = arith.constant 0 : index
    %get3A_0 = arith.constant 0 : index
    %get3A_1 = arith.constant 0 : index
    %get3A_2 = vector.load %arg1[%get3A, %get3A_0, %get3A_1] : memref<1x3x2048xf32, #tpu.memory_space<vmem>>, vector<1x3x2048xf32>
    %get3A_3 = vector.shape_cast %get3A_2 : vector<1x3x2048xf32> to vector<3x2048xf32>
    %get3A_4 = arith.constant 0 : index
    %get3A_5 = arith.constant 0 : index
    %get3A_6 = arith.constant 0 : index
    %get3A_7 = vector.load %arg2[%get3A_4, %get3A_5, %get3A_6] : memref<1x3x1024xf32, #tpu.memory_space<vmem>>, vector<1x3x1024xf32>
    %get3A_8 = vector.shape_cast %get3A_7 : vector<1x3x1024xf32> to vector<3x1024xf32>
    %convert_element_type3A = arith.truncf %get3A_3 : vector<3x2048xf32> to vector<3x2048xbf16>
    %convert_element_type3A_9 = arith.extf %convert_element_type3A : vector<3x2048xbf16> to vector<3x2048xf32>
    %convert_element_type3A_10 = arith.truncf %get3A_8 : vector<3x1024xf32> to vector<3x1024xbf16>
    %convert_element_type3A_11 = arith.extf %convert_element_type3A_10 : vector<3x1024xbf16> to vector<3x1024xf32>
    %slice3A = vector.extract_strided_slice %convert_element_type3A_9 {offsets = [0, 0], sizes = [1, 2048], strides = [1, 1]} : vector<3x2048xf32> to vector<1x2048xf32>
    %squeeze3A = vector.shape_cast %slice3A : vector<1x2048xf32> to vector<2048xf32>
    %broadcast_in_dim3A = vector.shape_cast %squeeze3A : vector<2048xf32> to vector<2048x1xf32>
    %slice3A_12 = vector.extract_strided_slice %convert_element_type3A_11 {offsets = [0, 0], sizes = [1, 1024], strides = [1, 1]} : vector<3x1024xf32> to vector<1x1024xf32>
    %squeeze3A_13 = vector.shape_cast %slice3A_12 : vector<1x1024xf32> to vector<1024xf32>
    %broadcast_in_dim3A_14 = vector.shape_cast %squeeze3A_13 : vector<1024xf32> to vector<1x1024xf32>
    %mul3A = vector.broadcast %broadcast_in_dim3A : vector<2048x1xf32> to vector<2048x1024xf32>
    %mul3A_15 = vector.broadcast %broadcast_in_dim3A_14 : vector<1x1024xf32> to vector<2048x1024xf32>
    %mul3A_16 = arith.mulf %mul3A, %mul3A_15 : vector<2048x1024xf32>
    %slice3A_17 = vector.extract_strided_slice %convert_element_type3A_9 {offsets = [1, 0], sizes = [1, 2048], strides = [1, 1]} : vector<3x2048xf32> to vector<1x2048xf32>
    %squeeze3A_18 = vector.shape_cast %slice3A_17 : vector<1x2048xf32> to vector<2048xf32>
    %broadcast_in_dim3A_19 = vector.shape_cast %squeeze3A_18 : vector<2048xf32> to vector<2048x1xf32>
    %slice3A_20 = vector.extract_strided_slice %convert_element_type3A_11 {offsets = [1, 0], sizes = [1, 1024], strides = [1, 1]} : vector<3x1024xf32> to vector<1x1024xf32>
    %squeeze3A_21 = vector.shape_cast %slice3A_20 : vector<1x1024xf32> to vector<1024xf32>
    %broadcast_in_dim3A_22 = vector.shape_cast %squeeze3A_21 : vector<1024xf32> to vector<1x1024xf32>
    %mul3A_23 = vector.broadcast %broadcast_in_dim3A_19 : vector<2048x1xf32> to vector<2048x1024xf32>
    %mul3A_24 = vector.broadcast %broadcast_in_dim3A_22 : vector<1x1024xf32> to vector<2048x1024xf32>
    %mul3A_25 = arith.mulf %mul3A_23, %mul3A_24 : vector<2048x1024xf32>
    %add3A = arith.addf %mul3A_16, %mul3A_25 : vector<2048x1024xf32>
    %slice3A_26 = vector.extract_strided_slice %convert_element_type3A_9 {offsets = [2, 0], sizes = [1, 2048], strides = [1, 1]} : vector<3x2048xf32> to vector<1x2048xf32>
    %squeeze3A_27 = vector.shape_cast %slice3A_26 : vector<1x2048xf32> to vector<2048xf32>
    %broadcast_in_dim3A_28 = vector.shape_cast %squeeze3A_27 : vector<2048xf32> to vector<2048x1xf32>
    %slice3A_29 = vector.extract_strided_slice %convert_element_type3A_11 {offsets = [2, 0], sizes = [1, 1024], strides = [1, 1]} : vector<3x1024xf32> to vector<1x1024xf32>
    %squeeze3A_30 = vector.shape_cast %slice3A_29 : vector<1x1024xf32> to vector<1024xf32>
    %broadcast_in_dim3A_31 = vector.shape_cast %squeeze3A_30 : vector<1024xf32> to vector<1x1024xf32>
    %mul3A_32 = vector.broadcast %broadcast_in_dim3A_28 : vector<2048x1xf32> to vector<2048x1024xf32>
    %mul3A_33 = vector.broadcast %broadcast_in_dim3A_31 : vector<1x1024xf32> to vector<2048x1024xf32>
    %mul3A_34 = arith.mulf %mul3A_32, %mul3A_33 : vector<2048x1024xf32>
    %add3A_35 = arith.addf %add3A, %mul3A_34 : vector<2048x1024xf32>
    %mul3A_36 = arith.constant -2.000000e+00 : f32
    %mul3A_37 = vector.broadcast %mul3A_36 : f32 to vector<2048x1024xf32>
    %mul3A_38 = arith.mulf %mul3A_37, %add3A_35 : vector<2048x1024xf32>
    %mul3A_39 = arith.mulf %get3A_3, %get3A_3 : vector<3x2048xf32>
    %reduce_sum3A = arith.constant dense<0.000000e+00> : vector<2048xf32>
    %reduce_sum3A_40 = vector.multi_reduction <add>, %mul3A_39, %reduce_sum3A [0] : vector<3x2048xf32> to vector<2048xf32>
    %broadcast_in_dim3A_41 = vector.shape_cast %reduce_sum3A_40 : vector<2048xf32> to vector<2048x1xf32>
    %add3A_42 = vector.broadcast %broadcast_in_dim3A_41 : vector<2048x1xf32> to vector<2048x1024xf32>
    %add3A_43 = arith.addf %mul3A_38, %add3A_42 : vector<2048x1024xf32>
    %mul3A_44 = arith.mulf %get3A_8, %get3A_8 : vector<3x1024xf32>
    %reduce_sum3A_45 = arith.constant dense<0.000000e+00> : vector<1024xf32>
    %reduce_sum3A_46 = vector.multi_reduction <add>, %mul3A_44, %reduce_sum3A_45 [0] : vector<3x1024xf32> to vector<1024xf32>
    %broadcast_in_dim3A_47 = vector.shape_cast %reduce_sum3A_46 : vector<1024xf32> to vector<1x1024xf32>
    %add3A_48 = vector.broadcast %broadcast_in_dim3A_47 : vector<1x1024xf32> to vector<2048x1024xf32>
    %add3A_49 = arith.addf %add3A_43, %add3A_48 : vector<2048x1024xf32>
    %iota3A = tpu.iota {dimensions = array<i32: 1>} : vector<2048x1024xi32>
    %reduce_min3A = arith.constant dense<0x7F800000> : vector<2048xf32>
    %reduce_min3A_50 = vector.multi_reduction <minimumf>, %add3A_49, %reduce_min3A [1] : vector<2048x1024xf32> to vector<2048xf32>
    %broadcast_in_dim3A_51 = vector.shape_cast %reduce_min3A_50 : vector<2048xf32> to vector<2048x1xf32>
    %eq3A = vector.broadcast %broadcast_in_dim3A_51 : vector<2048x1xf32> to vector<2048x1024xf32>
    %eq3A_52 = arith.cmpf oeq, %add3A_49, %eq3A : vector<2048x1024xf32>
    %jit3A = arith.constant 1024 : i32
    %broadcast_in_dim3A_53 = vector.broadcast %jit3A : i32 to vector<2048x1024xi32>
    %select_n3A = arith.select %eq3A_52, %iota3A, %broadcast_in_dim3A_53 : vector<2048x1024xi1>, vector<2048x1024xi32>
    %reduce_min3A_54 = arith.constant dense<2147483647> : vector<2048xi32>
    %reduce_min3A_55 = vector.multi_reduction <minsi>, %select_n3A, %reduce_min3A_54 [1] : vector<2048x1024xi32> to vector<2048xi32>
    %broadcast_in_dim3A_56 = vector.shape_cast %reduce_min3A_55 : vector<2048xi32> to vector<2048x1xi32>
    %eq3A_57 = vector.broadcast %broadcast_in_dim3A_56 : vector<2048x1xi32> to vector<2048x1024xi32>
    %eq3A_58 = arith.cmpi eq, %iota3A, %eq3A_57 : vector<2048x1024xi32>
    %jit3A_59 = arith.constant 0x7F800000 : f32
    %broadcast_in_dim3A_60 = vector.broadcast %jit3A_59 : f32 to vector<2048x1024xf32>
    %select_n3A_61 = arith.select %eq3A_58, %broadcast_in_dim3A_60, %add3A_49 : vector<2048x1024xi1>, vector<2048x1024xf32>
    %reduce_min3A_62 = arith.constant dense<0x7F800000> : vector<2048xf32>
    %reduce_min3A_63 = vector.multi_reduction <minimumf>, %select_n3A_61, %reduce_min3A_62 [1] : vector<2048x1024xf32> to vector<2048xf32>
    %broadcast_in_dim3A_64 = vector.shape_cast %reduce_min3A_63 : vector<2048xf32> to vector<2048x1xf32>
    %eq3A_65 = vector.broadcast %broadcast_in_dim3A_64 : vector<2048x1xf32> to vector<2048x1024xf32>
    %eq3A_66 = arith.cmpf oeq, %select_n3A_61, %eq3A_65 : vector<2048x1024xf32>
    %jit3A_67 = arith.constant 1024 : i32
    %broadcast_in_dim3A_68 = vector.broadcast %jit3A_67 : i32 to vector<2048x1024xi32>
    %select_n3A_69 = arith.select %eq3A_66, %iota3A, %broadcast_in_dim3A_68 : vector<2048x1024xi1>, vector<2048x1024xi32>
    %reduce_min3A_70 = arith.constant dense<2147483647> : vector<2048xi32>
    %reduce_min3A_71 = vector.multi_reduction <minsi>, %select_n3A_69, %reduce_min3A_70 [1] : vector<2048x1024xi32> to vector<2048xi32>
    %broadcast_in_dim3A_72 = vector.shape_cast %reduce_min3A_71 : vector<2048xi32> to vector<2048x1xi32>
    %eq3A_73 = vector.broadcast %broadcast_in_dim3A_72 : vector<2048x1xi32> to vector<2048x1024xi32>
    %eq3A_74 = arith.cmpi eq, %iota3A, %eq3A_73 : vector<2048x1024xi32>
    %jit3A_75 = arith.constant 0x7F800000 : f32
    %broadcast_in_dim3A_76 = vector.broadcast %jit3A_75 : f32 to vector<2048x1024xf32>
    %select_n3A_77 = arith.select %eq3A_74, %broadcast_in_dim3A_76, %select_n3A_61 : vector<2048x1024xi1>, vector<2048x1024xf32>
    %reduce_min3A_78 = arith.constant dense<0x7F800000> : vector<2048xf32>
    %reduce_min3A_79 = vector.multi_reduction <minimumf>, %select_n3A_77, %reduce_min3A_78 [1] : vector<2048x1024xf32> to vector<2048xf32>
    %broadcast_in_dim3A_80 = vector.shape_cast %reduce_min3A_79 : vector<2048xf32> to vector<2048x1xf32>
    %eq3A_81 = vector.broadcast %broadcast_in_dim3A_80 : vector<2048x1xf32> to vector<2048x1024xf32>
    %eq3A_82 = arith.cmpf oeq, %select_n3A_77, %eq3A_81 : vector<2048x1024xf32>
    %jit3A_83 = arith.constant 1024 : i32
    %broadcast_in_dim3A_84 = vector.broadcast %jit3A_83 : i32 to vector<2048x1024xi32>
    %select_n3A_85 = arith.select %eq3A_82, %iota3A, %broadcast_in_dim3A_84 : vector<2048x1024xi1>, vector<2048x1024xi32>
    %reduce_min3A_86 = arith.constant dense<2147483647> : vector<2048xi32>
    %reduce_min3A_87 = vector.multi_reduction <minsi>, %select_n3A_85, %reduce_min3A_86 [1] : vector<2048x1024xi32> to vector<2048xi32>
    %stack3A = vector.shape_cast %reduce_min3A_55 : vector<2048xi32> to vector<2048x1xi32>
    %stack3A_88 = vector.shape_cast %reduce_min3A_71 : vector<2048xi32> to vector<2048x1xi32>
    %stack3A_89 = vector.shape_cast %reduce_min3A_87 : vector<2048xi32> to vector<2048x1xi32>
    %stack3A_90 = tpu.concatenate %stack3A, %stack3A_88, %stack3A_89 in 1 : vector<2048x1xi32>, vector<2048x1xi32>, vector<2048x1xi32> -> vector<2048x3xi32>
    %swap3A = arith.constant 0 : index
    %swap3A_91 = arith.constant 0 : index
    %swap3A_92 = arith.constant 0 : index
    %swap3A_93 = vector.load %arg3[%swap3A, %swap3A_91, %swap3A_92] : memref<1x2048x3xi32, #tpu.memory_space<vmem>>, vector<1x2048x3xi32>
    %swap3A_94 = vector.shape_cast %swap3A_93 : vector<1x2048x3xi32> to vector<2048x3xi32>
    %swap3A_95 = vector.shape_cast %stack3A_90 : vector<2048x3xi32> to vector<1x2048x3xi32>
    tpu.vector_store %arg3[%swap3A, %swap3A_91, %swap3A_92], %swap3A_95 {strides = array<i32>} : memref<1x2048x3xi32, #tpu.memory_space<vmem>>, vector<1x2048x3xi32>,
    %stack3A_96 = vector.shape_cast %reduce_min3A_50 : vector<2048xf32> to vector<2048x1xf32>
    %stack3A_97 = vector.shape_cast %reduce_min3A_63 : vector<2048xf32> to vector<2048x1xf32>
    %stack3A_98 = vector.shape_cast %reduce_min3A_79 : vector<2048xf32> to vector<2048x1xf32>
    %stack3A_99 = tpu.concatenate %stack3A_96, %stack3A_97, %stack3A_98 in 1 : vector<2048x1xf32>, vector<2048x1xf32>, vector<2048x1xf32> -> vector<2048x3xf32>
    %swap3A_100 = arith.constant 0 : index
    %swap3A_101 = arith.constant 0 : index
    %swap3A_102 = arith.constant 0 : index
    %swap3A_103 = vector.load %arg4[%swap3A_100, %swap3A_101, %swap3A_102] : memref<1x2048x3xf32, #tpu.memory_space<vmem>>, vector<1x2048x3xf32>
    %swap3A_104 = vector.shape_cast %swap3A_103 : vector<1x2048x3xf32> to vector<2048x3xf32>
    %swap3A_105 = vector.shape_cast %stack3A_99 : vector<2048x3xf32> to vector<1x2048x3xf32>
    tpu.vector_store %arg4[%swap3A_100, %swap3A_101, %swap3A_102], %swap3A_105 {strides = array<i32>} : memref<1x2048x3xf32, #tpu.memory_space<vmem>>, vector<1x2048x3xf32>,
    return
  }
  func.func @transform_0(%arg0: i32) -> (i32, i32, i32) {
    %c0_i32 = arith.constant 0 : i32
    %c0_i32_0 = arith.constant 0 : i32
    %c0_i32_1 = arith.constant 0 : i32
    return %arg0, %c0_i32, %c0_i32_0 : i32, i32, i32
  }
  func.func @transform_1(%arg0: i32) -> (i32, i32, i32) {
    %c0_i32 = arith.constant 0 : i32
    %c0_i32_0 = arith.constant 0 : i32
    %c0_i32_1 = arith.constant 0 : i32
    return %arg0, %c0_i32, %c0_i32_0 : i32, i32, i32
  }
  func.func @transform_2(%arg0: i32) -> (i32, i32, i32) {
    %c0_i32 = arith.constant 0 : i32
    %c0_i32_0 = arith.constant 0 : i32
    %c0_i32_1 = arith.constant 0 : i32
    return %arg0, %c0_i32, %c0_i32_0 : i32, i32, i32
  }
  func.func @transform_3(%arg0: i32) -> (i32, i32, i32) {
    %c0_i32 = arith.constant 0 : i32
    %c0_i32_0 = arith.constant 0 : i32
    %c0_i32_1 = arith.constant 0 : i32
    return %arg0, %c0_i32, %c0_i32_0 : i32, i32, i32
  }
}

module attributes {stable_mosaic.version = 14 : i64} {
  func.func @_knn_body(%arg0: i32, %arg1: memref<1x3x1024xf32, #tpu.memory_space<vmem>>, %arg2: memref<1x3x256xf32, #tpu.memory_space<vmem>>, %arg3: memref<1x1024x8xi32, #tpu.memory_space<vmem>>) attributes {dimension_semantics = [#tpu.dimension_semantics<arbitrary>], iteration_bounds = array<i64: 8>, scalar_prefetch = 0 : i64, scratch_operands = 0 : i64, tpu.core_type = #tpu.core_type<tc>, window_params = [{transform_indices = @transform_0, window_bounds = array<i64: 1, 3, 1024>}, {transform_indices = @transform_1, window_bounds = array<i64: 1, 3, 256>}, {transform_indices = @transform_2, window_bounds = array<i64: 1, 1024, 8>}]} {
    %get3A = arith.constant 0 : index
    %get3A_0 = arith.constant 0 : index
    %get3A_1 = arith.constant 0 : index
    %get3A_2 = vector.load %arg1[%get3A, %get3A_0, %get3A_1] : memref<1x3x1024xf32, #tpu.memory_space<vmem>>, vector<1x3x1024xf32>
    %get3A_3 = vector.shape_cast %get3A_2 : vector<1x3x1024xf32> to vector<3x1024xf32>
    %get3A_4 = arith.constant 0 : index
    %get3A_5 = arith.constant 0 : index
    %get3A_6 = arith.constant 0 : index
    %get3A_7 = vector.load %arg2[%get3A_4, %get3A_5, %get3A_6] : memref<1x3x256xf32, #tpu.memory_space<vmem>>, vector<1x3x256xf32>
    %get3A_8 = vector.shape_cast %get3A_7 : vector<1x3x256xf32> to vector<3x256xf32>
    %convert_element_type3A = arith.truncf %get3A_3 : vector<3x1024xf32> to vector<3x1024xbf16>
    %convert_element_type3A_9 = arith.extf %convert_element_type3A : vector<3x1024xbf16> to vector<3x1024xf32>
    %convert_element_type3A_10 = arith.truncf %get3A_8 : vector<3x256xf32> to vector<3x256xbf16>
    %convert_element_type3A_11 = arith.extf %convert_element_type3A_10 : vector<3x256xbf16> to vector<3x256xf32>
    %slice3A = vector.extract_strided_slice %convert_element_type3A_9 {offsets = [0, 0], sizes = [1, 1024], strides = [1, 1]} : vector<3x1024xf32> to vector<1x1024xf32>
    %squeeze3A = vector.shape_cast %slice3A : vector<1x1024xf32> to vector<1024xf32>
    %broadcast_in_dim3A = vector.shape_cast %squeeze3A : vector<1024xf32> to vector<1024x1xf32>
    %slice3A_12 = vector.extract_strided_slice %convert_element_type3A_11 {offsets = [0, 0], sizes = [1, 256], strides = [1, 1]} : vector<3x256xf32> to vector<1x256xf32>
    %squeeze3A_13 = vector.shape_cast %slice3A_12 : vector<1x256xf32> to vector<256xf32>
    %broadcast_in_dim3A_14 = vector.shape_cast %squeeze3A_13 : vector<256xf32> to vector<1x256xf32>
    %mul3A = vector.broadcast %broadcast_in_dim3A : vector<1024x1xf32> to vector<1024x256xf32>
    %mul3A_15 = vector.broadcast %broadcast_in_dim3A_14 : vector<1x256xf32> to vector<1024x256xf32>
    %mul3A_16 = arith.mulf %mul3A, %mul3A_15 : vector<1024x256xf32>
    %slice3A_17 = vector.extract_strided_slice %convert_element_type3A_9 {offsets = [1, 0], sizes = [1, 1024], strides = [1, 1]} : vector<3x1024xf32> to vector<1x1024xf32>
    %squeeze3A_18 = vector.shape_cast %slice3A_17 : vector<1x1024xf32> to vector<1024xf32>
    %broadcast_in_dim3A_19 = vector.shape_cast %squeeze3A_18 : vector<1024xf32> to vector<1024x1xf32>
    %slice3A_20 = vector.extract_strided_slice %convert_element_type3A_11 {offsets = [1, 0], sizes = [1, 256], strides = [1, 1]} : vector<3x256xf32> to vector<1x256xf32>
    %squeeze3A_21 = vector.shape_cast %slice3A_20 : vector<1x256xf32> to vector<256xf32>
    %broadcast_in_dim3A_22 = vector.shape_cast %squeeze3A_21 : vector<256xf32> to vector<1x256xf32>
    %mul3A_23 = vector.broadcast %broadcast_in_dim3A_19 : vector<1024x1xf32> to vector<1024x256xf32>
    %mul3A_24 = vector.broadcast %broadcast_in_dim3A_22 : vector<1x256xf32> to vector<1024x256xf32>
    %mul3A_25 = arith.mulf %mul3A_23, %mul3A_24 : vector<1024x256xf32>
    %add3A = arith.addf %mul3A_16, %mul3A_25 : vector<1024x256xf32>
    %slice3A_26 = vector.extract_strided_slice %convert_element_type3A_9 {offsets = [2, 0], sizes = [1, 1024], strides = [1, 1]} : vector<3x1024xf32> to vector<1x1024xf32>
    %squeeze3A_27 = vector.shape_cast %slice3A_26 : vector<1x1024xf32> to vector<1024xf32>
    %broadcast_in_dim3A_28 = vector.shape_cast %squeeze3A_27 : vector<1024xf32> to vector<1024x1xf32>
    %slice3A_29 = vector.extract_strided_slice %convert_element_type3A_11 {offsets = [2, 0], sizes = [1, 256], strides = [1, 1]} : vector<3x256xf32> to vector<1x256xf32>
    %squeeze3A_30 = vector.shape_cast %slice3A_29 : vector<1x256xf32> to vector<256xf32>
    %broadcast_in_dim3A_31 = vector.shape_cast %squeeze3A_30 : vector<256xf32> to vector<1x256xf32>
    %mul3A_32 = vector.broadcast %broadcast_in_dim3A_28 : vector<1024x1xf32> to vector<1024x256xf32>
    %mul3A_33 = vector.broadcast %broadcast_in_dim3A_31 : vector<1x256xf32> to vector<1024x256xf32>
    %mul3A_34 = arith.mulf %mul3A_32, %mul3A_33 : vector<1024x256xf32>
    %add3A_35 = arith.addf %add3A, %mul3A_34 : vector<1024x256xf32>
    %mul3A_36 = arith.constant -2.000000e+00 : f32
    %mul3A_37 = vector.broadcast %mul3A_36 : f32 to vector<1024x256xf32>
    %mul3A_38 = arith.mulf %mul3A_37, %add3A_35 : vector<1024x256xf32>
    %mul3A_39 = arith.mulf %get3A_3, %get3A_3 : vector<3x1024xf32>
    %reduce_sum3A = arith.constant dense<0.000000e+00> : vector<1024xf32>
    %reduce_sum3A_40 = vector.multi_reduction <add>, %mul3A_39, %reduce_sum3A [0] : vector<3x1024xf32> to vector<1024xf32>
    %broadcast_in_dim3A_41 = vector.shape_cast %reduce_sum3A_40 : vector<1024xf32> to vector<1024x1xf32>
    %add3A_42 = vector.broadcast %broadcast_in_dim3A_41 : vector<1024x1xf32> to vector<1024x256xf32>
    %add3A_43 = arith.addf %mul3A_38, %add3A_42 : vector<1024x256xf32>
    %mul3A_44 = arith.mulf %get3A_8, %get3A_8 : vector<3x256xf32>
    %reduce_sum3A_45 = arith.constant dense<0.000000e+00> : vector<256xf32>
    %reduce_sum3A_46 = vector.multi_reduction <add>, %mul3A_44, %reduce_sum3A_45 [0] : vector<3x256xf32> to vector<256xf32>
    %broadcast_in_dim3A_47 = vector.shape_cast %reduce_sum3A_46 : vector<256xf32> to vector<1x256xf32>
    %add3A_48 = vector.broadcast %broadcast_in_dim3A_47 : vector<1x256xf32> to vector<1024x256xf32>
    %add3A_49 = arith.addf %add3A_43, %add3A_48 : vector<1024x256xf32>
    %iota3A = tpu.iota {dimensions = array<i32: 1>} : vector<1024x256xi32>
    %reduce_min3A = arith.constant dense<0x7F800000> : vector<1024xf32>
    %reduce_min3A_50 = vector.multi_reduction <minimumf>, %add3A_49, %reduce_min3A [1] : vector<1024x256xf32> to vector<1024xf32>
    %broadcast_in_dim3A_51 = vector.shape_cast %reduce_min3A_50 : vector<1024xf32> to vector<1024x1xf32>
    %eq3A = vector.broadcast %broadcast_in_dim3A_51 : vector<1024x1xf32> to vector<1024x256xf32>
    %eq3A_52 = arith.cmpf oeq, %add3A_49, %eq3A : vector<1024x256xf32>
    %jit3A = arith.constant 256 : i32
    %broadcast_in_dim3A_53 = vector.broadcast %jit3A : i32 to vector<1024x256xi32>
    %select_n3A = arith.select %eq3A_52, %iota3A, %broadcast_in_dim3A_53 : vector<1024x256xi1>, vector<1024x256xi32>
    %reduce_min3A_54 = arith.constant dense<2147483647> : vector<1024xi32>
    %reduce_min3A_55 = vector.multi_reduction <minsi>, %select_n3A, %reduce_min3A_54 [1] : vector<1024x256xi32> to vector<1024xi32>
    %broadcast_in_dim3A_56 = vector.shape_cast %reduce_min3A_55 : vector<1024xi32> to vector<1024x1xi32>
    %eq3A_57 = vector.broadcast %broadcast_in_dim3A_56 : vector<1024x1xi32> to vector<1024x256xi32>
    %eq3A_58 = arith.cmpi eq, %iota3A, %eq3A_57 : vector<1024x256xi32>
    %jit3A_59 = arith.constant 0x7F800000 : f32
    %broadcast_in_dim3A_60 = vector.broadcast %jit3A_59 : f32 to vector<1024x256xf32>
    %select_n3A_61 = arith.select %eq3A_58, %broadcast_in_dim3A_60, %add3A_49 : vector<1024x256xi1>, vector<1024x256xf32>
    %reduce_min3A_62 = arith.constant dense<0x7F800000> : vector<1024xf32>
    %reduce_min3A_63 = vector.multi_reduction <minimumf>, %select_n3A_61, %reduce_min3A_62 [1] : vector<1024x256xf32> to vector<1024xf32>
    %broadcast_in_dim3A_64 = vector.shape_cast %reduce_min3A_63 : vector<1024xf32> to vector<1024x1xf32>
    %eq3A_65 = vector.broadcast %broadcast_in_dim3A_64 : vector<1024x1xf32> to vector<1024x256xf32>
    %eq3A_66 = arith.cmpf oeq, %select_n3A_61, %eq3A_65 : vector<1024x256xf32>
    %jit3A_67 = arith.constant 256 : i32
    %broadcast_in_dim3A_68 = vector.broadcast %jit3A_67 : i32 to vector<1024x256xi32>
    %select_n3A_69 = arith.select %eq3A_66, %iota3A, %broadcast_in_dim3A_68 : vector<1024x256xi1>, vector<1024x256xi32>
    %reduce_min3A_70 = arith.constant dense<2147483647> : vector<1024xi32>
    %reduce_min3A_71 = vector.multi_reduction <minsi>, %select_n3A_69, %reduce_min3A_70 [1] : vector<1024x256xi32> to vector<1024xi32>
    %broadcast_in_dim3A_72 = vector.shape_cast %reduce_min3A_71 : vector<1024xi32> to vector<1024x1xi32>
    %eq3A_73 = vector.broadcast %broadcast_in_dim3A_72 : vector<1024x1xi32> to vector<1024x256xi32>
    %eq3A_74 = arith.cmpi eq, %iota3A, %eq3A_73 : vector<1024x256xi32>
    %jit3A_75 = arith.constant 0x7F800000 : f32
    %broadcast_in_dim3A_76 = vector.broadcast %jit3A_75 : f32 to vector<1024x256xf32>
    %select_n3A_77 = arith.select %eq3A_74, %broadcast_in_dim3A_76, %select_n3A_61 : vector<1024x256xi1>, vector<1024x256xf32>
    %reduce_min3A_78 = arith.constant dense<0x7F800000> : vector<1024xf32>
    %reduce_min3A_79 = vector.multi_reduction <minimumf>, %select_n3A_77, %reduce_min3A_78 [1] : vector<1024x256xf32> to vector<1024xf32>
    %broadcast_in_dim3A_80 = vector.shape_cast %reduce_min3A_79 : vector<1024xf32> to vector<1024x1xf32>
    %eq3A_81 = vector.broadcast %broadcast_in_dim3A_80 : vector<1024x1xf32> to vector<1024x256xf32>
    %eq3A_82 = arith.cmpf oeq, %select_n3A_77, %eq3A_81 : vector<1024x256xf32>
    %jit3A_83 = arith.constant 256 : i32
    %broadcast_in_dim3A_84 = vector.broadcast %jit3A_83 : i32 to vector<1024x256xi32>
    %select_n3A_85 = arith.select %eq3A_82, %iota3A, %broadcast_in_dim3A_84 : vector<1024x256xi1>, vector<1024x256xi32>
    %reduce_min3A_86 = arith.constant dense<2147483647> : vector<1024xi32>
    %reduce_min3A_87 = vector.multi_reduction <minsi>, %select_n3A_85, %reduce_min3A_86 [1] : vector<1024x256xi32> to vector<1024xi32>
    %broadcast_in_dim3A_88 = vector.shape_cast %reduce_min3A_87 : vector<1024xi32> to vector<1024x1xi32>
    %eq3A_89 = vector.broadcast %broadcast_in_dim3A_88 : vector<1024x1xi32> to vector<1024x256xi32>
    %eq3A_90 = arith.cmpi eq, %iota3A, %eq3A_89 : vector<1024x256xi32>
    %jit3A_91 = arith.constant 0x7F800000 : f32
    %broadcast_in_dim3A_92 = vector.broadcast %jit3A_91 : f32 to vector<1024x256xf32>
    %select_n3A_93 = arith.select %eq3A_90, %broadcast_in_dim3A_92, %select_n3A_77 : vector<1024x256xi1>, vector<1024x256xf32>
    %reduce_min3A_94 = arith.constant dense<0x7F800000> : vector<1024xf32>
    %reduce_min3A_95 = vector.multi_reduction <minimumf>, %select_n3A_93, %reduce_min3A_94 [1] : vector<1024x256xf32> to vector<1024xf32>
    %broadcast_in_dim3A_96 = vector.shape_cast %reduce_min3A_95 : vector<1024xf32> to vector<1024x1xf32>
    %eq3A_97 = vector.broadcast %broadcast_in_dim3A_96 : vector<1024x1xf32> to vector<1024x256xf32>
    %eq3A_98 = arith.cmpf oeq, %select_n3A_93, %eq3A_97 : vector<1024x256xf32>
    %jit3A_99 = arith.constant 256 : i32
    %broadcast_in_dim3A_100 = vector.broadcast %jit3A_99 : i32 to vector<1024x256xi32>
    %select_n3A_101 = arith.select %eq3A_98, %iota3A, %broadcast_in_dim3A_100 : vector<1024x256xi1>, vector<1024x256xi32>
    %reduce_min3A_102 = arith.constant dense<2147483647> : vector<1024xi32>
    %reduce_min3A_103 = vector.multi_reduction <minsi>, %select_n3A_101, %reduce_min3A_102 [1] : vector<1024x256xi32> to vector<1024xi32>
    %broadcast_in_dim3A_104 = vector.shape_cast %reduce_min3A_103 : vector<1024xi32> to vector<1024x1xi32>
    %eq3A_105 = vector.broadcast %broadcast_in_dim3A_104 : vector<1024x1xi32> to vector<1024x256xi32>
    %eq3A_106 = arith.cmpi eq, %iota3A, %eq3A_105 : vector<1024x256xi32>
    %jit3A_107 = arith.constant 0x7F800000 : f32
    %broadcast_in_dim3A_108 = vector.broadcast %jit3A_107 : f32 to vector<1024x256xf32>
    %select_n3A_109 = arith.select %eq3A_106, %broadcast_in_dim3A_108, %select_n3A_93 : vector<1024x256xi1>, vector<1024x256xf32>
    %reduce_min3A_110 = arith.constant dense<0x7F800000> : vector<1024xf32>
    %reduce_min3A_111 = vector.multi_reduction <minimumf>, %select_n3A_109, %reduce_min3A_110 [1] : vector<1024x256xf32> to vector<1024xf32>
    %broadcast_in_dim3A_112 = vector.shape_cast %reduce_min3A_111 : vector<1024xf32> to vector<1024x1xf32>
    %eq3A_113 = vector.broadcast %broadcast_in_dim3A_112 : vector<1024x1xf32> to vector<1024x256xf32>
    %eq3A_114 = arith.cmpf oeq, %select_n3A_109, %eq3A_113 : vector<1024x256xf32>
    %jit3A_115 = arith.constant 256 : i32
    %broadcast_in_dim3A_116 = vector.broadcast %jit3A_115 : i32 to vector<1024x256xi32>
    %select_n3A_117 = arith.select %eq3A_114, %iota3A, %broadcast_in_dim3A_116 : vector<1024x256xi1>, vector<1024x256xi32>
    %reduce_min3A_118 = arith.constant dense<2147483647> : vector<1024xi32>
    %reduce_min3A_119 = vector.multi_reduction <minsi>, %select_n3A_117, %reduce_min3A_118 [1] : vector<1024x256xi32> to vector<1024xi32>
    %broadcast_in_dim3A_120 = vector.shape_cast %reduce_min3A_119 : vector<1024xi32> to vector<1024x1xi32>
    %eq3A_121 = vector.broadcast %broadcast_in_dim3A_120 : vector<1024x1xi32> to vector<1024x256xi32>
    %eq3A_122 = arith.cmpi eq, %iota3A, %eq3A_121 : vector<1024x256xi32>
    %jit3A_123 = arith.constant 0x7F800000 : f32
    %broadcast_in_dim3A_124 = vector.broadcast %jit3A_123 : f32 to vector<1024x256xf32>
    %select_n3A_125 = arith.select %eq3A_122, %broadcast_in_dim3A_124, %select_n3A_109 : vector<1024x256xi1>, vector<1024x256xf32>
    %reduce_min3A_126 = arith.constant dense<0x7F800000> : vector<1024xf32>
    %reduce_min3A_127 = vector.multi_reduction <minimumf>, %select_n3A_125, %reduce_min3A_126 [1] : vector<1024x256xf32> to vector<1024xf32>
    %broadcast_in_dim3A_128 = vector.shape_cast %reduce_min3A_127 : vector<1024xf32> to vector<1024x1xf32>
    %eq3A_129 = vector.broadcast %broadcast_in_dim3A_128 : vector<1024x1xf32> to vector<1024x256xf32>
    %eq3A_130 = arith.cmpf oeq, %select_n3A_125, %eq3A_129 : vector<1024x256xf32>
    %jit3A_131 = arith.constant 256 : i32
    %broadcast_in_dim3A_132 = vector.broadcast %jit3A_131 : i32 to vector<1024x256xi32>
    %select_n3A_133 = arith.select %eq3A_130, %iota3A, %broadcast_in_dim3A_132 : vector<1024x256xi1>, vector<1024x256xi32>
    %reduce_min3A_134 = arith.constant dense<2147483647> : vector<1024xi32>
    %reduce_min3A_135 = vector.multi_reduction <minsi>, %select_n3A_133, %reduce_min3A_134 [1] : vector<1024x256xi32> to vector<1024xi32>
    %broadcast_in_dim3A_136 = vector.shape_cast %reduce_min3A_135 : vector<1024xi32> to vector<1024x1xi32>
    %eq3A_137 = vector.broadcast %broadcast_in_dim3A_136 : vector<1024x1xi32> to vector<1024x256xi32>
    %eq3A_138 = arith.cmpi eq, %iota3A, %eq3A_137 : vector<1024x256xi32>
    %jit3A_139 = arith.constant 0x7F800000 : f32
    %broadcast_in_dim3A_140 = vector.broadcast %jit3A_139 : f32 to vector<1024x256xf32>
    %select_n3A_141 = arith.select %eq3A_138, %broadcast_in_dim3A_140, %select_n3A_125 : vector<1024x256xi1>, vector<1024x256xf32>
    %reduce_min3A_142 = arith.constant dense<0x7F800000> : vector<1024xf32>
    %reduce_min3A_143 = vector.multi_reduction <minimumf>, %select_n3A_141, %reduce_min3A_142 [1] : vector<1024x256xf32> to vector<1024xf32>
    %broadcast_in_dim3A_144 = vector.shape_cast %reduce_min3A_143 : vector<1024xf32> to vector<1024x1xf32>
    %eq3A_145 = vector.broadcast %broadcast_in_dim3A_144 : vector<1024x1xf32> to vector<1024x256xf32>
    %eq3A_146 = arith.cmpf oeq, %select_n3A_141, %eq3A_145 : vector<1024x256xf32>
    %jit3A_147 = arith.constant 256 : i32
    %broadcast_in_dim3A_148 = vector.broadcast %jit3A_147 : i32 to vector<1024x256xi32>
    %select_n3A_149 = arith.select %eq3A_146, %iota3A, %broadcast_in_dim3A_148 : vector<1024x256xi1>, vector<1024x256xi32>
    %reduce_min3A_150 = arith.constant dense<2147483647> : vector<1024xi32>
    %reduce_min3A_151 = vector.multi_reduction <minsi>, %select_n3A_149, %reduce_min3A_150 [1] : vector<1024x256xi32> to vector<1024xi32>
    %broadcast_in_dim3A_152 = vector.shape_cast %reduce_min3A_151 : vector<1024xi32> to vector<1024x1xi32>
    %eq3A_153 = vector.broadcast %broadcast_in_dim3A_152 : vector<1024x1xi32> to vector<1024x256xi32>
    %eq3A_154 = arith.cmpi eq, %iota3A, %eq3A_153 : vector<1024x256xi32>
    %jit3A_155 = arith.constant 0x7F800000 : f32
    %broadcast_in_dim3A_156 = vector.broadcast %jit3A_155 : f32 to vector<1024x256xf32>
    %select_n3A_157 = arith.select %eq3A_154, %broadcast_in_dim3A_156, %select_n3A_141 : vector<1024x256xi1>, vector<1024x256xf32>
    %reduce_min3A_158 = arith.constant dense<0x7F800000> : vector<1024xf32>
    %reduce_min3A_159 = vector.multi_reduction <minimumf>, %select_n3A_157, %reduce_min3A_158 [1] : vector<1024x256xf32> to vector<1024xf32>
    %broadcast_in_dim3A_160 = vector.shape_cast %reduce_min3A_159 : vector<1024xf32> to vector<1024x1xf32>
    %eq3A_161 = vector.broadcast %broadcast_in_dim3A_160 : vector<1024x1xf32> to vector<1024x256xf32>
    %eq3A_162 = arith.cmpf oeq, %select_n3A_157, %eq3A_161 : vector<1024x256xf32>
    %jit3A_163 = arith.constant 256 : i32
    %broadcast_in_dim3A_164 = vector.broadcast %jit3A_163 : i32 to vector<1024x256xi32>
    %select_n3A_165 = arith.select %eq3A_162, %iota3A, %broadcast_in_dim3A_164 : vector<1024x256xi1>, vector<1024x256xi32>
    %reduce_min3A_166 = arith.constant dense<2147483647> : vector<1024xi32>
    %reduce_min3A_167 = vector.multi_reduction <minsi>, %select_n3A_165, %reduce_min3A_166 [1] : vector<1024x256xi32> to vector<1024xi32>
    %stack3A = vector.shape_cast %reduce_min3A_55 : vector<1024xi32> to vector<1024x1xi32>
    %stack3A_168 = vector.shape_cast %reduce_min3A_71 : vector<1024xi32> to vector<1024x1xi32>
    %stack3A_169 = vector.shape_cast %reduce_min3A_87 : vector<1024xi32> to vector<1024x1xi32>
    %stack3A_170 = vector.shape_cast %reduce_min3A_103 : vector<1024xi32> to vector<1024x1xi32>
    %stack3A_171 = vector.shape_cast %reduce_min3A_119 : vector<1024xi32> to vector<1024x1xi32>
    %stack3A_172 = vector.shape_cast %reduce_min3A_135 : vector<1024xi32> to vector<1024x1xi32>
    %stack3A_173 = vector.shape_cast %reduce_min3A_151 : vector<1024xi32> to vector<1024x1xi32>
    %stack3A_174 = vector.shape_cast %reduce_min3A_167 : vector<1024xi32> to vector<1024x1xi32>
    %stack3A_175 = tpu.concatenate %stack3A, %stack3A_168, %stack3A_169, %stack3A_170, %stack3A_171, %stack3A_172, %stack3A_173, %stack3A_174 in 1 : vector<1024x1xi32>, vector<1024x1xi32>, vector<1024x1xi32>, vector<1024x1xi32>, vector<1024x1xi32>, vector<1024x1xi32>, vector<1024x1xi32>, vector<1024x1xi32> -> vector<1024x8xi32>
    %swap3A = arith.constant 0 : index
    %swap3A_176 = arith.constant 0 : index
    %swap3A_177 = arith.constant 0 : index
    %swap3A_178 = vector.load %arg3[%swap3A, %swap3A_176, %swap3A_177] : memref<1x1024x8xi32, #tpu.memory_space<vmem>>, vector<1x1024x8xi32>
    %swap3A_179 = vector.shape_cast %swap3A_178 : vector<1x1024x8xi32> to vector<1024x8xi32>
    %swap3A_180 = vector.shape_cast %stack3A_175 : vector<1024x8xi32> to vector<1x1024x8xi32>
    tpu.vector_store %arg3[%swap3A, %swap3A_176, %swap3A_177], %swap3A_180 {strides = array<i32>} : memref<1x1024x8xi32, #tpu.memory_space<vmem>>, vector<1x1024x8xi32>,
    return
  }
  func.func @transform_0(%arg0: i32) -> (i32, i32, i32) {
    %c0_i32 = arith.constant 0 : i32
    %c0_i32_0 = arith.constant 0 : i32
    %c0_i32_1 = arith.constant 0 : i32
    return %arg0, %c0_i32, %c0_i32_0 : i32, i32, i32
  }
  func.func @transform_1(%arg0: i32) -> (i32, i32, i32) {
    %c0_i32 = arith.constant 0 : i32
    %c0_i32_0 = arith.constant 0 : i32
    %c0_i32_1 = arith.constant 0 : i32
    return %arg0, %c0_i32, %c0_i32_0 : i32, i32, i32
  }
  func.func @transform_2(%arg0: i32) -> (i32, i32, i32) {
    %c0_i32 = arith.constant 0 : i32
    %c0_i32_0 = arith.constant 0 : i32
    %c0_i32_1 = arith.constant 0 : i32
    return %arg0, %c0_i32, %c0_i32_0 : i32, i32, i32
  }
}

module attributes {stable_mosaic.version = 14 : i64} {
  func.func @_bq_body(%arg0: i32, %arg1: memref<1x3x1024xf32, #tpu.memory_space<vmem>>, %arg2: memref<1x3x256xf32, #tpu.memory_space<vmem>>, %arg3: memref<1x256x16xi32, #tpu.memory_space<vmem>>) attributes {dimension_semantics = [#tpu.dimension_semantics<arbitrary>], iteration_bounds = array<i64: 8>, scalar_prefetch = 0 : i64, scratch_operands = 0 : i64, tpu.core_type = #tpu.core_type<tc>, window_params = [{transform_indices = @transform_0, window_bounds = array<i64: 1, 3, 1024>}, {transform_indices = @transform_1, window_bounds = array<i64: 1, 3, 256>}, {transform_indices = @transform_2, window_bounds = array<i64: 1, 256, 16>}]} {
    %get3A = arith.constant 0 : index
    %get3A_0 = arith.constant 0 : index
    %get3A_1 = arith.constant 0 : index
    %get3A_2 = vector.load %arg2[%get3A, %get3A_0, %get3A_1] : memref<1x3x256xf32, #tpu.memory_space<vmem>>, vector<1x3x256xf32>
    %get3A_3 = vector.shape_cast %get3A_2 : vector<1x3x256xf32> to vector<3x256xf32>
    %get3A_4 = arith.constant 0 : index
    %get3A_5 = arith.constant 0 : index
    %get3A_6 = arith.constant 0 : index
    %get3A_7 = vector.load %arg1[%get3A_4, %get3A_5, %get3A_6] : memref<1x3x1024xf32, #tpu.memory_space<vmem>>, vector<1x3x1024xf32>
    %get3A_8 = vector.shape_cast %get3A_7 : vector<1x3x1024xf32> to vector<3x1024xf32>
    %convert_element_type3A = arith.truncf %get3A_3 : vector<3x256xf32> to vector<3x256xbf16>
    %convert_element_type3A_9 = arith.extf %convert_element_type3A : vector<3x256xbf16> to vector<3x256xf32>
    %convert_element_type3A_10 = arith.truncf %get3A_8 : vector<3x1024xf32> to vector<3x1024xbf16>
    %convert_element_type3A_11 = arith.extf %convert_element_type3A_10 : vector<3x1024xbf16> to vector<3x1024xf32>
    %slice3A = vector.extract_strided_slice %convert_element_type3A_9 {offsets = [0, 0], sizes = [1, 256], strides = [1, 1]} : vector<3x256xf32> to vector<1x256xf32>
    %squeeze3A = vector.shape_cast %slice3A : vector<1x256xf32> to vector<256xf32>
    %broadcast_in_dim3A = vector.shape_cast %squeeze3A : vector<256xf32> to vector<256x1xf32>
    %slice3A_12 = vector.extract_strided_slice %convert_element_type3A_11 {offsets = [0, 0], sizes = [1, 1024], strides = [1, 1]} : vector<3x1024xf32> to vector<1x1024xf32>
    %squeeze3A_13 = vector.shape_cast %slice3A_12 : vector<1x1024xf32> to vector<1024xf32>
    %broadcast_in_dim3A_14 = vector.shape_cast %squeeze3A_13 : vector<1024xf32> to vector<1x1024xf32>
    %mul3A = vector.broadcast %broadcast_in_dim3A : vector<256x1xf32> to vector<256x1024xf32>
    %mul3A_15 = vector.broadcast %broadcast_in_dim3A_14 : vector<1x1024xf32> to vector<256x1024xf32>
    %mul3A_16 = arith.mulf %mul3A, %mul3A_15 : vector<256x1024xf32>
    %slice3A_17 = vector.extract_strided_slice %convert_element_type3A_9 {offsets = [1, 0], sizes = [1, 256], strides = [1, 1]} : vector<3x256xf32> to vector<1x256xf32>
    %squeeze3A_18 = vector.shape_cast %slice3A_17 : vector<1x256xf32> to vector<256xf32>
    %broadcast_in_dim3A_19 = vector.shape_cast %squeeze3A_18 : vector<256xf32> to vector<256x1xf32>
    %slice3A_20 = vector.extract_strided_slice %convert_element_type3A_11 {offsets = [1, 0], sizes = [1, 1024], strides = [1, 1]} : vector<3x1024xf32> to vector<1x1024xf32>
    %squeeze3A_21 = vector.shape_cast %slice3A_20 : vector<1x1024xf32> to vector<1024xf32>
    %broadcast_in_dim3A_22 = vector.shape_cast %squeeze3A_21 : vector<1024xf32> to vector<1x1024xf32>
    %mul3A_23 = vector.broadcast %broadcast_in_dim3A_19 : vector<256x1xf32> to vector<256x1024xf32>
    %mul3A_24 = vector.broadcast %broadcast_in_dim3A_22 : vector<1x1024xf32> to vector<256x1024xf32>
    %mul3A_25 = arith.mulf %mul3A_23, %mul3A_24 : vector<256x1024xf32>
    %add3A = arith.addf %mul3A_16, %mul3A_25 : vector<256x1024xf32>
    %slice3A_26 = vector.extract_strided_slice %convert_element_type3A_9 {offsets = [2, 0], sizes = [1, 256], strides = [1, 1]} : vector<3x256xf32> to vector<1x256xf32>
    %squeeze3A_27 = vector.shape_cast %slice3A_26 : vector<1x256xf32> to vector<256xf32>
    %broadcast_in_dim3A_28 = vector.shape_cast %squeeze3A_27 : vector<256xf32> to vector<256x1xf32>
    %slice3A_29 = vector.extract_strided_slice %convert_element_type3A_11 {offsets = [2, 0], sizes = [1, 1024], strides = [1, 1]} : vector<3x1024xf32> to vector<1x1024xf32>
    %squeeze3A_30 = vector.shape_cast %slice3A_29 : vector<1x1024xf32> to vector<1024xf32>
    %broadcast_in_dim3A_31 = vector.shape_cast %squeeze3A_30 : vector<1024xf32> to vector<1x1024xf32>
    %mul3A_32 = vector.broadcast %broadcast_in_dim3A_28 : vector<256x1xf32> to vector<256x1024xf32>
    %mul3A_33 = vector.broadcast %broadcast_in_dim3A_31 : vector<1x1024xf32> to vector<256x1024xf32>
    %mul3A_34 = arith.mulf %mul3A_32, %mul3A_33 : vector<256x1024xf32>
    %add3A_35 = arith.addf %add3A, %mul3A_34 : vector<256x1024xf32>
    %mul3A_36 = arith.constant -2.000000e+00 : f32
    %mul3A_37 = vector.broadcast %mul3A_36 : f32 to vector<256x1024xf32>
    %mul3A_38 = arith.mulf %mul3A_37, %add3A_35 : vector<256x1024xf32>
    %mul3A_39 = arith.mulf %get3A_3, %get3A_3 : vector<3x256xf32>
    %reduce_sum3A = arith.constant dense<0.000000e+00> : vector<256xf32>
    %reduce_sum3A_40 = vector.multi_reduction <add>, %mul3A_39, %reduce_sum3A [0] : vector<3x256xf32> to vector<256xf32>
    %broadcast_in_dim3A_41 = vector.shape_cast %reduce_sum3A_40 : vector<256xf32> to vector<256x1xf32>
    %add3A_42 = vector.broadcast %broadcast_in_dim3A_41 : vector<256x1xf32> to vector<256x1024xf32>
    %add3A_43 = arith.addf %mul3A_38, %add3A_42 : vector<256x1024xf32>
    %mul3A_44 = arith.mulf %get3A_8, %get3A_8 : vector<3x1024xf32>
    %reduce_sum3A_45 = arith.constant dense<0.000000e+00> : vector<1024xf32>
    %reduce_sum3A_46 = vector.multi_reduction <add>, %mul3A_44, %reduce_sum3A_45 [0] : vector<3x1024xf32> to vector<1024xf32>
    %broadcast_in_dim3A_47 = vector.shape_cast %reduce_sum3A_46 : vector<1024xf32> to vector<1x1024xf32>
    %add3A_48 = vector.broadcast %broadcast_in_dim3A_47 : vector<1x1024xf32> to vector<256x1024xf32>
    %add3A_49 = arith.addf %add3A_43, %add3A_48 : vector<256x1024xf32>
    %iota3A = tpu.iota {dimensions = array<i32: 1>} : vector<256x1024xi32>
    %le3A = arith.constant 1.000000e+02 : f32
    %le3A_50 = vector.broadcast %le3A : f32 to vector<256x1024xf32>
    %le3A_51 = arith.cmpf ole, %add3A_49, %le3A_50 : vector<256x1024xf32>
    %jit3A = arith.constant 1024 : i32
    %broadcast_in_dim3A_52 = vector.broadcast %jit3A : i32 to vector<256x1024xi32>
    %select_n3A = arith.select %le3A_51, %iota3A, %broadcast_in_dim3A_52 : vector<256x1024xi1>, vector<256x1024xi32>
    %reduce_min3A = arith.constant dense<2147483647> : vector<256xi32>
    %reduce_min3A_53 = vector.multi_reduction <minsi>, %select_n3A, %reduce_min3A [1] : vector<256x1024xi32> to vector<256xi32>
    %broadcast_in_dim3A_54 = vector.shape_cast %reduce_min3A_53 : vector<256xi32> to vector<256x1xi32>
    %eq3A = vector.broadcast %broadcast_in_dim3A_54 : vector<256x1xi32> to vector<256x1024xi32>
    %eq3A_55 = arith.cmpi eq, %select_n3A, %eq3A : vector<256x1024xi32>
    %jit3A_56 = arith.constant 1024 : i32
    %broadcast_in_dim3A_57 = vector.broadcast %jit3A_56 : i32 to vector<256x1024xi32>
    %select_n3A_58 = arith.select %eq3A_55, %broadcast_in_dim3A_57, %select_n3A : vector<256x1024xi1>, vector<256x1024xi32>
    %reduce_min3A_59 = arith.constant dense<2147483647> : vector<256xi32>
    %reduce_min3A_60 = vector.multi_reduction <minsi>, %select_n3A_58, %reduce_min3A_59 [1] : vector<256x1024xi32> to vector<256xi32>
    %broadcast_in_dim3A_61 = vector.shape_cast %reduce_min3A_60 : vector<256xi32> to vector<256x1xi32>
    %eq3A_62 = vector.broadcast %broadcast_in_dim3A_61 : vector<256x1xi32> to vector<256x1024xi32>
    %eq3A_63 = arith.cmpi eq, %select_n3A_58, %eq3A_62 : vector<256x1024xi32>
    %jit3A_64 = arith.constant 1024 : i32
    %broadcast_in_dim3A_65 = vector.broadcast %jit3A_64 : i32 to vector<256x1024xi32>
    %select_n3A_66 = arith.select %eq3A_63, %broadcast_in_dim3A_65, %select_n3A_58 : vector<256x1024xi1>, vector<256x1024xi32>
    %reduce_min3A_67 = arith.constant dense<2147483647> : vector<256xi32>
    %reduce_min3A_68 = vector.multi_reduction <minsi>, %select_n3A_66, %reduce_min3A_67 [1] : vector<256x1024xi32> to vector<256xi32>
    %broadcast_in_dim3A_69 = vector.shape_cast %reduce_min3A_68 : vector<256xi32> to vector<256x1xi32>
    %eq3A_70 = vector.broadcast %broadcast_in_dim3A_69 : vector<256x1xi32> to vector<256x1024xi32>
    %eq3A_71 = arith.cmpi eq, %select_n3A_66, %eq3A_70 : vector<256x1024xi32>
    %jit3A_72 = arith.constant 1024 : i32
    %broadcast_in_dim3A_73 = vector.broadcast %jit3A_72 : i32 to vector<256x1024xi32>
    %select_n3A_74 = arith.select %eq3A_71, %broadcast_in_dim3A_73, %select_n3A_66 : vector<256x1024xi1>, vector<256x1024xi32>
    %reduce_min3A_75 = arith.constant dense<2147483647> : vector<256xi32>
    %reduce_min3A_76 = vector.multi_reduction <minsi>, %select_n3A_74, %reduce_min3A_75 [1] : vector<256x1024xi32> to vector<256xi32>
    %broadcast_in_dim3A_77 = vector.shape_cast %reduce_min3A_76 : vector<256xi32> to vector<256x1xi32>
    %eq3A_78 = vector.broadcast %broadcast_in_dim3A_77 : vector<256x1xi32> to vector<256x1024xi32>
    %eq3A_79 = arith.cmpi eq, %select_n3A_74, %eq3A_78 : vector<256x1024xi32>
    %jit3A_80 = arith.constant 1024 : i32
    %broadcast_in_dim3A_81 = vector.broadcast %jit3A_80 : i32 to vector<256x1024xi32>
    %select_n3A_82 = arith.select %eq3A_79, %broadcast_in_dim3A_81, %select_n3A_74 : vector<256x1024xi1>, vector<256x1024xi32>
    %reduce_min3A_83 = arith.constant dense<2147483647> : vector<256xi32>
    %reduce_min3A_84 = vector.multi_reduction <minsi>, %select_n3A_82, %reduce_min3A_83 [1] : vector<256x1024xi32> to vector<256xi32>
    %broadcast_in_dim3A_85 = vector.shape_cast %reduce_min3A_84 : vector<256xi32> to vector<256x1xi32>
    %eq3A_86 = vector.broadcast %broadcast_in_dim3A_85 : vector<256x1xi32> to vector<256x1024xi32>
    %eq3A_87 = arith.cmpi eq, %select_n3A_82, %eq3A_86 : vector<256x1024xi32>
    %jit3A_88 = arith.constant 1024 : i32
    %broadcast_in_dim3A_89 = vector.broadcast %jit3A_88 : i32 to vector<256x1024xi32>
    %select_n3A_90 = arith.select %eq3A_87, %broadcast_in_dim3A_89, %select_n3A_82 : vector<256x1024xi1>, vector<256x1024xi32>
    %reduce_min3A_91 = arith.constant dense<2147483647> : vector<256xi32>
    %reduce_min3A_92 = vector.multi_reduction <minsi>, %select_n3A_90, %reduce_min3A_91 [1] : vector<256x1024xi32> to vector<256xi32>
    %broadcast_in_dim3A_93 = vector.shape_cast %reduce_min3A_92 : vector<256xi32> to vector<256x1xi32>
    %eq3A_94 = vector.broadcast %broadcast_in_dim3A_93 : vector<256x1xi32> to vector<256x1024xi32>
    %eq3A_95 = arith.cmpi eq, %select_n3A_90, %eq3A_94 : vector<256x1024xi32>
    %jit3A_96 = arith.constant 1024 : i32
    %broadcast_in_dim3A_97 = vector.broadcast %jit3A_96 : i32 to vector<256x1024xi32>
    %select_n3A_98 = arith.select %eq3A_95, %broadcast_in_dim3A_97, %select_n3A_90 : vector<256x1024xi1>, vector<256x1024xi32>
    %reduce_min3A_99 = arith.constant dense<2147483647> : vector<256xi32>
    %reduce_min3A_100 = vector.multi_reduction <minsi>, %select_n3A_98, %reduce_min3A_99 [1] : vector<256x1024xi32> to vector<256xi32>
    %broadcast_in_dim3A_101 = vector.shape_cast %reduce_min3A_100 : vector<256xi32> to vector<256x1xi32>
    %eq3A_102 = vector.broadcast %broadcast_in_dim3A_101 : vector<256x1xi32> to vector<256x1024xi32>
    %eq3A_103 = arith.cmpi eq, %select_n3A_98, %eq3A_102 : vector<256x1024xi32>
    %jit3A_104 = arith.constant 1024 : i32
    %broadcast_in_dim3A_105 = vector.broadcast %jit3A_104 : i32 to vector<256x1024xi32>
    %select_n3A_106 = arith.select %eq3A_103, %broadcast_in_dim3A_105, %select_n3A_98 : vector<256x1024xi1>, vector<256x1024xi32>
    %reduce_min3A_107 = arith.constant dense<2147483647> : vector<256xi32>
    %reduce_min3A_108 = vector.multi_reduction <minsi>, %select_n3A_106, %reduce_min3A_107 [1] : vector<256x1024xi32> to vector<256xi32>
    %broadcast_in_dim3A_109 = vector.shape_cast %reduce_min3A_108 : vector<256xi32> to vector<256x1xi32>
    %eq3A_110 = vector.broadcast %broadcast_in_dim3A_109 : vector<256x1xi32> to vector<256x1024xi32>
    %eq3A_111 = arith.cmpi eq, %select_n3A_106, %eq3A_110 : vector<256x1024xi32>
    %jit3A_112 = arith.constant 1024 : i32
    %broadcast_in_dim3A_113 = vector.broadcast %jit3A_112 : i32 to vector<256x1024xi32>
    %select_n3A_114 = arith.select %eq3A_111, %broadcast_in_dim3A_113, %select_n3A_106 : vector<256x1024xi1>, vector<256x1024xi32>
    %reduce_min3A_115 = arith.constant dense<2147483647> : vector<256xi32>
    %reduce_min3A_116 = vector.multi_reduction <minsi>, %select_n3A_114, %reduce_min3A_115 [1] : vector<256x1024xi32> to vector<256xi32>
    %broadcast_in_dim3A_117 = vector.shape_cast %reduce_min3A_116 : vector<256xi32> to vector<256x1xi32>
    %eq3A_118 = vector.broadcast %broadcast_in_dim3A_117 : vector<256x1xi32> to vector<256x1024xi32>
    %eq3A_119 = arith.cmpi eq, %select_n3A_114, %eq3A_118 : vector<256x1024xi32>
    %jit3A_120 = arith.constant 1024 : i32
    %broadcast_in_dim3A_121 = vector.broadcast %jit3A_120 : i32 to vector<256x1024xi32>
    %select_n3A_122 = arith.select %eq3A_119, %broadcast_in_dim3A_121, %select_n3A_114 : vector<256x1024xi1>, vector<256x1024xi32>
    %reduce_min3A_123 = arith.constant dense<2147483647> : vector<256xi32>
    %reduce_min3A_124 = vector.multi_reduction <minsi>, %select_n3A_122, %reduce_min3A_123 [1] : vector<256x1024xi32> to vector<256xi32>
    %broadcast_in_dim3A_125 = vector.shape_cast %reduce_min3A_124 : vector<256xi32> to vector<256x1xi32>
    %eq3A_126 = vector.broadcast %broadcast_in_dim3A_125 : vector<256x1xi32> to vector<256x1024xi32>
    %eq3A_127 = arith.cmpi eq, %select_n3A_122, %eq3A_126 : vector<256x1024xi32>
    %jit3A_128 = arith.constant 1024 : i32
    %broadcast_in_dim3A_129 = vector.broadcast %jit3A_128 : i32 to vector<256x1024xi32>
    %select_n3A_130 = arith.select %eq3A_127, %broadcast_in_dim3A_129, %select_n3A_122 : vector<256x1024xi1>, vector<256x1024xi32>
    %reduce_min3A_131 = arith.constant dense<2147483647> : vector<256xi32>
    %reduce_min3A_132 = vector.multi_reduction <minsi>, %select_n3A_130, %reduce_min3A_131 [1] : vector<256x1024xi32> to vector<256xi32>
    %broadcast_in_dim3A_133 = vector.shape_cast %reduce_min3A_132 : vector<256xi32> to vector<256x1xi32>
    %eq3A_134 = vector.broadcast %broadcast_in_dim3A_133 : vector<256x1xi32> to vector<256x1024xi32>
    %eq3A_135 = arith.cmpi eq, %select_n3A_130, %eq3A_134 : vector<256x1024xi32>
    %jit3A_136 = arith.constant 1024 : i32
    %broadcast_in_dim3A_137 = vector.broadcast %jit3A_136 : i32 to vector<256x1024xi32>
    %select_n3A_138 = arith.select %eq3A_135, %broadcast_in_dim3A_137, %select_n3A_130 : vector<256x1024xi1>, vector<256x1024xi32>
    %reduce_min3A_139 = arith.constant dense<2147483647> : vector<256xi32>
    %reduce_min3A_140 = vector.multi_reduction <minsi>, %select_n3A_138, %reduce_min3A_139 [1] : vector<256x1024xi32> to vector<256xi32>
    %broadcast_in_dim3A_141 = vector.shape_cast %reduce_min3A_140 : vector<256xi32> to vector<256x1xi32>
    %eq3A_142 = vector.broadcast %broadcast_in_dim3A_141 : vector<256x1xi32> to vector<256x1024xi32>
    %eq3A_143 = arith.cmpi eq, %select_n3A_138, %eq3A_142 : vector<256x1024xi32>
    %jit3A_144 = arith.constant 1024 : i32
    %broadcast_in_dim3A_145 = vector.broadcast %jit3A_144 : i32 to vector<256x1024xi32>
    %select_n3A_146 = arith.select %eq3A_143, %broadcast_in_dim3A_145, %select_n3A_138 : vector<256x1024xi1>, vector<256x1024xi32>
    %reduce_min3A_147 = arith.constant dense<2147483647> : vector<256xi32>
    %reduce_min3A_148 = vector.multi_reduction <minsi>, %select_n3A_146, %reduce_min3A_147 [1] : vector<256x1024xi32> to vector<256xi32>
    %broadcast_in_dim3A_149 = vector.shape_cast %reduce_min3A_148 : vector<256xi32> to vector<256x1xi32>
    %eq3A_150 = vector.broadcast %broadcast_in_dim3A_149 : vector<256x1xi32> to vector<256x1024xi32>
    %eq3A_151 = arith.cmpi eq, %select_n3A_146, %eq3A_150 : vector<256x1024xi32>
    %jit3A_152 = arith.constant 1024 : i32
    %broadcast_in_dim3A_153 = vector.broadcast %jit3A_152 : i32 to vector<256x1024xi32>
    %select_n3A_154 = arith.select %eq3A_151, %broadcast_in_dim3A_153, %select_n3A_146 : vector<256x1024xi1>, vector<256x1024xi32>
    %reduce_min3A_155 = arith.constant dense<2147483647> : vector<256xi32>
    %reduce_min3A_156 = vector.multi_reduction <minsi>, %select_n3A_154, %reduce_min3A_155 [1] : vector<256x1024xi32> to vector<256xi32>
    %broadcast_in_dim3A_157 = vector.shape_cast %reduce_min3A_156 : vector<256xi32> to vector<256x1xi32>
    %eq3A_158 = vector.broadcast %broadcast_in_dim3A_157 : vector<256x1xi32> to vector<256x1024xi32>
    %eq3A_159 = arith.cmpi eq, %select_n3A_154, %eq3A_158 : vector<256x1024xi32>
    %jit3A_160 = arith.constant 1024 : i32
    %broadcast_in_dim3A_161 = vector.broadcast %jit3A_160 : i32 to vector<256x1024xi32>
    %select_n3A_162 = arith.select %eq3A_159, %broadcast_in_dim3A_161, %select_n3A_154 : vector<256x1024xi1>, vector<256x1024xi32>
    %reduce_min3A_163 = arith.constant dense<2147483647> : vector<256xi32>
    %reduce_min3A_164 = vector.multi_reduction <minsi>, %select_n3A_162, %reduce_min3A_163 [1] : vector<256x1024xi32> to vector<256xi32>
    %broadcast_in_dim3A_165 = vector.shape_cast %reduce_min3A_164 : vector<256xi32> to vector<256x1xi32>
    %eq3A_166 = vector.broadcast %broadcast_in_dim3A_165 : vector<256x1xi32> to vector<256x1024xi32>
    %eq3A_167 = arith.cmpi eq, %select_n3A_162, %eq3A_166 : vector<256x1024xi32>
    %jit3A_168 = arith.constant 1024 : i32
    %broadcast_in_dim3A_169 = vector.broadcast %jit3A_168 : i32 to vector<256x1024xi32>
    %select_n3A_170 = arith.select %eq3A_167, %broadcast_in_dim3A_169, %select_n3A_162 : vector<256x1024xi1>, vector<256x1024xi32>
    %reduce_min3A_171 = arith.constant dense<2147483647> : vector<256xi32>
    %reduce_min3A_172 = vector.multi_reduction <minsi>, %select_n3A_170, %reduce_min3A_171 [1] : vector<256x1024xi32> to vector<256xi32>
    %stack3A = vector.shape_cast %reduce_min3A_53 : vector<256xi32> to vector<256x1xi32>
    %stack3A_173 = vector.shape_cast %reduce_min3A_60 : vector<256xi32> to vector<256x1xi32>
    %stack3A_174 = vector.shape_cast %reduce_min3A_68 : vector<256xi32> to vector<256x1xi32>
    %stack3A_175 = vector.shape_cast %reduce_min3A_76 : vector<256xi32> to vector<256x1xi32>
    %stack3A_176 = vector.shape_cast %reduce_min3A_84 : vector<256xi32> to vector<256x1xi32>
    %stack3A_177 = vector.shape_cast %reduce_min3A_92 : vector<256xi32> to vector<256x1xi32>
    %stack3A_178 = vector.shape_cast %reduce_min3A_100 : vector<256xi32> to vector<256x1xi32>
    %stack3A_179 = vector.shape_cast %reduce_min3A_108 : vector<256xi32> to vector<256x1xi32>
    %stack3A_180 = vector.shape_cast %reduce_min3A_116 : vector<256xi32> to vector<256x1xi32>
    %stack3A_181 = vector.shape_cast %reduce_min3A_124 : vector<256xi32> to vector<256x1xi32>
    %stack3A_182 = vector.shape_cast %reduce_min3A_132 : vector<256xi32> to vector<256x1xi32>
    %stack3A_183 = vector.shape_cast %reduce_min3A_140 : vector<256xi32> to vector<256x1xi32>
    %stack3A_184 = vector.shape_cast %reduce_min3A_148 : vector<256xi32> to vector<256x1xi32>
    %stack3A_185 = vector.shape_cast %reduce_min3A_156 : vector<256xi32> to vector<256x1xi32>
    %stack3A_186 = vector.shape_cast %reduce_min3A_164 : vector<256xi32> to vector<256x1xi32>
    %stack3A_187 = vector.shape_cast %reduce_min3A_172 : vector<256xi32> to vector<256x1xi32>
    %stack3A_188 = tpu.concatenate %stack3A, %stack3A_173, %stack3A_174, %stack3A_175, %stack3A_176, %stack3A_177, %stack3A_178, %stack3A_179, %stack3A_180, %stack3A_181, %stack3A_182, %stack3A_183, %stack3A_184, %stack3A_185, %stack3A_186, %stack3A_187 in 1 : vector<256x1xi32>, vector<256x1xi32>, vector<256x1xi32>, vector<256x1xi32>, vector<256x1xi32>, vector<256x1xi32>, vector<256x1xi32>, vector<256x1xi32>, vector<256x1xi32>, vector<256x1xi32>, vector<256x1xi32>, vector<256x1xi32>, vector<256x1xi32>, vector<256x1xi32>, vector<256x1xi32>, vector<256x1xi32> -> vector<256x16xi32>
    %eq3A_189 = arith.constant 1024 : i32
    %eq3A_190 = vector.broadcast %eq3A_189 : i32 to vector<256x16xi32>
    %eq3A_191 = arith.cmpi eq, %stack3A_188, %eq3A_190 : vector<256x16xi32>
    %slice3A_192 = vector.extract_strided_slice %stack3A_188 {offsets = [0, 0], sizes = [256, 1], strides = [1, 1]} : vector<256x16xi32> to vector<256x1xi32>
    %broadcast_in_dim3A_193 = vector.shape_cast %slice3A_192 : vector<256x1xi32> to vector<256x1xi32>
    %broadcast_in_dim3A_194 = vector.broadcast %broadcast_in_dim3A_193 : vector<256x1xi32> to vector<256x16xi32>
    %select_n3A_195 = arith.select %eq3A_191, %broadcast_in_dim3A_194, %stack3A_188 : vector<256x16xi1>, vector<256x16xi32>
    %swap3A = arith.constant 0 : index
    %swap3A_196 = arith.constant 0 : index
    %swap3A_197 = arith.constant 0 : index
    %swap3A_198 = vector.load %arg3[%swap3A, %swap3A_196, %swap3A_197] : memref<1x256x16xi32, #tpu.memory_space<vmem>>, vector<1x256x16xi32>
    %swap3A_199 = vector.shape_cast %swap3A_198 : vector<1x256x16xi32> to vector<256x16xi32>
    %swap3A_200 = vector.shape_cast %select_n3A_195 : vector<256x16xi32> to vector<1x256x16xi32>
    tpu.vector_store %arg3[%swap3A, %swap3A_196, %swap3A_197], %swap3A_200 {strides = array<i32>} : memref<1x256x16xi32, #tpu.memory_space<vmem>>, vector<1x256x16xi32>,
    return
  }
  func.func @transform_0(%arg0: i32) -> (i32, i32, i32) {
    %c0_i32 = arith.constant 0 : i32
    %c0_i32_0 = arith.constant 0 : i32
    %c0_i32_1 = arith.constant 0 : i32
    return %arg0, %c0_i32, %c0_i32_0 : i32, i32, i32
  }
  func.func @transform_1(%arg0: i32) -> (i32, i32, i32) {
    %c0_i32 = arith.constant 0 : i32
    %c0_i32_0 = arith.constant 0 : i32
    %c0_i32_1 = arith.constant 0 : i32
    return %arg0, %c0_i32, %c0_i32_0 : i32, i32, i32
  }
  func.func @transform_2(%arg0: i32) -> (i32, i32, i32) {
    %c0_i32 = arith.constant 0 : i32
    %c0_i32_0 = arith.constant 0 : i32
    %c0_i32_1 = arith.constant 0 : i32
    return %arg0, %c0_i32, %c0_i32_0 : i32, i32, i32
  }
}

module attributes {stable_mosaic.version = 14 : i64} {
  func.func @_knn_body(%arg0: i32, %arg1: memref<1x3x256xf32, #tpu.memory_space<vmem>>, %arg2: memref<1x3x256xf32, #tpu.memory_space<vmem>>, %arg3: memref<1x256x64xi32, #tpu.memory_space<vmem>>) attributes {dimension_semantics = [#tpu.dimension_semantics<arbitrary>], iteration_bounds = array<i64: 8>, scalar_prefetch = 0 : i64, scratch_operands = 0 : i64, tpu.core_type = #tpu.core_type<tc>, window_params = [{transform_indices = @transform_0, window_bounds = array<i64: 1, 3, 256>}, {transform_indices = @transform_1, window_bounds = array<i64: 1, 3, 256>}, {transform_indices = @transform_2, window_bounds = array<i64: 1, 256, 64>}]} {
    %get3A = arith.constant 0 : index
    %get3A_0 = arith.constant 0 : index
    %get3A_1 = arith.constant 0 : index
    %get3A_2 = vector.load %arg1[%get3A, %get3A_0, %get3A_1] : memref<1x3x256xf32, #tpu.memory_space<vmem>>, vector<1x3x256xf32>
    %get3A_3 = vector.shape_cast %get3A_2 : vector<1x3x256xf32> to vector<3x256xf32>
    %get3A_4 = arith.constant 0 : index
    %get3A_5 = arith.constant 0 : index
    %get3A_6 = arith.constant 0 : index
    %get3A_7 = vector.load %arg2[%get3A_4, %get3A_5, %get3A_6] : memref<1x3x256xf32, #tpu.memory_space<vmem>>, vector<1x3x256xf32>
    %get3A_8 = vector.shape_cast %get3A_7 : vector<1x3x256xf32> to vector<3x256xf32>
    %convert_element_type3A = arith.truncf %get3A_3 : vector<3x256xf32> to vector<3x256xbf16>
    %convert_element_type3A_9 = arith.extf %convert_element_type3A : vector<3x256xbf16> to vector<3x256xf32>
    %convert_element_type3A_10 = arith.truncf %get3A_8 : vector<3x256xf32> to vector<3x256xbf16>
    %convert_element_type3A_11 = arith.extf %convert_element_type3A_10 : vector<3x256xbf16> to vector<3x256xf32>
    %slice3A = vector.extract_strided_slice %convert_element_type3A_9 {offsets = [0, 0], sizes = [1, 256], strides = [1, 1]} : vector<3x256xf32> to vector<1x256xf32>
    %squeeze3A = vector.shape_cast %slice3A : vector<1x256xf32> to vector<256xf32>
    %broadcast_in_dim3A = vector.shape_cast %squeeze3A : vector<256xf32> to vector<256x1xf32>
    %slice3A_12 = vector.extract_strided_slice %convert_element_type3A_11 {offsets = [0, 0], sizes = [1, 256], strides = [1, 1]} : vector<3x256xf32> to vector<1x256xf32>
    %squeeze3A_13 = vector.shape_cast %slice3A_12 : vector<1x256xf32> to vector<256xf32>
    %broadcast_in_dim3A_14 = vector.shape_cast %squeeze3A_13 : vector<256xf32> to vector<1x256xf32>
    %mul3A = vector.broadcast %broadcast_in_dim3A : vector<256x1xf32> to vector<256x256xf32>
    %mul3A_15 = vector.broadcast %broadcast_in_dim3A_14 : vector<1x256xf32> to vector<256x256xf32>
    %mul3A_16 = arith.mulf %mul3A, %mul3A_15 : vector<256x256xf32>
    %slice3A_17 = vector.extract_strided_slice %convert_element_type3A_9 {offsets = [1, 0], sizes = [1, 256], strides = [1, 1]} : vector<3x256xf32> to vector<1x256xf32>
    %squeeze3A_18 = vector.shape_cast %slice3A_17 : vector<1x256xf32> to vector<256xf32>
    %broadcast_in_dim3A_19 = vector.shape_cast %squeeze3A_18 : vector<256xf32> to vector<256x1xf32>
    %slice3A_20 = vector.extract_strided_slice %convert_element_type3A_11 {offsets = [1, 0], sizes = [1, 256], strides = [1, 1]} : vector<3x256xf32> to vector<1x256xf32>
    %squeeze3A_21 = vector.shape_cast %slice3A_20 : vector<1x256xf32> to vector<256xf32>
    %broadcast_in_dim3A_22 = vector.shape_cast %squeeze3A_21 : vector<256xf32> to vector<1x256xf32>
    %mul3A_23 = vector.broadcast %broadcast_in_dim3A_19 : vector<256x1xf32> to vector<256x256xf32>
    %mul3A_24 = vector.broadcast %broadcast_in_dim3A_22 : vector<1x256xf32> to vector<256x256xf32>
    %mul3A_25 = arith.mulf %mul3A_23, %mul3A_24 : vector<256x256xf32>
    %add3A = arith.addf %mul3A_16, %mul3A_25 : vector<256x256xf32>
    %slice3A_26 = vector.extract_strided_slice %convert_element_type3A_9 {offsets = [2, 0], sizes = [1, 256], strides = [1, 1]} : vector<3x256xf32> to vector<1x256xf32>
    %squeeze3A_27 = vector.shape_cast %slice3A_26 : vector<1x256xf32> to vector<256xf32>
    %broadcast_in_dim3A_28 = vector.shape_cast %squeeze3A_27 : vector<256xf32> to vector<256x1xf32>
    %slice3A_29 = vector.extract_strided_slice %convert_element_type3A_11 {offsets = [2, 0], sizes = [1, 256], strides = [1, 1]} : vector<3x256xf32> to vector<1x256xf32>
    %squeeze3A_30 = vector.shape_cast %slice3A_29 : vector<1x256xf32> to vector<256xf32>
    %broadcast_in_dim3A_31 = vector.shape_cast %squeeze3A_30 : vector<256xf32> to vector<1x256xf32>
    %mul3A_32 = vector.broadcast %broadcast_in_dim3A_28 : vector<256x1xf32> to vector<256x256xf32>
    %mul3A_33 = vector.broadcast %broadcast_in_dim3A_31 : vector<1x256xf32> to vector<256x256xf32>
    %mul3A_34 = arith.mulf %mul3A_32, %mul3A_33 : vector<256x256xf32>
    %add3A_35 = arith.addf %add3A, %mul3A_34 : vector<256x256xf32>
    %mul3A_36 = arith.constant -2.000000e+00 : f32
    %mul3A_37 = vector.broadcast %mul3A_36 : f32 to vector<256x256xf32>
    %mul3A_38 = arith.mulf %mul3A_37, %add3A_35 : vector<256x256xf32>
    %mul3A_39 = arith.mulf %get3A_3, %get3A_3 : vector<3x256xf32>
    %reduce_sum3A = arith.constant dense<0.000000e+00> : vector<256xf32>
    %reduce_sum3A_40 = vector.multi_reduction <add>, %mul3A_39, %reduce_sum3A [0] : vector<3x256xf32> to vector<256xf32>
    %broadcast_in_dim3A_41 = vector.shape_cast %reduce_sum3A_40 : vector<256xf32> to vector<256x1xf32>
    %add3A_42 = vector.broadcast %broadcast_in_dim3A_41 : vector<256x1xf32> to vector<256x256xf32>
    %add3A_43 = arith.addf %mul3A_38, %add3A_42 : vector<256x256xf32>
    %mul3A_44 = arith.mulf %get3A_8, %get3A_8 : vector<3x256xf32>
    %reduce_sum3A_45 = arith.constant dense<0.000000e+00> : vector<256xf32>
    %reduce_sum3A_46 = vector.multi_reduction <add>, %mul3A_44, %reduce_sum3A_45 [0] : vector<3x256xf32> to vector<256xf32>
    %broadcast_in_dim3A_47 = vector.shape_cast %reduce_sum3A_46 : vector<256xf32> to vector<1x256xf32>
    %add3A_48 = vector.broadcast %broadcast_in_dim3A_47 : vector<1x256xf32> to vector<256x256xf32>
    %add3A_49 = arith.addf %add3A_43, %add3A_48 : vector<256x256xf32>
    %iota3A = tpu.iota {dimensions = array<i32: 1>} : vector<256x256xi32>
    %reduce_min3A = arith.constant dense<0x7F800000> : vector<256xf32>
    %reduce_min3A_50 = vector.multi_reduction <minimumf>, %add3A_49, %reduce_min3A [1] : vector<256x256xf32> to vector<256xf32>
    %broadcast_in_dim3A_51 = vector.shape_cast %reduce_min3A_50 : vector<256xf32> to vector<256x1xf32>
    %eq3A = vector.broadcast %broadcast_in_dim3A_51 : vector<256x1xf32> to vector<256x256xf32>
    %eq3A_52 = arith.cmpf oeq, %add3A_49, %eq3A : vector<256x256xf32>
    %jit3A = arith.constant 256 : i32
    %broadcast_in_dim3A_53 = vector.broadcast %jit3A : i32 to vector<256x256xi32>
    %select_n3A = arith.select %eq3A_52, %iota3A, %broadcast_in_dim3A_53 : vector<256x256xi1>, vector<256x256xi32>
    %reduce_min3A_54 = arith.constant dense<2147483647> : vector<256xi32>
    %reduce_min3A_55 = vector.multi_reduction <minsi>, %select_n3A, %reduce_min3A_54 [1] : vector<256x256xi32> to vector<256xi32>
    %broadcast_in_dim3A_56 = vector.shape_cast %reduce_min3A_55 : vector<256xi32> to vector<256x1xi32>
    %eq3A_57 = vector.broadcast %broadcast_in_dim3A_56 : vector<256x1xi32> to vector<256x256xi32>
    %eq3A_58 = arith.cmpi eq, %iota3A, %eq3A_57 : vector<256x256xi32>
    %jit3A_59 = arith.constant 0x7F800000 : f32
    %broadcast_in_dim3A_60 = vector.broadcast %jit3A_59 : f32 to vector<256x256xf32>
    %select_n3A_61 = arith.select %eq3A_58, %broadcast_in_dim3A_60, %add3A_49 : vector<256x256xi1>, vector<256x256xf32>
    %reduce_min3A_62 = arith.constant dense<0x7F800000> : vector<256xf32>
    %reduce_min3A_63 = vector.multi_reduction <minimumf>, %select_n3A_61, %reduce_min3A_62 [1] : vector<256x256xf32> to vector<256xf32>
    %broadcast_in_dim3A_64 = vector.shape_cast %reduce_min3A_63 : vector<256xf32> to vector<256x1xf32>
    %eq3A_65 = vector.broadcast %broadcast_in_dim3A_64 : vector<256x1xf32> to vector<256x256xf32>
    %eq3A_66 = arith.cmpf oeq, %select_n3A_61, %eq3A_65 : vector<256x256xf32>
    %jit3A_67 = arith.constant 256 : i32
    %broadcast_in_dim3A_68 = vector.broadcast %jit3A_67 : i32 to vector<256x256xi32>
    %select_n3A_69 = arith.select %eq3A_66, %iota3A, %broadcast_in_dim3A_68 : vector<256x256xi1>, vector<256x256xi32>
    %reduce_min3A_70 = arith.constant dense<2147483647> : vector<256xi32>
    %reduce_min3A_71 = vector.multi_reduction <minsi>, %select_n3A_69, %reduce_min3A_70 [1] : vector<256x256xi32> to vector<256xi32>
    %broadcast_in_dim3A_72 = vector.shape_cast %reduce_min3A_71 : vector<256xi32> to vector<256x1xi32>
    %eq3A_73 = vector.broadcast %broadcast_in_dim3A_72 : vector<256x1xi32> to vector<256x256xi32>
    %eq3A_74 = arith.cmpi eq, %iota3A, %eq3A_73 : vector<256x256xi32>
    %jit3A_75 = arith.constant 0x7F800000 : f32
    %broadcast_in_dim3A_76 = vector.broadcast %jit3A_75 : f32 to vector<256x256xf32>
    %select_n3A_77 = arith.select %eq3A_74, %broadcast_in_dim3A_76, %select_n3A_61 : vector<256x256xi1>, vector<256x256xf32>
    %reduce_min3A_78 = arith.constant dense<0x7F800000> : vector<256xf32>
    %reduce_min3A_79 = vector.multi_reduction <minimumf>, %select_n3A_77, %reduce_min3A_78 [1] : vector<256x256xf32> to vector<256xf32>
    %broadcast_in_dim3A_80 = vector.shape_cast %reduce_min3A_79 : vector<256xf32> to vector<256x1xf32>
    %eq3A_81 = vector.broadcast %broadcast_in_dim3A_80 : vector<256x1xf32> to vector<256x256xf32>
    %eq3A_82 = arith.cmpf oeq, %select_n3A_77, %eq3A_81 : vector<256x256xf32>
    %jit3A_83 = arith.constant 256 : i32
    %broadcast_in_dim3A_84 = vector.broadcast %jit3A_83 : i32 to vector<256x256xi32>
    %select_n3A_85 = arith.select %eq3A_82, %iota3A, %broadcast_in_dim3A_84 : vector<256x256xi1>, vector<256x256xi32>
    %reduce_min3A_86 = arith.constant dense<2147483647> : vector<256xi32>
    %reduce_min3A_87 = vector.multi_reduction <minsi>, %select_n3A_85, %reduce_min3A_86 [1] : vector<256x256xi32> to vector<256xi32>
    %broadcast_in_dim3A_88 = vector.shape_cast %reduce_min3A_87 : vector<256xi32> to vector<256x1xi32>
    %eq3A_89 = vector.broadcast %broadcast_in_dim3A_88 : vector<256x1xi32> to vector<256x256xi32>
    %eq3A_90 = arith.cmpi eq, %iota3A, %eq3A_89 : vector<256x256xi32>
    %jit3A_91 = arith.constant 0x7F800000 : f32
    %broadcast_in_dim3A_92 = vector.broadcast %jit3A_91 : f32 to vector<256x256xf32>
    %select_n3A_93 = arith.select %eq3A_90, %broadcast_in_dim3A_92, %select_n3A_77 : vector<256x256xi1>, vector<256x256xf32>
    %reduce_min3A_94 = arith.constant dense<0x7F800000> : vector<256xf32>
    %reduce_min3A_95 = vector.multi_reduction <minimumf>, %select_n3A_93, %reduce_min3A_94 [1] : vector<256x256xf32> to vector<256xf32>
    %broadcast_in_dim3A_96 = vector.shape_cast %reduce_min3A_95 : vector<256xf32> to vector<256x1xf32>
    %eq3A_97 = vector.broadcast %broadcast_in_dim3A_96 : vector<256x1xf32> to vector<256x256xf32>
    %eq3A_98 = arith.cmpf oeq, %select_n3A_93, %eq3A_97 : vector<256x256xf32>
    %jit3A_99 = arith.constant 256 : i32
    %broadcast_in_dim3A_100 = vector.broadcast %jit3A_99 : i32 to vector<256x256xi32>
    %select_n3A_101 = arith.select %eq3A_98, %iota3A, %broadcast_in_dim3A_100 : vector<256x256xi1>, vector<256x256xi32>
    %reduce_min3A_102 = arith.constant dense<2147483647> : vector<256xi32>
    %reduce_min3A_103 = vector.multi_reduction <minsi>, %select_n3A_101, %reduce_min3A_102 [1] : vector<256x256xi32> to vector<256xi32>
    %broadcast_in_dim3A_104 = vector.shape_cast %reduce_min3A_103 : vector<256xi32> to vector<256x1xi32>
    %eq3A_105 = vector.broadcast %broadcast_in_dim3A_104 : vector<256x1xi32> to vector<256x256xi32>
    %eq3A_106 = arith.cmpi eq, %iota3A, %eq3A_105 : vector<256x256xi32>
    %jit3A_107 = arith.constant 0x7F800000 : f32
    %broadcast_in_dim3A_108 = vector.broadcast %jit3A_107 : f32 to vector<256x256xf32>
    %select_n3A_109 = arith.select %eq3A_106, %broadcast_in_dim3A_108, %select_n3A_93 : vector<256x256xi1>, vector<256x256xf32>
    %reduce_min3A_110 = arith.constant dense<0x7F800000> : vector<256xf32>
    %reduce_min3A_111 = vector.multi_reduction <minimumf>, %select_n3A_109, %reduce_min3A_110 [1] : vector<256x256xf32> to vector<256xf32>
    %broadcast_in_dim3A_112 = vector.shape_cast %reduce_min3A_111 : vector<256xf32> to vector<256x1xf32>
    %eq3A_113 = vector.broadcast %broadcast_in_dim3A_112 : vector<256x1xf32> to vector<256x256xf32>
    %eq3A_114 = arith.cmpf oeq, %select_n3A_109, %eq3A_113 : vector<256x256xf32>
    %jit3A_115 = arith.constant 256 : i32
    %broadcast_in_dim3A_116 = vector.broadcast %jit3A_115 : i32 to vector<256x256xi32>
    %select_n3A_117 = arith.select %eq3A_114, %iota3A, %broadcast_in_dim3A_116 : vector<256x256xi1>, vector<256x256xi32>
    %reduce_min3A_118 = arith.constant dense<2147483647> : vector<256xi32>
    %reduce_min3A_119 = vector.multi_reduction <minsi>, %select_n3A_117, %reduce_min3A_118 [1] : vector<256x256xi32> to vector<256xi32>
    %broadcast_in_dim3A_120 = vector.shape_cast %reduce_min3A_119 : vector<256xi32> to vector<256x1xi32>
    %eq3A_121 = vector.broadcast %broadcast_in_dim3A_120 : vector<256x1xi32> to vector<256x256xi32>
    %eq3A_122 = arith.cmpi eq, %iota3A, %eq3A_121 : vector<256x256xi32>
    %jit3A_123 = arith.constant 0x7F800000 : f32
    %broadcast_in_dim3A_124 = vector.broadcast %jit3A_123 : f32 to vector<256x256xf32>
    %select_n3A_125 = arith.select %eq3A_122, %broadcast_in_dim3A_124, %select_n3A_109 : vector<256x256xi1>, vector<256x256xf32>
    %reduce_min3A_126 = arith.constant dense<0x7F800000> : vector<256xf32>
    %reduce_min3A_127 = vector.multi_reduction <minimumf>, %select_n3A_125, %reduce_min3A_126 [1] : vector<256x256xf32> to vector<256xf32>
    %broadcast_in_dim3A_128 = vector.shape_cast %reduce_min3A_127 : vector<256xf32> to vector<256x1xf32>
    %eq3A_129 = vector.broadcast %broadcast_in_dim3A_128 : vector<256x1xf32> to vector<256x256xf32>
    %eq3A_130 = arith.cmpf oeq, %select_n3A_125, %eq3A_129 : vector<256x256xf32>
    %jit3A_131 = arith.constant 256 : i32
    %broadcast_in_dim3A_132 = vector.broadcast %jit3A_131 : i32 to vector<256x256xi32>
    %select_n3A_133 = arith.select %eq3A_130, %iota3A, %broadcast_in_dim3A_132 : vector<256x256xi1>, vector<256x256xi32>
    %reduce_min3A_134 = arith.constant dense<2147483647> : vector<256xi32>
    %reduce_min3A_135 = vector.multi_reduction <minsi>, %select_n3A_133, %reduce_min3A_134 [1] : vector<256x256xi32> to vector<256xi32>
    %broadcast_in_dim3A_136 = vector.shape_cast %reduce_min3A_135 : vector<256xi32> to vector<256x1xi32>
    %eq3A_137 = vector.broadcast %broadcast_in_dim3A_136 : vector<256x1xi32> to vector<256x256xi32>
    %eq3A_138 = arith.cmpi eq, %iota3A, %eq3A_137 : vector<256x256xi32>
    %jit3A_139 = arith.constant 0x7F800000 : f32
    %broadcast_in_dim3A_140 = vector.broadcast %jit3A_139 : f32 to vector<256x256xf32>
    %select_n3A_141 = arith.select %eq3A_138, %broadcast_in_dim3A_140, %select_n3A_125 : vector<256x256xi1>, vector<256x256xf32>
    %reduce_min3A_142 = arith.constant dense<0x7F800000> : vector<256xf32>
    %reduce_min3A_143 = vector.multi_reduction <minimumf>, %select_n3A_141, %reduce_min3A_142 [1] : vector<256x256xf32> to vector<256xf32>
    %broadcast_in_dim3A_144 = vector.shape_cast %reduce_min3A_143 : vector<256xf32> to vector<256x1xf32>
    %eq3A_145 = vector.broadcast %broadcast_in_dim3A_144 : vector<256x1xf32> to vector<256x256xf32>
    %eq3A_146 = arith.cmpf oeq, %select_n3A_141, %eq3A_145 : vector<256x256xf32>
    %jit3A_147 = arith.constant 256 : i32
    %broadcast_in_dim3A_148 = vector.broadcast %jit3A_147 : i32 to vector<256x256xi32>
    %select_n3A_149 = arith.select %eq3A_146, %iota3A, %broadcast_in_dim3A_148 : vector<256x256xi1>, vector<256x256xi32>
    %reduce_min3A_150 = arith.constant dense<2147483647> : vector<256xi32>
    %reduce_min3A_151 = vector.multi_reduction <minsi>, %select_n3A_149, %reduce_min3A_150 [1] : vector<256x256xi32> to vector<256xi32>
    %broadcast_in_dim3A_152 = vector.shape_cast %reduce_min3A_151 : vector<256xi32> to vector<256x1xi32>
    %eq3A_153 = vector.broadcast %broadcast_in_dim3A_152 : vector<256x1xi32> to vector<256x256xi32>
    %eq3A_154 = arith.cmpi eq, %iota3A, %eq3A_153 : vector<256x256xi32>
    %jit3A_155 = arith.constant 0x7F800000 : f32
    %broadcast_in_dim3A_156 = vector.broadcast %jit3A_155 : f32 to vector<256x256xf32>
    %select_n3A_157 = arith.select %eq3A_154, %broadcast_in_dim3A_156, %select_n3A_141 : vector<256x256xi1>, vector<256x256xf32>
    %reduce_min3A_158 = arith.constant dense<0x7F800000> : vector<256xf32>
    %reduce_min3A_159 = vector.multi_reduction <minimumf>, %select_n3A_157, %reduce_min3A_158 [1] : vector<256x256xf32> to vector<256xf32>
    %broadcast_in_dim3A_160 = vector.shape_cast %reduce_min3A_159 : vector<256xf32> to vector<256x1xf32>
    %eq3A_161 = vector.broadcast %broadcast_in_dim3A_160 : vector<256x1xf32> to vector<256x256xf32>
    %eq3A_162 = arith.cmpf oeq, %select_n3A_157, %eq3A_161 : vector<256x256xf32>
    %jit3A_163 = arith.constant 256 : i32
    %broadcast_in_dim3A_164 = vector.broadcast %jit3A_163 : i32 to vector<256x256xi32>
    %select_n3A_165 = arith.select %eq3A_162, %iota3A, %broadcast_in_dim3A_164 : vector<256x256xi1>, vector<256x256xi32>
    %reduce_min3A_166 = arith.constant dense<2147483647> : vector<256xi32>
    %reduce_min3A_167 = vector.multi_reduction <minsi>, %select_n3A_165, %reduce_min3A_166 [1] : vector<256x256xi32> to vector<256xi32>
    %broadcast_in_dim3A_168 = vector.shape_cast %reduce_min3A_167 : vector<256xi32> to vector<256x1xi32>
    %eq3A_169 = vector.broadcast %broadcast_in_dim3A_168 : vector<256x1xi32> to vector<256x256xi32>
    %eq3A_170 = arith.cmpi eq, %iota3A, %eq3A_169 : vector<256x256xi32>
    %jit3A_171 = arith.constant 0x7F800000 : f32
    %broadcast_in_dim3A_172 = vector.broadcast %jit3A_171 : f32 to vector<256x256xf32>
    %select_n3A_173 = arith.select %eq3A_170, %broadcast_in_dim3A_172, %select_n3A_157 : vector<256x256xi1>, vector<256x256xf32>
    %reduce_min3A_174 = arith.constant dense<0x7F800000> : vector<256xf32>
    %reduce_min3A_175 = vector.multi_reduction <minimumf>, %select_n3A_173, %reduce_min3A_174 [1] : vector<256x256xf32> to vector<256xf32>
    %broadcast_in_dim3A_176 = vector.shape_cast %reduce_min3A_175 : vector<256xf32> to vector<256x1xf32>
    %eq3A_177 = vector.broadcast %broadcast_in_dim3A_176 : vector<256x1xf32> to vector<256x256xf32>
    %eq3A_178 = arith.cmpf oeq, %select_n3A_173, %eq3A_177 : vector<256x256xf32>
    %jit3A_179 = arith.constant 256 : i32
    %broadcast_in_dim3A_180 = vector.broadcast %jit3A_179 : i32 to vector<256x256xi32>
    %select_n3A_181 = arith.select %eq3A_178, %iota3A, %broadcast_in_dim3A_180 : vector<256x256xi1>, vector<256x256xi32>
    %reduce_min3A_182 = arith.constant dense<2147483647> : vector<256xi32>
    %reduce_min3A_183 = vector.multi_reduction <minsi>, %select_n3A_181, %reduce_min3A_182 [1] : vector<256x256xi32> to vector<256xi32>
    %broadcast_in_dim3A_184 = vector.shape_cast %reduce_min3A_183 : vector<256xi32> to vector<256x1xi32>
    %eq3A_185 = vector.broadcast %broadcast_in_dim3A_184 : vector<256x1xi32> to vector<256x256xi32>
    %eq3A_186 = arith.cmpi eq, %iota3A, %eq3A_185 : vector<256x256xi32>
    %jit3A_187 = arith.constant 0x7F800000 : f32
    %broadcast_in_dim3A_188 = vector.broadcast %jit3A_187 : f32 to vector<256x256xf32>
    %select_n3A_189 = arith.select %eq3A_186, %broadcast_in_dim3A_188, %select_n3A_173 : vector<256x256xi1>, vector<256x256xf32>
    %reduce_min3A_190 = arith.constant dense<0x7F800000> : vector<256xf32>
    %reduce_min3A_191 = vector.multi_reduction <minimumf>, %select_n3A_189, %reduce_min3A_190 [1] : vector<256x256xf32> to vector<256xf32>
    %broadcast_in_dim3A_192 = vector.shape_cast %reduce_min3A_191 : vector<256xf32> to vector<256x1xf32>
    %eq3A_193 = vector.broadcast %broadcast_in_dim3A_192 : vector<256x1xf32> to vector<256x256xf32>
    %eq3A_194 = arith.cmpf oeq, %select_n3A_189, %eq3A_193 : vector<256x256xf32>
    %jit3A_195 = arith.constant 256 : i32
    %broadcast_in_dim3A_196 = vector.broadcast %jit3A_195 : i32 to vector<256x256xi32>
    %select_n3A_197 = arith.select %eq3A_194, %iota3A, %broadcast_in_dim3A_196 : vector<256x256xi1>, vector<256x256xi32>
    %reduce_min3A_198 = arith.constant dense<2147483647> : vector<256xi32>
    %reduce_min3A_199 = vector.multi_reduction <minsi>, %select_n3A_197, %reduce_min3A_198 [1] : vector<256x256xi32> to vector<256xi32>
    %broadcast_in_dim3A_200 = vector.shape_cast %reduce_min3A_199 : vector<256xi32> to vector<256x1xi32>
    %eq3A_201 = vector.broadcast %broadcast_in_dim3A_200 : vector<256x1xi32> to vector<256x256xi32>
    %eq3A_202 = arith.cmpi eq, %iota3A, %eq3A_201 : vector<256x256xi32>
    %jit3A_203 = arith.constant 0x7F800000 : f32
    %broadcast_in_dim3A_204 = vector.broadcast %jit3A_203 : f32 to vector<256x256xf32>
    %select_n3A_205 = arith.select %eq3A_202, %broadcast_in_dim3A_204, %select_n3A_189 : vector<256x256xi1>, vector<256x256xf32>
    %reduce_min3A_206 = arith.constant dense<0x7F800000> : vector<256xf32>
    %reduce_min3A_207 = vector.multi_reduction <minimumf>, %select_n3A_205, %reduce_min3A_206 [1] : vector<256x256xf32> to vector<256xf32>
    %broadcast_in_dim3A_208 = vector.shape_cast %reduce_min3A_207 : vector<256xf32> to vector<256x1xf32>
    %eq3A_209 = vector.broadcast %broadcast_in_dim3A_208 : vector<256x1xf32> to vector<256x256xf32>
    %eq3A_210 = arith.cmpf oeq, %select_n3A_205, %eq3A_209 : vector<256x256xf32>
    %jit3A_211 = arith.constant 256 : i32
    %broadcast_in_dim3A_212 = vector.broadcast %jit3A_211 : i32 to vector<256x256xi32>
    %select_n3A_213 = arith.select %eq3A_210, %iota3A, %broadcast_in_dim3A_212 : vector<256x256xi1>, vector<256x256xi32>
    %reduce_min3A_214 = arith.constant dense<2147483647> : vector<256xi32>
    %reduce_min3A_215 = vector.multi_reduction <minsi>, %select_n3A_213, %reduce_min3A_214 [1] : vector<256x256xi32> to vector<256xi32>
    %broadcast_in_dim3A_216 = vector.shape_cast %reduce_min3A_215 : vector<256xi32> to vector<256x1xi32>
    %eq3A_217 = vector.broadcast %broadcast_in_dim3A_216 : vector<256x1xi32> to vector<256x256xi32>
    %eq3A_218 = arith.cmpi eq, %iota3A, %eq3A_217 : vector<256x256xi32>
    %jit3A_219 = arith.constant 0x7F800000 : f32
    %broadcast_in_dim3A_220 = vector.broadcast %jit3A_219 : f32 to vector<256x256xf32>
    %select_n3A_221 = arith.select %eq3A_218, %broadcast_in_dim3A_220, %select_n3A_205 : vector<256x256xi1>, vector<256x256xf32>
    %reduce_min3A_222 = arith.constant dense<0x7F800000> : vector<256xf32>
    %reduce_min3A_223 = vector.multi_reduction <minimumf>, %select_n3A_221, %reduce_min3A_222 [1] : vector<256x256xf32> to vector<256xf32>
    %broadcast_in_dim3A_224 = vector.shape_cast %reduce_min3A_223 : vector<256xf32> to vector<256x1xf32>
    %eq3A_225 = vector.broadcast %broadcast_in_dim3A_224 : vector<256x1xf32> to vector<256x256xf32>
    %eq3A_226 = arith.cmpf oeq, %select_n3A_221, %eq3A_225 : vector<256x256xf32>
    %jit3A_227 = arith.constant 256 : i32
    %broadcast_in_dim3A_228 = vector.broadcast %jit3A_227 : i32 to vector<256x256xi32>
    %select_n3A_229 = arith.select %eq3A_226, %iota3A, %broadcast_in_dim3A_228 : vector<256x256xi1>, vector<256x256xi32>
    %reduce_min3A_230 = arith.constant dense<2147483647> : vector<256xi32>
    %reduce_min3A_231 = vector.multi_reduction <minsi>, %select_n3A_229, %reduce_min3A_230 [1] : vector<256x256xi32> to vector<256xi32>
    %broadcast_in_dim3A_232 = vector.shape_cast %reduce_min3A_231 : vector<256xi32> to vector<256x1xi32>
    %eq3A_233 = vector.broadcast %broadcast_in_dim3A_232 : vector<256x1xi32> to vector<256x256xi32>
    %eq3A_234 = arith.cmpi eq, %iota3A, %eq3A_233 : vector<256x256xi32>
    %jit3A_235 = arith.constant 0x7F800000 : f32
    %broadcast_in_dim3A_236 = vector.broadcast %jit3A_235 : f32 to vector<256x256xf32>
    %select_n3A_237 = arith.select %eq3A_234, %broadcast_in_dim3A_236, %select_n3A_221 : vector<256x256xi1>, vector<256x256xf32>
    %reduce_min3A_238 = arith.constant dense<0x7F800000> : vector<256xf32>
    %reduce_min3A_239 = vector.multi_reduction <minimumf>, %select_n3A_237, %reduce_min3A_238 [1] : vector<256x256xf32> to vector<256xf32>
    %broadcast_in_dim3A_240 = vector.shape_cast %reduce_min3A_239 : vector<256xf32> to vector<256x1xf32>
    %eq3A_241 = vector.broadcast %broadcast_in_dim3A_240 : vector<256x1xf32> to vector<256x256xf32>
    %eq3A_242 = arith.cmpf oeq, %select_n3A_237, %eq3A_241 : vector<256x256xf32>
    %jit3A_243 = arith.constant 256 : i32
    %broadcast_in_dim3A_244 = vector.broadcast %jit3A_243 : i32 to vector<256x256xi32>
    %select_n3A_245 = arith.select %eq3A_242, %iota3A, %broadcast_in_dim3A_244 : vector<256x256xi1>, vector<256x256xi32>
    %reduce_min3A_246 = arith.constant dense<2147483647> : vector<256xi32>
    %reduce_min3A_247 = vector.multi_reduction <minsi>, %select_n3A_245, %reduce_min3A_246 [1] : vector<256x256xi32> to vector<256xi32>
    %broadcast_in_dim3A_248 = vector.shape_cast %reduce_min3A_247 : vector<256xi32> to vector<256x1xi32>
    %eq3A_249 = vector.broadcast %broadcast_in_dim3A_248 : vector<256x1xi32> to vector<256x256xi32>
    %eq3A_250 = arith.cmpi eq, %iota3A, %eq3A_249 : vector<256x256xi32>
    %jit3A_251 = arith.constant 0x7F800000 : f32
    %broadcast_in_dim3A_252 = vector.broadcast %jit3A_251 : f32 to vector<256x256xf32>
    %select_n3A_253 = arith.select %eq3A_250, %broadcast_in_dim3A_252, %select_n3A_237 : vector<256x256xi1>, vector<256x256xf32>
    %reduce_min3A_254 = arith.constant dense<0x7F800000> : vector<256xf32>
    %reduce_min3A_255 = vector.multi_reduction <minimumf>, %select_n3A_253, %reduce_min3A_254 [1] : vector<256x256xf32> to vector<256xf32>
    %broadcast_in_dim3A_256 = vector.shape_cast %reduce_min3A_255 : vector<256xf32> to vector<256x1xf32>
    %eq3A_257 = vector.broadcast %broadcast_in_dim3A_256 : vector<256x1xf32> to vector<256x256xf32>
    %eq3A_258 = arith.cmpf oeq, %select_n3A_253, %eq3A_257 : vector<256x256xf32>
    %jit3A_259 = arith.constant 256 : i32
    %broadcast_in_dim3A_260 = vector.broadcast %jit3A_259 : i32 to vector<256x256xi32>
    %select_n3A_261 = arith.select %eq3A_258, %iota3A, %broadcast_in_dim3A_260 : vector<256x256xi1>, vector<256x256xi32>
    %reduce_min3A_262 = arith.constant dense<2147483647> : vector<256xi32>
    %reduce_min3A_263 = vector.multi_reduction <minsi>, %select_n3A_261, %reduce_min3A_262 [1] : vector<256x256xi32> to vector<256xi32>
    %broadcast_in_dim3A_264 = vector.shape_cast %reduce_min3A_263 : vector<256xi32> to vector<256x1xi32>
    %eq3A_265 = vector.broadcast %broadcast_in_dim3A_264 : vector<256x1xi32> to vector<256x256xi32>
    %eq3A_266 = arith.cmpi eq, %iota3A, %eq3A_265 : vector<256x256xi32>
    %jit3A_267 = arith.constant 0x7F800000 : f32
    %broadcast_in_dim3A_268 = vector.broadcast %jit3A_267 : f32 to vector<256x256xf32>
    %select_n3A_269 = arith.select %eq3A_266, %broadcast_in_dim3A_268, %select_n3A_253 : vector<256x256xi1>, vector<256x256xf32>
    %reduce_min3A_270 = arith.constant dense<0x7F800000> : vector<256xf32>
    %reduce_min3A_271 = vector.multi_reduction <minimumf>, %select_n3A_269, %reduce_min3A_270 [1] : vector<256x256xf32> to vector<256xf32>
    %broadcast_in_dim3A_272 = vector.shape_cast %reduce_min3A_271 : vector<256xf32> to vector<256x1xf32>
    %eq3A_273 = vector.broadcast %broadcast_in_dim3A_272 : vector<256x1xf32> to vector<256x256xf32>
    %eq3A_274 = arith.cmpf oeq, %select_n3A_269, %eq3A_273 : vector<256x256xf32>
    %jit3A_275 = arith.constant 256 : i32
    %broadcast_in_dim3A_276 = vector.broadcast %jit3A_275 : i32 to vector<256x256xi32>
    %select_n3A_277 = arith.select %eq3A_274, %iota3A, %broadcast_in_dim3A_276 : vector<256x256xi1>, vector<256x256xi32>
    %reduce_min3A_278 = arith.constant dense<2147483647> : vector<256xi32>
    %reduce_min3A_279 = vector.multi_reduction <minsi>, %select_n3A_277, %reduce_min3A_278 [1] : vector<256x256xi32> to vector<256xi32>
    %broadcast_in_dim3A_280 = vector.shape_cast %reduce_min3A_279 : vector<256xi32> to vector<256x1xi32>
    %eq3A_281 = vector.broadcast %broadcast_in_dim3A_280 : vector<256x1xi32> to vector<256x256xi32>
    %eq3A_282 = arith.cmpi eq, %iota3A, %eq3A_281 : vector<256x256xi32>
    %jit3A_283 = arith.constant 0x7F800000 : f32
    %broadcast_in_dim3A_284 = vector.broadcast %jit3A_283 : f32 to vector<256x256xf32>
    %select_n3A_285 = arith.select %eq3A_282, %broadcast_in_dim3A_284, %select_n3A_269 : vector<256x256xi1>, vector<256x256xf32>
    %reduce_min3A_286 = arith.constant dense<0x7F800000> : vector<256xf32>
    %reduce_min3A_287 = vector.multi_reduction <minimumf>, %select_n3A_285, %reduce_min3A_286 [1] : vector<256x256xf32> to vector<256xf32>
    %broadcast_in_dim3A_288 = vector.shape_cast %reduce_min3A_287 : vector<256xf32> to vector<256x1xf32>
    %eq3A_289 = vector.broadcast %broadcast_in_dim3A_288 : vector<256x1xf32> to vector<256x256xf32>
    %eq3A_290 = arith.cmpf oeq, %select_n3A_285, %eq3A_289 : vector<256x256xf32>
    %jit3A_291 = arith.constant 256 : i32
    %broadcast_in_dim3A_292 = vector.broadcast %jit3A_291 : i32 to vector<256x256xi32>
    %select_n3A_293 = arith.select %eq3A_290, %iota3A, %broadcast_in_dim3A_292 : vector<256x256xi1>, vector<256x256xi32>
    %reduce_min3A_294 = arith.constant dense<2147483647> : vector<256xi32>
    %reduce_min3A_295 = vector.multi_reduction <minsi>, %select_n3A_293, %reduce_min3A_294 [1] : vector<256x256xi32> to vector<256xi32>
    %broadcast_in_dim3A_296 = vector.shape_cast %reduce_min3A_295 : vector<256xi32> to vector<256x1xi32>
    %eq3A_297 = vector.broadcast %broadcast_in_dim3A_296 : vector<256x1xi32> to vector<256x256xi32>
    %eq3A_298 = arith.cmpi eq, %iota3A, %eq3A_297 : vector<256x256xi32>
    %jit3A_299 = arith.constant 0x7F800000 : f32
    %broadcast_in_dim3A_300 = vector.broadcast %jit3A_299 : f32 to vector<256x256xf32>
    %select_n3A_301 = arith.select %eq3A_298, %broadcast_in_dim3A_300, %select_n3A_285 : vector<256x256xi1>, vector<256x256xf32>
    %reduce_min3A_302 = arith.constant dense<0x7F800000> : vector<256xf32>
    %reduce_min3A_303 = vector.multi_reduction <minimumf>, %select_n3A_301, %reduce_min3A_302 [1] : vector<256x256xf32> to vector<256xf32>
    %broadcast_in_dim3A_304 = vector.shape_cast %reduce_min3A_303 : vector<256xf32> to vector<256x1xf32>
    %eq3A_305 = vector.broadcast %broadcast_in_dim3A_304 : vector<256x1xf32> to vector<256x256xf32>
    %eq3A_306 = arith.cmpf oeq, %select_n3A_301, %eq3A_305 : vector<256x256xf32>
    %jit3A_307 = arith.constant 256 : i32
    %broadcast_in_dim3A_308 = vector.broadcast %jit3A_307 : i32 to vector<256x256xi32>
    %select_n3A_309 = arith.select %eq3A_306, %iota3A, %broadcast_in_dim3A_308 : vector<256x256xi1>, vector<256x256xi32>
    %reduce_min3A_310 = arith.constant dense<2147483647> : vector<256xi32>
    %reduce_min3A_311 = vector.multi_reduction <minsi>, %select_n3A_309, %reduce_min3A_310 [1] : vector<256x256xi32> to vector<256xi32>
    %broadcast_in_dim3A_312 = vector.shape_cast %reduce_min3A_311 : vector<256xi32> to vector<256x1xi32>
    %eq3A_313 = vector.broadcast %broadcast_in_dim3A_312 : vector<256x1xi32> to vector<256x256xi32>
    %eq3A_314 = arith.cmpi eq, %iota3A, %eq3A_313 : vector<256x256xi32>
    %jit3A_315 = arith.constant 0x7F800000 : f32
    %broadcast_in_dim3A_316 = vector.broadcast %jit3A_315 : f32 to vector<256x256xf32>
    %select_n3A_317 = arith.select %eq3A_314, %broadcast_in_dim3A_316, %select_n3A_301 : vector<256x256xi1>, vector<256x256xf32>
    %reduce_min3A_318 = arith.constant dense<0x7F800000> : vector<256xf32>
    %reduce_min3A_319 = vector.multi_reduction <minimumf>, %select_n3A_317, %reduce_min3A_318 [1] : vector<256x256xf32> to vector<256xf32>
    %broadcast_in_dim3A_320 = vector.shape_cast %reduce_min3A_319 : vector<256xf32> to vector<256x1xf32>
    %eq3A_321 = vector.broadcast %broadcast_in_dim3A_320 : vector<256x1xf32> to vector<256x256xf32>
    %eq3A_322 = arith.cmpf oeq, %select_n3A_317, %eq3A_321 : vector<256x256xf32>
    %jit3A_323 = arith.constant 256 : i32
    %broadcast_in_dim3A_324 = vector.broadcast %jit3A_323 : i32 to vector<256x256xi32>
    %select_n3A_325 = arith.select %eq3A_322, %iota3A, %broadcast_in_dim3A_324 : vector<256x256xi1>, vector<256x256xi32>
    %reduce_min3A_326 = arith.constant dense<2147483647> : vector<256xi32>
    %reduce_min3A_327 = vector.multi_reduction <minsi>, %select_n3A_325, %reduce_min3A_326 [1] : vector<256x256xi32> to vector<256xi32>
    %broadcast_in_dim3A_328 = vector.shape_cast %reduce_min3A_327 : vector<256xi32> to vector<256x1xi32>
    %eq3A_329 = vector.broadcast %broadcast_in_dim3A_328 : vector<256x1xi32> to vector<256x256xi32>
    %eq3A_330 = arith.cmpi eq, %iota3A, %eq3A_329 : vector<256x256xi32>
    %jit3A_331 = arith.constant 0x7F800000 : f32
    %broadcast_in_dim3A_332 = vector.broadcast %jit3A_331 : f32 to vector<256x256xf32>
    %select_n3A_333 = arith.select %eq3A_330, %broadcast_in_dim3A_332, %select_n3A_317 : vector<256x256xi1>, vector<256x256xf32>
    %reduce_min3A_334 = arith.constant dense<0x7F800000> : vector<256xf32>
    %reduce_min3A_335 = vector.multi_reduction <minimumf>, %select_n3A_333, %reduce_min3A_334 [1] : vector<256x256xf32> to vector<256xf32>
    %broadcast_in_dim3A_336 = vector.shape_cast %reduce_min3A_335 : vector<256xf32> to vector<256x1xf32>
    %eq3A_337 = vector.broadcast %broadcast_in_dim3A_336 : vector<256x1xf32> to vector<256x256xf32>
    %eq3A_338 = arith.cmpf oeq, %select_n3A_333, %eq3A_337 : vector<256x256xf32>
    %jit3A_339 = arith.constant 256 : i32
    %broadcast_in_dim3A_340 = vector.broadcast %jit3A_339 : i32 to vector<256x256xi32>
    %select_n3A_341 = arith.select %eq3A_338, %iota3A, %broadcast_in_dim3A_340 : vector<256x256xi1>, vector<256x256xi32>
    %reduce_min3A_342 = arith.constant dense<2147483647> : vector<256xi32>
    %reduce_min3A_343 = vector.multi_reduction <minsi>, %select_n3A_341, %reduce_min3A_342 [1] : vector<256x256xi32> to vector<256xi32>
    %broadcast_in_dim3A_344 = vector.shape_cast %reduce_min3A_343 : vector<256xi32> to vector<256x1xi32>
    %eq3A_345 = vector.broadcast %broadcast_in_dim3A_344 : vector<256x1xi32> to vector<256x256xi32>
    %eq3A_346 = arith.cmpi eq, %iota3A, %eq3A_345 : vector<256x256xi32>
    %jit3A_347 = arith.constant 0x7F800000 : f32
    %broadcast_in_dim3A_348 = vector.broadcast %jit3A_347 : f32 to vector<256x256xf32>
    %select_n3A_349 = arith.select %eq3A_346, %broadcast_in_dim3A_348, %select_n3A_333 : vector<256x256xi1>, vector<256x256xf32>
    %reduce_min3A_350 = arith.constant dense<0x7F800000> : vector<256xf32>
    %reduce_min3A_351 = vector.multi_reduction <minimumf>, %select_n3A_349, %reduce_min3A_350 [1] : vector<256x256xf32> to vector<256xf32>
    %broadcast_in_dim3A_352 = vector.shape_cast %reduce_min3A_351 : vector<256xf32> to vector<256x1xf32>
    %eq3A_353 = vector.broadcast %broadcast_in_dim3A_352 : vector<256x1xf32> to vector<256x256xf32>
    %eq3A_354 = arith.cmpf oeq, %select_n3A_349, %eq3A_353 : vector<256x256xf32>
    %jit3A_355 = arith.constant 256 : i32
    %broadcast_in_dim3A_356 = vector.broadcast %jit3A_355 : i32 to vector<256x256xi32>
    %select_n3A_357 = arith.select %eq3A_354, %iota3A, %broadcast_in_dim3A_356 : vector<256x256xi1>, vector<256x256xi32>
    %reduce_min3A_358 = arith.constant dense<2147483647> : vector<256xi32>
    %reduce_min3A_359 = vector.multi_reduction <minsi>, %select_n3A_357, %reduce_min3A_358 [1] : vector<256x256xi32> to vector<256xi32>
    %broadcast_in_dim3A_360 = vector.shape_cast %reduce_min3A_359 : vector<256xi32> to vector<256x1xi32>
    %eq3A_361 = vector.broadcast %broadcast_in_dim3A_360 : vector<256x1xi32> to vector<256x256xi32>
    %eq3A_362 = arith.cmpi eq, %iota3A, %eq3A_361 : vector<256x256xi32>
    %jit3A_363 = arith.constant 0x7F800000 : f32
    %broadcast_in_dim3A_364 = vector.broadcast %jit3A_363 : f32 to vector<256x256xf32>
    %select_n3A_365 = arith.select %eq3A_362, %broadcast_in_dim3A_364, %select_n3A_349 : vector<256x256xi1>, vector<256x256xf32>
    %reduce_min3A_366 = arith.constant dense<0x7F800000> : vector<256xf32>
    %reduce_min3A_367 = vector.multi_reduction <minimumf>, %select_n3A_365, %reduce_min3A_366 [1] : vector<256x256xf32> to vector<256xf32>
    %broadcast_in_dim3A_368 = vector.shape_cast %reduce_min3A_367 : vector<256xf32> to vector<256x1xf32>
    %eq3A_369 = vector.broadcast %broadcast_in_dim3A_368 : vector<256x1xf32> to vector<256x256xf32>
    %eq3A_370 = arith.cmpf oeq, %select_n3A_365, %eq3A_369 : vector<256x256xf32>
    %jit3A_371 = arith.constant 256 : i32
    %broadcast_in_dim3A_372 = vector.broadcast %jit3A_371 : i32 to vector<256x256xi32>
    %select_n3A_373 = arith.select %eq3A_370, %iota3A, %broadcast_in_dim3A_372 : vector<256x256xi1>, vector<256x256xi32>
    %reduce_min3A_374 = arith.constant dense<2147483647> : vector<256xi32>
    %reduce_min3A_375 = vector.multi_reduction <minsi>, %select_n3A_373, %reduce_min3A_374 [1] : vector<256x256xi32> to vector<256xi32>
    %broadcast_in_dim3A_376 = vector.shape_cast %reduce_min3A_375 : vector<256xi32> to vector<256x1xi32>
    %eq3A_377 = vector.broadcast %broadcast_in_dim3A_376 : vector<256x1xi32> to vector<256x256xi32>
    %eq3A_378 = arith.cmpi eq, %iota3A, %eq3A_377 : vector<256x256xi32>
    %jit3A_379 = arith.constant 0x7F800000 : f32
    %broadcast_in_dim3A_380 = vector.broadcast %jit3A_379 : f32 to vector<256x256xf32>
    %select_n3A_381 = arith.select %eq3A_378, %broadcast_in_dim3A_380, %select_n3A_365 : vector<256x256xi1>, vector<256x256xf32>
    %reduce_min3A_382 = arith.constant dense<0x7F800000> : vector<256xf32>
    %reduce_min3A_383 = vector.multi_reduction <minimumf>, %select_n3A_381, %reduce_min3A_382 [1] : vector<256x256xf32> to vector<256xf32>
    %broadcast_in_dim3A_384 = vector.shape_cast %reduce_min3A_383 : vector<256xf32> to vector<256x1xf32>
    %eq3A_385 = vector.broadcast %broadcast_in_dim3A_384 : vector<256x1xf32> to vector<256x256xf32>
    %eq3A_386 = arith.cmpf oeq, %select_n3A_381, %eq3A_385 : vector<256x256xf32>
    %jit3A_387 = arith.constant 256 : i32
    %broadcast_in_dim3A_388 = vector.broadcast %jit3A_387 : i32 to vector<256x256xi32>
    %select_n3A_389 = arith.select %eq3A_386, %iota3A, %broadcast_in_dim3A_388 : vector<256x256xi1>, vector<256x256xi32>
    %reduce_min3A_390 = arith.constant dense<2147483647> : vector<256xi32>
    %reduce_min3A_391 = vector.multi_reduction <minsi>, %select_n3A_389, %reduce_min3A_390 [1] : vector<256x256xi32> to vector<256xi32>
    %broadcast_in_dim3A_392 = vector.shape_cast %reduce_min3A_391 : vector<256xi32> to vector<256x1xi32>
    %eq3A_393 = vector.broadcast %broadcast_in_dim3A_392 : vector<256x1xi32> to vector<256x256xi32>
    %eq3A_394 = arith.cmpi eq, %iota3A, %eq3A_393 : vector<256x256xi32>
    %jit3A_395 = arith.constant 0x7F800000 : f32
    %broadcast_in_dim3A_396 = vector.broadcast %jit3A_395 : f32 to vector<256x256xf32>
    %select_n3A_397 = arith.select %eq3A_394, %broadcast_in_dim3A_396, %select_n3A_381 : vector<256x256xi1>, vector<256x256xf32>
    %reduce_min3A_398 = arith.constant dense<0x7F800000> : vector<256xf32>
    %reduce_min3A_399 = vector.multi_reduction <minimumf>, %select_n3A_397, %reduce_min3A_398 [1] : vector<256x256xf32> to vector<256xf32>
    %broadcast_in_dim3A_400 = vector.shape_cast %reduce_min3A_399 : vector<256xf32> to vector<256x1xf32>
    %eq3A_401 = vector.broadcast %broadcast_in_dim3A_400 : vector<256x1xf32> to vector<256x256xf32>
    %eq3A_402 = arith.cmpf oeq, %select_n3A_397, %eq3A_401 : vector<256x256xf32>
    %jit3A_403 = arith.constant 256 : i32
    %broadcast_in_dim3A_404 = vector.broadcast %jit3A_403 : i32 to vector<256x256xi32>
    %select_n3A_405 = arith.select %eq3A_402, %iota3A, %broadcast_in_dim3A_404 : vector<256x256xi1>, vector<256x256xi32>
    %reduce_min3A_406 = arith.constant dense<2147483647> : vector<256xi32>
    %reduce_min3A_407 = vector.multi_reduction <minsi>, %select_n3A_405, %reduce_min3A_406 [1] : vector<256x256xi32> to vector<256xi32>
    %broadcast_in_dim3A_408 = vector.shape_cast %reduce_min3A_407 : vector<256xi32> to vector<256x1xi32>
    %eq3A_409 = vector.broadcast %broadcast_in_dim3A_408 : vector<256x1xi32> to vector<256x256xi32>
    %eq3A_410 = arith.cmpi eq, %iota3A, %eq3A_409 : vector<256x256xi32>
    %jit3A_411 = arith.constant 0x7F800000 : f32
    %broadcast_in_dim3A_412 = vector.broadcast %jit3A_411 : f32 to vector<256x256xf32>
    %select_n3A_413 = arith.select %eq3A_410, %broadcast_in_dim3A_412, %select_n3A_397 : vector<256x256xi1>, vector<256x256xf32>
    %reduce_min3A_414 = arith.constant dense<0x7F800000> : vector<256xf32>
    %reduce_min3A_415 = vector.multi_reduction <minimumf>, %select_n3A_413, %reduce_min3A_414 [1] : vector<256x256xf32> to vector<256xf32>
    %broadcast_in_dim3A_416 = vector.shape_cast %reduce_min3A_415 : vector<256xf32> to vector<256x1xf32>
    %eq3A_417 = vector.broadcast %broadcast_in_dim3A_416 : vector<256x1xf32> to vector<256x256xf32>
    %eq3A_418 = arith.cmpf oeq, %select_n3A_413, %eq3A_417 : vector<256x256xf32>
    %jit3A_419 = arith.constant 256 : i32
    %broadcast_in_dim3A_420 = vector.broadcast %jit3A_419 : i32 to vector<256x256xi32>
    %select_n3A_421 = arith.select %eq3A_418, %iota3A, %broadcast_in_dim3A_420 : vector<256x256xi1>, vector<256x256xi32>
    %reduce_min3A_422 = arith.constant dense<2147483647> : vector<256xi32>
    %reduce_min3A_423 = vector.multi_reduction <minsi>, %select_n3A_421, %reduce_min3A_422 [1] : vector<256x256xi32> to vector<256xi32>
    %broadcast_in_dim3A_424 = vector.shape_cast %reduce_min3A_423 : vector<256xi32> to vector<256x1xi32>
    %eq3A_425 = vector.broadcast %broadcast_in_dim3A_424 : vector<256x1xi32> to vector<256x256xi32>
    %eq3A_426 = arith.cmpi eq, %iota3A, %eq3A_425 : vector<256x256xi32>
    %jit3A_427 = arith.constant 0x7F800000 : f32
    %broadcast_in_dim3A_428 = vector.broadcast %jit3A_427 : f32 to vector<256x256xf32>
    %select_n3A_429 = arith.select %eq3A_426, %broadcast_in_dim3A_428, %select_n3A_413 : vector<256x256xi1>, vector<256x256xf32>
    %reduce_min3A_430 = arith.constant dense<0x7F800000> : vector<256xf32>
    %reduce_min3A_431 = vector.multi_reduction <minimumf>, %select_n3A_429, %reduce_min3A_430 [1] : vector<256x256xf32> to vector<256xf32>
    %broadcast_in_dim3A_432 = vector.shape_cast %reduce_min3A_431 : vector<256xf32> to vector<256x1xf32>
    %eq3A_433 = vector.broadcast %broadcast_in_dim3A_432 : vector<256x1xf32> to vector<256x256xf32>
    %eq3A_434 = arith.cmpf oeq, %select_n3A_429, %eq3A_433 : vector<256x256xf32>
    %jit3A_435 = arith.constant 256 : i32
    %broadcast_in_dim3A_436 = vector.broadcast %jit3A_435 : i32 to vector<256x256xi32>
    %select_n3A_437 = arith.select %eq3A_434, %iota3A, %broadcast_in_dim3A_436 : vector<256x256xi1>, vector<256x256xi32>
    %reduce_min3A_438 = arith.constant dense<2147483647> : vector<256xi32>
    %reduce_min3A_439 = vector.multi_reduction <minsi>, %select_n3A_437, %reduce_min3A_438 [1] : vector<256x256xi32> to vector<256xi32>
    %broadcast_in_dim3A_440 = vector.shape_cast %reduce_min3A_439 : vector<256xi32> to vector<256x1xi32>
    %eq3A_441 = vector.broadcast %broadcast_in_dim3A_440 : vector<256x1xi32> to vector<256x256xi32>
    %eq3A_442 = arith.cmpi eq, %iota3A, %eq3A_441 : vector<256x256xi32>
    %jit3A_443 = arith.constant 0x7F800000 : f32
    %broadcast_in_dim3A_444 = vector.broadcast %jit3A_443 : f32 to vector<256x256xf32>
    %select_n3A_445 = arith.select %eq3A_442, %broadcast_in_dim3A_444, %select_n3A_429 : vector<256x256xi1>, vector<256x256xf32>
    %reduce_min3A_446 = arith.constant dense<0x7F800000> : vector<256xf32>
    %reduce_min3A_447 = vector.multi_reduction <minimumf>, %select_n3A_445, %reduce_min3A_446 [1] : vector<256x256xf32> to vector<256xf32>
    %broadcast_in_dim3A_448 = vector.shape_cast %reduce_min3A_447 : vector<256xf32> to vector<256x1xf32>
    %eq3A_449 = vector.broadcast %broadcast_in_dim3A_448 : vector<256x1xf32> to vector<256x256xf32>
    %eq3A_450 = arith.cmpf oeq, %select_n3A_445, %eq3A_449 : vector<256x256xf32>
    %jit3A_451 = arith.constant 256 : i32
    %broadcast_in_dim3A_452 = vector.broadcast %jit3A_451 : i32 to vector<256x256xi32>
    %select_n3A_453 = arith.select %eq3A_450, %iota3A, %broadcast_in_dim3A_452 : vector<256x256xi1>, vector<256x256xi32>
    %reduce_min3A_454 = arith.constant dense<2147483647> : vector<256xi32>
    %reduce_min3A_455 = vector.multi_reduction <minsi>, %select_n3A_453, %reduce_min3A_454 [1] : vector<256x256xi32> to vector<256xi32>
    %broadcast_in_dim3A_456 = vector.shape_cast %reduce_min3A_455 : vector<256xi32> to vector<256x1xi32>
    %eq3A_457 = vector.broadcast %broadcast_in_dim3A_456 : vector<256x1xi32> to vector<256x256xi32>
    %eq3A_458 = arith.cmpi eq, %iota3A, %eq3A_457 : vector<256x256xi32>
    %jit3A_459 = arith.constant 0x7F800000 : f32
    %broadcast_in_dim3A_460 = vector.broadcast %jit3A_459 : f32 to vector<256x256xf32>
    %select_n3A_461 = arith.select %eq3A_458, %broadcast_in_dim3A_460, %select_n3A_445 : vector<256x256xi1>, vector<256x256xf32>
    %reduce_min3A_462 = arith.constant dense<0x7F800000> : vector<256xf32>
    %reduce_min3A_463 = vector.multi_reduction <minimumf>, %select_n3A_461, %reduce_min3A_462 [1] : vector<256x256xf32> to vector<256xf32>
    %broadcast_in_dim3A_464 = vector.shape_cast %reduce_min3A_463 : vector<256xf32> to vector<256x1xf32>
    %eq3A_465 = vector.broadcast %broadcast_in_dim3A_464 : vector<256x1xf32> to vector<256x256xf32>
    %eq3A_466 = arith.cmpf oeq, %select_n3A_461, %eq3A_465 : vector<256x256xf32>
    %jit3A_467 = arith.constant 256 : i32
    %broadcast_in_dim3A_468 = vector.broadcast %jit3A_467 : i32 to vector<256x256xi32>
    %select_n3A_469 = arith.select %eq3A_466, %iota3A, %broadcast_in_dim3A_468 : vector<256x256xi1>, vector<256x256xi32>
    %reduce_min3A_470 = arith.constant dense<2147483647> : vector<256xi32>
    %reduce_min3A_471 = vector.multi_reduction <minsi>, %select_n3A_469, %reduce_min3A_470 [1] : vector<256x256xi32> to vector<256xi32>
    %broadcast_in_dim3A_472 = vector.shape_cast %reduce_min3A_471 : vector<256xi32> to vector<256x1xi32>
    %eq3A_473 = vector.broadcast %broadcast_in_dim3A_472 : vector<256x1xi32> to vector<256x256xi32>
    %eq3A_474 = arith.cmpi eq, %iota3A, %eq3A_473 : vector<256x256xi32>
    %jit3A_475 = arith.constant 0x7F800000 : f32
    %broadcast_in_dim3A_476 = vector.broadcast %jit3A_475 : f32 to vector<256x256xf32>
    %select_n3A_477 = arith.select %eq3A_474, %broadcast_in_dim3A_476, %select_n3A_461 : vector<256x256xi1>, vector<256x256xf32>
    %reduce_min3A_478 = arith.constant dense<0x7F800000> : vector<256xf32>
    %reduce_min3A_479 = vector.multi_reduction <minimumf>, %select_n3A_477, %reduce_min3A_478 [1] : vector<256x256xf32> to vector<256xf32>
    %broadcast_in_dim3A_480 = vector.shape_cast %reduce_min3A_479 : vector<256xf32> to vector<256x1xf32>
    %eq3A_481 = vector.broadcast %broadcast_in_dim3A_480 : vector<256x1xf32> to vector<256x256xf32>
    %eq3A_482 = arith.cmpf oeq, %select_n3A_477, %eq3A_481 : vector<256x256xf32>
    %jit3A_483 = arith.constant 256 : i32
    %broadcast_in_dim3A_484 = vector.broadcast %jit3A_483 : i32 to vector<256x256xi32>
    %select_n3A_485 = arith.select %eq3A_482, %iota3A, %broadcast_in_dim3A_484 : vector<256x256xi1>, vector<256x256xi32>
    %reduce_min3A_486 = arith.constant dense<2147483647> : vector<256xi32>
    %reduce_min3A_487 = vector.multi_reduction <minsi>, %select_n3A_485, %reduce_min3A_486 [1] : vector<256x256xi32> to vector<256xi32>
    %broadcast_in_dim3A_488 = vector.shape_cast %reduce_min3A_487 : vector<256xi32> to vector<256x1xi32>
    %eq3A_489 = vector.broadcast %broadcast_in_dim3A_488 : vector<256x1xi32> to vector<256x256xi32>
    %eq3A_490 = arith.cmpi eq, %iota3A, %eq3A_489 : vector<256x256xi32>
    %jit3A_491 = arith.constant 0x7F800000 : f32
    %broadcast_in_dim3A_492 = vector.broadcast %jit3A_491 : f32 to vector<256x256xf32>
    %select_n3A_493 = arith.select %eq3A_490, %broadcast_in_dim3A_492, %select_n3A_477 : vector<256x256xi1>, vector<256x256xf32>
    %reduce_min3A_494 = arith.constant dense<0x7F800000> : vector<256xf32>
    %reduce_min3A_495 = vector.multi_reduction <minimumf>, %select_n3A_493, %reduce_min3A_494 [1] : vector<256x256xf32> to vector<256xf32>
    %broadcast_in_dim3A_496 = vector.shape_cast %reduce_min3A_495 : vector<256xf32> to vector<256x1xf32>
    %eq3A_497 = vector.broadcast %broadcast_in_dim3A_496 : vector<256x1xf32> to vector<256x256xf32>
    %eq3A_498 = arith.cmpf oeq, %select_n3A_493, %eq3A_497 : vector<256x256xf32>
    %jit3A_499 = arith.constant 256 : i32
    %broadcast_in_dim3A_500 = vector.broadcast %jit3A_499 : i32 to vector<256x256xi32>
    %select_n3A_501 = arith.select %eq3A_498, %iota3A, %broadcast_in_dim3A_500 : vector<256x256xi1>, vector<256x256xi32>
    %reduce_min3A_502 = arith.constant dense<2147483647> : vector<256xi32>
    %reduce_min3A_503 = vector.multi_reduction <minsi>, %select_n3A_501, %reduce_min3A_502 [1] : vector<256x256xi32> to vector<256xi32>
    %broadcast_in_dim3A_504 = vector.shape_cast %reduce_min3A_503 : vector<256xi32> to vector<256x1xi32>
    %eq3A_505 = vector.broadcast %broadcast_in_dim3A_504 : vector<256x1xi32> to vector<256x256xi32>
    %eq3A_506 = arith.cmpi eq, %iota3A, %eq3A_505 : vector<256x256xi32>
    %jit3A_507 = arith.constant 0x7F800000 : f32
    %broadcast_in_dim3A_508 = vector.broadcast %jit3A_507 : f32 to vector<256x256xf32>
    %select_n3A_509 = arith.select %eq3A_506, %broadcast_in_dim3A_508, %select_n3A_493 : vector<256x256xi1>, vector<256x256xf32>
    %reduce_min3A_510 = arith.constant dense<0x7F800000> : vector<256xf32>
    %reduce_min3A_511 = vector.multi_reduction <minimumf>, %select_n3A_509, %reduce_min3A_510 [1] : vector<256x256xf32> to vector<256xf32>
    %broadcast_in_dim3A_512 = vector.shape_cast %reduce_min3A_511 : vector<256xf32> to vector<256x1xf32>
    %eq3A_513 = vector.broadcast %broadcast_in_dim3A_512 : vector<256x1xf32> to vector<256x256xf32>
    %eq3A_514 = arith.cmpf oeq, %select_n3A_509, %eq3A_513 : vector<256x256xf32>
    %jit3A_515 = arith.constant 256 : i32
    %broadcast_in_dim3A_516 = vector.broadcast %jit3A_515 : i32 to vector<256x256xi32>
    %select_n3A_517 = arith.select %eq3A_514, %iota3A, %broadcast_in_dim3A_516 : vector<256x256xi1>, vector<256x256xi32>
    %reduce_min3A_518 = arith.constant dense<2147483647> : vector<256xi32>
    %reduce_min3A_519 = vector.multi_reduction <minsi>, %select_n3A_517, %reduce_min3A_518 [1] : vector<256x256xi32> to vector<256xi32>
    %broadcast_in_dim3A_520 = vector.shape_cast %reduce_min3A_519 : vector<256xi32> to vector<256x1xi32>
    %eq3A_521 = vector.broadcast %broadcast_in_dim3A_520 : vector<256x1xi32> to vector<256x256xi32>
    %eq3A_522 = arith.cmpi eq, %iota3A, %eq3A_521 : vector<256x256xi32>
    %jit3A_523 = arith.constant 0x7F800000 : f32
    %broadcast_in_dim3A_524 = vector.broadcast %jit3A_523 : f32 to vector<256x256xf32>
    %select_n3A_525 = arith.select %eq3A_522, %broadcast_in_dim3A_524, %select_n3A_509 : vector<256x256xi1>, vector<256x256xf32>
    %reduce_min3A_526 = arith.constant dense<0x7F800000> : vector<256xf32>
    %reduce_min3A_527 = vector.multi_reduction <minimumf>, %select_n3A_525, %reduce_min3A_526 [1] : vector<256x256xf32> to vector<256xf32>
    %broadcast_in_dim3A_528 = vector.shape_cast %reduce_min3A_527 : vector<256xf32> to vector<256x1xf32>
    %eq3A_529 = vector.broadcast %broadcast_in_dim3A_528 : vector<256x1xf32> to vector<256x256xf32>
    %eq3A_530 = arith.cmpf oeq, %select_n3A_525, %eq3A_529 : vector<256x256xf32>
    %jit3A_531 = arith.constant 256 : i32
    %broadcast_in_dim3A_532 = vector.broadcast %jit3A_531 : i32 to vector<256x256xi32>
    %select_n3A_533 = arith.select %eq3A_530, %iota3A, %broadcast_in_dim3A_532 : vector<256x256xi1>, vector<256x256xi32>
    %reduce_min3A_534 = arith.constant dense<2147483647> : vector<256xi32>
    %reduce_min3A_535 = vector.multi_reduction <minsi>, %select_n3A_533, %reduce_min3A_534 [1] : vector<256x256xi32> to vector<256xi32>
    %broadcast_in_dim3A_536 = vector.shape_cast %reduce_min3A_535 : vector<256xi32> to vector<256x1xi32>
    %eq3A_537 = vector.broadcast %broadcast_in_dim3A_536 : vector<256x1xi32> to vector<256x256xi32>
    %eq3A_538 = arith.cmpi eq, %iota3A, %eq3A_537 : vector<256x256xi32>
    %jit3A_539 = arith.constant 0x7F800000 : f32
    %broadcast_in_dim3A_540 = vector.broadcast %jit3A_539 : f32 to vector<256x256xf32>
    %select_n3A_541 = arith.select %eq3A_538, %broadcast_in_dim3A_540, %select_n3A_525 : vector<256x256xi1>, vector<256x256xf32>
    %reduce_min3A_542 = arith.constant dense<0x7F800000> : vector<256xf32>
    %reduce_min3A_543 = vector.multi_reduction <minimumf>, %select_n3A_541, %reduce_min3A_542 [1] : vector<256x256xf32> to vector<256xf32>
    %broadcast_in_dim3A_544 = vector.shape_cast %reduce_min3A_543 : vector<256xf32> to vector<256x1xf32>
    %eq3A_545 = vector.broadcast %broadcast_in_dim3A_544 : vector<256x1xf32> to vector<256x256xf32>
    %eq3A_546 = arith.cmpf oeq, %select_n3A_541, %eq3A_545 : vector<256x256xf32>
    %jit3A_547 = arith.constant 256 : i32
    %broadcast_in_dim3A_548 = vector.broadcast %jit3A_547 : i32 to vector<256x256xi32>
    %select_n3A_549 = arith.select %eq3A_546, %iota3A, %broadcast_in_dim3A_548 : vector<256x256xi1>, vector<256x256xi32>
    %reduce_min3A_550 = arith.constant dense<2147483647> : vector<256xi32>
    %reduce_min3A_551 = vector.multi_reduction <minsi>, %select_n3A_549, %reduce_min3A_550 [1] : vector<256x256xi32> to vector<256xi32>
    %broadcast_in_dim3A_552 = vector.shape_cast %reduce_min3A_551 : vector<256xi32> to vector<256x1xi32>
    %eq3A_553 = vector.broadcast %broadcast_in_dim3A_552 : vector<256x1xi32> to vector<256x256xi32>
    %eq3A_554 = arith.cmpi eq, %iota3A, %eq3A_553 : vector<256x256xi32>
    %jit3A_555 = arith.constant 0x7F800000 : f32
    %broadcast_in_dim3A_556 = vector.broadcast %jit3A_555 : f32 to vector<256x256xf32>
    %select_n3A_557 = arith.select %eq3A_554, %broadcast_in_dim3A_556, %select_n3A_541 : vector<256x256xi1>, vector<256x256xf32>
    %reduce_min3A_558 = arith.constant dense<0x7F800000> : vector<256xf32>
    %reduce_min3A_559 = vector.multi_reduction <minimumf>, %select_n3A_557, %reduce_min3A_558 [1] : vector<256x256xf32> to vector<256xf32>
    %broadcast_in_dim3A_560 = vector.shape_cast %reduce_min3A_559 : vector<256xf32> to vector<256x1xf32>
    %eq3A_561 = vector.broadcast %broadcast_in_dim3A_560 : vector<256x1xf32> to vector<256x256xf32>
    %eq3A_562 = arith.cmpf oeq, %select_n3A_557, %eq3A_561 : vector<256x256xf32>
    %jit3A_563 = arith.constant 256 : i32
    %broadcast_in_dim3A_564 = vector.broadcast %jit3A_563 : i32 to vector<256x256xi32>
    %select_n3A_565 = arith.select %eq3A_562, %iota3A, %broadcast_in_dim3A_564 : vector<256x256xi1>, vector<256x256xi32>
    %reduce_min3A_566 = arith.constant dense<2147483647> : vector<256xi32>
    %reduce_min3A_567 = vector.multi_reduction <minsi>, %select_n3A_565, %reduce_min3A_566 [1] : vector<256x256xi32> to vector<256xi32>
    %broadcast_in_dim3A_568 = vector.shape_cast %reduce_min3A_567 : vector<256xi32> to vector<256x1xi32>
    %eq3A_569 = vector.broadcast %broadcast_in_dim3A_568 : vector<256x1xi32> to vector<256x256xi32>
    %eq3A_570 = arith.cmpi eq, %iota3A, %eq3A_569 : vector<256x256xi32>
    %jit3A_571 = arith.constant 0x7F800000 : f32
    %broadcast_in_dim3A_572 = vector.broadcast %jit3A_571 : f32 to vector<256x256xf32>
    %select_n3A_573 = arith.select %eq3A_570, %broadcast_in_dim3A_572, %select_n3A_557 : vector<256x256xi1>, vector<256x256xf32>
    %reduce_min3A_574 = arith.constant dense<0x7F800000> : vector<256xf32>
    %reduce_min3A_575 = vector.multi_reduction <minimumf>, %select_n3A_573, %reduce_min3A_574 [1] : vector<256x256xf32> to vector<256xf32>
    %broadcast_in_dim3A_576 = vector.shape_cast %reduce_min3A_575 : vector<256xf32> to vector<256x1xf32>
    %eq3A_577 = vector.broadcast %broadcast_in_dim3A_576 : vector<256x1xf32> to vector<256x256xf32>
    %eq3A_578 = arith.cmpf oeq, %select_n3A_573, %eq3A_577 : vector<256x256xf32>
    %jit3A_579 = arith.constant 256 : i32
    %broadcast_in_dim3A_580 = vector.broadcast %jit3A_579 : i32 to vector<256x256xi32>
    %select_n3A_581 = arith.select %eq3A_578, %iota3A, %broadcast_in_dim3A_580 : vector<256x256xi1>, vector<256x256xi32>
    %reduce_min3A_582 = arith.constant dense<2147483647> : vector<256xi32>
    %reduce_min3A_583 = vector.multi_reduction <minsi>, %select_n3A_581, %reduce_min3A_582 [1] : vector<256x256xi32> to vector<256xi32>
    %broadcast_in_dim3A_584 = vector.shape_cast %reduce_min3A_583 : vector<256xi32> to vector<256x1xi32>
    %eq3A_585 = vector.broadcast %broadcast_in_dim3A_584 : vector<256x1xi32> to vector<256x256xi32>
    %eq3A_586 = arith.cmpi eq, %iota3A, %eq3A_585 : vector<256x256xi32>
    %jit3A_587 = arith.constant 0x7F800000 : f32
    %broadcast_in_dim3A_588 = vector.broadcast %jit3A_587 : f32 to vector<256x256xf32>
    %select_n3A_589 = arith.select %eq3A_586, %broadcast_in_dim3A_588, %select_n3A_573 : vector<256x256xi1>, vector<256x256xf32>
    %reduce_min3A_590 = arith.constant dense<0x7F800000> : vector<256xf32>
    %reduce_min3A_591 = vector.multi_reduction <minimumf>, %select_n3A_589, %reduce_min3A_590 [1] : vector<256x256xf32> to vector<256xf32>
    %broadcast_in_dim3A_592 = vector.shape_cast %reduce_min3A_591 : vector<256xf32> to vector<256x1xf32>
    %eq3A_593 = vector.broadcast %broadcast_in_dim3A_592 : vector<256x1xf32> to vector<256x256xf32>
    %eq3A_594 = arith.cmpf oeq, %select_n3A_589, %eq3A_593 : vector<256x256xf32>
    %jit3A_595 = arith.constant 256 : i32
    %broadcast_in_dim3A_596 = vector.broadcast %jit3A_595 : i32 to vector<256x256xi32>
    %select_n3A_597 = arith.select %eq3A_594, %iota3A, %broadcast_in_dim3A_596 : vector<256x256xi1>, vector<256x256xi32>
    %reduce_min3A_598 = arith.constant dense<2147483647> : vector<256xi32>
    %reduce_min3A_599 = vector.multi_reduction <minsi>, %select_n3A_597, %reduce_min3A_598 [1] : vector<256x256xi32> to vector<256xi32>
    %broadcast_in_dim3A_600 = vector.shape_cast %reduce_min3A_599 : vector<256xi32> to vector<256x1xi32>
    %eq3A_601 = vector.broadcast %broadcast_in_dim3A_600 : vector<256x1xi32> to vector<256x256xi32>
    %eq3A_602 = arith.cmpi eq, %iota3A, %eq3A_601 : vector<256x256xi32>
    %jit3A_603 = arith.constant 0x7F800000 : f32
    %broadcast_in_dim3A_604 = vector.broadcast %jit3A_603 : f32 to vector<256x256xf32>
    %select_n3A_605 = arith.select %eq3A_602, %broadcast_in_dim3A_604, %select_n3A_589 : vector<256x256xi1>, vector<256x256xf32>
    %reduce_min3A_606 = arith.constant dense<0x7F800000> : vector<256xf32>
    %reduce_min3A_607 = vector.multi_reduction <minimumf>, %select_n3A_605, %reduce_min3A_606 [1] : vector<256x256xf32> to vector<256xf32>
    %broadcast_in_dim3A_608 = vector.shape_cast %reduce_min3A_607 : vector<256xf32> to vector<256x1xf32>
    %eq3A_609 = vector.broadcast %broadcast_in_dim3A_608 : vector<256x1xf32> to vector<256x256xf32>
    %eq3A_610 = arith.cmpf oeq, %select_n3A_605, %eq3A_609 : vector<256x256xf32>
    %jit3A_611 = arith.constant 256 : i32
    %broadcast_in_dim3A_612 = vector.broadcast %jit3A_611 : i32 to vector<256x256xi32>
    %select_n3A_613 = arith.select %eq3A_610, %iota3A, %broadcast_in_dim3A_612 : vector<256x256xi1>, vector<256x256xi32>
    %reduce_min3A_614 = arith.constant dense<2147483647> : vector<256xi32>
    %reduce_min3A_615 = vector.multi_reduction <minsi>, %select_n3A_613, %reduce_min3A_614 [1] : vector<256x256xi32> to vector<256xi32>
    %broadcast_in_dim3A_616 = vector.shape_cast %reduce_min3A_615 : vector<256xi32> to vector<256x1xi32>
    %eq3A_617 = vector.broadcast %broadcast_in_dim3A_616 : vector<256x1xi32> to vector<256x256xi32>
    %eq3A_618 = arith.cmpi eq, %iota3A, %eq3A_617 : vector<256x256xi32>
    %jit3A_619 = arith.constant 0x7F800000 : f32
    %broadcast_in_dim3A_620 = vector.broadcast %jit3A_619 : f32 to vector<256x256xf32>
    %select_n3A_621 = arith.select %eq3A_618, %broadcast_in_dim3A_620, %select_n3A_605 : vector<256x256xi1>, vector<256x256xf32>
    %reduce_min3A_622 = arith.constant dense<0x7F800000> : vector<256xf32>
    %reduce_min3A_623 = vector.multi_reduction <minimumf>, %select_n3A_621, %reduce_min3A_622 [1] : vector<256x256xf32> to vector<256xf32>
    %broadcast_in_dim3A_624 = vector.shape_cast %reduce_min3A_623 : vector<256xf32> to vector<256x1xf32>
    %eq3A_625 = vector.broadcast %broadcast_in_dim3A_624 : vector<256x1xf32> to vector<256x256xf32>
    %eq3A_626 = arith.cmpf oeq, %select_n3A_621, %eq3A_625 : vector<256x256xf32>
    %jit3A_627 = arith.constant 256 : i32
    %broadcast_in_dim3A_628 = vector.broadcast %jit3A_627 : i32 to vector<256x256xi32>
    %select_n3A_629 = arith.select %eq3A_626, %iota3A, %broadcast_in_dim3A_628 : vector<256x256xi1>, vector<256x256xi32>
    %reduce_min3A_630 = arith.constant dense<2147483647> : vector<256xi32>
    %reduce_min3A_631 = vector.multi_reduction <minsi>, %select_n3A_629, %reduce_min3A_630 [1] : vector<256x256xi32> to vector<256xi32>
    %broadcast_in_dim3A_632 = vector.shape_cast %reduce_min3A_631 : vector<256xi32> to vector<256x1xi32>
    %eq3A_633 = vector.broadcast %broadcast_in_dim3A_632 : vector<256x1xi32> to vector<256x256xi32>
    %eq3A_634 = arith.cmpi eq, %iota3A, %eq3A_633 : vector<256x256xi32>
    %jit3A_635 = arith.constant 0x7F800000 : f32
    %broadcast_in_dim3A_636 = vector.broadcast %jit3A_635 : f32 to vector<256x256xf32>
    %select_n3A_637 = arith.select %eq3A_634, %broadcast_in_dim3A_636, %select_n3A_621 : vector<256x256xi1>, vector<256x256xf32>
    %reduce_min3A_638 = arith.constant dense<0x7F800000> : vector<256xf32>
    %reduce_min3A_639 = vector.multi_reduction <minimumf>, %select_n3A_637, %reduce_min3A_638 [1] : vector<256x256xf32> to vector<256xf32>
    %broadcast_in_dim3A_640 = vector.shape_cast %reduce_min3A_639 : vector<256xf32> to vector<256x1xf32>
    %eq3A_641 = vector.broadcast %broadcast_in_dim3A_640 : vector<256x1xf32> to vector<256x256xf32>
    %eq3A_642 = arith.cmpf oeq, %select_n3A_637, %eq3A_641 : vector<256x256xf32>
    %jit3A_643 = arith.constant 256 : i32
    %broadcast_in_dim3A_644 = vector.broadcast %jit3A_643 : i32 to vector<256x256xi32>
    %select_n3A_645 = arith.select %eq3A_642, %iota3A, %broadcast_in_dim3A_644 : vector<256x256xi1>, vector<256x256xi32>
    %reduce_min3A_646 = arith.constant dense<2147483647> : vector<256xi32>
    %reduce_min3A_647 = vector.multi_reduction <minsi>, %select_n3A_645, %reduce_min3A_646 [1] : vector<256x256xi32> to vector<256xi32>
    %broadcast_in_dim3A_648 = vector.shape_cast %reduce_min3A_647 : vector<256xi32> to vector<256x1xi32>
    %eq3A_649 = vector.broadcast %broadcast_in_dim3A_648 : vector<256x1xi32> to vector<256x256xi32>
    %eq3A_650 = arith.cmpi eq, %iota3A, %eq3A_649 : vector<256x256xi32>
    %jit3A_651 = arith.constant 0x7F800000 : f32
    %broadcast_in_dim3A_652 = vector.broadcast %jit3A_651 : f32 to vector<256x256xf32>
    %select_n3A_653 = arith.select %eq3A_650, %broadcast_in_dim3A_652, %select_n3A_637 : vector<256x256xi1>, vector<256x256xf32>
    %reduce_min3A_654 = arith.constant dense<0x7F800000> : vector<256xf32>
    %reduce_min3A_655 = vector.multi_reduction <minimumf>, %select_n3A_653, %reduce_min3A_654 [1] : vector<256x256xf32> to vector<256xf32>
    %broadcast_in_dim3A_656 = vector.shape_cast %reduce_min3A_655 : vector<256xf32> to vector<256x1xf32>
    %eq3A_657 = vector.broadcast %broadcast_in_dim3A_656 : vector<256x1xf32> to vector<256x256xf32>
    %eq3A_658 = arith.cmpf oeq, %select_n3A_653, %eq3A_657 : vector<256x256xf32>
    %jit3A_659 = arith.constant 256 : i32
    %broadcast_in_dim3A_660 = vector.broadcast %jit3A_659 : i32 to vector<256x256xi32>
    %select_n3A_661 = arith.select %eq3A_658, %iota3A, %broadcast_in_dim3A_660 : vector<256x256xi1>, vector<256x256xi32>
    %reduce_min3A_662 = arith.constant dense<2147483647> : vector<256xi32>
    %reduce_min3A_663 = vector.multi_reduction <minsi>, %select_n3A_661, %reduce_min3A_662 [1] : vector<256x256xi32> to vector<256xi32>
    %broadcast_in_dim3A_664 = vector.shape_cast %reduce_min3A_663 : vector<256xi32> to vector<256x1xi32>
    %eq3A_665 = vector.broadcast %broadcast_in_dim3A_664 : vector<256x1xi32> to vector<256x256xi32>
    %eq3A_666 = arith.cmpi eq, %iota3A, %eq3A_665 : vector<256x256xi32>
    %jit3A_667 = arith.constant 0x7F800000 : f32
    %broadcast_in_dim3A_668 = vector.broadcast %jit3A_667 : f32 to vector<256x256xf32>
    %select_n3A_669 = arith.select %eq3A_666, %broadcast_in_dim3A_668, %select_n3A_653 : vector<256x256xi1>, vector<256x256xf32>
    %reduce_min3A_670 = arith.constant dense<0x7F800000> : vector<256xf32>
    %reduce_min3A_671 = vector.multi_reduction <minimumf>, %select_n3A_669, %reduce_min3A_670 [1] : vector<256x256xf32> to vector<256xf32>
    %broadcast_in_dim3A_672 = vector.shape_cast %reduce_min3A_671 : vector<256xf32> to vector<256x1xf32>
    %eq3A_673 = vector.broadcast %broadcast_in_dim3A_672 : vector<256x1xf32> to vector<256x256xf32>
    %eq3A_674 = arith.cmpf oeq, %select_n3A_669, %eq3A_673 : vector<256x256xf32>
    %jit3A_675 = arith.constant 256 : i32
    %broadcast_in_dim3A_676 = vector.broadcast %jit3A_675 : i32 to vector<256x256xi32>
    %select_n3A_677 = arith.select %eq3A_674, %iota3A, %broadcast_in_dim3A_676 : vector<256x256xi1>, vector<256x256xi32>
    %reduce_min3A_678 = arith.constant dense<2147483647> : vector<256xi32>
    %reduce_min3A_679 = vector.multi_reduction <minsi>, %select_n3A_677, %reduce_min3A_678 [1] : vector<256x256xi32> to vector<256xi32>
    %broadcast_in_dim3A_680 = vector.shape_cast %reduce_min3A_679 : vector<256xi32> to vector<256x1xi32>
    %eq3A_681 = vector.broadcast %broadcast_in_dim3A_680 : vector<256x1xi32> to vector<256x256xi32>
    %eq3A_682 = arith.cmpi eq, %iota3A, %eq3A_681 : vector<256x256xi32>
    %jit3A_683 = arith.constant 0x7F800000 : f32
    %broadcast_in_dim3A_684 = vector.broadcast %jit3A_683 : f32 to vector<256x256xf32>
    %select_n3A_685 = arith.select %eq3A_682, %broadcast_in_dim3A_684, %select_n3A_669 : vector<256x256xi1>, vector<256x256xf32>
    %reduce_min3A_686 = arith.constant dense<0x7F800000> : vector<256xf32>
    %reduce_min3A_687 = vector.multi_reduction <minimumf>, %select_n3A_685, %reduce_min3A_686 [1] : vector<256x256xf32> to vector<256xf32>
    %broadcast_in_dim3A_688 = vector.shape_cast %reduce_min3A_687 : vector<256xf32> to vector<256x1xf32>
    %eq3A_689 = vector.broadcast %broadcast_in_dim3A_688 : vector<256x1xf32> to vector<256x256xf32>
    %eq3A_690 = arith.cmpf oeq, %select_n3A_685, %eq3A_689 : vector<256x256xf32>
    %jit3A_691 = arith.constant 256 : i32
    %broadcast_in_dim3A_692 = vector.broadcast %jit3A_691 : i32 to vector<256x256xi32>
    %select_n3A_693 = arith.select %eq3A_690, %iota3A, %broadcast_in_dim3A_692 : vector<256x256xi1>, vector<256x256xi32>
    %reduce_min3A_694 = arith.constant dense<2147483647> : vector<256xi32>
    %reduce_min3A_695 = vector.multi_reduction <minsi>, %select_n3A_693, %reduce_min3A_694 [1] : vector<256x256xi32> to vector<256xi32>
    %broadcast_in_dim3A_696 = vector.shape_cast %reduce_min3A_695 : vector<256xi32> to vector<256x1xi32>
    %eq3A_697 = vector.broadcast %broadcast_in_dim3A_696 : vector<256x1xi32> to vector<256x256xi32>
    %eq3A_698 = arith.cmpi eq, %iota3A, %eq3A_697 : vector<256x256xi32>
    %jit3A_699 = arith.constant 0x7F800000 : f32
    %broadcast_in_dim3A_700 = vector.broadcast %jit3A_699 : f32 to vector<256x256xf32>
    %select_n3A_701 = arith.select %eq3A_698, %broadcast_in_dim3A_700, %select_n3A_685 : vector<256x256xi1>, vector<256x256xf32>
    %reduce_min3A_702 = arith.constant dense<0x7F800000> : vector<256xf32>
    %reduce_min3A_703 = vector.multi_reduction <minimumf>, %select_n3A_701, %reduce_min3A_702 [1] : vector<256x256xf32> to vector<256xf32>
    %broadcast_in_dim3A_704 = vector.shape_cast %reduce_min3A_703 : vector<256xf32> to vector<256x1xf32>
    %eq3A_705 = vector.broadcast %broadcast_in_dim3A_704 : vector<256x1xf32> to vector<256x256xf32>
    %eq3A_706 = arith.cmpf oeq, %select_n3A_701, %eq3A_705 : vector<256x256xf32>
    %jit3A_707 = arith.constant 256 : i32
    %broadcast_in_dim3A_708 = vector.broadcast %jit3A_707 : i32 to vector<256x256xi32>
    %select_n3A_709 = arith.select %eq3A_706, %iota3A, %broadcast_in_dim3A_708 : vector<256x256xi1>, vector<256x256xi32>
    %reduce_min3A_710 = arith.constant dense<2147483647> : vector<256xi32>
    %reduce_min3A_711 = vector.multi_reduction <minsi>, %select_n3A_709, %reduce_min3A_710 [1] : vector<256x256xi32> to vector<256xi32>
    %broadcast_in_dim3A_712 = vector.shape_cast %reduce_min3A_711 : vector<256xi32> to vector<256x1xi32>
    %eq3A_713 = vector.broadcast %broadcast_in_dim3A_712 : vector<256x1xi32> to vector<256x256xi32>
    %eq3A_714 = arith.cmpi eq, %iota3A, %eq3A_713 : vector<256x256xi32>
    %jit3A_715 = arith.constant 0x7F800000 : f32
    %broadcast_in_dim3A_716 = vector.broadcast %jit3A_715 : f32 to vector<256x256xf32>
    %select_n3A_717 = arith.select %eq3A_714, %broadcast_in_dim3A_716, %select_n3A_701 : vector<256x256xi1>, vector<256x256xf32>
    %reduce_min3A_718 = arith.constant dense<0x7F800000> : vector<256xf32>
    %reduce_min3A_719 = vector.multi_reduction <minimumf>, %select_n3A_717, %reduce_min3A_718 [1] : vector<256x256xf32> to vector<256xf32>
    %broadcast_in_dim3A_720 = vector.shape_cast %reduce_min3A_719 : vector<256xf32> to vector<256x1xf32>
    %eq3A_721 = vector.broadcast %broadcast_in_dim3A_720 : vector<256x1xf32> to vector<256x256xf32>
    %eq3A_722 = arith.cmpf oeq, %select_n3A_717, %eq3A_721 : vector<256x256xf32>
    %jit3A_723 = arith.constant 256 : i32
    %broadcast_in_dim3A_724 = vector.broadcast %jit3A_723 : i32 to vector<256x256xi32>
    %select_n3A_725 = arith.select %eq3A_722, %iota3A, %broadcast_in_dim3A_724 : vector<256x256xi1>, vector<256x256xi32>
    %reduce_min3A_726 = arith.constant dense<2147483647> : vector<256xi32>
    %reduce_min3A_727 = vector.multi_reduction <minsi>, %select_n3A_725, %reduce_min3A_726 [1] : vector<256x256xi32> to vector<256xi32>
    %broadcast_in_dim3A_728 = vector.shape_cast %reduce_min3A_727 : vector<256xi32> to vector<256x1xi32>
    %eq3A_729 = vector.broadcast %broadcast_in_dim3A_728 : vector<256x1xi32> to vector<256x256xi32>
    %eq3A_730 = arith.cmpi eq, %iota3A, %eq3A_729 : vector<256x256xi32>
    %jit3A_731 = arith.constant 0x7F800000 : f32
    %broadcast_in_dim3A_732 = vector.broadcast %jit3A_731 : f32 to vector<256x256xf32>
    %select_n3A_733 = arith.select %eq3A_730, %broadcast_in_dim3A_732, %select_n3A_717 : vector<256x256xi1>, vector<256x256xf32>
    %reduce_min3A_734 = arith.constant dense<0x7F800000> : vector<256xf32>
    %reduce_min3A_735 = vector.multi_reduction <minimumf>, %select_n3A_733, %reduce_min3A_734 [1] : vector<256x256xf32> to vector<256xf32>
    %broadcast_in_dim3A_736 = vector.shape_cast %reduce_min3A_735 : vector<256xf32> to vector<256x1xf32>
    %eq3A_737 = vector.broadcast %broadcast_in_dim3A_736 : vector<256x1xf32> to vector<256x256xf32>
    %eq3A_738 = arith.cmpf oeq, %select_n3A_733, %eq3A_737 : vector<256x256xf32>
    %jit3A_739 = arith.constant 256 : i32
    %broadcast_in_dim3A_740 = vector.broadcast %jit3A_739 : i32 to vector<256x256xi32>
    %select_n3A_741 = arith.select %eq3A_738, %iota3A, %broadcast_in_dim3A_740 : vector<256x256xi1>, vector<256x256xi32>
    %reduce_min3A_742 = arith.constant dense<2147483647> : vector<256xi32>
    %reduce_min3A_743 = vector.multi_reduction <minsi>, %select_n3A_741, %reduce_min3A_742 [1] : vector<256x256xi32> to vector<256xi32>
    %broadcast_in_dim3A_744 = vector.shape_cast %reduce_min3A_743 : vector<256xi32> to vector<256x1xi32>
    %eq3A_745 = vector.broadcast %broadcast_in_dim3A_744 : vector<256x1xi32> to vector<256x256xi32>
    %eq3A_746 = arith.cmpi eq, %iota3A, %eq3A_745 : vector<256x256xi32>
    %jit3A_747 = arith.constant 0x7F800000 : f32
    %broadcast_in_dim3A_748 = vector.broadcast %jit3A_747 : f32 to vector<256x256xf32>
    %select_n3A_749 = arith.select %eq3A_746, %broadcast_in_dim3A_748, %select_n3A_733 : vector<256x256xi1>, vector<256x256xf32>
    %reduce_min3A_750 = arith.constant dense<0x7F800000> : vector<256xf32>
    %reduce_min3A_751 = vector.multi_reduction <minimumf>, %select_n3A_749, %reduce_min3A_750 [1] : vector<256x256xf32> to vector<256xf32>
    %broadcast_in_dim3A_752 = vector.shape_cast %reduce_min3A_751 : vector<256xf32> to vector<256x1xf32>
    %eq3A_753 = vector.broadcast %broadcast_in_dim3A_752 : vector<256x1xf32> to vector<256x256xf32>
    %eq3A_754 = arith.cmpf oeq, %select_n3A_749, %eq3A_753 : vector<256x256xf32>
    %jit3A_755 = arith.constant 256 : i32
    %broadcast_in_dim3A_756 = vector.broadcast %jit3A_755 : i32 to vector<256x256xi32>
    %select_n3A_757 = arith.select %eq3A_754, %iota3A, %broadcast_in_dim3A_756 : vector<256x256xi1>, vector<256x256xi32>
    %reduce_min3A_758 = arith.constant dense<2147483647> : vector<256xi32>
    %reduce_min3A_759 = vector.multi_reduction <minsi>, %select_n3A_757, %reduce_min3A_758 [1] : vector<256x256xi32> to vector<256xi32>
    %broadcast_in_dim3A_760 = vector.shape_cast %reduce_min3A_759 : vector<256xi32> to vector<256x1xi32>
    %eq3A_761 = vector.broadcast %broadcast_in_dim3A_760 : vector<256x1xi32> to vector<256x256xi32>
    %eq3A_762 = arith.cmpi eq, %iota3A, %eq3A_761 : vector<256x256xi32>
    %jit3A_763 = arith.constant 0x7F800000 : f32
    %broadcast_in_dim3A_764 = vector.broadcast %jit3A_763 : f32 to vector<256x256xf32>
    %select_n3A_765 = arith.select %eq3A_762, %broadcast_in_dim3A_764, %select_n3A_749 : vector<256x256xi1>, vector<256x256xf32>
    %reduce_min3A_766 = arith.constant dense<0x7F800000> : vector<256xf32>
    %reduce_min3A_767 = vector.multi_reduction <minimumf>, %select_n3A_765, %reduce_min3A_766 [1] : vector<256x256xf32> to vector<256xf32>
    %broadcast_in_dim3A_768 = vector.shape_cast %reduce_min3A_767 : vector<256xf32> to vector<256x1xf32>
    %eq3A_769 = vector.broadcast %broadcast_in_dim3A_768 : vector<256x1xf32> to vector<256x256xf32>
    %eq3A_770 = arith.cmpf oeq, %select_n3A_765, %eq3A_769 : vector<256x256xf32>
    %jit3A_771 = arith.constant 256 : i32
    %broadcast_in_dim3A_772 = vector.broadcast %jit3A_771 : i32 to vector<256x256xi32>
    %select_n3A_773 = arith.select %eq3A_770, %iota3A, %broadcast_in_dim3A_772 : vector<256x256xi1>, vector<256x256xi32>
    %reduce_min3A_774 = arith.constant dense<2147483647> : vector<256xi32>
    %reduce_min3A_775 = vector.multi_reduction <minsi>, %select_n3A_773, %reduce_min3A_774 [1] : vector<256x256xi32> to vector<256xi32>
    %broadcast_in_dim3A_776 = vector.shape_cast %reduce_min3A_775 : vector<256xi32> to vector<256x1xi32>
    %eq3A_777 = vector.broadcast %broadcast_in_dim3A_776 : vector<256x1xi32> to vector<256x256xi32>
    %eq3A_778 = arith.cmpi eq, %iota3A, %eq3A_777 : vector<256x256xi32>
    %jit3A_779 = arith.constant 0x7F800000 : f32
    %broadcast_in_dim3A_780 = vector.broadcast %jit3A_779 : f32 to vector<256x256xf32>
    %select_n3A_781 = arith.select %eq3A_778, %broadcast_in_dim3A_780, %select_n3A_765 : vector<256x256xi1>, vector<256x256xf32>
    %reduce_min3A_782 = arith.constant dense<0x7F800000> : vector<256xf32>
    %reduce_min3A_783 = vector.multi_reduction <minimumf>, %select_n3A_781, %reduce_min3A_782 [1] : vector<256x256xf32> to vector<256xf32>
    %broadcast_in_dim3A_784 = vector.shape_cast %reduce_min3A_783 : vector<256xf32> to vector<256x1xf32>
    %eq3A_785 = vector.broadcast %broadcast_in_dim3A_784 : vector<256x1xf32> to vector<256x256xf32>
    %eq3A_786 = arith.cmpf oeq, %select_n3A_781, %eq3A_785 : vector<256x256xf32>
    %jit3A_787 = arith.constant 256 : i32
    %broadcast_in_dim3A_788 = vector.broadcast %jit3A_787 : i32 to vector<256x256xi32>
    %select_n3A_789 = arith.select %eq3A_786, %iota3A, %broadcast_in_dim3A_788 : vector<256x256xi1>, vector<256x256xi32>
    %reduce_min3A_790 = arith.constant dense<2147483647> : vector<256xi32>
    %reduce_min3A_791 = vector.multi_reduction <minsi>, %select_n3A_789, %reduce_min3A_790 [1] : vector<256x256xi32> to vector<256xi32>
    %broadcast_in_dim3A_792 = vector.shape_cast %reduce_min3A_791 : vector<256xi32> to vector<256x1xi32>
    %eq3A_793 = vector.broadcast %broadcast_in_dim3A_792 : vector<256x1xi32> to vector<256x256xi32>
    %eq3A_794 = arith.cmpi eq, %iota3A, %eq3A_793 : vector<256x256xi32>
    %jit3A_795 = arith.constant 0x7F800000 : f32
    %broadcast_in_dim3A_796 = vector.broadcast %jit3A_795 : f32 to vector<256x256xf32>
    %select_n3A_797 = arith.select %eq3A_794, %broadcast_in_dim3A_796, %select_n3A_781 : vector<256x256xi1>, vector<256x256xf32>
    %reduce_min3A_798 = arith.constant dense<0x7F800000> : vector<256xf32>
    %reduce_min3A_799 = vector.multi_reduction <minimumf>, %select_n3A_797, %reduce_min3A_798 [1] : vector<256x256xf32> to vector<256xf32>
    %broadcast_in_dim3A_800 = vector.shape_cast %reduce_min3A_799 : vector<256xf32> to vector<256x1xf32>
    %eq3A_801 = vector.broadcast %broadcast_in_dim3A_800 : vector<256x1xf32> to vector<256x256xf32>
    %eq3A_802 = arith.cmpf oeq, %select_n3A_797, %eq3A_801 : vector<256x256xf32>
    %jit3A_803 = arith.constant 256 : i32
    %broadcast_in_dim3A_804 = vector.broadcast %jit3A_803 : i32 to vector<256x256xi32>
    %select_n3A_805 = arith.select %eq3A_802, %iota3A, %broadcast_in_dim3A_804 : vector<256x256xi1>, vector<256x256xi32>
    %reduce_min3A_806 = arith.constant dense<2147483647> : vector<256xi32>
    %reduce_min3A_807 = vector.multi_reduction <minsi>, %select_n3A_805, %reduce_min3A_806 [1] : vector<256x256xi32> to vector<256xi32>
    %broadcast_in_dim3A_808 = vector.shape_cast %reduce_min3A_807 : vector<256xi32> to vector<256x1xi32>
    %eq3A_809 = vector.broadcast %broadcast_in_dim3A_808 : vector<256x1xi32> to vector<256x256xi32>
    %eq3A_810 = arith.cmpi eq, %iota3A, %eq3A_809 : vector<256x256xi32>
    %jit3A_811 = arith.constant 0x7F800000 : f32
    %broadcast_in_dim3A_812 = vector.broadcast %jit3A_811 : f32 to vector<256x256xf32>
    %select_n3A_813 = arith.select %eq3A_810, %broadcast_in_dim3A_812, %select_n3A_797 : vector<256x256xi1>, vector<256x256xf32>
    %reduce_min3A_814 = arith.constant dense<0x7F800000> : vector<256xf32>
    %reduce_min3A_815 = vector.multi_reduction <minimumf>, %select_n3A_813, %reduce_min3A_814 [1] : vector<256x256xf32> to vector<256xf32>
    %broadcast_in_dim3A_816 = vector.shape_cast %reduce_min3A_815 : vector<256xf32> to vector<256x1xf32>
    %eq3A_817 = vector.broadcast %broadcast_in_dim3A_816 : vector<256x1xf32> to vector<256x256xf32>
    %eq3A_818 = arith.cmpf oeq, %select_n3A_813, %eq3A_817 : vector<256x256xf32>
    %jit3A_819 = arith.constant 256 : i32
    %broadcast_in_dim3A_820 = vector.broadcast %jit3A_819 : i32 to vector<256x256xi32>
    %select_n3A_821 = arith.select %eq3A_818, %iota3A, %broadcast_in_dim3A_820 : vector<256x256xi1>, vector<256x256xi32>
    %reduce_min3A_822 = arith.constant dense<2147483647> : vector<256xi32>
    %reduce_min3A_823 = vector.multi_reduction <minsi>, %select_n3A_821, %reduce_min3A_822 [1] : vector<256x256xi32> to vector<256xi32>
    %broadcast_in_dim3A_824 = vector.shape_cast %reduce_min3A_823 : vector<256xi32> to vector<256x1xi32>
    %eq3A_825 = vector.broadcast %broadcast_in_dim3A_824 : vector<256x1xi32> to vector<256x256xi32>
    %eq3A_826 = arith.cmpi eq, %iota3A, %eq3A_825 : vector<256x256xi32>
    %jit3A_827 = arith.constant 0x7F800000 : f32
    %broadcast_in_dim3A_828 = vector.broadcast %jit3A_827 : f32 to vector<256x256xf32>
    %select_n3A_829 = arith.select %eq3A_826, %broadcast_in_dim3A_828, %select_n3A_813 : vector<256x256xi1>, vector<256x256xf32>
    %reduce_min3A_830 = arith.constant dense<0x7F800000> : vector<256xf32>
    %reduce_min3A_831 = vector.multi_reduction <minimumf>, %select_n3A_829, %reduce_min3A_830 [1] : vector<256x256xf32> to vector<256xf32>
    %broadcast_in_dim3A_832 = vector.shape_cast %reduce_min3A_831 : vector<256xf32> to vector<256x1xf32>
    %eq3A_833 = vector.broadcast %broadcast_in_dim3A_832 : vector<256x1xf32> to vector<256x256xf32>
    %eq3A_834 = arith.cmpf oeq, %select_n3A_829, %eq3A_833 : vector<256x256xf32>
    %jit3A_835 = arith.constant 256 : i32
    %broadcast_in_dim3A_836 = vector.broadcast %jit3A_835 : i32 to vector<256x256xi32>
    %select_n3A_837 = arith.select %eq3A_834, %iota3A, %broadcast_in_dim3A_836 : vector<256x256xi1>, vector<256x256xi32>
    %reduce_min3A_838 = arith.constant dense<2147483647> : vector<256xi32>
    %reduce_min3A_839 = vector.multi_reduction <minsi>, %select_n3A_837, %reduce_min3A_838 [1] : vector<256x256xi32> to vector<256xi32>
    %broadcast_in_dim3A_840 = vector.shape_cast %reduce_min3A_839 : vector<256xi32> to vector<256x1xi32>
    %eq3A_841 = vector.broadcast %broadcast_in_dim3A_840 : vector<256x1xi32> to vector<256x256xi32>
    %eq3A_842 = arith.cmpi eq, %iota3A, %eq3A_841 : vector<256x256xi32>
    %jit3A_843 = arith.constant 0x7F800000 : f32
    %broadcast_in_dim3A_844 = vector.broadcast %jit3A_843 : f32 to vector<256x256xf32>
    %select_n3A_845 = arith.select %eq3A_842, %broadcast_in_dim3A_844, %select_n3A_829 : vector<256x256xi1>, vector<256x256xf32>
    %reduce_min3A_846 = arith.constant dense<0x7F800000> : vector<256xf32>
    %reduce_min3A_847 = vector.multi_reduction <minimumf>, %select_n3A_845, %reduce_min3A_846 [1] : vector<256x256xf32> to vector<256xf32>
    %broadcast_in_dim3A_848 = vector.shape_cast %reduce_min3A_847 : vector<256xf32> to vector<256x1xf32>
    %eq3A_849 = vector.broadcast %broadcast_in_dim3A_848 : vector<256x1xf32> to vector<256x256xf32>
    %eq3A_850 = arith.cmpf oeq, %select_n3A_845, %eq3A_849 : vector<256x256xf32>
    %jit3A_851 = arith.constant 256 : i32
    %broadcast_in_dim3A_852 = vector.broadcast %jit3A_851 : i32 to vector<256x256xi32>
    %select_n3A_853 = arith.select %eq3A_850, %iota3A, %broadcast_in_dim3A_852 : vector<256x256xi1>, vector<256x256xi32>
    %reduce_min3A_854 = arith.constant dense<2147483647> : vector<256xi32>
    %reduce_min3A_855 = vector.multi_reduction <minsi>, %select_n3A_853, %reduce_min3A_854 [1] : vector<256x256xi32> to vector<256xi32>
    %broadcast_in_dim3A_856 = vector.shape_cast %reduce_min3A_855 : vector<256xi32> to vector<256x1xi32>
    %eq3A_857 = vector.broadcast %broadcast_in_dim3A_856 : vector<256x1xi32> to vector<256x256xi32>
    %eq3A_858 = arith.cmpi eq, %iota3A, %eq3A_857 : vector<256x256xi32>
    %jit3A_859 = arith.constant 0x7F800000 : f32
    %broadcast_in_dim3A_860 = vector.broadcast %jit3A_859 : f32 to vector<256x256xf32>
    %select_n3A_861 = arith.select %eq3A_858, %broadcast_in_dim3A_860, %select_n3A_845 : vector<256x256xi1>, vector<256x256xf32>
    %reduce_min3A_862 = arith.constant dense<0x7F800000> : vector<256xf32>
    %reduce_min3A_863 = vector.multi_reduction <minimumf>, %select_n3A_861, %reduce_min3A_862 [1] : vector<256x256xf32> to vector<256xf32>
    %broadcast_in_dim3A_864 = vector.shape_cast %reduce_min3A_863 : vector<256xf32> to vector<256x1xf32>
    %eq3A_865 = vector.broadcast %broadcast_in_dim3A_864 : vector<256x1xf32> to vector<256x256xf32>
    %eq3A_866 = arith.cmpf oeq, %select_n3A_861, %eq3A_865 : vector<256x256xf32>
    %jit3A_867 = arith.constant 256 : i32
    %broadcast_in_dim3A_868 = vector.broadcast %jit3A_867 : i32 to vector<256x256xi32>
    %select_n3A_869 = arith.select %eq3A_866, %iota3A, %broadcast_in_dim3A_868 : vector<256x256xi1>, vector<256x256xi32>
    %reduce_min3A_870 = arith.constant dense<2147483647> : vector<256xi32>
    %reduce_min3A_871 = vector.multi_reduction <minsi>, %select_n3A_869, %reduce_min3A_870 [1] : vector<256x256xi32> to vector<256xi32>
    %broadcast_in_dim3A_872 = vector.shape_cast %reduce_min3A_871 : vector<256xi32> to vector<256x1xi32>
    %eq3A_873 = vector.broadcast %broadcast_in_dim3A_872 : vector<256x1xi32> to vector<256x256xi32>
    %eq3A_874 = arith.cmpi eq, %iota3A, %eq3A_873 : vector<256x256xi32>
    %jit3A_875 = arith.constant 0x7F800000 : f32
    %broadcast_in_dim3A_876 = vector.broadcast %jit3A_875 : f32 to vector<256x256xf32>
    %select_n3A_877 = arith.select %eq3A_874, %broadcast_in_dim3A_876, %select_n3A_861 : vector<256x256xi1>, vector<256x256xf32>
    %reduce_min3A_878 = arith.constant dense<0x7F800000> : vector<256xf32>
    %reduce_min3A_879 = vector.multi_reduction <minimumf>, %select_n3A_877, %reduce_min3A_878 [1] : vector<256x256xf32> to vector<256xf32>
    %broadcast_in_dim3A_880 = vector.shape_cast %reduce_min3A_879 : vector<256xf32> to vector<256x1xf32>
    %eq3A_881 = vector.broadcast %broadcast_in_dim3A_880 : vector<256x1xf32> to vector<256x256xf32>
    %eq3A_882 = arith.cmpf oeq, %select_n3A_877, %eq3A_881 : vector<256x256xf32>
    %jit3A_883 = arith.constant 256 : i32
    %broadcast_in_dim3A_884 = vector.broadcast %jit3A_883 : i32 to vector<256x256xi32>
    %select_n3A_885 = arith.select %eq3A_882, %iota3A, %broadcast_in_dim3A_884 : vector<256x256xi1>, vector<256x256xi32>
    %reduce_min3A_886 = arith.constant dense<2147483647> : vector<256xi32>
    %reduce_min3A_887 = vector.multi_reduction <minsi>, %select_n3A_885, %reduce_min3A_886 [1] : vector<256x256xi32> to vector<256xi32>
    %broadcast_in_dim3A_888 = vector.shape_cast %reduce_min3A_887 : vector<256xi32> to vector<256x1xi32>
    %eq3A_889 = vector.broadcast %broadcast_in_dim3A_888 : vector<256x1xi32> to vector<256x256xi32>
    %eq3A_890 = arith.cmpi eq, %iota3A, %eq3A_889 : vector<256x256xi32>
    %jit3A_891 = arith.constant 0x7F800000 : f32
    %broadcast_in_dim3A_892 = vector.broadcast %jit3A_891 : f32 to vector<256x256xf32>
    %select_n3A_893 = arith.select %eq3A_890, %broadcast_in_dim3A_892, %select_n3A_877 : vector<256x256xi1>, vector<256x256xf32>
    %reduce_min3A_894 = arith.constant dense<0x7F800000> : vector<256xf32>
    %reduce_min3A_895 = vector.multi_reduction <minimumf>, %select_n3A_893, %reduce_min3A_894 [1] : vector<256x256xf32> to vector<256xf32>
    %broadcast_in_dim3A_896 = vector.shape_cast %reduce_min3A_895 : vector<256xf32> to vector<256x1xf32>
    %eq3A_897 = vector.broadcast %broadcast_in_dim3A_896 : vector<256x1xf32> to vector<256x256xf32>
    %eq3A_898 = arith.cmpf oeq, %select_n3A_893, %eq3A_897 : vector<256x256xf32>
    %jit3A_899 = arith.constant 256 : i32
    %broadcast_in_dim3A_900 = vector.broadcast %jit3A_899 : i32 to vector<256x256xi32>
    %select_n3A_901 = arith.select %eq3A_898, %iota3A, %broadcast_in_dim3A_900 : vector<256x256xi1>, vector<256x256xi32>
    %reduce_min3A_902 = arith.constant dense<2147483647> : vector<256xi32>
    %reduce_min3A_903 = vector.multi_reduction <minsi>, %select_n3A_901, %reduce_min3A_902 [1] : vector<256x256xi32> to vector<256xi32>
    %broadcast_in_dim3A_904 = vector.shape_cast %reduce_min3A_903 : vector<256xi32> to vector<256x1xi32>
    %eq3A_905 = vector.broadcast %broadcast_in_dim3A_904 : vector<256x1xi32> to vector<256x256xi32>
    %eq3A_906 = arith.cmpi eq, %iota3A, %eq3A_905 : vector<256x256xi32>
    %jit3A_907 = arith.constant 0x7F800000 : f32
    %broadcast_in_dim3A_908 = vector.broadcast %jit3A_907 : f32 to vector<256x256xf32>
    %select_n3A_909 = arith.select %eq3A_906, %broadcast_in_dim3A_908, %select_n3A_893 : vector<256x256xi1>, vector<256x256xf32>
    %reduce_min3A_910 = arith.constant dense<0x7F800000> : vector<256xf32>
    %reduce_min3A_911 = vector.multi_reduction <minimumf>, %select_n3A_909, %reduce_min3A_910 [1] : vector<256x256xf32> to vector<256xf32>
    %broadcast_in_dim3A_912 = vector.shape_cast %reduce_min3A_911 : vector<256xf32> to vector<256x1xf32>
    %eq3A_913 = vector.broadcast %broadcast_in_dim3A_912 : vector<256x1xf32> to vector<256x256xf32>
    %eq3A_914 = arith.cmpf oeq, %select_n3A_909, %eq3A_913 : vector<256x256xf32>
    %jit3A_915 = arith.constant 256 : i32
    %broadcast_in_dim3A_916 = vector.broadcast %jit3A_915 : i32 to vector<256x256xi32>
    %select_n3A_917 = arith.select %eq3A_914, %iota3A, %broadcast_in_dim3A_916 : vector<256x256xi1>, vector<256x256xi32>
    %reduce_min3A_918 = arith.constant dense<2147483647> : vector<256xi32>
    %reduce_min3A_919 = vector.multi_reduction <minsi>, %select_n3A_917, %reduce_min3A_918 [1] : vector<256x256xi32> to vector<256xi32>
    %broadcast_in_dim3A_920 = vector.shape_cast %reduce_min3A_919 : vector<256xi32> to vector<256x1xi32>
    %eq3A_921 = vector.broadcast %broadcast_in_dim3A_920 : vector<256x1xi32> to vector<256x256xi32>
    %eq3A_922 = arith.cmpi eq, %iota3A, %eq3A_921 : vector<256x256xi32>
    %jit3A_923 = arith.constant 0x7F800000 : f32
    %broadcast_in_dim3A_924 = vector.broadcast %jit3A_923 : f32 to vector<256x256xf32>
    %select_n3A_925 = arith.select %eq3A_922, %broadcast_in_dim3A_924, %select_n3A_909 : vector<256x256xi1>, vector<256x256xf32>
    %reduce_min3A_926 = arith.constant dense<0x7F800000> : vector<256xf32>
    %reduce_min3A_927 = vector.multi_reduction <minimumf>, %select_n3A_925, %reduce_min3A_926 [1] : vector<256x256xf32> to vector<256xf32>
    %broadcast_in_dim3A_928 = vector.shape_cast %reduce_min3A_927 : vector<256xf32> to vector<256x1xf32>
    %eq3A_929 = vector.broadcast %broadcast_in_dim3A_928 : vector<256x1xf32> to vector<256x256xf32>
    %eq3A_930 = arith.cmpf oeq, %select_n3A_925, %eq3A_929 : vector<256x256xf32>
    %jit3A_931 = arith.constant 256 : i32
    %broadcast_in_dim3A_932 = vector.broadcast %jit3A_931 : i32 to vector<256x256xi32>
    %select_n3A_933 = arith.select %eq3A_930, %iota3A, %broadcast_in_dim3A_932 : vector<256x256xi1>, vector<256x256xi32>
    %reduce_min3A_934 = arith.constant dense<2147483647> : vector<256xi32>
    %reduce_min3A_935 = vector.multi_reduction <minsi>, %select_n3A_933, %reduce_min3A_934 [1] : vector<256x256xi32> to vector<256xi32>
    %broadcast_in_dim3A_936 = vector.shape_cast %reduce_min3A_935 : vector<256xi32> to vector<256x1xi32>
    %eq3A_937 = vector.broadcast %broadcast_in_dim3A_936 : vector<256x1xi32> to vector<256x256xi32>
    %eq3A_938 = arith.cmpi eq, %iota3A, %eq3A_937 : vector<256x256xi32>
    %jit3A_939 = arith.constant 0x7F800000 : f32
    %broadcast_in_dim3A_940 = vector.broadcast %jit3A_939 : f32 to vector<256x256xf32>
    %select_n3A_941 = arith.select %eq3A_938, %broadcast_in_dim3A_940, %select_n3A_925 : vector<256x256xi1>, vector<256x256xf32>
    %reduce_min3A_942 = arith.constant dense<0x7F800000> : vector<256xf32>
    %reduce_min3A_943 = vector.multi_reduction <minimumf>, %select_n3A_941, %reduce_min3A_942 [1] : vector<256x256xf32> to vector<256xf32>
    %broadcast_in_dim3A_944 = vector.shape_cast %reduce_min3A_943 : vector<256xf32> to vector<256x1xf32>
    %eq3A_945 = vector.broadcast %broadcast_in_dim3A_944 : vector<256x1xf32> to vector<256x256xf32>
    %eq3A_946 = arith.cmpf oeq, %select_n3A_941, %eq3A_945 : vector<256x256xf32>
    %jit3A_947 = arith.constant 256 : i32
    %broadcast_in_dim3A_948 = vector.broadcast %jit3A_947 : i32 to vector<256x256xi32>
    %select_n3A_949 = arith.select %eq3A_946, %iota3A, %broadcast_in_dim3A_948 : vector<256x256xi1>, vector<256x256xi32>
    %reduce_min3A_950 = arith.constant dense<2147483647> : vector<256xi32>
    %reduce_min3A_951 = vector.multi_reduction <minsi>, %select_n3A_949, %reduce_min3A_950 [1] : vector<256x256xi32> to vector<256xi32>
    %broadcast_in_dim3A_952 = vector.shape_cast %reduce_min3A_951 : vector<256xi32> to vector<256x1xi32>
    %eq3A_953 = vector.broadcast %broadcast_in_dim3A_952 : vector<256x1xi32> to vector<256x256xi32>
    %eq3A_954 = arith.cmpi eq, %iota3A, %eq3A_953 : vector<256x256xi32>
    %jit3A_955 = arith.constant 0x7F800000 : f32
    %broadcast_in_dim3A_956 = vector.broadcast %jit3A_955 : f32 to vector<256x256xf32>
    %select_n3A_957 = arith.select %eq3A_954, %broadcast_in_dim3A_956, %select_n3A_941 : vector<256x256xi1>, vector<256x256xf32>
    %reduce_min3A_958 = arith.constant dense<0x7F800000> : vector<256xf32>
    %reduce_min3A_959 = vector.multi_reduction <minimumf>, %select_n3A_957, %reduce_min3A_958 [1] : vector<256x256xf32> to vector<256xf32>
    %broadcast_in_dim3A_960 = vector.shape_cast %reduce_min3A_959 : vector<256xf32> to vector<256x1xf32>
    %eq3A_961 = vector.broadcast %broadcast_in_dim3A_960 : vector<256x1xf32> to vector<256x256xf32>
    %eq3A_962 = arith.cmpf oeq, %select_n3A_957, %eq3A_961 : vector<256x256xf32>
    %jit3A_963 = arith.constant 256 : i32
    %broadcast_in_dim3A_964 = vector.broadcast %jit3A_963 : i32 to vector<256x256xi32>
    %select_n3A_965 = arith.select %eq3A_962, %iota3A, %broadcast_in_dim3A_964 : vector<256x256xi1>, vector<256x256xi32>
    %reduce_min3A_966 = arith.constant dense<2147483647> : vector<256xi32>
    %reduce_min3A_967 = vector.multi_reduction <minsi>, %select_n3A_965, %reduce_min3A_966 [1] : vector<256x256xi32> to vector<256xi32>
    %broadcast_in_dim3A_968 = vector.shape_cast %reduce_min3A_967 : vector<256xi32> to vector<256x1xi32>
    %eq3A_969 = vector.broadcast %broadcast_in_dim3A_968 : vector<256x1xi32> to vector<256x256xi32>
    %eq3A_970 = arith.cmpi eq, %iota3A, %eq3A_969 : vector<256x256xi32>
    %jit3A_971 = arith.constant 0x7F800000 : f32
    %broadcast_in_dim3A_972 = vector.broadcast %jit3A_971 : f32 to vector<256x256xf32>
    %select_n3A_973 = arith.select %eq3A_970, %broadcast_in_dim3A_972, %select_n3A_957 : vector<256x256xi1>, vector<256x256xf32>
    %reduce_min3A_974 = arith.constant dense<0x7F800000> : vector<256xf32>
    %reduce_min3A_975 = vector.multi_reduction <minimumf>, %select_n3A_973, %reduce_min3A_974 [1] : vector<256x256xf32> to vector<256xf32>
    %broadcast_in_dim3A_976 = vector.shape_cast %reduce_min3A_975 : vector<256xf32> to vector<256x1xf32>
    %eq3A_977 = vector.broadcast %broadcast_in_dim3A_976 : vector<256x1xf32> to vector<256x256xf32>
    %eq3A_978 = arith.cmpf oeq, %select_n3A_973, %eq3A_977 : vector<256x256xf32>
    %jit3A_979 = arith.constant 256 : i32
    %broadcast_in_dim3A_980 = vector.broadcast %jit3A_979 : i32 to vector<256x256xi32>
    %select_n3A_981 = arith.select %eq3A_978, %iota3A, %broadcast_in_dim3A_980 : vector<256x256xi1>, vector<256x256xi32>
    %reduce_min3A_982 = arith.constant dense<2147483647> : vector<256xi32>
    %reduce_min3A_983 = vector.multi_reduction <minsi>, %select_n3A_981, %reduce_min3A_982 [1] : vector<256x256xi32> to vector<256xi32>
    %broadcast_in_dim3A_984 = vector.shape_cast %reduce_min3A_983 : vector<256xi32> to vector<256x1xi32>
    %eq3A_985 = vector.broadcast %broadcast_in_dim3A_984 : vector<256x1xi32> to vector<256x256xi32>
    %eq3A_986 = arith.cmpi eq, %iota3A, %eq3A_985 : vector<256x256xi32>
    %jit3A_987 = arith.constant 0x7F800000 : f32
    %broadcast_in_dim3A_988 = vector.broadcast %jit3A_987 : f32 to vector<256x256xf32>
    %select_n3A_989 = arith.select %eq3A_986, %broadcast_in_dim3A_988, %select_n3A_973 : vector<256x256xi1>, vector<256x256xf32>
    %reduce_min3A_990 = arith.constant dense<0x7F800000> : vector<256xf32>
    %reduce_min3A_991 = vector.multi_reduction <minimumf>, %select_n3A_989, %reduce_min3A_990 [1] : vector<256x256xf32> to vector<256xf32>
    %broadcast_in_dim3A_992 = vector.shape_cast %reduce_min3A_991 : vector<256xf32> to vector<256x1xf32>
    %eq3A_993 = vector.broadcast %broadcast_in_dim3A_992 : vector<256x1xf32> to vector<256x256xf32>
    %eq3A_994 = arith.cmpf oeq, %select_n3A_989, %eq3A_993 : vector<256x256xf32>
    %jit3A_995 = arith.constant 256 : i32
    %broadcast_in_dim3A_996 = vector.broadcast %jit3A_995 : i32 to vector<256x256xi32>
    %select_n3A_997 = arith.select %eq3A_994, %iota3A, %broadcast_in_dim3A_996 : vector<256x256xi1>, vector<256x256xi32>
    %reduce_min3A_998 = arith.constant dense<2147483647> : vector<256xi32>
    %reduce_min3A_999 = vector.multi_reduction <minsi>, %select_n3A_997, %reduce_min3A_998 [1] : vector<256x256xi32> to vector<256xi32>
    %broadcast_in_dim3A_1000 = vector.shape_cast %reduce_min3A_999 : vector<256xi32> to vector<256x1xi32>
    %eq3A_1001 = vector.broadcast %broadcast_in_dim3A_1000 : vector<256x1xi32> to vector<256x256xi32>
    %eq3A_1002 = arith.cmpi eq, %iota3A, %eq3A_1001 : vector<256x256xi32>
    %jit3A_1003 = arith.constant 0x7F800000 : f32
    %broadcast_in_dim3A_1004 = vector.broadcast %jit3A_1003 : f32 to vector<256x256xf32>
    %select_n3A_1005 = arith.select %eq3A_1002, %broadcast_in_dim3A_1004, %select_n3A_989 : vector<256x256xi1>, vector<256x256xf32>
    %reduce_min3A_1006 = arith.constant dense<0x7F800000> : vector<256xf32>
    %reduce_min3A_1007 = vector.multi_reduction <minimumf>, %select_n3A_1005, %reduce_min3A_1006 [1] : vector<256x256xf32> to vector<256xf32>
    %broadcast_in_dim3A_1008 = vector.shape_cast %reduce_min3A_1007 : vector<256xf32> to vector<256x1xf32>
    %eq3A_1009 = vector.broadcast %broadcast_in_dim3A_1008 : vector<256x1xf32> to vector<256x256xf32>
    %eq3A_1010 = arith.cmpf oeq, %select_n3A_1005, %eq3A_1009 : vector<256x256xf32>
    %jit3A_1011 = arith.constant 256 : i32
    %broadcast_in_dim3A_1012 = vector.broadcast %jit3A_1011 : i32 to vector<256x256xi32>
    %select_n3A_1013 = arith.select %eq3A_1010, %iota3A, %broadcast_in_dim3A_1012 : vector<256x256xi1>, vector<256x256xi32>
    %reduce_min3A_1014 = arith.constant dense<2147483647> : vector<256xi32>
    %reduce_min3A_1015 = vector.multi_reduction <minsi>, %select_n3A_1013, %reduce_min3A_1014 [1] : vector<256x256xi32> to vector<256xi32>
    %broadcast_in_dim3A_1016 = vector.shape_cast %reduce_min3A_1015 : vector<256xi32> to vector<256x1xi32>
    %eq3A_1017 = vector.broadcast %broadcast_in_dim3A_1016 : vector<256x1xi32> to vector<256x256xi32>
    %eq3A_1018 = arith.cmpi eq, %iota3A, %eq3A_1017 : vector<256x256xi32>
    %jit3A_1019 = arith.constant 0x7F800000 : f32
    %broadcast_in_dim3A_1020 = vector.broadcast %jit3A_1019 : f32 to vector<256x256xf32>
    %select_n3A_1021 = arith.select %eq3A_1018, %broadcast_in_dim3A_1020, %select_n3A_1005 : vector<256x256xi1>, vector<256x256xf32>
    %reduce_min3A_1022 = arith.constant dense<0x7F800000> : vector<256xf32>
    %reduce_min3A_1023 = vector.multi_reduction <minimumf>, %select_n3A_1021, %reduce_min3A_1022 [1] : vector<256x256xf32> to vector<256xf32>
    %broadcast_in_dim3A_1024 = vector.shape_cast %reduce_min3A_1023 : vector<256xf32> to vector<256x1xf32>
    %eq3A_1025 = vector.broadcast %broadcast_in_dim3A_1024 : vector<256x1xf32> to vector<256x256xf32>
    %eq3A_1026 = arith.cmpf oeq, %select_n3A_1021, %eq3A_1025 : vector<256x256xf32>
    %jit3A_1027 = arith.constant 256 : i32
    %broadcast_in_dim3A_1028 = vector.broadcast %jit3A_1027 : i32 to vector<256x256xi32>
    %select_n3A_1029 = arith.select %eq3A_1026, %iota3A, %broadcast_in_dim3A_1028 : vector<256x256xi1>, vector<256x256xi32>
    %reduce_min3A_1030 = arith.constant dense<2147483647> : vector<256xi32>
    %reduce_min3A_1031 = vector.multi_reduction <minsi>, %select_n3A_1029, %reduce_min3A_1030 [1] : vector<256x256xi32> to vector<256xi32>
    %broadcast_in_dim3A_1032 = vector.shape_cast %reduce_min3A_1031 : vector<256xi32> to vector<256x1xi32>
    %eq3A_1033 = vector.broadcast %broadcast_in_dim3A_1032 : vector<256x1xi32> to vector<256x256xi32>
    %eq3A_1034 = arith.cmpi eq, %iota3A, %eq3A_1033 : vector<256x256xi32>
    %jit3A_1035 = arith.constant 0x7F800000 : f32
    %broadcast_in_dim3A_1036 = vector.broadcast %jit3A_1035 : f32 to vector<256x256xf32>
    %select_n3A_1037 = arith.select %eq3A_1034, %broadcast_in_dim3A_1036, %select_n3A_1021 : vector<256x256xi1>, vector<256x256xf32>
    %reduce_min3A_1038 = arith.constant dense<0x7F800000> : vector<256xf32>
    %reduce_min3A_1039 = vector.multi_reduction <minimumf>, %select_n3A_1037, %reduce_min3A_1038 [1] : vector<256x256xf32> to vector<256xf32>
    %broadcast_in_dim3A_1040 = vector.shape_cast %reduce_min3A_1039 : vector<256xf32> to vector<256x1xf32>
    %eq3A_1041 = vector.broadcast %broadcast_in_dim3A_1040 : vector<256x1xf32> to vector<256x256xf32>
    %eq3A_1042 = arith.cmpf oeq, %select_n3A_1037, %eq3A_1041 : vector<256x256xf32>
    %jit3A_1043 = arith.constant 256 : i32
    %broadcast_in_dim3A_1044 = vector.broadcast %jit3A_1043 : i32 to vector<256x256xi32>
    %select_n3A_1045 = arith.select %eq3A_1042, %iota3A, %broadcast_in_dim3A_1044 : vector<256x256xi1>, vector<256x256xi32>
    %reduce_min3A_1046 = arith.constant dense<2147483647> : vector<256xi32>
    %reduce_min3A_1047 = vector.multi_reduction <minsi>, %select_n3A_1045, %reduce_min3A_1046 [1] : vector<256x256xi32> to vector<256xi32>
    %broadcast_in_dim3A_1048 = vector.shape_cast %reduce_min3A_1047 : vector<256xi32> to vector<256x1xi32>
    %eq3A_1049 = vector.broadcast %broadcast_in_dim3A_1048 : vector<256x1xi32> to vector<256x256xi32>
    %eq3A_1050 = arith.cmpi eq, %iota3A, %eq3A_1049 : vector<256x256xi32>
    %jit3A_1051 = arith.constant 0x7F800000 : f32
    %broadcast_in_dim3A_1052 = vector.broadcast %jit3A_1051 : f32 to vector<256x256xf32>
    %select_n3A_1053 = arith.select %eq3A_1050, %broadcast_in_dim3A_1052, %select_n3A_1037 : vector<256x256xi1>, vector<256x256xf32>
    %reduce_min3A_1054 = arith.constant dense<0x7F800000> : vector<256xf32>
    %reduce_min3A_1055 = vector.multi_reduction <minimumf>, %select_n3A_1053, %reduce_min3A_1054 [1] : vector<256x256xf32> to vector<256xf32>
    %broadcast_in_dim3A_1056 = vector.shape_cast %reduce_min3A_1055 : vector<256xf32> to vector<256x1xf32>
    %eq3A_1057 = vector.broadcast %broadcast_in_dim3A_1056 : vector<256x1xf32> to vector<256x256xf32>
    %eq3A_1058 = arith.cmpf oeq, %select_n3A_1053, %eq3A_1057 : vector<256x256xf32>
    %jit3A_1059 = arith.constant 256 : i32
    %broadcast_in_dim3A_1060 = vector.broadcast %jit3A_1059 : i32 to vector<256x256xi32>
    %select_n3A_1061 = arith.select %eq3A_1058, %iota3A, %broadcast_in_dim3A_1060 : vector<256x256xi1>, vector<256x256xi32>
    %reduce_min3A_1062 = arith.constant dense<2147483647> : vector<256xi32>
    %reduce_min3A_1063 = vector.multi_reduction <minsi>, %select_n3A_1061, %reduce_min3A_1062 [1] : vector<256x256xi32> to vector<256xi32>
    %stack3A = vector.shape_cast %reduce_min3A_55 : vector<256xi32> to vector<256x1xi32>
    %stack3A_1064 = vector.shape_cast %reduce_min3A_71 : vector<256xi32> to vector<256x1xi32>
    %stack3A_1065 = vector.shape_cast %reduce_min3A_87 : vector<256xi32> to vector<256x1xi32>
    %stack3A_1066 = vector.shape_cast %reduce_min3A_103 : vector<256xi32> to vector<256x1xi32>
    %stack3A_1067 = vector.shape_cast %reduce_min3A_119 : vector<256xi32> to vector<256x1xi32>
    %stack3A_1068 = vector.shape_cast %reduce_min3A_135 : vector<256xi32> to vector<256x1xi32>
    %stack3A_1069 = vector.shape_cast %reduce_min3A_151 : vector<256xi32> to vector<256x1xi32>
    %stack3A_1070 = vector.shape_cast %reduce_min3A_167 : vector<256xi32> to vector<256x1xi32>
    %stack3A_1071 = vector.shape_cast %reduce_min3A_183 : vector<256xi32> to vector<256x1xi32>
    %stack3A_1072 = vector.shape_cast %reduce_min3A_199 : vector<256xi32> to vector<256x1xi32>
    %stack3A_1073 = vector.shape_cast %reduce_min3A_215 : vector<256xi32> to vector<256x1xi32>
    %stack3A_1074 = vector.shape_cast %reduce_min3A_231 : vector<256xi32> to vector<256x1xi32>
    %stack3A_1075 = vector.shape_cast %reduce_min3A_247 : vector<256xi32> to vector<256x1xi32>
    %stack3A_1076 = vector.shape_cast %reduce_min3A_263 : vector<256xi32> to vector<256x1xi32>
    %stack3A_1077 = vector.shape_cast %reduce_min3A_279 : vector<256xi32> to vector<256x1xi32>
    %stack3A_1078 = vector.shape_cast %reduce_min3A_295 : vector<256xi32> to vector<256x1xi32>
    %stack3A_1079 = vector.shape_cast %reduce_min3A_311 : vector<256xi32> to vector<256x1xi32>
    %stack3A_1080 = vector.shape_cast %reduce_min3A_327 : vector<256xi32> to vector<256x1xi32>
    %stack3A_1081 = vector.shape_cast %reduce_min3A_343 : vector<256xi32> to vector<256x1xi32>
    %stack3A_1082 = vector.shape_cast %reduce_min3A_359 : vector<256xi32> to vector<256x1xi32>
    %stack3A_1083 = vector.shape_cast %reduce_min3A_375 : vector<256xi32> to vector<256x1xi32>
    %stack3A_1084 = vector.shape_cast %reduce_min3A_391 : vector<256xi32> to vector<256x1xi32>
    %stack3A_1085 = vector.shape_cast %reduce_min3A_407 : vector<256xi32> to vector<256x1xi32>
    %stack3A_1086 = vector.shape_cast %reduce_min3A_423 : vector<256xi32> to vector<256x1xi32>
    %stack3A_1087 = vector.shape_cast %reduce_min3A_439 : vector<256xi32> to vector<256x1xi32>
    %stack3A_1088 = vector.shape_cast %reduce_min3A_455 : vector<256xi32> to vector<256x1xi32>
    %stack3A_1089 = vector.shape_cast %reduce_min3A_471 : vector<256xi32> to vector<256x1xi32>
    %stack3A_1090 = vector.shape_cast %reduce_min3A_487 : vector<256xi32> to vector<256x1xi32>
    %stack3A_1091 = vector.shape_cast %reduce_min3A_503 : vector<256xi32> to vector<256x1xi32>
    %stack3A_1092 = vector.shape_cast %reduce_min3A_519 : vector<256xi32> to vector<256x1xi32>
    %stack3A_1093 = vector.shape_cast %reduce_min3A_535 : vector<256xi32> to vector<256x1xi32>
    %stack3A_1094 = vector.shape_cast %reduce_min3A_551 : vector<256xi32> to vector<256x1xi32>
    %stack3A_1095 = vector.shape_cast %reduce_min3A_567 : vector<256xi32> to vector<256x1xi32>
    %stack3A_1096 = vector.shape_cast %reduce_min3A_583 : vector<256xi32> to vector<256x1xi32>
    %stack3A_1097 = vector.shape_cast %reduce_min3A_599 : vector<256xi32> to vector<256x1xi32>
    %stack3A_1098 = vector.shape_cast %reduce_min3A_615 : vector<256xi32> to vector<256x1xi32>
    %stack3A_1099 = vector.shape_cast %reduce_min3A_631 : vector<256xi32> to vector<256x1xi32>
    %stack3A_1100 = vector.shape_cast %reduce_min3A_647 : vector<256xi32> to vector<256x1xi32>
    %stack3A_1101 = vector.shape_cast %reduce_min3A_663 : vector<256xi32> to vector<256x1xi32>
    %stack3A_1102 = vector.shape_cast %reduce_min3A_679 : vector<256xi32> to vector<256x1xi32>
    %stack3A_1103 = vector.shape_cast %reduce_min3A_695 : vector<256xi32> to vector<256x1xi32>
    %stack3A_1104 = vector.shape_cast %reduce_min3A_711 : vector<256xi32> to vector<256x1xi32>
    %stack3A_1105 = vector.shape_cast %reduce_min3A_727 : vector<256xi32> to vector<256x1xi32>
    %stack3A_1106 = vector.shape_cast %reduce_min3A_743 : vector<256xi32> to vector<256x1xi32>
    %stack3A_1107 = vector.shape_cast %reduce_min3A_759 : vector<256xi32> to vector<256x1xi32>
    %stack3A_1108 = vector.shape_cast %reduce_min3A_775 : vector<256xi32> to vector<256x1xi32>
    %stack3A_1109 = vector.shape_cast %reduce_min3A_791 : vector<256xi32> to vector<256x1xi32>
    %stack3A_1110 = vector.shape_cast %reduce_min3A_807 : vector<256xi32> to vector<256x1xi32>
    %stack3A_1111 = vector.shape_cast %reduce_min3A_823 : vector<256xi32> to vector<256x1xi32>
    %stack3A_1112 = vector.shape_cast %reduce_min3A_839 : vector<256xi32> to vector<256x1xi32>
    %stack3A_1113 = vector.shape_cast %reduce_min3A_855 : vector<256xi32> to vector<256x1xi32>
    %stack3A_1114 = vector.shape_cast %reduce_min3A_871 : vector<256xi32> to vector<256x1xi32>
    %stack3A_1115 = vector.shape_cast %reduce_min3A_887 : vector<256xi32> to vector<256x1xi32>
    %stack3A_1116 = vector.shape_cast %reduce_min3A_903 : vector<256xi32> to vector<256x1xi32>
    %stack3A_1117 = vector.shape_cast %reduce_min3A_919 : vector<256xi32> to vector<256x1xi32>
    %stack3A_1118 = vector.shape_cast %reduce_min3A_935 : vector<256xi32> to vector<256x1xi32>
    %stack3A_1119 = vector.shape_cast %reduce_min3A_951 : vector<256xi32> to vector<256x1xi32>
    %stack3A_1120 = vector.shape_cast %reduce_min3A_967 : vector<256xi32> to vector<256x1xi32>
    %stack3A_1121 = vector.shape_cast %reduce_min3A_983 : vector<256xi32> to vector<256x1xi32>
    %stack3A_1122 = vector.shape_cast %reduce_min3A_999 : vector<256xi32> to vector<256x1xi32>
    %stack3A_1123 = vector.shape_cast %reduce_min3A_1015 : vector<256xi32> to vector<256x1xi32>
    %stack3A_1124 = vector.shape_cast %reduce_min3A_1031 : vector<256xi32> to vector<256x1xi32>
    %stack3A_1125 = vector.shape_cast %reduce_min3A_1047 : vector<256xi32> to vector<256x1xi32>
    %stack3A_1126 = vector.shape_cast %reduce_min3A_1063 : vector<256xi32> to vector<256x1xi32>
    %stack3A_1127 = tpu.concatenate %stack3A, %stack3A_1064, %stack3A_1065, %stack3A_1066, %stack3A_1067, %stack3A_1068, %stack3A_1069, %stack3A_1070, %stack3A_1071, %stack3A_1072, %stack3A_1073, %stack3A_1074, %stack3A_1075, %stack3A_1076, %stack3A_1077, %stack3A_1078, %stack3A_1079, %stack3A_1080, %stack3A_1081, %stack3A_1082, %stack3A_1083, %stack3A_1084, %stack3A_1085, %stack3A_1086, %stack3A_1087, %stack3A_1088, %stack3A_1089, %stack3A_1090, %stack3A_1091, %stack3A_1092, %stack3A_1093, %stack3A_1094, %stack3A_1095, %stack3A_1096, %stack3A_1097, %stack3A_1098, %stack3A_1099, %stack3A_1100, %stack3A_1101, %stack3A_1102, %stack3A_1103, %stack3A_1104, %stack3A_1105, %stack3A_1106, %stack3A_1107, %stack3A_1108, %stack3A_1109, %stack3A_1110, %stack3A_1111, %stack3A_1112, %stack3A_1113, %stack3A_1114, %stack3A_1115, %stack3A_1116, %stack3A_1117, %stack3A_1118, %stack3A_1119, %stack3A_1120, %stack3A_1121, %stack3A_1122, %stack3A_1123, %stack3A_1124, %stack3A_1125, %stack3A_1126 in 1 : vector<256x1xi32>, vector<256x1xi32>, vector<256x1xi32>, vector<256x1xi32>, vector<256x1xi32>, vector<256x1xi32>, vector<256x1xi32>, vector<256x1xi32>, vector<256x1xi32>, vector<256x1xi32>, vector<256x1xi32>, vector<256x1xi32>, vector<256x1xi32>, vector<256x1xi32>, vector<256x1xi32>, vector<256x1xi32>, vector<256x1xi32>, vector<256x1xi32>, vector<256x1xi32>, vector<256x1xi32>, vector<256x1xi32>, vector<256x1xi32>, vector<256x1xi32>, vector<256x1xi32>, vector<256x1xi32>, vector<256x1xi32>, vector<256x1xi32>, vector<256x1xi32>, vector<256x1xi32>, vector<256x1xi32>, vector<256x1xi32>, vector<256x1xi32>, vector<256x1xi32>, vector<256x1xi32>, vector<256x1xi32>, vector<256x1xi32>, vector<256x1xi32>, vector<256x1xi32>, vector<256x1xi32>, vector<256x1xi32>, vector<256x1xi32>, vector<256x1xi32>, vector<256x1xi32>, vector<256x1xi32>, vector<256x1xi32>, vector<256x1xi32>, vector<256x1xi32>, vector<256x1xi32>, vector<256x1xi32>, vector<256x1xi32>, vector<256x1xi32>, vector<256x1xi32>, vector<256x1xi32>, vector<256x1xi32>, vector<256x1xi32>, vector<256x1xi32>, vector<256x1xi32>, vector<256x1xi32>, vector<256x1xi32>, vector<256x1xi32>, vector<256x1xi32>, vector<256x1xi32>, vector<256x1xi32>, vector<256x1xi32> -> vector<256x64xi32>
    %swap3A = arith.constant 0 : index
    %swap3A_1128 = arith.constant 0 : index
    %swap3A_1129 = arith.constant 0 : index
    %swap3A_1130 = vector.load %arg3[%swap3A, %swap3A_1128, %swap3A_1129] : memref<1x256x64xi32, #tpu.memory_space<vmem>>, vector<1x256x64xi32>
    %swap3A_1131 = vector.shape_cast %swap3A_1130 : vector<1x256x64xi32> to vector<256x64xi32>
    %swap3A_1132 = vector.shape_cast %stack3A_1127 : vector<256x64xi32> to vector<1x256x64xi32>
    tpu.vector_store %arg3[%swap3A, %swap3A_1128, %swap3A_1129], %swap3A_1132 {strides = array<i32>} : memref<1x256x64xi32, #tpu.memory_space<vmem>>, vector<1x256x64xi32>,
    return
  }
  func.func @transform_0(%arg0: i32) -> (i32, i32, i32) {
    %c0_i32 = arith.constant 0 : i32
    %c0_i32_0 = arith.constant 0 : i32
    %c0_i32_1 = arith.constant 0 : i32
    return %arg0, %c0_i32, %c0_i32_0 : i32, i32, i32
  }
  func.func @transform_1(%arg0: i32) -> (i32, i32, i32) {
    %c0_i32 = arith.constant 0 : i32
    %c0_i32_0 = arith.constant 0 : i32
    %c0_i32_1 = arith.constant 0 : i32
    return %arg0, %c0_i32, %c0_i32_0 : i32, i32, i32
  }
  func.func @transform_2(%arg0: i32) -> (i32, i32, i32) {
    %c0_i32 = arith.constant 0 : i32
    %c0_i32_0 = arith.constant 0 : i32
    %c0_i32_1 = arith.constant 0 : i32
    return %arg0, %c0_i32, %c0_i32_0 : i32, i32, i32
  }
}

module attributes {stable_mosaic.version = 14 : i64} {
  func.func @_fps_body(%arg0: i32, %arg1: memref<8x3x256xf32, #tpu.memory_space<vmem>>, %arg2: memref<8x256x3xf32, #tpu.memory_space<vmem>>, %arg3: memref<64x8xi32, #tpu.memory_space<vmem>>) attributes {dimension_semantics = [#tpu.dimension_semantics<arbitrary>], iteration_bounds = array<i64: 1>, scalar_prefetch = 0 : i64, scratch_operands = 0 : i64, tpu.core_type = #tpu.core_type<tc>, window_params = [{pipeline_mode = #tpu.pipeline_mode<synchronous>, transform_indices = @transform_0, window_bounds = array<i64: 8, 3, 256>}, {pipeline_mode = #tpu.pipeline_mode<synchronous>, transform_indices = @transform_1, window_bounds = array<i64: 8, 256, 3>}, {pipeline_mode = #tpu.pipeline_mode<synchronous>, transform_indices = @transform_2, window_bounds = array<i64: 64, 8>}]} {
    %get3A = arith.constant 0 : index
    %get3A_0 = arith.constant 0 : index
    %get3A_1 = arith.constant 0 : index
    %get3A_2 = vector.load %arg1[%get3A, %get3A_0, %get3A_1] : memref<8x3x256xf32, #tpu.memory_space<vmem>>, vector<8x3x256xf32>
    %broadcast_in_dim3A = arith.constant 1.000000e+10 : f32
    %broadcast_in_dim3A_3 = vector.broadcast %broadcast_in_dim3A : f32 to vector<8x256xf32>
    %broadcast_in_dim3A_4 = arith.constant 0 : i32
    %broadcast_in_dim3A_5 = vector.broadcast %broadcast_in_dim3A_4 : i32 to vector<8xi32>
    %scan3A = arith.constant 0 : i32
    %scan3A_6 = arith.constant 64 : i32
    %scan3A_7 = arith.addi %scan3A, %scan3A_6 : i32
    %scan3A_8 = arith.constant 1 : i32
    %scan3A_9:2 = scf.for %scan3A_11 = %scan3A to %scan3A_7 step %scan3A_8 iter_args(%scan3A_12 = %broadcast_in_dim3A_3, %scan3A_13 = %broadcast_in_dim3A_5) -> (vector<8x256xf32>, vector<8xi32>)  : i32 {
      %slice3A = vector.extract_strided_slice %scan3A_13 {offsets = [0], sizes = [1], strides = [1]} : vector<8xi32> to vector<1xi32>
      %squeeze3A = vector.extract %slice3A[0] : i32 from vector<1xi32>
      %get3A_14 = arith.constant 0 : index
      %get3A_15 = arith.index_cast %squeeze3A : i32 to index
      %get3A_16 = arith.constant 0 : index
      %get3A_17 = vector.load %arg2[%get3A_14, %get3A_15, %get3A_16] : memref<8x256x3xf32, #tpu.memory_space<vmem>>, vector<1x1x3xf32>
      %get3A_18 = vector.shape_cast %get3A_17 : vector<1x1x3xf32> to vector<1x3xf32>
      %slice3A_19 = vector.extract_strided_slice %scan3A_13 {offsets = [1], sizes = [1], strides = [1]} : vector<8xi32> to vector<1xi32>
      %squeeze3A_20 = vector.extract %slice3A_19[0] : i32 from vector<1xi32>
      %get3A_21 = arith.constant 1 : index
      %get3A_22 = arith.index_cast %squeeze3A_20 : i32 to index
      %get3A_23 = arith.constant 0 : index
      %get3A_24 = vector.load %arg2[%get3A_21, %get3A_22, %get3A_23] : memref<8x256x3xf32, #tpu.memory_space<vmem>>, vector<1x1x3xf32>
      %get3A_25 = vector.shape_cast %get3A_24 : vector<1x1x3xf32> to vector<1x3xf32>
      %slice3A_26 = vector.extract_strided_slice %scan3A_13 {offsets = [2], sizes = [1], strides = [1]} : vector<8xi32> to vector<1xi32>
      %squeeze3A_27 = vector.extract %slice3A_26[0] : i32 from vector<1xi32>
      %get3A_28 = arith.constant 2 : index
      %get3A_29 = arith.index_cast %squeeze3A_27 : i32 to index
      %get3A_30 = arith.constant 0 : index
      %get3A_31 = vector.load %arg2[%get3A_28, %get3A_29, %get3A_30] : memref<8x256x3xf32, #tpu.memory_space<vmem>>, vector<1x1x3xf32>
      %get3A_32 = vector.shape_cast %get3A_31 : vector<1x1x3xf32> to vector<1x3xf32>
      %slice3A_33 = vector.extract_strided_slice %scan3A_13 {offsets = [3], sizes = [1], strides = [1]} : vector<8xi32> to vector<1xi32>
      %squeeze3A_34 = vector.extract %slice3A_33[0] : i32 from vector<1xi32>
      %get3A_35 = arith.constant 3 : index
      %get3A_36 = arith.index_cast %squeeze3A_34 : i32 to index
      %get3A_37 = arith.constant 0 : index
      %get3A_38 = vector.load %arg2[%get3A_35, %get3A_36, %get3A_37] : memref<8x256x3xf32, #tpu.memory_space<vmem>>, vector<1x1x3xf32>
      %get3A_39 = vector.shape_cast %get3A_38 : vector<1x1x3xf32> to vector<1x3xf32>
      %slice3A_40 = vector.extract_strided_slice %scan3A_13 {offsets = [4], sizes = [1], strides = [1]} : vector<8xi32> to vector<1xi32>
      %squeeze3A_41 = vector.extract %slice3A_40[0] : i32 from vector<1xi32>
      %get3A_42 = arith.constant 4 : index
      %get3A_43 = arith.index_cast %squeeze3A_41 : i32 to index
      %get3A_44 = arith.constant 0 : index
      %get3A_45 = vector.load %arg2[%get3A_42, %get3A_43, %get3A_44] : memref<8x256x3xf32, #tpu.memory_space<vmem>>, vector<1x1x3xf32>
      %get3A_46 = vector.shape_cast %get3A_45 : vector<1x1x3xf32> to vector<1x3xf32>
      %slice3A_47 = vector.extract_strided_slice %scan3A_13 {offsets = [5], sizes = [1], strides = [1]} : vector<8xi32> to vector<1xi32>
      %squeeze3A_48 = vector.extract %slice3A_47[0] : i32 from vector<1xi32>
      %get3A_49 = arith.constant 5 : index
      %get3A_50 = arith.index_cast %squeeze3A_48 : i32 to index
      %get3A_51 = arith.constant 0 : index
      %get3A_52 = vector.load %arg2[%get3A_49, %get3A_50, %get3A_51] : memref<8x256x3xf32, #tpu.memory_space<vmem>>, vector<1x1x3xf32>
      %get3A_53 = vector.shape_cast %get3A_52 : vector<1x1x3xf32> to vector<1x3xf32>
      %slice3A_54 = vector.extract_strided_slice %scan3A_13 {offsets = [6], sizes = [1], strides = [1]} : vector<8xi32> to vector<1xi32>
      %squeeze3A_55 = vector.extract %slice3A_54[0] : i32 from vector<1xi32>
      %get3A_56 = arith.constant 6 : index
      %get3A_57 = arith.index_cast %squeeze3A_55 : i32 to index
      %get3A_58 = arith.constant 0 : index
      %get3A_59 = vector.load %arg2[%get3A_56, %get3A_57, %get3A_58] : memref<8x256x3xf32, #tpu.memory_space<vmem>>, vector<1x1x3xf32>
      %get3A_60 = vector.shape_cast %get3A_59 : vector<1x1x3xf32> to vector<1x3xf32>
      %slice3A_61 = vector.extract_strided_slice %scan3A_13 {offsets = [7], sizes = [1], strides = [1]} : vector<8xi32> to vector<1xi32>
      %squeeze3A_62 = vector.extract %slice3A_61[0] : i32 from vector<1xi32>
      %get3A_63 = arith.constant 7 : index
      %get3A_64 = arith.index_cast %squeeze3A_62 : i32 to index
      %get3A_65 = arith.constant 0 : index
      %get3A_66 = vector.load %arg2[%get3A_63, %get3A_64, %get3A_65] : memref<8x256x3xf32, #tpu.memory_space<vmem>>, vector<1x1x3xf32>
      %get3A_67 = vector.shape_cast %get3A_66 : vector<1x1x3xf32> to vector<1x3xf32>
      %concatenate3A = tpu.concatenate %get3A_18, %get3A_25, %get3A_32, %get3A_39, %get3A_46, %get3A_53, %get3A_60, %get3A_67 in 0 : vector<1x3xf32>, vector<1x3xf32>, vector<1x3xf32>, vector<1x3xf32>, vector<1x3xf32>, vector<1x3xf32>, vector<1x3xf32>, vector<1x3xf32> -> vector<8x3xf32>
      %broadcast_in_dim3A_68 = vector.shape_cast %concatenate3A : vector<8x3xf32> to vector<8x3x1xf32>
      %sub3A = vector.broadcast %broadcast_in_dim3A_68 : vector<8x3x1xf32> to vector<8x3x256xf32>
      %sub3A_69 = arith.subf %get3A_2, %sub3A : vector<8x3x256xf32>
      %integer_pow3A = arith.mulf %sub3A_69, %sub3A_69 : vector<8x3x256xf32>
      %reduce_sum3A = arith.constant dense<0.000000e+00> : vector<8x256xf32>
      %reduce_sum3A_70 = vector.multi_reduction <add>, %integer_pow3A, %reduce_sum3A [1] : vector<8x3x256xf32> to vector<8x256xf32>
      %min3A = arith.minimumf %scan3A_12, %reduce_sum3A_70 : vector<8x256xf32>
      %reduce_max3A = arith.constant dense<0xFF800000> : vector<8xf32>
      %reduce_max3A_71 = vector.multi_reduction <maximumf>, %min3A, %reduce_max3A [1] : vector<8x256xf32> to vector<8xf32>
      %iota3A = tpu.iota {dimensions = array<i32: 1>} : vector<8x256xi32>
      %broadcast_in_dim3A_72 = vector.shape_cast %reduce_max3A_71 : vector<8xf32> to vector<8x1xf32>
      %eq3A = vector.broadcast %broadcast_in_dim3A_72 : vector<8x1xf32> to vector<8x256xf32>
      %eq3A_73 = arith.cmpf oeq, %min3A, %eq3A : vector<8x256xf32>
      %jit3A = arith.constant 256 : i32
      %broadcast_in_dim3A_74 = vector.broadcast %jit3A : i32 to vector<8x256xi32>
      %select_n3A = arith.select %eq3A_73, %iota3A, %broadcast_in_dim3A_74 : vector<8x256xi1>, vector<8x256xi32>
      %reduce_min3A = arith.constant dense<2147483647> : vector<8xi32>
      %reduce_min3A_75 = vector.multi_reduction <minsi>, %select_n3A, %reduce_min3A [1] : vector<8x256xi32> to vector<8xi32>
      %broadcast_in_dim3A_76 = vector.shape_cast %scan3A_13 : vector<8xi32> to vector<1x8xi32>
      %swap3A = arith.index_cast %scan3A_11 : i32 to index
      %swap3A_77 = arith.constant 0 : index
      %swap3A_78 = vector.load %arg3[%swap3A, %swap3A_77] : memref<64x8xi32, #tpu.memory_space<vmem>>, vector<1x8xi32>
      tpu.vector_store %arg3[%swap3A, %swap3A_77], %broadcast_in_dim3A_76 {strides = array<i32>} : memref<64x8xi32, #tpu.memory_space<vmem>>, vector<1x8xi32>,
      scf.yield %min3A, %reduce_min3A_75 : vector<8x256xf32>, vector<8xi32>
    }
    %scan3A_10 = arith.constant 64 : i32
    return
  }
  func.func @transform_0(%arg0: i32) -> (i32, i32, i32) {
    %c0_i32 = arith.constant 0 : i32
    %c0_i32_0 = arith.constant 0 : i32
    %c0_i32_1 = arith.constant 0 : i32
    %c0_i32_2 = arith.constant 0 : i32
    return %c0_i32, %c0_i32_0, %c0_i32_1 : i32, i32, i32
  }
  func.func @transform_1(%arg0: i32) -> (i32, i32, i32) {
    %c0_i32 = arith.constant 0 : i32
    %c0_i32_0 = arith.constant 0 : i32
    %c0_i32_1 = arith.constant 0 : i32
    %c0_i32_2 = arith.constant 0 : i32
    return %c0_i32, %c0_i32_0, %c0_i32_1 : i32, i32, i32
  }
  func.func @transform_2(%arg0: i32) -> (i32, i32) {
    %c0_i32 = arith.constant 0 : i32
    %c0_i32_0 = arith.constant 0 : i32
    %c0_i32_1 = arith.constant 0 : i32
    return %c0_i32, %c0_i32_0 : i32, i32
  }
}

module attributes {stable_mosaic.version = 14 : i64} {
  func.func @_knn_body(%arg0: i32, %arg1: memref<1x3x256xf32, #tpu.memory_space<vmem>>, %arg2: memref<1x3x64xf32, #tpu.memory_space<vmem>>, %arg3: memref<1x256x8xi32, #tpu.memory_space<vmem>>) attributes {dimension_semantics = [#tpu.dimension_semantics<arbitrary>], iteration_bounds = array<i64: 8>, scalar_prefetch = 0 : i64, scratch_operands = 0 : i64, tpu.core_type = #tpu.core_type<tc>, window_params = [{transform_indices = @transform_0, window_bounds = array<i64: 1, 3, 256>}, {transform_indices = @transform_1, window_bounds = array<i64: 1, 3, 64>}, {transform_indices = @transform_2, window_bounds = array<i64: 1, 256, 8>}]} {
    %get3A = arith.constant 0 : index
    %get3A_0 = arith.constant 0 : index
    %get3A_1 = arith.constant 0 : index
    %get3A_2 = vector.load %arg1[%get3A, %get3A_0, %get3A_1] : memref<1x3x256xf32, #tpu.memory_space<vmem>>, vector<1x3x256xf32>
    %get3A_3 = vector.shape_cast %get3A_2 : vector<1x3x256xf32> to vector<3x256xf32>
    %get3A_4 = arith.constant 0 : index
    %get3A_5 = arith.constant 0 : index
    %get3A_6 = arith.constant 0 : index
    %get3A_7 = vector.load %arg2[%get3A_4, %get3A_5, %get3A_6] : memref<1x3x64xf32, #tpu.memory_space<vmem>>, vector<1x3x64xf32>
    %get3A_8 = vector.shape_cast %get3A_7 : vector<1x3x64xf32> to vector<3x64xf32>
    %convert_element_type3A = arith.truncf %get3A_3 : vector<3x256xf32> to vector<3x256xbf16>
    %convert_element_type3A_9 = arith.extf %convert_element_type3A : vector<3x256xbf16> to vector<3x256xf32>
    %convert_element_type3A_10 = arith.truncf %get3A_8 : vector<3x64xf32> to vector<3x64xbf16>
    %convert_element_type3A_11 = arith.extf %convert_element_type3A_10 : vector<3x64xbf16> to vector<3x64xf32>
    %slice3A = vector.extract_strided_slice %convert_element_type3A_9 {offsets = [0, 0], sizes = [1, 256], strides = [1, 1]} : vector<3x256xf32> to vector<1x256xf32>
    %squeeze3A = vector.shape_cast %slice3A : vector<1x256xf32> to vector<256xf32>
    %broadcast_in_dim3A = vector.shape_cast %squeeze3A : vector<256xf32> to vector<256x1xf32>
    %slice3A_12 = vector.extract_strided_slice %convert_element_type3A_11 {offsets = [0, 0], sizes = [1, 64], strides = [1, 1]} : vector<3x64xf32> to vector<1x64xf32>
    %squeeze3A_13 = vector.shape_cast %slice3A_12 : vector<1x64xf32> to vector<64xf32>
    %broadcast_in_dim3A_14 = vector.shape_cast %squeeze3A_13 : vector<64xf32> to vector<1x64xf32>
    %mul3A = vector.broadcast %broadcast_in_dim3A : vector<256x1xf32> to vector<256x64xf32>
    %mul3A_15 = vector.broadcast %broadcast_in_dim3A_14 : vector<1x64xf32> to vector<256x64xf32>
    %mul3A_16 = arith.mulf %mul3A, %mul3A_15 : vector<256x64xf32>
    %slice3A_17 = vector.extract_strided_slice %convert_element_type3A_9 {offsets = [1, 0], sizes = [1, 256], strides = [1, 1]} : vector<3x256xf32> to vector<1x256xf32>
    %squeeze3A_18 = vector.shape_cast %slice3A_17 : vector<1x256xf32> to vector<256xf32>
    %broadcast_in_dim3A_19 = vector.shape_cast %squeeze3A_18 : vector<256xf32> to vector<256x1xf32>
    %slice3A_20 = vector.extract_strided_slice %convert_element_type3A_11 {offsets = [1, 0], sizes = [1, 64], strides = [1, 1]} : vector<3x64xf32> to vector<1x64xf32>
    %squeeze3A_21 = vector.shape_cast %slice3A_20 : vector<1x64xf32> to vector<64xf32>
    %broadcast_in_dim3A_22 = vector.shape_cast %squeeze3A_21 : vector<64xf32> to vector<1x64xf32>
    %mul3A_23 = vector.broadcast %broadcast_in_dim3A_19 : vector<256x1xf32> to vector<256x64xf32>
    %mul3A_24 = vector.broadcast %broadcast_in_dim3A_22 : vector<1x64xf32> to vector<256x64xf32>
    %mul3A_25 = arith.mulf %mul3A_23, %mul3A_24 : vector<256x64xf32>
    %add3A = arith.addf %mul3A_16, %mul3A_25 : vector<256x64xf32>
    %slice3A_26 = vector.extract_strided_slice %convert_element_type3A_9 {offsets = [2, 0], sizes = [1, 256], strides = [1, 1]} : vector<3x256xf32> to vector<1x256xf32>
    %squeeze3A_27 = vector.shape_cast %slice3A_26 : vector<1x256xf32> to vector<256xf32>
    %broadcast_in_dim3A_28 = vector.shape_cast %squeeze3A_27 : vector<256xf32> to vector<256x1xf32>
    %slice3A_29 = vector.extract_strided_slice %convert_element_type3A_11 {offsets = [2, 0], sizes = [1, 64], strides = [1, 1]} : vector<3x64xf32> to vector<1x64xf32>
    %squeeze3A_30 = vector.shape_cast %slice3A_29 : vector<1x64xf32> to vector<64xf32>
    %broadcast_in_dim3A_31 = vector.shape_cast %squeeze3A_30 : vector<64xf32> to vector<1x64xf32>
    %mul3A_32 = vector.broadcast %broadcast_in_dim3A_28 : vector<256x1xf32> to vector<256x64xf32>
    %mul3A_33 = vector.broadcast %broadcast_in_dim3A_31 : vector<1x64xf32> to vector<256x64xf32>
    %mul3A_34 = arith.mulf %mul3A_32, %mul3A_33 : vector<256x64xf32>
    %add3A_35 = arith.addf %add3A, %mul3A_34 : vector<256x64xf32>
    %mul3A_36 = arith.constant -2.000000e+00 : f32
    %mul3A_37 = vector.broadcast %mul3A_36 : f32 to vector<256x64xf32>
    %mul3A_38 = arith.mulf %mul3A_37, %add3A_35 : vector<256x64xf32>
    %mul3A_39 = arith.mulf %get3A_3, %get3A_3 : vector<3x256xf32>
    %reduce_sum3A = arith.constant dense<0.000000e+00> : vector<256xf32>
    %reduce_sum3A_40 = vector.multi_reduction <add>, %mul3A_39, %reduce_sum3A [0] : vector<3x256xf32> to vector<256xf32>
    %broadcast_in_dim3A_41 = vector.shape_cast %reduce_sum3A_40 : vector<256xf32> to vector<256x1xf32>
    %add3A_42 = vector.broadcast %broadcast_in_dim3A_41 : vector<256x1xf32> to vector<256x64xf32>
    %add3A_43 = arith.addf %mul3A_38, %add3A_42 : vector<256x64xf32>
    %mul3A_44 = arith.mulf %get3A_8, %get3A_8 : vector<3x64xf32>
    %reduce_sum3A_45 = arith.constant dense<0.000000e+00> : vector<64xf32>
    %reduce_sum3A_46 = vector.multi_reduction <add>, %mul3A_44, %reduce_sum3A_45 [0] : vector<3x64xf32> to vector<64xf32>
    %broadcast_in_dim3A_47 = vector.shape_cast %reduce_sum3A_46 : vector<64xf32> to vector<1x64xf32>
    %add3A_48 = vector.broadcast %broadcast_in_dim3A_47 : vector<1x64xf32> to vector<256x64xf32>
    %add3A_49 = arith.addf %add3A_43, %add3A_48 : vector<256x64xf32>
    %iota3A = tpu.iota {dimensions = array<i32: 1>} : vector<256x64xi32>
    %reduce_min3A = arith.constant dense<0x7F800000> : vector<256xf32>
    %reduce_min3A_50 = vector.multi_reduction <minimumf>, %add3A_49, %reduce_min3A [1] : vector<256x64xf32> to vector<256xf32>
    %broadcast_in_dim3A_51 = vector.shape_cast %reduce_min3A_50 : vector<256xf32> to vector<256x1xf32>
    %eq3A = vector.broadcast %broadcast_in_dim3A_51 : vector<256x1xf32> to vector<256x64xf32>
    %eq3A_52 = arith.cmpf oeq, %add3A_49, %eq3A : vector<256x64xf32>
    %jit3A = arith.constant 64 : i32
    %broadcast_in_dim3A_53 = vector.broadcast %jit3A : i32 to vector<256x64xi32>
    %select_n3A = arith.select %eq3A_52, %iota3A, %broadcast_in_dim3A_53 : vector<256x64xi1>, vector<256x64xi32>
    %reduce_min3A_54 = arith.constant dense<2147483647> : vector<256xi32>
    %reduce_min3A_55 = vector.multi_reduction <minsi>, %select_n3A, %reduce_min3A_54 [1] : vector<256x64xi32> to vector<256xi32>
    %broadcast_in_dim3A_56 = vector.shape_cast %reduce_min3A_55 : vector<256xi32> to vector<256x1xi32>
    %eq3A_57 = vector.broadcast %broadcast_in_dim3A_56 : vector<256x1xi32> to vector<256x64xi32>
    %eq3A_58 = arith.cmpi eq, %iota3A, %eq3A_57 : vector<256x64xi32>
    %jit3A_59 = arith.constant 0x7F800000 : f32
    %broadcast_in_dim3A_60 = vector.broadcast %jit3A_59 : f32 to vector<256x64xf32>
    %select_n3A_61 = arith.select %eq3A_58, %broadcast_in_dim3A_60, %add3A_49 : vector<256x64xi1>, vector<256x64xf32>
    %reduce_min3A_62 = arith.constant dense<0x7F800000> : vector<256xf32>
    %reduce_min3A_63 = vector.multi_reduction <minimumf>, %select_n3A_61, %reduce_min3A_62 [1] : vector<256x64xf32> to vector<256xf32>
    %broadcast_in_dim3A_64 = vector.shape_cast %reduce_min3A_63 : vector<256xf32> to vector<256x1xf32>
    %eq3A_65 = vector.broadcast %broadcast_in_dim3A_64 : vector<256x1xf32> to vector<256x64xf32>
    %eq3A_66 = arith.cmpf oeq, %select_n3A_61, %eq3A_65 : vector<256x64xf32>
    %jit3A_67 = arith.constant 64 : i32
    %broadcast_in_dim3A_68 = vector.broadcast %jit3A_67 : i32 to vector<256x64xi32>
    %select_n3A_69 = arith.select %eq3A_66, %iota3A, %broadcast_in_dim3A_68 : vector<256x64xi1>, vector<256x64xi32>
    %reduce_min3A_70 = arith.constant dense<2147483647> : vector<256xi32>
    %reduce_min3A_71 = vector.multi_reduction <minsi>, %select_n3A_69, %reduce_min3A_70 [1] : vector<256x64xi32> to vector<256xi32>
    %broadcast_in_dim3A_72 = vector.shape_cast %reduce_min3A_71 : vector<256xi32> to vector<256x1xi32>
    %eq3A_73 = vector.broadcast %broadcast_in_dim3A_72 : vector<256x1xi32> to vector<256x64xi32>
    %eq3A_74 = arith.cmpi eq, %iota3A, %eq3A_73 : vector<256x64xi32>
    %jit3A_75 = arith.constant 0x7F800000 : f32
    %broadcast_in_dim3A_76 = vector.broadcast %jit3A_75 : f32 to vector<256x64xf32>
    %select_n3A_77 = arith.select %eq3A_74, %broadcast_in_dim3A_76, %select_n3A_61 : vector<256x64xi1>, vector<256x64xf32>
    %reduce_min3A_78 = arith.constant dense<0x7F800000> : vector<256xf32>
    %reduce_min3A_79 = vector.multi_reduction <minimumf>, %select_n3A_77, %reduce_min3A_78 [1] : vector<256x64xf32> to vector<256xf32>
    %broadcast_in_dim3A_80 = vector.shape_cast %reduce_min3A_79 : vector<256xf32> to vector<256x1xf32>
    %eq3A_81 = vector.broadcast %broadcast_in_dim3A_80 : vector<256x1xf32> to vector<256x64xf32>
    %eq3A_82 = arith.cmpf oeq, %select_n3A_77, %eq3A_81 : vector<256x64xf32>
    %jit3A_83 = arith.constant 64 : i32
    %broadcast_in_dim3A_84 = vector.broadcast %jit3A_83 : i32 to vector<256x64xi32>
    %select_n3A_85 = arith.select %eq3A_82, %iota3A, %broadcast_in_dim3A_84 : vector<256x64xi1>, vector<256x64xi32>
    %reduce_min3A_86 = arith.constant dense<2147483647> : vector<256xi32>
    %reduce_min3A_87 = vector.multi_reduction <minsi>, %select_n3A_85, %reduce_min3A_86 [1] : vector<256x64xi32> to vector<256xi32>
    %broadcast_in_dim3A_88 = vector.shape_cast %reduce_min3A_87 : vector<256xi32> to vector<256x1xi32>
    %eq3A_89 = vector.broadcast %broadcast_in_dim3A_88 : vector<256x1xi32> to vector<256x64xi32>
    %eq3A_90 = arith.cmpi eq, %iota3A, %eq3A_89 : vector<256x64xi32>
    %jit3A_91 = arith.constant 0x7F800000 : f32
    %broadcast_in_dim3A_92 = vector.broadcast %jit3A_91 : f32 to vector<256x64xf32>
    %select_n3A_93 = arith.select %eq3A_90, %broadcast_in_dim3A_92, %select_n3A_77 : vector<256x64xi1>, vector<256x64xf32>
    %reduce_min3A_94 = arith.constant dense<0x7F800000> : vector<256xf32>
    %reduce_min3A_95 = vector.multi_reduction <minimumf>, %select_n3A_93, %reduce_min3A_94 [1] : vector<256x64xf32> to vector<256xf32>
    %broadcast_in_dim3A_96 = vector.shape_cast %reduce_min3A_95 : vector<256xf32> to vector<256x1xf32>
    %eq3A_97 = vector.broadcast %broadcast_in_dim3A_96 : vector<256x1xf32> to vector<256x64xf32>
    %eq3A_98 = arith.cmpf oeq, %select_n3A_93, %eq3A_97 : vector<256x64xf32>
    %jit3A_99 = arith.constant 64 : i32
    %broadcast_in_dim3A_100 = vector.broadcast %jit3A_99 : i32 to vector<256x64xi32>
    %select_n3A_101 = arith.select %eq3A_98, %iota3A, %broadcast_in_dim3A_100 : vector<256x64xi1>, vector<256x64xi32>
    %reduce_min3A_102 = arith.constant dense<2147483647> : vector<256xi32>
    %reduce_min3A_103 = vector.multi_reduction <minsi>, %select_n3A_101, %reduce_min3A_102 [1] : vector<256x64xi32> to vector<256xi32>
    %broadcast_in_dim3A_104 = vector.shape_cast %reduce_min3A_103 : vector<256xi32> to vector<256x1xi32>
    %eq3A_105 = vector.broadcast %broadcast_in_dim3A_104 : vector<256x1xi32> to vector<256x64xi32>
    %eq3A_106 = arith.cmpi eq, %iota3A, %eq3A_105 : vector<256x64xi32>
    %jit3A_107 = arith.constant 0x7F800000 : f32
    %broadcast_in_dim3A_108 = vector.broadcast %jit3A_107 : f32 to vector<256x64xf32>
    %select_n3A_109 = arith.select %eq3A_106, %broadcast_in_dim3A_108, %select_n3A_93 : vector<256x64xi1>, vector<256x64xf32>
    %reduce_min3A_110 = arith.constant dense<0x7F800000> : vector<256xf32>
    %reduce_min3A_111 = vector.multi_reduction <minimumf>, %select_n3A_109, %reduce_min3A_110 [1] : vector<256x64xf32> to vector<256xf32>
    %broadcast_in_dim3A_112 = vector.shape_cast %reduce_min3A_111 : vector<256xf32> to vector<256x1xf32>
    %eq3A_113 = vector.broadcast %broadcast_in_dim3A_112 : vector<256x1xf32> to vector<256x64xf32>
    %eq3A_114 = arith.cmpf oeq, %select_n3A_109, %eq3A_113 : vector<256x64xf32>
    %jit3A_115 = arith.constant 64 : i32
    %broadcast_in_dim3A_116 = vector.broadcast %jit3A_115 : i32 to vector<256x64xi32>
    %select_n3A_117 = arith.select %eq3A_114, %iota3A, %broadcast_in_dim3A_116 : vector<256x64xi1>, vector<256x64xi32>
    %reduce_min3A_118 = arith.constant dense<2147483647> : vector<256xi32>
    %reduce_min3A_119 = vector.multi_reduction <minsi>, %select_n3A_117, %reduce_min3A_118 [1] : vector<256x64xi32> to vector<256xi32>
    %broadcast_in_dim3A_120 = vector.shape_cast %reduce_min3A_119 : vector<256xi32> to vector<256x1xi32>
    %eq3A_121 = vector.broadcast %broadcast_in_dim3A_120 : vector<256x1xi32> to vector<256x64xi32>
    %eq3A_122 = arith.cmpi eq, %iota3A, %eq3A_121 : vector<256x64xi32>
    %jit3A_123 = arith.constant 0x7F800000 : f32
    %broadcast_in_dim3A_124 = vector.broadcast %jit3A_123 : f32 to vector<256x64xf32>
    %select_n3A_125 = arith.select %eq3A_122, %broadcast_in_dim3A_124, %select_n3A_109 : vector<256x64xi1>, vector<256x64xf32>
    %reduce_min3A_126 = arith.constant dense<0x7F800000> : vector<256xf32>
    %reduce_min3A_127 = vector.multi_reduction <minimumf>, %select_n3A_125, %reduce_min3A_126 [1] : vector<256x64xf32> to vector<256xf32>
    %broadcast_in_dim3A_128 = vector.shape_cast %reduce_min3A_127 : vector<256xf32> to vector<256x1xf32>
    %eq3A_129 = vector.broadcast %broadcast_in_dim3A_128 : vector<256x1xf32> to vector<256x64xf32>
    %eq3A_130 = arith.cmpf oeq, %select_n3A_125, %eq3A_129 : vector<256x64xf32>
    %jit3A_131 = arith.constant 64 : i32
    %broadcast_in_dim3A_132 = vector.broadcast %jit3A_131 : i32 to vector<256x64xi32>
    %select_n3A_133 = arith.select %eq3A_130, %iota3A, %broadcast_in_dim3A_132 : vector<256x64xi1>, vector<256x64xi32>
    %reduce_min3A_134 = arith.constant dense<2147483647> : vector<256xi32>
    %reduce_min3A_135 = vector.multi_reduction <minsi>, %select_n3A_133, %reduce_min3A_134 [1] : vector<256x64xi32> to vector<256xi32>
    %broadcast_in_dim3A_136 = vector.shape_cast %reduce_min3A_135 : vector<256xi32> to vector<256x1xi32>
    %eq3A_137 = vector.broadcast %broadcast_in_dim3A_136 : vector<256x1xi32> to vector<256x64xi32>
    %eq3A_138 = arith.cmpi eq, %iota3A, %eq3A_137 : vector<256x64xi32>
    %jit3A_139 = arith.constant 0x7F800000 : f32
    %broadcast_in_dim3A_140 = vector.broadcast %jit3A_139 : f32 to vector<256x64xf32>
    %select_n3A_141 = arith.select %eq3A_138, %broadcast_in_dim3A_140, %select_n3A_125 : vector<256x64xi1>, vector<256x64xf32>
    %reduce_min3A_142 = arith.constant dense<0x7F800000> : vector<256xf32>
    %reduce_min3A_143 = vector.multi_reduction <minimumf>, %select_n3A_141, %reduce_min3A_142 [1] : vector<256x64xf32> to vector<256xf32>
    %broadcast_in_dim3A_144 = vector.shape_cast %reduce_min3A_143 : vector<256xf32> to vector<256x1xf32>
    %eq3A_145 = vector.broadcast %broadcast_in_dim3A_144 : vector<256x1xf32> to vector<256x64xf32>
    %eq3A_146 = arith.cmpf oeq, %select_n3A_141, %eq3A_145 : vector<256x64xf32>
    %jit3A_147 = arith.constant 64 : i32
    %broadcast_in_dim3A_148 = vector.broadcast %jit3A_147 : i32 to vector<256x64xi32>
    %select_n3A_149 = arith.select %eq3A_146, %iota3A, %broadcast_in_dim3A_148 : vector<256x64xi1>, vector<256x64xi32>
    %reduce_min3A_150 = arith.constant dense<2147483647> : vector<256xi32>
    %reduce_min3A_151 = vector.multi_reduction <minsi>, %select_n3A_149, %reduce_min3A_150 [1] : vector<256x64xi32> to vector<256xi32>
    %broadcast_in_dim3A_152 = vector.shape_cast %reduce_min3A_151 : vector<256xi32> to vector<256x1xi32>
    %eq3A_153 = vector.broadcast %broadcast_in_dim3A_152 : vector<256x1xi32> to vector<256x64xi32>
    %eq3A_154 = arith.cmpi eq, %iota3A, %eq3A_153 : vector<256x64xi32>
    %jit3A_155 = arith.constant 0x7F800000 : f32
    %broadcast_in_dim3A_156 = vector.broadcast %jit3A_155 : f32 to vector<256x64xf32>
    %select_n3A_157 = arith.select %eq3A_154, %broadcast_in_dim3A_156, %select_n3A_141 : vector<256x64xi1>, vector<256x64xf32>
    %reduce_min3A_158 = arith.constant dense<0x7F800000> : vector<256xf32>
    %reduce_min3A_159 = vector.multi_reduction <minimumf>, %select_n3A_157, %reduce_min3A_158 [1] : vector<256x64xf32> to vector<256xf32>
    %broadcast_in_dim3A_160 = vector.shape_cast %reduce_min3A_159 : vector<256xf32> to vector<256x1xf32>
    %eq3A_161 = vector.broadcast %broadcast_in_dim3A_160 : vector<256x1xf32> to vector<256x64xf32>
    %eq3A_162 = arith.cmpf oeq, %select_n3A_157, %eq3A_161 : vector<256x64xf32>
    %jit3A_163 = arith.constant 64 : i32
    %broadcast_in_dim3A_164 = vector.broadcast %jit3A_163 : i32 to vector<256x64xi32>
    %select_n3A_165 = arith.select %eq3A_162, %iota3A, %broadcast_in_dim3A_164 : vector<256x64xi1>, vector<256x64xi32>
    %reduce_min3A_166 = arith.constant dense<2147483647> : vector<256xi32>
    %reduce_min3A_167 = vector.multi_reduction <minsi>, %select_n3A_165, %reduce_min3A_166 [1] : vector<256x64xi32> to vector<256xi32>
    %stack3A = vector.shape_cast %reduce_min3A_55 : vector<256xi32> to vector<256x1xi32>
    %stack3A_168 = vector.shape_cast %reduce_min3A_71 : vector<256xi32> to vector<256x1xi32>
    %stack3A_169 = vector.shape_cast %reduce_min3A_87 : vector<256xi32> to vector<256x1xi32>
    %stack3A_170 = vector.shape_cast %reduce_min3A_103 : vector<256xi32> to vector<256x1xi32>
    %stack3A_171 = vector.shape_cast %reduce_min3A_119 : vector<256xi32> to vector<256x1xi32>
    %stack3A_172 = vector.shape_cast %reduce_min3A_135 : vector<256xi32> to vector<256x1xi32>
    %stack3A_173 = vector.shape_cast %reduce_min3A_151 : vector<256xi32> to vector<256x1xi32>
    %stack3A_174 = vector.shape_cast %reduce_min3A_167 : vector<256xi32> to vector<256x1xi32>
    %stack3A_175 = tpu.concatenate %stack3A, %stack3A_168, %stack3A_169, %stack3A_170, %stack3A_171, %stack3A_172, %stack3A_173, %stack3A_174 in 1 : vector<256x1xi32>, vector<256x1xi32>, vector<256x1xi32>, vector<256x1xi32>, vector<256x1xi32>, vector<256x1xi32>, vector<256x1xi32>, vector<256x1xi32> -> vector<256x8xi32>
    %swap3A = arith.constant 0 : index
    %swap3A_176 = arith.constant 0 : index
    %swap3A_177 = arith.constant 0 : index
    %swap3A_178 = vector.load %arg3[%swap3A, %swap3A_176, %swap3A_177] : memref<1x256x8xi32, #tpu.memory_space<vmem>>, vector<1x256x8xi32>
    %swap3A_179 = vector.shape_cast %swap3A_178 : vector<1x256x8xi32> to vector<256x8xi32>
    %swap3A_180 = vector.shape_cast %stack3A_175 : vector<256x8xi32> to vector<1x256x8xi32>
    tpu.vector_store %arg3[%swap3A, %swap3A_176, %swap3A_177], %swap3A_180 {strides = array<i32>} : memref<1x256x8xi32, #tpu.memory_space<vmem>>, vector<1x256x8xi32>,
    return
  }
  func.func @transform_0(%arg0: i32) -> (i32, i32, i32) {
    %c0_i32 = arith.constant 0 : i32
    %c0_i32_0 = arith.constant 0 : i32
    %c0_i32_1 = arith.constant 0 : i32
    return %arg0, %c0_i32, %c0_i32_0 : i32, i32, i32
  }
  func.func @transform_1(%arg0: i32) -> (i32, i32, i32) {
    %c0_i32 = arith.constant 0 : i32
    %c0_i32_0 = arith.constant 0 : i32
    %c0_i32_1 = arith.constant 0 : i32
    return %arg0, %c0_i32, %c0_i32_0 : i32, i32, i32
  }
  func.func @transform_2(%arg0: i32) -> (i32, i32, i32) {
    %c0_i32 = arith.constant 0 : i32
    %c0_i32_0 = arith.constant 0 : i32
    %c0_i32_1 = arith.constant 0 : i32
    return %arg0, %c0_i32, %c0_i32_0 : i32, i32, i32
  }
}

module attributes {stable_mosaic.version = 14 : i64} {
  func.func @_bq_body(%arg0: i32, %arg1: memref<1x3x256xf32, #tpu.memory_space<vmem>>, %arg2: memref<1x3x64xf32, #tpu.memory_space<vmem>>, %arg3: memref<1x64x8xi32, #tpu.memory_space<vmem>>) attributes {dimension_semantics = [#tpu.dimension_semantics<arbitrary>], iteration_bounds = array<i64: 8>, scalar_prefetch = 0 : i64, scratch_operands = 0 : i64, tpu.core_type = #tpu.core_type<tc>, window_params = [{transform_indices = @transform_0, window_bounds = array<i64: 1, 3, 256>}, {transform_indices = @transform_1, window_bounds = array<i64: 1, 3, 64>}, {transform_indices = @transform_2, window_bounds = array<i64: 1, 64, 8>}]} {
    %get3A = arith.constant 0 : index
    %get3A_0 = arith.constant 0 : index
    %get3A_1 = arith.constant 0 : index
    %get3A_2 = vector.load %arg2[%get3A, %get3A_0, %get3A_1] : memref<1x3x64xf32, #tpu.memory_space<vmem>>, vector<1x3x64xf32>
    %get3A_3 = vector.shape_cast %get3A_2 : vector<1x3x64xf32> to vector<3x64xf32>
    %get3A_4 = arith.constant 0 : index
    %get3A_5 = arith.constant 0 : index
    %get3A_6 = arith.constant 0 : index
    %get3A_7 = vector.load %arg1[%get3A_4, %get3A_5, %get3A_6] : memref<1x3x256xf32, #tpu.memory_space<vmem>>, vector<1x3x256xf32>
    %get3A_8 = vector.shape_cast %get3A_7 : vector<1x3x256xf32> to vector<3x256xf32>
    %convert_element_type3A = arith.truncf %get3A_3 : vector<3x64xf32> to vector<3x64xbf16>
    %convert_element_type3A_9 = arith.extf %convert_element_type3A : vector<3x64xbf16> to vector<3x64xf32>
    %convert_element_type3A_10 = arith.truncf %get3A_8 : vector<3x256xf32> to vector<3x256xbf16>
    %convert_element_type3A_11 = arith.extf %convert_element_type3A_10 : vector<3x256xbf16> to vector<3x256xf32>
    %slice3A = vector.extract_strided_slice %convert_element_type3A_9 {offsets = [0, 0], sizes = [1, 64], strides = [1, 1]} : vector<3x64xf32> to vector<1x64xf32>
    %squeeze3A = vector.shape_cast %slice3A : vector<1x64xf32> to vector<64xf32>
    %broadcast_in_dim3A = vector.shape_cast %squeeze3A : vector<64xf32> to vector<64x1xf32>
    %slice3A_12 = vector.extract_strided_slice %convert_element_type3A_11 {offsets = [0, 0], sizes = [1, 256], strides = [1, 1]} : vector<3x256xf32> to vector<1x256xf32>
    %squeeze3A_13 = vector.shape_cast %slice3A_12 : vector<1x256xf32> to vector<256xf32>
    %broadcast_in_dim3A_14 = vector.shape_cast %squeeze3A_13 : vector<256xf32> to vector<1x256xf32>
    %mul3A = vector.broadcast %broadcast_in_dim3A : vector<64x1xf32> to vector<64x256xf32>
    %mul3A_15 = vector.broadcast %broadcast_in_dim3A_14 : vector<1x256xf32> to vector<64x256xf32>
    %mul3A_16 = arith.mulf %mul3A, %mul3A_15 : vector<64x256xf32>
    %slice3A_17 = vector.extract_strided_slice %convert_element_type3A_9 {offsets = [1, 0], sizes = [1, 64], strides = [1, 1]} : vector<3x64xf32> to vector<1x64xf32>
    %squeeze3A_18 = vector.shape_cast %slice3A_17 : vector<1x64xf32> to vector<64xf32>
    %broadcast_in_dim3A_19 = vector.shape_cast %squeeze3A_18 : vector<64xf32> to vector<64x1xf32>
    %slice3A_20 = vector.extract_strided_slice %convert_element_type3A_11 {offsets = [1, 0], sizes = [1, 256], strides = [1, 1]} : vector<3x256xf32> to vector<1x256xf32>
    %squeeze3A_21 = vector.shape_cast %slice3A_20 : vector<1x256xf32> to vector<256xf32>
    %broadcast_in_dim3A_22 = vector.shape_cast %squeeze3A_21 : vector<256xf32> to vector<1x256xf32>
    %mul3A_23 = vector.broadcast %broadcast_in_dim3A_19 : vector<64x1xf32> to vector<64x256xf32>
    %mul3A_24 = vector.broadcast %broadcast_in_dim3A_22 : vector<1x256xf32> to vector<64x256xf32>
    %mul3A_25 = arith.mulf %mul3A_23, %mul3A_24 : vector<64x256xf32>
    %add3A = arith.addf %mul3A_16, %mul3A_25 : vector<64x256xf32>
    %slice3A_26 = vector.extract_strided_slice %convert_element_type3A_9 {offsets = [2, 0], sizes = [1, 64], strides = [1, 1]} : vector<3x64xf32> to vector<1x64xf32>
    %squeeze3A_27 = vector.shape_cast %slice3A_26 : vector<1x64xf32> to vector<64xf32>
    %broadcast_in_dim3A_28 = vector.shape_cast %squeeze3A_27 : vector<64xf32> to vector<64x1xf32>
    %slice3A_29 = vector.extract_strided_slice %convert_element_type3A_11 {offsets = [2, 0], sizes = [1, 256], strides = [1, 1]} : vector<3x256xf32> to vector<1x256xf32>
    %squeeze3A_30 = vector.shape_cast %slice3A_29 : vector<1x256xf32> to vector<256xf32>
    %broadcast_in_dim3A_31 = vector.shape_cast %squeeze3A_30 : vector<256xf32> to vector<1x256xf32>
    %mul3A_32 = vector.broadcast %broadcast_in_dim3A_28 : vector<64x1xf32> to vector<64x256xf32>
    %mul3A_33 = vector.broadcast %broadcast_in_dim3A_31 : vector<1x256xf32> to vector<64x256xf32>
    %mul3A_34 = arith.mulf %mul3A_32, %mul3A_33 : vector<64x256xf32>
    %add3A_35 = arith.addf %add3A, %mul3A_34 : vector<64x256xf32>
    %mul3A_36 = arith.constant -2.000000e+00 : f32
    %mul3A_37 = vector.broadcast %mul3A_36 : f32 to vector<64x256xf32>
    %mul3A_38 = arith.mulf %mul3A_37, %add3A_35 : vector<64x256xf32>
    %mul3A_39 = arith.mulf %get3A_3, %get3A_3 : vector<3x64xf32>
    %reduce_sum3A = arith.constant dense<0.000000e+00> : vector<64xf32>
    %reduce_sum3A_40 = vector.multi_reduction <add>, %mul3A_39, %reduce_sum3A [0] : vector<3x64xf32> to vector<64xf32>
    %broadcast_in_dim3A_41 = vector.shape_cast %reduce_sum3A_40 : vector<64xf32> to vector<64x1xf32>
    %add3A_42 = vector.broadcast %broadcast_in_dim3A_41 : vector<64x1xf32> to vector<64x256xf32>
    %add3A_43 = arith.addf %mul3A_38, %add3A_42 : vector<64x256xf32>
    %mul3A_44 = arith.mulf %get3A_8, %get3A_8 : vector<3x256xf32>
    %reduce_sum3A_45 = arith.constant dense<0.000000e+00> : vector<256xf32>
    %reduce_sum3A_46 = vector.multi_reduction <add>, %mul3A_44, %reduce_sum3A_45 [0] : vector<3x256xf32> to vector<256xf32>
    %broadcast_in_dim3A_47 = vector.shape_cast %reduce_sum3A_46 : vector<256xf32> to vector<1x256xf32>
    %add3A_48 = vector.broadcast %broadcast_in_dim3A_47 : vector<1x256xf32> to vector<64x256xf32>
    %add3A_49 = arith.addf %add3A_43, %add3A_48 : vector<64x256xf32>
    %iota3A = tpu.iota {dimensions = array<i32: 1>} : vector<64x256xi32>
    %le3A = arith.constant 3.062500e+02 : f32
    %le3A_50 = vector.broadcast %le3A : f32 to vector<64x256xf32>
    %le3A_51 = arith.cmpf ole, %add3A_49, %le3A_50 : vector<64x256xf32>
    %jit3A = arith.constant 256 : i32
    %broadcast_in_dim3A_52 = vector.broadcast %jit3A : i32 to vector<64x256xi32>
    %select_n3A = arith.select %le3A_51, %iota3A, %broadcast_in_dim3A_52 : vector<64x256xi1>, vector<64x256xi32>
    %reduce_min3A = arith.constant dense<2147483647> : vector<64xi32>
    %reduce_min3A_53 = vector.multi_reduction <minsi>, %select_n3A, %reduce_min3A [1] : vector<64x256xi32> to vector<64xi32>
    %broadcast_in_dim3A_54 = vector.shape_cast %reduce_min3A_53 : vector<64xi32> to vector<64x1xi32>
    %eq3A = vector.broadcast %broadcast_in_dim3A_54 : vector<64x1xi32> to vector<64x256xi32>
    %eq3A_55 = arith.cmpi eq, %select_n3A, %eq3A : vector<64x256xi32>
    %jit3A_56 = arith.constant 256 : i32
    %broadcast_in_dim3A_57 = vector.broadcast %jit3A_56 : i32 to vector<64x256xi32>
    %select_n3A_58 = arith.select %eq3A_55, %broadcast_in_dim3A_57, %select_n3A : vector<64x256xi1>, vector<64x256xi32>
    %reduce_min3A_59 = arith.constant dense<2147483647> : vector<64xi32>
    %reduce_min3A_60 = vector.multi_reduction <minsi>, %select_n3A_58, %reduce_min3A_59 [1] : vector<64x256xi32> to vector<64xi32>
    %broadcast_in_dim3A_61 = vector.shape_cast %reduce_min3A_60 : vector<64xi32> to vector<64x1xi32>
    %eq3A_62 = vector.broadcast %broadcast_in_dim3A_61 : vector<64x1xi32> to vector<64x256xi32>
    %eq3A_63 = arith.cmpi eq, %select_n3A_58, %eq3A_62 : vector<64x256xi32>
    %jit3A_64 = arith.constant 256 : i32
    %broadcast_in_dim3A_65 = vector.broadcast %jit3A_64 : i32 to vector<64x256xi32>
    %select_n3A_66 = arith.select %eq3A_63, %broadcast_in_dim3A_65, %select_n3A_58 : vector<64x256xi1>, vector<64x256xi32>
    %reduce_min3A_67 = arith.constant dense<2147483647> : vector<64xi32>
    %reduce_min3A_68 = vector.multi_reduction <minsi>, %select_n3A_66, %reduce_min3A_67 [1] : vector<64x256xi32> to vector<64xi32>
    %broadcast_in_dim3A_69 = vector.shape_cast %reduce_min3A_68 : vector<64xi32> to vector<64x1xi32>
    %eq3A_70 = vector.broadcast %broadcast_in_dim3A_69 : vector<64x1xi32> to vector<64x256xi32>
    %eq3A_71 = arith.cmpi eq, %select_n3A_66, %eq3A_70 : vector<64x256xi32>
    %jit3A_72 = arith.constant 256 : i32
    %broadcast_in_dim3A_73 = vector.broadcast %jit3A_72 : i32 to vector<64x256xi32>
    %select_n3A_74 = arith.select %eq3A_71, %broadcast_in_dim3A_73, %select_n3A_66 : vector<64x256xi1>, vector<64x256xi32>
    %reduce_min3A_75 = arith.constant dense<2147483647> : vector<64xi32>
    %reduce_min3A_76 = vector.multi_reduction <minsi>, %select_n3A_74, %reduce_min3A_75 [1] : vector<64x256xi32> to vector<64xi32>
    %broadcast_in_dim3A_77 = vector.shape_cast %reduce_min3A_76 : vector<64xi32> to vector<64x1xi32>
    %eq3A_78 = vector.broadcast %broadcast_in_dim3A_77 : vector<64x1xi32> to vector<64x256xi32>
    %eq3A_79 = arith.cmpi eq, %select_n3A_74, %eq3A_78 : vector<64x256xi32>
    %jit3A_80 = arith.constant 256 : i32
    %broadcast_in_dim3A_81 = vector.broadcast %jit3A_80 : i32 to vector<64x256xi32>
    %select_n3A_82 = arith.select %eq3A_79, %broadcast_in_dim3A_81, %select_n3A_74 : vector<64x256xi1>, vector<64x256xi32>
    %reduce_min3A_83 = arith.constant dense<2147483647> : vector<64xi32>
    %reduce_min3A_84 = vector.multi_reduction <minsi>, %select_n3A_82, %reduce_min3A_83 [1] : vector<64x256xi32> to vector<64xi32>
    %broadcast_in_dim3A_85 = vector.shape_cast %reduce_min3A_84 : vector<64xi32> to vector<64x1xi32>
    %eq3A_86 = vector.broadcast %broadcast_in_dim3A_85 : vector<64x1xi32> to vector<64x256xi32>
    %eq3A_87 = arith.cmpi eq, %select_n3A_82, %eq3A_86 : vector<64x256xi32>
    %jit3A_88 = arith.constant 256 : i32
    %broadcast_in_dim3A_89 = vector.broadcast %jit3A_88 : i32 to vector<64x256xi32>
    %select_n3A_90 = arith.select %eq3A_87, %broadcast_in_dim3A_89, %select_n3A_82 : vector<64x256xi1>, vector<64x256xi32>
    %reduce_min3A_91 = arith.constant dense<2147483647> : vector<64xi32>
    %reduce_min3A_92 = vector.multi_reduction <minsi>, %select_n3A_90, %reduce_min3A_91 [1] : vector<64x256xi32> to vector<64xi32>
    %broadcast_in_dim3A_93 = vector.shape_cast %reduce_min3A_92 : vector<64xi32> to vector<64x1xi32>
    %eq3A_94 = vector.broadcast %broadcast_in_dim3A_93 : vector<64x1xi32> to vector<64x256xi32>
    %eq3A_95 = arith.cmpi eq, %select_n3A_90, %eq3A_94 : vector<64x256xi32>
    %jit3A_96 = arith.constant 256 : i32
    %broadcast_in_dim3A_97 = vector.broadcast %jit3A_96 : i32 to vector<64x256xi32>
    %select_n3A_98 = arith.select %eq3A_95, %broadcast_in_dim3A_97, %select_n3A_90 : vector<64x256xi1>, vector<64x256xi32>
    %reduce_min3A_99 = arith.constant dense<2147483647> : vector<64xi32>
    %reduce_min3A_100 = vector.multi_reduction <minsi>, %select_n3A_98, %reduce_min3A_99 [1] : vector<64x256xi32> to vector<64xi32>
    %broadcast_in_dim3A_101 = vector.shape_cast %reduce_min3A_100 : vector<64xi32> to vector<64x1xi32>
    %eq3A_102 = vector.broadcast %broadcast_in_dim3A_101 : vector<64x1xi32> to vector<64x256xi32>
    %eq3A_103 = arith.cmpi eq, %select_n3A_98, %eq3A_102 : vector<64x256xi32>
    %jit3A_104 = arith.constant 256 : i32
    %broadcast_in_dim3A_105 = vector.broadcast %jit3A_104 : i32 to vector<64x256xi32>
    %select_n3A_106 = arith.select %eq3A_103, %broadcast_in_dim3A_105, %select_n3A_98 : vector<64x256xi1>, vector<64x256xi32>
    %reduce_min3A_107 = arith.constant dense<2147483647> : vector<64xi32>
    %reduce_min3A_108 = vector.multi_reduction <minsi>, %select_n3A_106, %reduce_min3A_107 [1] : vector<64x256xi32> to vector<64xi32>
    %stack3A = vector.shape_cast %reduce_min3A_53 : vector<64xi32> to vector<64x1xi32>
    %stack3A_109 = vector.shape_cast %reduce_min3A_60 : vector<64xi32> to vector<64x1xi32>
    %stack3A_110 = vector.shape_cast %reduce_min3A_68 : vector<64xi32> to vector<64x1xi32>
    %stack3A_111 = vector.shape_cast %reduce_min3A_76 : vector<64xi32> to vector<64x1xi32>
    %stack3A_112 = vector.shape_cast %reduce_min3A_84 : vector<64xi32> to vector<64x1xi32>
    %stack3A_113 = vector.shape_cast %reduce_min3A_92 : vector<64xi32> to vector<64x1xi32>
    %stack3A_114 = vector.shape_cast %reduce_min3A_100 : vector<64xi32> to vector<64x1xi32>
    %stack3A_115 = vector.shape_cast %reduce_min3A_108 : vector<64xi32> to vector<64x1xi32>
    %stack3A_116 = tpu.concatenate %stack3A, %stack3A_109, %stack3A_110, %stack3A_111, %stack3A_112, %stack3A_113, %stack3A_114, %stack3A_115 in 1 : vector<64x1xi32>, vector<64x1xi32>, vector<64x1xi32>, vector<64x1xi32>, vector<64x1xi32>, vector<64x1xi32>, vector<64x1xi32>, vector<64x1xi32> -> vector<64x8xi32>
    %eq3A_117 = arith.constant 256 : i32
    %eq3A_118 = vector.broadcast %eq3A_117 : i32 to vector<64x8xi32>
    %eq3A_119 = arith.cmpi eq, %stack3A_116, %eq3A_118 : vector<64x8xi32>
    %slice3A_120 = vector.extract_strided_slice %stack3A_116 {offsets = [0, 0], sizes = [64, 1], strides = [1, 1]} : vector<64x8xi32> to vector<64x1xi32>
    %broadcast_in_dim3A_121 = vector.shape_cast %slice3A_120 : vector<64x1xi32> to vector<64x1xi32>
    %broadcast_in_dim3A_122 = vector.broadcast %broadcast_in_dim3A_121 : vector<64x1xi32> to vector<64x8xi32>
    %select_n3A_123 = arith.select %eq3A_119, %broadcast_in_dim3A_122, %stack3A_116 : vector<64x8xi1>, vector<64x8xi32>
    %swap3A = arith.constant 0 : index
    %swap3A_124 = arith.constant 0 : index
    %swap3A_125 = arith.constant 0 : index
    %swap3A_126 = vector.load %arg3[%swap3A, %swap3A_124, %swap3A_125] : memref<1x64x8xi32, #tpu.memory_space<vmem>>, vector<1x64x8xi32>
    %swap3A_127 = vector.shape_cast %swap3A_126 : vector<1x64x8xi32> to vector<64x8xi32>
    %swap3A_128 = vector.shape_cast %select_n3A_123 : vector<64x8xi32> to vector<1x64x8xi32>
    tpu.vector_store %arg3[%swap3A, %swap3A_124, %swap3A_125], %swap3A_128 {strides = array<i32>} : memref<1x64x8xi32, #tpu.memory_space<vmem>>, vector<1x64x8xi32>,
    return
  }
  func.func @transform_0(%arg0: i32) -> (i32, i32, i32) {
    %c0_i32 = arith.constant 0 : i32
    %c0_i32_0 = arith.constant 0 : i32
    %c0_i32_1 = arith.constant 0 : i32
    return %arg0, %c0_i32, %c0_i32_0 : i32, i32, i32
  }
  func.func @transform_1(%arg0: i32) -> (i32, i32, i32) {
    %c0_i32 = arith.constant 0 : i32
    %c0_i32_0 = arith.constant 0 : i32
    %c0_i32_1 = arith.constant 0 : i32
    return %arg0, %c0_i32, %c0_i32_0 : i32, i32, i32
  }
  func.func @transform_2(%arg0: i32) -> (i32, i32, i32) {
    %c0_i32 = arith.constant 0 : i32
    %c0_i32_0 = arith.constant 0 : i32
    %c0_i32_1 = arith.constant 0 : i32
    return %arg0, %c0_i32, %c0_i32_0 : i32, i32, i32
  }
}

module attributes {stable_mosaic.version = 14 : i64} {
  func.func @_fps_body(%arg0: i32, %arg1: memref<8x3x64xf32, #tpu.memory_space<vmem>>, %arg2: memref<8x64x3xf32, #tpu.memory_space<vmem>>, %arg3: memref<16x8xi32, #tpu.memory_space<vmem>>) attributes {dimension_semantics = [#tpu.dimension_semantics<arbitrary>], iteration_bounds = array<i64: 1>, scalar_prefetch = 0 : i64, scratch_operands = 0 : i64, tpu.core_type = #tpu.core_type<tc>, window_params = [{pipeline_mode = #tpu.pipeline_mode<synchronous>, transform_indices = @transform_0, window_bounds = array<i64: 8, 3, 64>}, {pipeline_mode = #tpu.pipeline_mode<synchronous>, transform_indices = @transform_1, window_bounds = array<i64: 8, 64, 3>}, {pipeline_mode = #tpu.pipeline_mode<synchronous>, transform_indices = @transform_2, window_bounds = array<i64: 16, 8>}]} {
    %get3A = arith.constant 0 : index
    %get3A_0 = arith.constant 0 : index
    %get3A_1 = arith.constant 0 : index
    %get3A_2 = vector.load %arg1[%get3A, %get3A_0, %get3A_1] : memref<8x3x64xf32, #tpu.memory_space<vmem>>, vector<8x3x64xf32>
    %broadcast_in_dim3A = arith.constant 1.000000e+10 : f32
    %broadcast_in_dim3A_3 = vector.broadcast %broadcast_in_dim3A : f32 to vector<8x64xf32>
    %broadcast_in_dim3A_4 = arith.constant 0 : i32
    %broadcast_in_dim3A_5 = vector.broadcast %broadcast_in_dim3A_4 : i32 to vector<8xi32>
    %scan3A = arith.constant 0 : i32
    %scan3A_6 = arith.constant 16 : i32
    %scan3A_7 = arith.addi %scan3A, %scan3A_6 : i32
    %scan3A_8 = arith.constant 1 : i32
    %scan3A_9:2 = scf.for %scan3A_11 = %scan3A to %scan3A_7 step %scan3A_8 iter_args(%scan3A_12 = %broadcast_in_dim3A_3, %scan3A_13 = %broadcast_in_dim3A_5) -> (vector<8x64xf32>, vector<8xi32>)  : i32 {
      %slice3A = vector.extract_strided_slice %scan3A_13 {offsets = [0], sizes = [1], strides = [1]} : vector<8xi32> to vector<1xi32>
      %squeeze3A = vector.extract %slice3A[0] : i32 from vector<1xi32>
      %get3A_14 = arith.constant 0 : index
      %get3A_15 = arith.index_cast %squeeze3A : i32 to index
      %get3A_16 = arith.constant 0 : index
      %get3A_17 = vector.load %arg2[%get3A_14, %get3A_15, %get3A_16] : memref<8x64x3xf32, #tpu.memory_space<vmem>>, vector<1x1x3xf32>
      %get3A_18 = vector.shape_cast %get3A_17 : vector<1x1x3xf32> to vector<1x3xf32>
      %slice3A_19 = vector.extract_strided_slice %scan3A_13 {offsets = [1], sizes = [1], strides = [1]} : vector<8xi32> to vector<1xi32>
      %squeeze3A_20 = vector.extract %slice3A_19[0] : i32 from vector<1xi32>
      %get3A_21 = arith.constant 1 : index
      %get3A_22 = arith.index_cast %squeeze3A_20 : i32 to index
      %get3A_23 = arith.constant 0 : index
      %get3A_24 = vector.load %arg2[%get3A_21, %get3A_22, %get3A_23] : memref<8x64x3xf32, #tpu.memory_space<vmem>>, vector<1x1x3xf32>
      %get3A_25 = vector.shape_cast %get3A_24 : vector<1x1x3xf32> to vector<1x3xf32>
      %slice3A_26 = vector.extract_strided_slice %scan3A_13 {offsets = [2], sizes = [1], strides = [1]} : vector<8xi32> to vector<1xi32>
      %squeeze3A_27 = vector.extract %slice3A_26[0] : i32 from vector<1xi32>
      %get3A_28 = arith.constant 2 : index
      %get3A_29 = arith.index_cast %squeeze3A_27 : i32 to index
      %get3A_30 = arith.constant 0 : index
      %get3A_31 = vector.load %arg2[%get3A_28, %get3A_29, %get3A_30] : memref<8x64x3xf32, #tpu.memory_space<vmem>>, vector<1x1x3xf32>
      %get3A_32 = vector.shape_cast %get3A_31 : vector<1x1x3xf32> to vector<1x3xf32>
      %slice3A_33 = vector.extract_strided_slice %scan3A_13 {offsets = [3], sizes = [1], strides = [1]} : vector<8xi32> to vector<1xi32>
      %squeeze3A_34 = vector.extract %slice3A_33[0] : i32 from vector<1xi32>
      %get3A_35 = arith.constant 3 : index
      %get3A_36 = arith.index_cast %squeeze3A_34 : i32 to index
      %get3A_37 = arith.constant 0 : index
      %get3A_38 = vector.load %arg2[%get3A_35, %get3A_36, %get3A_37] : memref<8x64x3xf32, #tpu.memory_space<vmem>>, vector<1x1x3xf32>
      %get3A_39 = vector.shape_cast %get3A_38 : vector<1x1x3xf32> to vector<1x3xf32>
      %slice3A_40 = vector.extract_strided_slice %scan3A_13 {offsets = [4], sizes = [1], strides = [1]} : vector<8xi32> to vector<1xi32>
      %squeeze3A_41 = vector.extract %slice3A_40[0] : i32 from vector<1xi32>
      %get3A_42 = arith.constant 4 : index
      %get3A_43 = arith.index_cast %squeeze3A_41 : i32 to index
      %get3A_44 = arith.constant 0 : index
      %get3A_45 = vector.load %arg2[%get3A_42, %get3A_43, %get3A_44] : memref<8x64x3xf32, #tpu.memory_space<vmem>>, vector<1x1x3xf32>
      %get3A_46 = vector.shape_cast %get3A_45 : vector<1x1x3xf32> to vector<1x3xf32>
      %slice3A_47 = vector.extract_strided_slice %scan3A_13 {offsets = [5], sizes = [1], strides = [1]} : vector<8xi32> to vector<1xi32>
      %squeeze3A_48 = vector.extract %slice3A_47[0] : i32 from vector<1xi32>
      %get3A_49 = arith.constant 5 : index
      %get3A_50 = arith.index_cast %squeeze3A_48 : i32 to index
      %get3A_51 = arith.constant 0 : index
      %get3A_52 = vector.load %arg2[%get3A_49, %get3A_50, %get3A_51] : memref<8x64x3xf32, #tpu.memory_space<vmem>>, vector<1x1x3xf32>
      %get3A_53 = vector.shape_cast %get3A_52 : vector<1x1x3xf32> to vector<1x3xf32>
      %slice3A_54 = vector.extract_strided_slice %scan3A_13 {offsets = [6], sizes = [1], strides = [1]} : vector<8xi32> to vector<1xi32>
      %squeeze3A_55 = vector.extract %slice3A_54[0] : i32 from vector<1xi32>
      %get3A_56 = arith.constant 6 : index
      %get3A_57 = arith.index_cast %squeeze3A_55 : i32 to index
      %get3A_58 = arith.constant 0 : index
      %get3A_59 = vector.load %arg2[%get3A_56, %get3A_57, %get3A_58] : memref<8x64x3xf32, #tpu.memory_space<vmem>>, vector<1x1x3xf32>
      %get3A_60 = vector.shape_cast %get3A_59 : vector<1x1x3xf32> to vector<1x3xf32>
      %slice3A_61 = vector.extract_strided_slice %scan3A_13 {offsets = [7], sizes = [1], strides = [1]} : vector<8xi32> to vector<1xi32>
      %squeeze3A_62 = vector.extract %slice3A_61[0] : i32 from vector<1xi32>
      %get3A_63 = arith.constant 7 : index
      %get3A_64 = arith.index_cast %squeeze3A_62 : i32 to index
      %get3A_65 = arith.constant 0 : index
      %get3A_66 = vector.load %arg2[%get3A_63, %get3A_64, %get3A_65] : memref<8x64x3xf32, #tpu.memory_space<vmem>>, vector<1x1x3xf32>
      %get3A_67 = vector.shape_cast %get3A_66 : vector<1x1x3xf32> to vector<1x3xf32>
      %concatenate3A = tpu.concatenate %get3A_18, %get3A_25, %get3A_32, %get3A_39, %get3A_46, %get3A_53, %get3A_60, %get3A_67 in 0 : vector<1x3xf32>, vector<1x3xf32>, vector<1x3xf32>, vector<1x3xf32>, vector<1x3xf32>, vector<1x3xf32>, vector<1x3xf32>, vector<1x3xf32> -> vector<8x3xf32>
      %broadcast_in_dim3A_68 = vector.shape_cast %concatenate3A : vector<8x3xf32> to vector<8x3x1xf32>
      %sub3A = vector.broadcast %broadcast_in_dim3A_68 : vector<8x3x1xf32> to vector<8x3x64xf32>
      %sub3A_69 = arith.subf %get3A_2, %sub3A : vector<8x3x64xf32>
      %integer_pow3A = arith.mulf %sub3A_69, %sub3A_69 : vector<8x3x64xf32>
      %reduce_sum3A = arith.constant dense<0.000000e+00> : vector<8x64xf32>
      %reduce_sum3A_70 = vector.multi_reduction <add>, %integer_pow3A, %reduce_sum3A [1] : vector<8x3x64xf32> to vector<8x64xf32>
      %min3A = arith.minimumf %scan3A_12, %reduce_sum3A_70 : vector<8x64xf32>
      %reduce_max3A = arith.constant dense<0xFF800000> : vector<8xf32>
      %reduce_max3A_71 = vector.multi_reduction <maximumf>, %min3A, %reduce_max3A [1] : vector<8x64xf32> to vector<8xf32>
      %iota3A = tpu.iota {dimensions = array<i32: 1>} : vector<8x64xi32>
      %broadcast_in_dim3A_72 = vector.shape_cast %reduce_max3A_71 : vector<8xf32> to vector<8x1xf32>
      %eq3A = vector.broadcast %broadcast_in_dim3A_72 : vector<8x1xf32> to vector<8x64xf32>
      %eq3A_73 = arith.cmpf oeq, %min3A, %eq3A : vector<8x64xf32>
      %jit3A = arith.constant 64 : i32
      %broadcast_in_dim3A_74 = vector.broadcast %jit3A : i32 to vector<8x64xi32>
      %select_n3A = arith.select %eq3A_73, %iota3A, %broadcast_in_dim3A_74 : vector<8x64xi1>, vector<8x64xi32>
      %reduce_min3A = arith.constant dense<2147483647> : vector<8xi32>
      %reduce_min3A_75 = vector.multi_reduction <minsi>, %select_n3A, %reduce_min3A [1] : vector<8x64xi32> to vector<8xi32>
      %broadcast_in_dim3A_76 = vector.shape_cast %scan3A_13 : vector<8xi32> to vector<1x8xi32>
      %swap3A = arith.index_cast %scan3A_11 : i32 to index
      %swap3A_77 = arith.constant 0 : index
      %swap3A_78 = vector.load %arg3[%swap3A, %swap3A_77] : memref<16x8xi32, #tpu.memory_space<vmem>>, vector<1x8xi32>
      tpu.vector_store %arg3[%swap3A, %swap3A_77], %broadcast_in_dim3A_76 {strides = array<i32>} : memref<16x8xi32, #tpu.memory_space<vmem>>, vector<1x8xi32>,
      scf.yield %min3A, %reduce_min3A_75 : vector<8x64xf32>, vector<8xi32>
    }
    %scan3A_10 = arith.constant 16 : i32
    return
  }
  func.func @transform_0(%arg0: i32) -> (i32, i32, i32) {
    %c0_i32 = arith.constant 0 : i32
    %c0_i32_0 = arith.constant 0 : i32
    %c0_i32_1 = arith.constant 0 : i32
    %c0_i32_2 = arith.constant 0 : i32
    return %c0_i32, %c0_i32_0, %c0_i32_1 : i32, i32, i32
  }
  func.func @transform_1(%arg0: i32) -> (i32, i32, i32) {
    %c0_i32 = arith.constant 0 : i32
    %c0_i32_0 = arith.constant 0 : i32
    %c0_i32_1 = arith.constant 0 : i32
    %c0_i32_2 = arith.constant 0 : i32
    return %c0_i32, %c0_i32_0, %c0_i32_1 : i32, i32, i32
  }
  func.func @transform_2(%arg0: i32) -> (i32, i32) {
    %c0_i32 = arith.constant 0 : i32
    %c0_i32_0 = arith.constant 0 : i32
    %c0_i32_1 = arith.constant 0 : i32
    return %c0_i32, %c0_i32_0 : i32, i32
  }
}

module attributes {stable_mosaic.version = 14 : i64} {
  func.func @_knn_body(%arg0: i32, %arg1: memref<1x3x64xf32, #tpu.memory_space<vmem>>, %arg2: memref<1x3x16xf32, #tpu.memory_space<vmem>>, %arg3: memref<1x64x8xi32, #tpu.memory_space<vmem>>) attributes {dimension_semantics = [#tpu.dimension_semantics<arbitrary>], iteration_bounds = array<i64: 8>, scalar_prefetch = 0 : i64, scratch_operands = 0 : i64, tpu.core_type = #tpu.core_type<tc>, window_params = [{transform_indices = @transform_0, window_bounds = array<i64: 1, 3, 64>}, {transform_indices = @transform_1, window_bounds = array<i64: 1, 3, 16>}, {transform_indices = @transform_2, window_bounds = array<i64: 1, 64, 8>}]} {
    %get3A = arith.constant 0 : index
    %get3A_0 = arith.constant 0 : index
    %get3A_1 = arith.constant 0 : index
    %get3A_2 = vector.load %arg1[%get3A, %get3A_0, %get3A_1] : memref<1x3x64xf32, #tpu.memory_space<vmem>>, vector<1x3x64xf32>
    %get3A_3 = vector.shape_cast %get3A_2 : vector<1x3x64xf32> to vector<3x64xf32>
    %get3A_4 = arith.constant 0 : index
    %get3A_5 = arith.constant 0 : index
    %get3A_6 = arith.constant 0 : index
    %get3A_7 = vector.load %arg2[%get3A_4, %get3A_5, %get3A_6] : memref<1x3x16xf32, #tpu.memory_space<vmem>>, vector<1x3x16xf32>
    %get3A_8 = vector.shape_cast %get3A_7 : vector<1x3x16xf32> to vector<3x16xf32>
    %convert_element_type3A = arith.truncf %get3A_3 : vector<3x64xf32> to vector<3x64xbf16>
    %convert_element_type3A_9 = arith.extf %convert_element_type3A : vector<3x64xbf16> to vector<3x64xf32>
    %convert_element_type3A_10 = arith.truncf %get3A_8 : vector<3x16xf32> to vector<3x16xbf16>
    %convert_element_type3A_11 = arith.extf %convert_element_type3A_10 : vector<3x16xbf16> to vector<3x16xf32>
    %slice3A = vector.extract_strided_slice %convert_element_type3A_9 {offsets = [0, 0], sizes = [1, 64], strides = [1, 1]} : vector<3x64xf32> to vector<1x64xf32>
    %squeeze3A = vector.shape_cast %slice3A : vector<1x64xf32> to vector<64xf32>
    %broadcast_in_dim3A = vector.shape_cast %squeeze3A : vector<64xf32> to vector<64x1xf32>
    %slice3A_12 = vector.extract_strided_slice %convert_element_type3A_11 {offsets = [0, 0], sizes = [1, 16], strides = [1, 1]} : vector<3x16xf32> to vector<1x16xf32>
    %squeeze3A_13 = vector.shape_cast %slice3A_12 : vector<1x16xf32> to vector<16xf32>
    %broadcast_in_dim3A_14 = vector.shape_cast %squeeze3A_13 : vector<16xf32> to vector<1x16xf32>
    %mul3A = vector.broadcast %broadcast_in_dim3A : vector<64x1xf32> to vector<64x16xf32>
    %mul3A_15 = vector.broadcast %broadcast_in_dim3A_14 : vector<1x16xf32> to vector<64x16xf32>
    %mul3A_16 = arith.mulf %mul3A, %mul3A_15 : vector<64x16xf32>
    %slice3A_17 = vector.extract_strided_slice %convert_element_type3A_9 {offsets = [1, 0], sizes = [1, 64], strides = [1, 1]} : vector<3x64xf32> to vector<1x64xf32>
    %squeeze3A_18 = vector.shape_cast %slice3A_17 : vector<1x64xf32> to vector<64xf32>
    %broadcast_in_dim3A_19 = vector.shape_cast %squeeze3A_18 : vector<64xf32> to vector<64x1xf32>
    %slice3A_20 = vector.extract_strided_slice %convert_element_type3A_11 {offsets = [1, 0], sizes = [1, 16], strides = [1, 1]} : vector<3x16xf32> to vector<1x16xf32>
    %squeeze3A_21 = vector.shape_cast %slice3A_20 : vector<1x16xf32> to vector<16xf32>
    %broadcast_in_dim3A_22 = vector.shape_cast %squeeze3A_21 : vector<16xf32> to vector<1x16xf32>
    %mul3A_23 = vector.broadcast %broadcast_in_dim3A_19 : vector<64x1xf32> to vector<64x16xf32>
    %mul3A_24 = vector.broadcast %broadcast_in_dim3A_22 : vector<1x16xf32> to vector<64x16xf32>
    %mul3A_25 = arith.mulf %mul3A_23, %mul3A_24 : vector<64x16xf32>
    %add3A = arith.addf %mul3A_16, %mul3A_25 : vector<64x16xf32>
    %slice3A_26 = vector.extract_strided_slice %convert_element_type3A_9 {offsets = [2, 0], sizes = [1, 64], strides = [1, 1]} : vector<3x64xf32> to vector<1x64xf32>
    %squeeze3A_27 = vector.shape_cast %slice3A_26 : vector<1x64xf32> to vector<64xf32>
    %broadcast_in_dim3A_28 = vector.shape_cast %squeeze3A_27 : vector<64xf32> to vector<64x1xf32>
    %slice3A_29 = vector.extract_strided_slice %convert_element_type3A_11 {offsets = [2, 0], sizes = [1, 16], strides = [1, 1]} : vector<3x16xf32> to vector<1x16xf32>
    %squeeze3A_30 = vector.shape_cast %slice3A_29 : vector<1x16xf32> to vector<16xf32>
    %broadcast_in_dim3A_31 = vector.shape_cast %squeeze3A_30 : vector<16xf32> to vector<1x16xf32>
    %mul3A_32 = vector.broadcast %broadcast_in_dim3A_28 : vector<64x1xf32> to vector<64x16xf32>
    %mul3A_33 = vector.broadcast %broadcast_in_dim3A_31 : vector<1x16xf32> to vector<64x16xf32>
    %mul3A_34 = arith.mulf %mul3A_32, %mul3A_33 : vector<64x16xf32>
    %add3A_35 = arith.addf %add3A, %mul3A_34 : vector<64x16xf32>
    %mul3A_36 = arith.constant -2.000000e+00 : f32
    %mul3A_37 = vector.broadcast %mul3A_36 : f32 to vector<64x16xf32>
    %mul3A_38 = arith.mulf %mul3A_37, %add3A_35 : vector<64x16xf32>
    %mul3A_39 = arith.mulf %get3A_3, %get3A_3 : vector<3x64xf32>
    %reduce_sum3A = arith.constant dense<0.000000e+00> : vector<64xf32>
    %reduce_sum3A_40 = vector.multi_reduction <add>, %mul3A_39, %reduce_sum3A [0] : vector<3x64xf32> to vector<64xf32>
    %broadcast_in_dim3A_41 = vector.shape_cast %reduce_sum3A_40 : vector<64xf32> to vector<64x1xf32>
    %add3A_42 = vector.broadcast %broadcast_in_dim3A_41 : vector<64x1xf32> to vector<64x16xf32>
    %add3A_43 = arith.addf %mul3A_38, %add3A_42 : vector<64x16xf32>
    %mul3A_44 = arith.mulf %get3A_8, %get3A_8 : vector<3x16xf32>
    %reduce_sum3A_45 = arith.constant dense<0.000000e+00> : vector<16xf32>
    %reduce_sum3A_46 = vector.multi_reduction <add>, %mul3A_44, %reduce_sum3A_45 [0] : vector<3x16xf32> to vector<16xf32>
    %broadcast_in_dim3A_47 = vector.shape_cast %reduce_sum3A_46 : vector<16xf32> to vector<1x16xf32>
    %add3A_48 = vector.broadcast %broadcast_in_dim3A_47 : vector<1x16xf32> to vector<64x16xf32>
    %add3A_49 = arith.addf %add3A_43, %add3A_48 : vector<64x16xf32>
    %iota3A = tpu.iota {dimensions = array<i32: 1>} : vector<64x16xi32>
    %reduce_min3A = arith.constant dense<0x7F800000> : vector<64xf32>
    %reduce_min3A_50 = vector.multi_reduction <minimumf>, %add3A_49, %reduce_min3A [1] : vector<64x16xf32> to vector<64xf32>
    %broadcast_in_dim3A_51 = vector.shape_cast %reduce_min3A_50 : vector<64xf32> to vector<64x1xf32>
    %eq3A = vector.broadcast %broadcast_in_dim3A_51 : vector<64x1xf32> to vector<64x16xf32>
    %eq3A_52 = arith.cmpf oeq, %add3A_49, %eq3A : vector<64x16xf32>
    %jit3A = arith.constant 16 : i32
    %broadcast_in_dim3A_53 = vector.broadcast %jit3A : i32 to vector<64x16xi32>
    %select_n3A = arith.select %eq3A_52, %iota3A, %broadcast_in_dim3A_53 : vector<64x16xi1>, vector<64x16xi32>
    %reduce_min3A_54 = arith.constant dense<2147483647> : vector<64xi32>
    %reduce_min3A_55 = vector.multi_reduction <minsi>, %select_n3A, %reduce_min3A_54 [1] : vector<64x16xi32> to vector<64xi32>
    %broadcast_in_dim3A_56 = vector.shape_cast %reduce_min3A_55 : vector<64xi32> to vector<64x1xi32>
    %eq3A_57 = vector.broadcast %broadcast_in_dim3A_56 : vector<64x1xi32> to vector<64x16xi32>
    %eq3A_58 = arith.cmpi eq, %iota3A, %eq3A_57 : vector<64x16xi32>
    %jit3A_59 = arith.constant 0x7F800000 : f32
    %broadcast_in_dim3A_60 = vector.broadcast %jit3A_59 : f32 to vector<64x16xf32>
    %select_n3A_61 = arith.select %eq3A_58, %broadcast_in_dim3A_60, %add3A_49 : vector<64x16xi1>, vector<64x16xf32>
    %reduce_min3A_62 = arith.constant dense<0x7F800000> : vector<64xf32>
    %reduce_min3A_63 = vector.multi_reduction <minimumf>, %select_n3A_61, %reduce_min3A_62 [1] : vector<64x16xf32> to vector<64xf32>
    %broadcast_in_dim3A_64 = vector.shape_cast %reduce_min3A_63 : vector<64xf32> to vector<64x1xf32>
    %eq3A_65 = vector.broadcast %broadcast_in_dim3A_64 : vector<64x1xf32> to vector<64x16xf32>
    %eq3A_66 = arith.cmpf oeq, %select_n3A_61, %eq3A_65 : vector<64x16xf32>
    %jit3A_67 = arith.constant 16 : i32
    %broadcast_in_dim3A_68 = vector.broadcast %jit3A_67 : i32 to vector<64x16xi32>
    %select_n3A_69 = arith.select %eq3A_66, %iota3A, %broadcast_in_dim3A_68 : vector<64x16xi1>, vector<64x16xi32>
    %reduce_min3A_70 = arith.constant dense<2147483647> : vector<64xi32>
    %reduce_min3A_71 = vector.multi_reduction <minsi>, %select_n3A_69, %reduce_min3A_70 [1] : vector<64x16xi32> to vector<64xi32>
    %broadcast_in_dim3A_72 = vector.shape_cast %reduce_min3A_71 : vector<64xi32> to vector<64x1xi32>
    %eq3A_73 = vector.broadcast %broadcast_in_dim3A_72 : vector<64x1xi32> to vector<64x16xi32>
    %eq3A_74 = arith.cmpi eq, %iota3A, %eq3A_73 : vector<64x16xi32>
    %jit3A_75 = arith.constant 0x7F800000 : f32
    %broadcast_in_dim3A_76 = vector.broadcast %jit3A_75 : f32 to vector<64x16xf32>
    %select_n3A_77 = arith.select %eq3A_74, %broadcast_in_dim3A_76, %select_n3A_61 : vector<64x16xi1>, vector<64x16xf32>
    %reduce_min3A_78 = arith.constant dense<0x7F800000> : vector<64xf32>
    %reduce_min3A_79 = vector.multi_reduction <minimumf>, %select_n3A_77, %reduce_min3A_78 [1] : vector<64x16xf32> to vector<64xf32>
    %broadcast_in_dim3A_80 = vector.shape_cast %reduce_min3A_79 : vector<64xf32> to vector<64x1xf32>
    %eq3A_81 = vector.broadcast %broadcast_in_dim3A_80 : vector<64x1xf32> to vector<64x16xf32>
    %eq3A_82 = arith.cmpf oeq, %select_n3A_77, %eq3A_81 : vector<64x16xf32>
    %jit3A_83 = arith.constant 16 : i32
    %broadcast_in_dim3A_84 = vector.broadcast %jit3A_83 : i32 to vector<64x16xi32>
    %select_n3A_85 = arith.select %eq3A_82, %iota3A, %broadcast_in_dim3A_84 : vector<64x16xi1>, vector<64x16xi32>
    %reduce_min3A_86 = arith.constant dense<2147483647> : vector<64xi32>
    %reduce_min3A_87 = vector.multi_reduction <minsi>, %select_n3A_85, %reduce_min3A_86 [1] : vector<64x16xi32> to vector<64xi32>
    %broadcast_in_dim3A_88 = vector.shape_cast %reduce_min3A_87 : vector<64xi32> to vector<64x1xi32>
    %eq3A_89 = vector.broadcast %broadcast_in_dim3A_88 : vector<64x1xi32> to vector<64x16xi32>
    %eq3A_90 = arith.cmpi eq, %iota3A, %eq3A_89 : vector<64x16xi32>
    %jit3A_91 = arith.constant 0x7F800000 : f32
    %broadcast_in_dim3A_92 = vector.broadcast %jit3A_91 : f32 to vector<64x16xf32>
    %select_n3A_93 = arith.select %eq3A_90, %broadcast_in_dim3A_92, %select_n3A_77 : vector<64x16xi1>, vector<64x16xf32>
    %reduce_min3A_94 = arith.constant dense<0x7F800000> : vector<64xf32>
    %reduce_min3A_95 = vector.multi_reduction <minimumf>, %select_n3A_93, %reduce_min3A_94 [1] : vector<64x16xf32> to vector<64xf32>
    %broadcast_in_dim3A_96 = vector.shape_cast %reduce_min3A_95 : vector<64xf32> to vector<64x1xf32>
    %eq3A_97 = vector.broadcast %broadcast_in_dim3A_96 : vector<64x1xf32> to vector<64x16xf32>
    %eq3A_98 = arith.cmpf oeq, %select_n3A_93, %eq3A_97 : vector<64x16xf32>
    %jit3A_99 = arith.constant 16 : i32
    %broadcast_in_dim3A_100 = vector.broadcast %jit3A_99 : i32 to vector<64x16xi32>
    %select_n3A_101 = arith.select %eq3A_98, %iota3A, %broadcast_in_dim3A_100 : vector<64x16xi1>, vector<64x16xi32>
    %reduce_min3A_102 = arith.constant dense<2147483647> : vector<64xi32>
    %reduce_min3A_103 = vector.multi_reduction <minsi>, %select_n3A_101, %reduce_min3A_102 [1] : vector<64x16xi32> to vector<64xi32>
    %broadcast_in_dim3A_104 = vector.shape_cast %reduce_min3A_103 : vector<64xi32> to vector<64x1xi32>
    %eq3A_105 = vector.broadcast %broadcast_in_dim3A_104 : vector<64x1xi32> to vector<64x16xi32>
    %eq3A_106 = arith.cmpi eq, %iota3A, %eq3A_105 : vector<64x16xi32>
    %jit3A_107 = arith.constant 0x7F800000 : f32
    %broadcast_in_dim3A_108 = vector.broadcast %jit3A_107 : f32 to vector<64x16xf32>
    %select_n3A_109 = arith.select %eq3A_106, %broadcast_in_dim3A_108, %select_n3A_93 : vector<64x16xi1>, vector<64x16xf32>
    %reduce_min3A_110 = arith.constant dense<0x7F800000> : vector<64xf32>
    %reduce_min3A_111 = vector.multi_reduction <minimumf>, %select_n3A_109, %reduce_min3A_110 [1] : vector<64x16xf32> to vector<64xf32>
    %broadcast_in_dim3A_112 = vector.shape_cast %reduce_min3A_111 : vector<64xf32> to vector<64x1xf32>
    %eq3A_113 = vector.broadcast %broadcast_in_dim3A_112 : vector<64x1xf32> to vector<64x16xf32>
    %eq3A_114 = arith.cmpf oeq, %select_n3A_109, %eq3A_113 : vector<64x16xf32>
    %jit3A_115 = arith.constant 16 : i32
    %broadcast_in_dim3A_116 = vector.broadcast %jit3A_115 : i32 to vector<64x16xi32>
    %select_n3A_117 = arith.select %eq3A_114, %iota3A, %broadcast_in_dim3A_116 : vector<64x16xi1>, vector<64x16xi32>
    %reduce_min3A_118 = arith.constant dense<2147483647> : vector<64xi32>
    %reduce_min3A_119 = vector.multi_reduction <minsi>, %select_n3A_117, %reduce_min3A_118 [1] : vector<64x16xi32> to vector<64xi32>
    %broadcast_in_dim3A_120 = vector.shape_cast %reduce_min3A_119 : vector<64xi32> to vector<64x1xi32>
    %eq3A_121 = vector.broadcast %broadcast_in_dim3A_120 : vector<64x1xi32> to vector<64x16xi32>
    %eq3A_122 = arith.cmpi eq, %iota3A, %eq3A_121 : vector<64x16xi32>
    %jit3A_123 = arith.constant 0x7F800000 : f32
    %broadcast_in_dim3A_124 = vector.broadcast %jit3A_123 : f32 to vector<64x16xf32>
    %select_n3A_125 = arith.select %eq3A_122, %broadcast_in_dim3A_124, %select_n3A_109 : vector<64x16xi1>, vector<64x16xf32>
    %reduce_min3A_126 = arith.constant dense<0x7F800000> : vector<64xf32>
    %reduce_min3A_127 = vector.multi_reduction <minimumf>, %select_n3A_125, %reduce_min3A_126 [1] : vector<64x16xf32> to vector<64xf32>
    %broadcast_in_dim3A_128 = vector.shape_cast %reduce_min3A_127 : vector<64xf32> to vector<64x1xf32>
    %eq3A_129 = vector.broadcast %broadcast_in_dim3A_128 : vector<64x1xf32> to vector<64x16xf32>
    %eq3A_130 = arith.cmpf oeq, %select_n3A_125, %eq3A_129 : vector<64x16xf32>
    %jit3A_131 = arith.constant 16 : i32
    %broadcast_in_dim3A_132 = vector.broadcast %jit3A_131 : i32 to vector<64x16xi32>
    %select_n3A_133 = arith.select %eq3A_130, %iota3A, %broadcast_in_dim3A_132 : vector<64x16xi1>, vector<64x16xi32>
    %reduce_min3A_134 = arith.constant dense<2147483647> : vector<64xi32>
    %reduce_min3A_135 = vector.multi_reduction <minsi>, %select_n3A_133, %reduce_min3A_134 [1] : vector<64x16xi32> to vector<64xi32>
    %broadcast_in_dim3A_136 = vector.shape_cast %reduce_min3A_135 : vector<64xi32> to vector<64x1xi32>
    %eq3A_137 = vector.broadcast %broadcast_in_dim3A_136 : vector<64x1xi32> to vector<64x16xi32>
    %eq3A_138 = arith.cmpi eq, %iota3A, %eq3A_137 : vector<64x16xi32>
    %jit3A_139 = arith.constant 0x7F800000 : f32
    %broadcast_in_dim3A_140 = vector.broadcast %jit3A_139 : f32 to vector<64x16xf32>
    %select_n3A_141 = arith.select %eq3A_138, %broadcast_in_dim3A_140, %select_n3A_125 : vector<64x16xi1>, vector<64x16xf32>
    %reduce_min3A_142 = arith.constant dense<0x7F800000> : vector<64xf32>
    %reduce_min3A_143 = vector.multi_reduction <minimumf>, %select_n3A_141, %reduce_min3A_142 [1] : vector<64x16xf32> to vector<64xf32>
    %broadcast_in_dim3A_144 = vector.shape_cast %reduce_min3A_143 : vector<64xf32> to vector<64x1xf32>
    %eq3A_145 = vector.broadcast %broadcast_in_dim3A_144 : vector<64x1xf32> to vector<64x16xf32>
    %eq3A_146 = arith.cmpf oeq, %select_n3A_141, %eq3A_145 : vector<64x16xf32>
    %jit3A_147 = arith.constant 16 : i32
    %broadcast_in_dim3A_148 = vector.broadcast %jit3A_147 : i32 to vector<64x16xi32>
    %select_n3A_149 = arith.select %eq3A_146, %iota3A, %broadcast_in_dim3A_148 : vector<64x16xi1>, vector<64x16xi32>
    %reduce_min3A_150 = arith.constant dense<2147483647> : vector<64xi32>
    %reduce_min3A_151 = vector.multi_reduction <minsi>, %select_n3A_149, %reduce_min3A_150 [1] : vector<64x16xi32> to vector<64xi32>
    %broadcast_in_dim3A_152 = vector.shape_cast %reduce_min3A_151 : vector<64xi32> to vector<64x1xi32>
    %eq3A_153 = vector.broadcast %broadcast_in_dim3A_152 : vector<64x1xi32> to vector<64x16xi32>
    %eq3A_154 = arith.cmpi eq, %iota3A, %eq3A_153 : vector<64x16xi32>
    %jit3A_155 = arith.constant 0x7F800000 : f32
    %broadcast_in_dim3A_156 = vector.broadcast %jit3A_155 : f32 to vector<64x16xf32>
    %select_n3A_157 = arith.select %eq3A_154, %broadcast_in_dim3A_156, %select_n3A_141 : vector<64x16xi1>, vector<64x16xf32>
    %reduce_min3A_158 = arith.constant dense<0x7F800000> : vector<64xf32>
    %reduce_min3A_159 = vector.multi_reduction <minimumf>, %select_n3A_157, %reduce_min3A_158 [1] : vector<64x16xf32> to vector<64xf32>
    %broadcast_in_dim3A_160 = vector.shape_cast %reduce_min3A_159 : vector<64xf32> to vector<64x1xf32>
    %eq3A_161 = vector.broadcast %broadcast_in_dim3A_160 : vector<64x1xf32> to vector<64x16xf32>
    %eq3A_162 = arith.cmpf oeq, %select_n3A_157, %eq3A_161 : vector<64x16xf32>
    %jit3A_163 = arith.constant 16 : i32
    %broadcast_in_dim3A_164 = vector.broadcast %jit3A_163 : i32 to vector<64x16xi32>
    %select_n3A_165 = arith.select %eq3A_162, %iota3A, %broadcast_in_dim3A_164 : vector<64x16xi1>, vector<64x16xi32>
    %reduce_min3A_166 = arith.constant dense<2147483647> : vector<64xi32>
    %reduce_min3A_167 = vector.multi_reduction <minsi>, %select_n3A_165, %reduce_min3A_166 [1] : vector<64x16xi32> to vector<64xi32>
    %stack3A = vector.shape_cast %reduce_min3A_55 : vector<64xi32> to vector<64x1xi32>
    %stack3A_168 = vector.shape_cast %reduce_min3A_71 : vector<64xi32> to vector<64x1xi32>
    %stack3A_169 = vector.shape_cast %reduce_min3A_87 : vector<64xi32> to vector<64x1xi32>
    %stack3A_170 = vector.shape_cast %reduce_min3A_103 : vector<64xi32> to vector<64x1xi32>
    %stack3A_171 = vector.shape_cast %reduce_min3A_119 : vector<64xi32> to vector<64x1xi32>
    %stack3A_172 = vector.shape_cast %reduce_min3A_135 : vector<64xi32> to vector<64x1xi32>
    %stack3A_173 = vector.shape_cast %reduce_min3A_151 : vector<64xi32> to vector<64x1xi32>
    %stack3A_174 = vector.shape_cast %reduce_min3A_167 : vector<64xi32> to vector<64x1xi32>
    %stack3A_175 = tpu.concatenate %stack3A, %stack3A_168, %stack3A_169, %stack3A_170, %stack3A_171, %stack3A_172, %stack3A_173, %stack3A_174 in 1 : vector<64x1xi32>, vector<64x1xi32>, vector<64x1xi32>, vector<64x1xi32>, vector<64x1xi32>, vector<64x1xi32>, vector<64x1xi32>, vector<64x1xi32> -> vector<64x8xi32>
    %swap3A = arith.constant 0 : index
    %swap3A_176 = arith.constant 0 : index
    %swap3A_177 = arith.constant 0 : index
    %swap3A_178 = vector.load %arg3[%swap3A, %swap3A_176, %swap3A_177] : memref<1x64x8xi32, #tpu.memory_space<vmem>>, vector<1x64x8xi32>
    %swap3A_179 = vector.shape_cast %swap3A_178 : vector<1x64x8xi32> to vector<64x8xi32>
    %swap3A_180 = vector.shape_cast %stack3A_175 : vector<64x8xi32> to vector<1x64x8xi32>
    tpu.vector_store %arg3[%swap3A, %swap3A_176, %swap3A_177], %swap3A_180 {strides = array<i32>} : memref<1x64x8xi32, #tpu.memory_space<vmem>>, vector<1x64x8xi32>,
    return
  }
  func.func @transform_0(%arg0: i32) -> (i32, i32, i32) {
    %c0_i32 = arith.constant 0 : i32
    %c0_i32_0 = arith.constant 0 : i32
    %c0_i32_1 = arith.constant 0 : i32
    return %arg0, %c0_i32, %c0_i32_0 : i32, i32, i32
  }
  func.func @transform_1(%arg0: i32) -> (i32, i32, i32) {
    %c0_i32 = arith.constant 0 : i32
    %c0_i32_0 = arith.constant 0 : i32
    %c0_i32_1 = arith.constant 0 : i32
    return %arg0, %c0_i32, %c0_i32_0 : i32, i32, i32
  }
  func.func @transform_2(%arg0: i32) -> (i32, i32, i32) {
    %c0_i32 = arith.constant 0 : i32
    %c0_i32_0 = arith.constant 0 : i32
    %c0_i32_1 = arith.constant 0 : i32
    return %arg0, %c0_i32, %c0_i32_0 : i32, i32, i32
  }
}

module attributes {stable_mosaic.version = 14 : i64} {
  func.func @_bq_body(%arg0: i32, %arg1: memref<1x3x64xf32, #tpu.memory_space<vmem>>, %arg2: memref<1x3x16xf32, #tpu.memory_space<vmem>>, %arg3: memref<1x16x8xi32, #tpu.memory_space<vmem>>) attributes {dimension_semantics = [#tpu.dimension_semantics<arbitrary>], iteration_bounds = array<i64: 8>, scalar_prefetch = 0 : i64, scratch_operands = 0 : i64, tpu.core_type = #tpu.core_type<tc>, window_params = [{transform_indices = @transform_0, window_bounds = array<i64: 1, 3, 64>}, {transform_indices = @transform_1, window_bounds = array<i64: 1, 3, 16>}, {transform_indices = @transform_2, window_bounds = array<i64: 1, 16, 8>}]} {
    %get3A = arith.constant 0 : index
    %get3A_0 = arith.constant 0 : index
    %get3A_1 = arith.constant 0 : index
    %get3A_2 = vector.load %arg2[%get3A, %get3A_0, %get3A_1] : memref<1x3x16xf32, #tpu.memory_space<vmem>>, vector<1x3x16xf32>
    %get3A_3 = vector.shape_cast %get3A_2 : vector<1x3x16xf32> to vector<3x16xf32>
    %get3A_4 = arith.constant 0 : index
    %get3A_5 = arith.constant 0 : index
    %get3A_6 = arith.constant 0 : index
    %get3A_7 = vector.load %arg1[%get3A_4, %get3A_5, %get3A_6] : memref<1x3x64xf32, #tpu.memory_space<vmem>>, vector<1x3x64xf32>
    %get3A_8 = vector.shape_cast %get3A_7 : vector<1x3x64xf32> to vector<3x64xf32>
    %convert_element_type3A = arith.truncf %get3A_3 : vector<3x16xf32> to vector<3x16xbf16>
    %convert_element_type3A_9 = arith.extf %convert_element_type3A : vector<3x16xbf16> to vector<3x16xf32>
    %convert_element_type3A_10 = arith.truncf %get3A_8 : vector<3x64xf32> to vector<3x64xbf16>
    %convert_element_type3A_11 = arith.extf %convert_element_type3A_10 : vector<3x64xbf16> to vector<3x64xf32>
    %slice3A = vector.extract_strided_slice %convert_element_type3A_9 {offsets = [0, 0], sizes = [1, 16], strides = [1, 1]} : vector<3x16xf32> to vector<1x16xf32>
    %squeeze3A = vector.shape_cast %slice3A : vector<1x16xf32> to vector<16xf32>
    %broadcast_in_dim3A = vector.shape_cast %squeeze3A : vector<16xf32> to vector<16x1xf32>
    %slice3A_12 = vector.extract_strided_slice %convert_element_type3A_11 {offsets = [0, 0], sizes = [1, 64], strides = [1, 1]} : vector<3x64xf32> to vector<1x64xf32>
    %squeeze3A_13 = vector.shape_cast %slice3A_12 : vector<1x64xf32> to vector<64xf32>
    %broadcast_in_dim3A_14 = vector.shape_cast %squeeze3A_13 : vector<64xf32> to vector<1x64xf32>
    %mul3A = vector.broadcast %broadcast_in_dim3A : vector<16x1xf32> to vector<16x64xf32>
    %mul3A_15 = vector.broadcast %broadcast_in_dim3A_14 : vector<1x64xf32> to vector<16x64xf32>
    %mul3A_16 = arith.mulf %mul3A, %mul3A_15 : vector<16x64xf32>
    %slice3A_17 = vector.extract_strided_slice %convert_element_type3A_9 {offsets = [1, 0], sizes = [1, 16], strides = [1, 1]} : vector<3x16xf32> to vector<1x16xf32>
    %squeeze3A_18 = vector.shape_cast %slice3A_17 : vector<1x16xf32> to vector<16xf32>
    %broadcast_in_dim3A_19 = vector.shape_cast %squeeze3A_18 : vector<16xf32> to vector<16x1xf32>
    %slice3A_20 = vector.extract_strided_slice %convert_element_type3A_11 {offsets = [1, 0], sizes = [1, 64], strides = [1, 1]} : vector<3x64xf32> to vector<1x64xf32>
    %squeeze3A_21 = vector.shape_cast %slice3A_20 : vector<1x64xf32> to vector<64xf32>
    %broadcast_in_dim3A_22 = vector.shape_cast %squeeze3A_21 : vector<64xf32> to vector<1x64xf32>
    %mul3A_23 = vector.broadcast %broadcast_in_dim3A_19 : vector<16x1xf32> to vector<16x64xf32>
    %mul3A_24 = vector.broadcast %broadcast_in_dim3A_22 : vector<1x64xf32> to vector<16x64xf32>
    %mul3A_25 = arith.mulf %mul3A_23, %mul3A_24 : vector<16x64xf32>
    %add3A = arith.addf %mul3A_16, %mul3A_25 : vector<16x64xf32>
    %slice3A_26 = vector.extract_strided_slice %convert_element_type3A_9 {offsets = [2, 0], sizes = [1, 16], strides = [1, 1]} : vector<3x16xf32> to vector<1x16xf32>
    %squeeze3A_27 = vector.shape_cast %slice3A_26 : vector<1x16xf32> to vector<16xf32>
    %broadcast_in_dim3A_28 = vector.shape_cast %squeeze3A_27 : vector<16xf32> to vector<16x1xf32>
    %slice3A_29 = vector.extract_strided_slice %convert_element_type3A_11 {offsets = [2, 0], sizes = [1, 64], strides = [1, 1]} : vector<3x64xf32> to vector<1x64xf32>
    %squeeze3A_30 = vector.shape_cast %slice3A_29 : vector<1x64xf32> to vector<64xf32>
    %broadcast_in_dim3A_31 = vector.shape_cast %squeeze3A_30 : vector<64xf32> to vector<1x64xf32>
    %mul3A_32 = vector.broadcast %broadcast_in_dim3A_28 : vector<16x1xf32> to vector<16x64xf32>
    %mul3A_33 = vector.broadcast %broadcast_in_dim3A_31 : vector<1x64xf32> to vector<16x64xf32>
    %mul3A_34 = arith.mulf %mul3A_32, %mul3A_33 : vector<16x64xf32>
    %add3A_35 = arith.addf %add3A, %mul3A_34 : vector<16x64xf32>
    %mul3A_36 = arith.constant -2.000000e+00 : f32
    %mul3A_37 = vector.broadcast %mul3A_36 : f32 to vector<16x64xf32>
    %mul3A_38 = arith.mulf %mul3A_37, %add3A_35 : vector<16x64xf32>
    %mul3A_39 = arith.mulf %get3A_3, %get3A_3 : vector<3x16xf32>
    %reduce_sum3A = arith.constant dense<0.000000e+00> : vector<16xf32>
    %reduce_sum3A_40 = vector.multi_reduction <add>, %mul3A_39, %reduce_sum3A [0] : vector<3x16xf32> to vector<16xf32>
    %broadcast_in_dim3A_41 = vector.shape_cast %reduce_sum3A_40 : vector<16xf32> to vector<16x1xf32>
    %add3A_42 = vector.broadcast %broadcast_in_dim3A_41 : vector<16x1xf32> to vector<16x64xf32>
    %add3A_43 = arith.addf %mul3A_38, %add3A_42 : vector<16x64xf32>
    %mul3A_44 = arith.mulf %get3A_8, %get3A_8 : vector<3x64xf32>
    %reduce_sum3A_45 = arith.constant dense<0.000000e+00> : vector<64xf32>
    %reduce_sum3A_46 = vector.multi_reduction <add>, %mul3A_44, %reduce_sum3A_45 [0] : vector<3x64xf32> to vector<64xf32>
    %broadcast_in_dim3A_47 = vector.shape_cast %reduce_sum3A_46 : vector<64xf32> to vector<1x64xf32>
    %add3A_48 = vector.broadcast %broadcast_in_dim3A_47 : vector<1x64xf32> to vector<16x64xf32>
    %add3A_49 = arith.addf %add3A_43, %add3A_48 : vector<16x64xf32>
    %iota3A = tpu.iota {dimensions = array<i32: 1>} : vector<16x64xi32>
    %le3A = arith.constant 6.250000e+02 : f32
    %le3A_50 = vector.broadcast %le3A : f32 to vector<16x64xf32>
    %le3A_51 = arith.cmpf ole, %add3A_49, %le3A_50 : vector<16x64xf32>
    %jit3A = arith.constant 64 : i32
    %broadcast_in_dim3A_52 = vector.broadcast %jit3A : i32 to vector<16x64xi32>
    %select_n3A = arith.select %le3A_51, %iota3A, %broadcast_in_dim3A_52 : vector<16x64xi1>, vector<16x64xi32>
    %reduce_min3A = arith.constant dense<2147483647> : vector<16xi32>
    %reduce_min3A_53 = vector.multi_reduction <minsi>, %select_n3A, %reduce_min3A [1] : vector<16x64xi32> to vector<16xi32>
    %broadcast_in_dim3A_54 = vector.shape_cast %reduce_min3A_53 : vector<16xi32> to vector<16x1xi32>
    %eq3A = vector.broadcast %broadcast_in_dim3A_54 : vector<16x1xi32> to vector<16x64xi32>
    %eq3A_55 = arith.cmpi eq, %select_n3A, %eq3A : vector<16x64xi32>
    %jit3A_56 = arith.constant 64 : i32
    %broadcast_in_dim3A_57 = vector.broadcast %jit3A_56 : i32 to vector<16x64xi32>
    %select_n3A_58 = arith.select %eq3A_55, %broadcast_in_dim3A_57, %select_n3A : vector<16x64xi1>, vector<16x64xi32>
    %reduce_min3A_59 = arith.constant dense<2147483647> : vector<16xi32>
    %reduce_min3A_60 = vector.multi_reduction <minsi>, %select_n3A_58, %reduce_min3A_59 [1] : vector<16x64xi32> to vector<16xi32>
    %broadcast_in_dim3A_61 = vector.shape_cast %reduce_min3A_60 : vector<16xi32> to vector<16x1xi32>
    %eq3A_62 = vector.broadcast %broadcast_in_dim3A_61 : vector<16x1xi32> to vector<16x64xi32>
    %eq3A_63 = arith.cmpi eq, %select_n3A_58, %eq3A_62 : vector<16x64xi32>
    %jit3A_64 = arith.constant 64 : i32
    %broadcast_in_dim3A_65 = vector.broadcast %jit3A_64 : i32 to vector<16x64xi32>
    %select_n3A_66 = arith.select %eq3A_63, %broadcast_in_dim3A_65, %select_n3A_58 : vector<16x64xi1>, vector<16x64xi32>
    %reduce_min3A_67 = arith.constant dense<2147483647> : vector<16xi32>
    %reduce_min3A_68 = vector.multi_reduction <minsi>, %select_n3A_66, %reduce_min3A_67 [1] : vector<16x64xi32> to vector<16xi32>
    %broadcast_in_dim3A_69 = vector.shape_cast %reduce_min3A_68 : vector<16xi32> to vector<16x1xi32>
    %eq3A_70 = vector.broadcast %broadcast_in_dim3A_69 : vector<16x1xi32> to vector<16x64xi32>
    %eq3A_71 = arith.cmpi eq, %select_n3A_66, %eq3A_70 : vector<16x64xi32>
    %jit3A_72 = arith.constant 64 : i32
    %broadcast_in_dim3A_73 = vector.broadcast %jit3A_72 : i32 to vector<16x64xi32>
    %select_n3A_74 = arith.select %eq3A_71, %broadcast_in_dim3A_73, %select_n3A_66 : vector<16x64xi1>, vector<16x64xi32>
    %reduce_min3A_75 = arith.constant dense<2147483647> : vector<16xi32>
    %reduce_min3A_76 = vector.multi_reduction <minsi>, %select_n3A_74, %reduce_min3A_75 [1] : vector<16x64xi32> to vector<16xi32>
    %broadcast_in_dim3A_77 = vector.shape_cast %reduce_min3A_76 : vector<16xi32> to vector<16x1xi32>
    %eq3A_78 = vector.broadcast %broadcast_in_dim3A_77 : vector<16x1xi32> to vector<16x64xi32>
    %eq3A_79 = arith.cmpi eq, %select_n3A_74, %eq3A_78 : vector<16x64xi32>
    %jit3A_80 = arith.constant 64 : i32
    %broadcast_in_dim3A_81 = vector.broadcast %jit3A_80 : i32 to vector<16x64xi32>
    %select_n3A_82 = arith.select %eq3A_79, %broadcast_in_dim3A_81, %select_n3A_74 : vector<16x64xi1>, vector<16x64xi32>
    %reduce_min3A_83 = arith.constant dense<2147483647> : vector<16xi32>
    %reduce_min3A_84 = vector.multi_reduction <minsi>, %select_n3A_82, %reduce_min3A_83 [1] : vector<16x64xi32> to vector<16xi32>
    %broadcast_in_dim3A_85 = vector.shape_cast %reduce_min3A_84 : vector<16xi32> to vector<16x1xi32>
    %eq3A_86 = vector.broadcast %broadcast_in_dim3A_85 : vector<16x1xi32> to vector<16x64xi32>
    %eq3A_87 = arith.cmpi eq, %select_n3A_82, %eq3A_86 : vector<16x64xi32>
    %jit3A_88 = arith.constant 64 : i32
    %broadcast_in_dim3A_89 = vector.broadcast %jit3A_88 : i32 to vector<16x64xi32>
    %select_n3A_90 = arith.select %eq3A_87, %broadcast_in_dim3A_89, %select_n3A_82 : vector<16x64xi1>, vector<16x64xi32>
    %reduce_min3A_91 = arith.constant dense<2147483647> : vector<16xi32>
    %reduce_min3A_92 = vector.multi_reduction <minsi>, %select_n3A_90, %reduce_min3A_91 [1] : vector<16x64xi32> to vector<16xi32>
    %broadcast_in_dim3A_93 = vector.shape_cast %reduce_min3A_92 : vector<16xi32> to vector<16x1xi32>
    %eq3A_94 = vector.broadcast %broadcast_in_dim3A_93 : vector<16x1xi32> to vector<16x64xi32>
    %eq3A_95 = arith.cmpi eq, %select_n3A_90, %eq3A_94 : vector<16x64xi32>
    %jit3A_96 = arith.constant 64 : i32
    %broadcast_in_dim3A_97 = vector.broadcast %jit3A_96 : i32 to vector<16x64xi32>
    %select_n3A_98 = arith.select %eq3A_95, %broadcast_in_dim3A_97, %select_n3A_90 : vector<16x64xi1>, vector<16x64xi32>
    %reduce_min3A_99 = arith.constant dense<2147483647> : vector<16xi32>
    %reduce_min3A_100 = vector.multi_reduction <minsi>, %select_n3A_98, %reduce_min3A_99 [1] : vector<16x64xi32> to vector<16xi32>
    %broadcast_in_dim3A_101 = vector.shape_cast %reduce_min3A_100 : vector<16xi32> to vector<16x1xi32>
    %eq3A_102 = vector.broadcast %broadcast_in_dim3A_101 : vector<16x1xi32> to vector<16x64xi32>
    %eq3A_103 = arith.cmpi eq, %select_n3A_98, %eq3A_102 : vector<16x64xi32>
    %jit3A_104 = arith.constant 64 : i32
    %broadcast_in_dim3A_105 = vector.broadcast %jit3A_104 : i32 to vector<16x64xi32>
    %select_n3A_106 = arith.select %eq3A_103, %broadcast_in_dim3A_105, %select_n3A_98 : vector<16x64xi1>, vector<16x64xi32>
    %reduce_min3A_107 = arith.constant dense<2147483647> : vector<16xi32>
    %reduce_min3A_108 = vector.multi_reduction <minsi>, %select_n3A_106, %reduce_min3A_107 [1] : vector<16x64xi32> to vector<16xi32>
    %stack3A = vector.shape_cast %reduce_min3A_53 : vector<16xi32> to vector<16x1xi32>
    %stack3A_109 = vector.shape_cast %reduce_min3A_60 : vector<16xi32> to vector<16x1xi32>
    %stack3A_110 = vector.shape_cast %reduce_min3A_68 : vector<16xi32> to vector<16x1xi32>
    %stack3A_111 = vector.shape_cast %reduce_min3A_76 : vector<16xi32> to vector<16x1xi32>
    %stack3A_112 = vector.shape_cast %reduce_min3A_84 : vector<16xi32> to vector<16x1xi32>
    %stack3A_113 = vector.shape_cast %reduce_min3A_92 : vector<16xi32> to vector<16x1xi32>
    %stack3A_114 = vector.shape_cast %reduce_min3A_100 : vector<16xi32> to vector<16x1xi32>
    %stack3A_115 = vector.shape_cast %reduce_min3A_108 : vector<16xi32> to vector<16x1xi32>
    %stack3A_116 = tpu.concatenate %stack3A, %stack3A_109, %stack3A_110, %stack3A_111, %stack3A_112, %stack3A_113, %stack3A_114, %stack3A_115 in 1 : vector<16x1xi32>, vector<16x1xi32>, vector<16x1xi32>, vector<16x1xi32>, vector<16x1xi32>, vector<16x1xi32>, vector<16x1xi32>, vector<16x1xi32> -> vector<16x8xi32>
    %eq3A_117 = arith.constant 64 : i32
    %eq3A_118 = vector.broadcast %eq3A_117 : i32 to vector<16x8xi32>
    %eq3A_119 = arith.cmpi eq, %stack3A_116, %eq3A_118 : vector<16x8xi32>
    %slice3A_120 = vector.extract_strided_slice %stack3A_116 {offsets = [0, 0], sizes = [16, 1], strides = [1, 1]} : vector<16x8xi32> to vector<16x1xi32>
    %broadcast_in_dim3A_121 = vector.shape_cast %slice3A_120 : vector<16x1xi32> to vector<16x1xi32>
    %broadcast_in_dim3A_122 = vector.broadcast %broadcast_in_dim3A_121 : vector<16x1xi32> to vector<16x8xi32>
    %select_n3A_123 = arith.select %eq3A_119, %broadcast_in_dim3A_122, %stack3A_116 : vector<16x8xi1>, vector<16x8xi32>
    %swap3A = arith.constant 0 : index
    %swap3A_124 = arith.constant 0 : index
    %swap3A_125 = arith.constant 0 : index
    %swap3A_126 = vector.load %arg3[%swap3A, %swap3A_124, %swap3A_125] : memref<1x16x8xi32, #tpu.memory_space<vmem>>, vector<1x16x8xi32>
    %swap3A_127 = vector.shape_cast %swap3A_126 : vector<1x16x8xi32> to vector<16x8xi32>
    %swap3A_128 = vector.shape_cast %select_n3A_123 : vector<16x8xi32> to vector<1x16x8xi32>
    tpu.vector_store %arg3[%swap3A, %swap3A_124, %swap3A_125], %swap3A_128 {strides = array<i32>} : memref<1x16x8xi32, #tpu.memory_space<vmem>>, vector<1x16x8xi32>,
    return
  }
  func.func @transform_0(%arg0: i32) -> (i32, i32, i32) {
    %c0_i32 = arith.constant 0 : i32
    %c0_i32_0 = arith.constant 0 : i32
    %c0_i32_1 = arith.constant 0 : i32
    return %arg0, %c0_i32, %c0_i32_0 : i32, i32, i32
  }
  func.func @transform_1(%arg0: i32) -> (i32, i32, i32) {
    %c0_i32 = arith.constant 0 : i32
    %c0_i32_0 = arith.constant 0 : i32
    %c0_i32_1 = arith.constant 0 : i32
    return %arg0, %c0_i32, %c0_i32_0 : i32, i32, i32
  }
  func.func @transform_2(%arg0: i32) -> (i32, i32, i32) {
    %c0_i32 = arith.constant 0 : i32
    %c0_i32_0 = arith.constant 0 : i32
    %c0_i32_1 = arith.constant 0 : i32
    return %arg0, %c0_i32, %c0_i32_0 : i32, i32, i32
  }
}

</mosaic_0001>

<sc_bundles>
// kernel: gather_offload_async_start.1
scs
__scs_entry_jumppad:
0x0: {  	(pc) =	sbr.rel $0x88, $3  }
0x1: {  	(tag) =	ssettag $0x0;
	lr =	simm.s32 $0x1  }
0x2: {  	[smem:$0x3F7F] =	sst lr;
	_ =	strace $0xD0000000  }
0x3: {  	_ = 	snop  }
0x4: {  	_ = 	snop  }
0x5: {  	_ = 	snop  }
0x6: {  	_ = 	snop  }
0x7: {  	_ = 	snop  }
__scs_overlays_trampoline_lowered:
0x8: {  	[smem:$0x3F8E] =	sst s0  }
0x9: {  	[smem:$0x3F8F] =	sst s1  }
0xa: {  	[smem:$0x3F90] =	sst s2  }
0xb: {  	[smem:$0x3F91] =	sst s3  }
0xc: {  	[smem:$0x3F92] =	sst s4  }
0xd: {  	[smem:$0x3F93] =	sst s5  }
0xe: {  	[smem:$0x3F94] =	sst s6  }
0xf: {  	[smem:$0x3F95] =	sst s7  }
0x10: {  	[smem:$0x3F96] =	sst s8  }
0x11: {  	[smem:$0x3F97] =	sst s9;
	s0 =	simm.s32 @!p0 $0x0  }
0x12: {  	s1 =	sld [smem:$0x3F7D];
	s0 =	simm.s32 @p0 $0x1  }
0x13: {  	[smem:$0x3F98] =	sst s0;
	s0 =	simm.s32 @!p1 $0x0  }
0x14: {  	s2 =	sld [smem:$0x3F7C];
	s0 =	simm.s32 @p1 $0x1  }
0x15: {  	[smem:$0x3F99] =	sst s0;
	s0 =	simm.s32 @!p2 $0x0  }
0x16: {  	s3 =	sld [smem:$0x3FDB];
	s0 =	simm.s32 @p2 $0x1  }
0x17: {  	s4 =	simm.s32 $0x1BF5;
	[smem:$0x3F9B] =	sst s0  }
0x18: {  	s0 =	sld [smem:$0x3F7E];
	_ =	swait.ge [sflag:s4], $0x0  }
0x19: {  	s7 =	sld [smem:$0x3F7F]  }
0x1a: {  	s8 =	sadd.s32 $0xFFFFE003, lr  }
0x1b: {  	s9 =	sadd.s32 $0xFFFFFEF7, lr;
	s5 =	simm.s32 $0xFFFFFFFF;
	p2 =	slt.u32 s8, $0xFFFFF086  }
0x1c: {  	p1 =	slt.u32 s9, $0xF7A;
	s5 =	simm.s32 @!p2 $0x0  }
0x1d: {  	s5 =	simm.s32 @p1 $0x1;
	p0 =	seq.s32 s7, s2  }
0x1e: {  	s7 =	smul.u32 @!p0 $0xF7A, s2;
	p2 =	seq.s32 @!p0 s5, $0x0  }
0x1f: {  	s9 =	smul.u32 $0xF7A, s1;
	s8 =	simm.s32 @!p0 $0x1BF5;
	p2 =	por !p2, p0  }
0x20: {  	[sflag:s8] =	ssyncset.s32 @!p0 $0xFFFFF086;
	s6 =	sadd.s32 @!p0 s3, s7;
	s7 =	simm.s32 @!p0 $0x108  }
0x21: {  	s3 =	sadd.s32 s3, s9;
	s6 =	sadd.s32 @!p0 $0x88, s6;
	s7 =	simm.s32 @p2 $0x1082  }
0x22: {  	[simem:s7], [sflag:s8] =	dma.local @!p0 [hbm:s6], $0xF7A  }
0x23: {  	s9 =	sor.u32 $0xD0000000, s2;
	s6 =	simm.s32 $0x108;
	_ =	swait.ge @!p0 [sflag:s8], $0x0  }
0x24: {  	s3 =	sadd.s32 $0x88, s3;
	s6 =	simm.s32 @!p1 $0x1082;
	[sflag:s4] =	ssyncset.s32 $0xFFFFF086  }
0x25: {  	[simem:s6], [sflag:s4] =	dma.local [hbm:s3], $0xF7A  }
0x26: {  	[smem:$0x3F7F] =	sst s1;
	(tag) =	ssettag s2;
	_ =	strace s9  }
0x27: {  	s1 =	sld [smem:$0x3F8F]  }
0x28: {  	s2 =	sld [smem:$0x3F90]  }
0x29: {  	s4 =	sld [smem:$0x3F92]  }
0x2a: {  	p0 =	seq.s32 s5, $0x0;
	s5 =	sld [smem:$0x3F93]  }
0x2b: {  	s6 =	sld [smem:$0x3F94]  }
0x2c: {  	s7 =	sld [smem:$0x3F95]  }
0x2d: {  	s3 =	simm.s32 $0x108;
	s8 =	sld [smem:$0x3F96]  }
0x2e: {  	s3 =	simm.s32 @!p0 $0x1082;
	s9 =	sld [smem:$0x3F97]  }
0x2f: {  	lr =	sadd.s32 s0, s3;
	s0 =	sld [smem:$0x3F8E]  }
0x30: {  	s3 =	sld [smem:$0x3F91]  }
0x31: {  	[smem:$0x3F9A] =	sst s10  }
0x32: {  	s10 =	sld [smem:$0x3F98];
	_ =	sdelay $0x3  }
0x33: {  	p0 =	seq.s32 s10, $0x1;
	s10 =	sld [smem:$0x3F9A];
	_ =	sdelay $0x3  }
0x34: {  	[smem:$0x3F9A] =	sst s10  }
0x35: {  	s10 =	sld [smem:$0x3F99];
	_ =	sdelay $0x3  }
0x36: {  	p1 =	seq.s32 s10, $0x1;
	s10 =	sld [smem:$0x3F9A];
	_ =	sdelay $0x3  }
0x37: {  	[smem:$0x3F9A] =	sst s10  }
0x38: {  	s10 =	sld [smem:$0x3F9B]  }
0x39: {  	_ = 	snop;
	(pc) =	sbr.ind lr, $3  }
0x3a: {  	_ = 	snop  }
0x3b: {  	_ = 	snop  }
0x3c: {  	p2 =	seq.s32 s10, $0x1;
	s10 =	sld [smem:$0x3F9A]  }
0x3d: {  	_ =	shalt  }
0x3e: {  	_ =	shalt  }
0x3f: {  	_ =	shalt  }
0x40: {  	_ =	shalt  }
0x41: {  	_ =	shalt  }
0x42: {  	_ =	shalt  }
0x43: {  	_ =	shalt  }
0x44: {  	_ =	shalt  }
0x45: {  	_ =	shalt  }
0x46: {  	_ =	shalt  }
0x47: {  	_ =	shalt  }
0x48: {  	_ =	shalt  }
0x49: {  	_ =	shalt  }
0x4a: {  	_ =	shalt  }
0x4b: {  	_ =	shalt  }
0x4c: {  	_ =	shalt  }
0x4d: {  	_ =	shalt  }
0x4e: {  	_ =	shalt  }
0x4f: {  	_ =	shalt  }
0x50: {  	_ =	shalt  }
0x51: {  	_ =	shalt  }
0x52: {  	_ =	shalt  }
0x53: {  	_ =	shalt  }
0x54: {  	_ =	shalt  }
0x55: {  	_ =	shalt  }
0x56: {  	_ =	shalt  }
0x57: {  	_ =	shalt  }
0x58: {  	_ =	shalt  }
0x59: {  	_ =	shalt  }
0x5a: {  	_ =	shalt  }
0x5b: {  	_ =	shalt  }
0x5c: {  	_ =	shalt  }
0x5d: {  	_ =	shalt  }
0x5e: {  	_ =	shalt  }
0x5f: {  	_ =	shalt  }
0x60: {  	_ =	shalt  }
0x61: {  	_ =	shalt  }
0x62: {  	_ =	shalt  }
0x63: {  	_ =	shalt  }
0x64: {  	_ =	shalt  }
0x65: {  	_ =	shalt  }
0x66: {  	_ =	shalt  }
0x67: {  	_ =	shalt  }
0x68: {  	_ =	shalt  }
0x69: {  	_ =	shalt  }
0x6a: {  	_ =	shalt  }
0x6b: {  	_ =	shalt  }
0x6c: {  	_ =	shalt  }
0x6d: {  	_ =	shalt  }
0x6e: {  	_ =	shalt  }
0x6f: {  	_ =	shalt  }
0x70: {  	_ =	shalt  }
0x71: {  	_ =	shalt  }
0x72: {  	_ =	shalt  }
0x73: {  	_ =	shalt  }
0x74: {  	_ =	shalt  }
0x75: {  	_ =	shalt  }
0x76: {  	_ =	shalt  }
0x77: {  	_ =	shalt  }
0x78: {  	_ =	shalt  }
0x79: {  	_ =	shalt  }
0x7a: {  	_ =	shalt  }
0x7b: {  	_ =	shalt  }
0x7c: {  	_ =	shalt  }
0x7d: {  	_ =	shalt  }
0x7e: {  	_ =	shalt  }
0x7f: {  	_ =	shalt  }
0x80: {  	_ =	shalt  }
0x81: {  	_ =	shalt  }
0x82: {  	_ =	shalt  }
0x83: {  	_ =	shalt  }
0x84: {  	_ =	shalt  }
0x85: {  	_ =	shalt  }
0x86: {  	_ =	shalt  }
0x87: {  	_ =	shalt  }
.Lfunc_end0:
.L_simem_size_0:
called_computation.3_lowered:
.L_overlay_start_0:
0x88: {  	s2 =	sld [smem:$0x3FD9]  }
0x89: {  	s3 =	sld [smem:$0x3FFE];
	_ =	sdelay $0x1  }
0x8a: {  	s1 =	srdreg.scid  }
0x8b: {  	s0 =	sand.u32 $0x1, s1  }
0x8c: {  	s16 =	sshll.u32 s0, $0xA;
	s2 =	sadd.s32 s3, s2  }
0x8d: {  	s2 =	sadd.s32 s2, s16  }
0x8e: {  	[smem:$0x3FA6] =	sst s2  }
0x8f: {  	_ = 	snop  }
0x90: {  	(tm) =	ssettm $0x1  }
0x91: {  	s17 =	sld [smem:$0x3FFB];
	_ =	sdelay $0x3  }
0x92: {  	_ =	strace s17  }
0x93: {  	s2 =	sld [smem:$0x3FFC];
	_ =	sdelay $0x3  }
0x94: {  	_ =	strace s2  }
0x95: {  	s2 =	sld [smem:$0x3FFD];
	_ =	sdelay $0x3  }
0x96: {  	_ =	strace s2  }
0x97: {  	_ =	strace $0x8FFFFFFF  }
0x98: {  	s18 =	sld [smem:$0x3FDB];
	_ =	sdelay $0x1  }
0x99: {  	s19 =	simm.s32 $_scs_section_size  }
0x9a: {  	s4 =	simm.s32 $_size__tile_overlayer_lowered;
	s5 =	simm.s32 $_tile_overlayer_lowered  }
0x9b: {  	s22 =	simm.s32 $0x1BFF;
	s21 =	sshll.u32 s5, $0x1;
	s2 =	sadd.s32 s19, s18  }
0x9c: {  	s6 =	simm.s32 $0x0;
	s20 =	sshll.u32 s4, $0x1;
	s4 =	sadd.s32 s21, s2  }
0x9d: {  	[timem:s6], [sflag:s22] =	dma.local [hbm:s4], s20  }
0x9e: {  	_ =	swait.ge [sflag:s22], s20  }
0x9f: {  	s3 =	ssub.s32 $0x0, s20;
	[sflag:s22] =	ssyncset.done $0x0  }
0xa0: {  	[sflag:s22] =	ssyncadd.s32 s3;
	_ =	sdelay $0x1  }
0xa1: {  	s23 =	simm.s32 $0x1B8B  }
0xa2: {  	_ =	swait.ge [sflag:s23], $0x1  }
0xa3: {  	[sflag:s23] =	ssyncset.done $0x0  }
0xa4: {  	s25 =	simm.s32 $0x1B8E;
	s24 =	sld [smem:$0x3FFE];
	[sflag:s23] =	ssyncadd.s32 $0xFFFFFFFF  }
0xa5: {  	s26 =	simm.s32 $execute0_lowered;
	[smem:$0x3FD2] =	sst s25  }
0xa6: {  	s4 =	sshll.u32 s26, $0x1;
	_ =	strace $0x8000004C;
	[dreg:$0x1] =	wrdreg $0xFFFFFFFF  }
0xa7: {  	s28 =	simm.s32 $_size_execute0_lowered;
	s2 =	sadd.s32 s2, s4;
	[dreg:$0x0] =	wrdreg $0x0  }
0xa8: {  	s4 =	sshll.u32 s28, $0x1;
	[dreg:$0x2] =	wrdreg s2  }
0xa9: {  	[dreg:$0x3] =	wrdreg s4  }
0xaa: {  	[dreg:$0x4] =	wrdreg $0xC0  }
0xab: {  	_ =	task [dreg:s6], $0x5FFFF  }
0xac: {  	[dreg:$0x1] =	wrdreg $0xFFFFFFFF  }
0xad: {  	[dreg:$0x0] =	wrdreg $0x60  }
0xae: {  	[dreg:$0x2] =	wrdreg s24  }
0xaf: {  	[dreg:$0x3] =	wrdreg $0x9  }
0xb0: {  	_ =	task.clear_ibuf [dreg:s6], $0x4FFFF;
	_ =	strace $0x9000004C  }
0xb1: {  	s29 =	simm.s32 $0x9;
	_ =	strace $0x8000004E  }
0xb2: {  	_ =	swait.ge [sflag:s29], $0x1  }
0xb3: {  	[sflag:s29] =	ssyncadd.s32 $0xFFFFFFFF  }
0xb4: {  	_ =	strace $0x9000004E  }
0xb5: {  	_ =	sfence  }
0xb6: {  	s30 =	sld [smem:$0x0];
	_ =	sdelay $0x2  }
0xb7: {  	s31 =	sshll.u32 s1, $0xD;
	s1 =	sshrl.u32 s1, $0x2  }
0xb8: {  	s3 =	sand.u32 $0x4000, s31;
	s1 =	sadd.s32 s1, s30  }
0xb9: {  	s0 =	sor.u32 s3, s0;
	s1 =	sshll.u32 s1, $0x11  }
0xba: {  	s0 =	sor.u32 s1, s0  }
0xbb: {  	s0 =	sadd.s32 $0x8F2B, s0  }
0xbc: {  	[sflag:s0] =	ssyncadd.remote.s32 $0x1  }
0xbd: {  	_ =	sfence.sel $0xFFFF  }
0xbe: {  	[dreg:$0x0] =	wrdreg $0xFFFFFFFF;
	(pc) =	sbr.abs _section_cstart, $3  }
0xbf: {  	[dreg:$0x1] =	wrdreg $0xFFFFFFFF  }
0xc0: {  	_ =	task.clear_ibuf [dreg:s6], $0x2FFFF;
	_ =	strace $0x9FFFFFFF  }
0xc1: {  	(tm) =	ssettm $0x7FFFFFFF  }
tec
execute0_lowered:
.L_overlay_start_1:
0x0: {  	(tag) =	ssettag $0x1  }
0x1: {  	s7 =	rddreg [dreg:$0x0]  }
0x2: {  	s0 =	rddreg [dreg:$0x1];
	_ =	strace $0x8000004D  }
0x3: {  	s1 =	srdreg.scid;
	s4 =	simm.s32 $0x1;
	s9 =	simm.s32 $0x3  }
0x4: {  	s12 =	simm.s32 $0x0;
	s10 =	simm.s32 $0x0;
	s5 =	sshll.u32 s1, $0x4  }
.Ltmp0:
0x5: {  	s1 =	stileid.u32;
	s5 =	sand.u32 $0x10, s5;
	(pc) =	sbr.rel .LBB2_1-.Ltmp0, $4  }
0x6: {  	s2 =	sadd.s32 $0x82000, s7;
	s3 =	sadd.s32 $0xC3400, s7;
	s6 =	sor.u32 s1, s5  }
0x7: {  	[sflag:s4] =	ssyncpa.u1 $0x0;
	s5 =	simm.s32 $0x2;
	s6 =	sshll.u32 s6, $0x6  }
0x8: {  	s7 =	sadd.s32 $0x10C400, s7;
	[sflag:s5] =	ssyncpa.u1 $0x0;
	s8 =	sadd.s32 $0x40, s6  }
0x9: {  	vm0 =	vmmov $0xff;
	vm1 =	vcmask $0x3F20;
	[sflag:s9] =	ssyncpa.u1 $0x0;
	s9 =	simm.s32 $0x40;
	s11 =	smov.u32 s6  }
.LBB2_9:
0xa: {  	p0 =	seq.s32 s10, $0x2  }
.Ltmp1:
0xb: {  	_ = 	snop;
	(pc) =	sbr.rel @p0 .LBB2_11-.Ltmp1, $1  }
0xc: {  	_ =	sdelay $0x3  }
.LBB2_10:
0xd: {  	s12 =	sadd.s32 $0x40, s11  }
0xe: {  	s13 =	smov.u32 s6;
	p0 =	slt.s32 s12, s8  }
0xf: {  	s13 =	smov.u32 @p0 s12  }
0x10: {  	s10 =	sadd.s32 $0x1, s10;
	s12 =	smov.u32 s11;
	s11 =	smov.u32 s13  }
.LBB2_1:
0x11: {  	p0 =	sne.s32 s10, $0x0  }
.Ltmp2:
0x12: {  	_ = 	snop;
	(pc) =	sbr.rel @!p0 .LBB2_2-.Ltmp2, $1  }
0x13: {  	_ =	sdelay $0x3  }
0x14: {  	s13 =	sand.u32 $0x1, s10  }
0x15: {  	p0 =	seq.s32 s13, $0x0  }
.Ltmp3:
0x16: {  	_ = 	snop;
	(pc) =	sbr.rel @p0 .LBB2_9-.Ltmp3, $1  }
0x17: {  	_ =	sdelay $0x3  }
0x18: {  	_ =	swait.ge [sflag:s5], $0x40  }
0x19: {  	[sflag:s5] =	ssyncset.done $0x0  }
0x1a: {  	s13 =	simm.s32 $0x0;
	[sflag:s5] =	ssyncadd.s32 $0xFFFFFFC0  }
0x1b: {  	v0 =	vld.msk [tilespmem:s13+$0x40 ss:$0x1], $0xffff;
	_ =	sdelay $0x4  }
0x1c: {  	v1 =	vshll.u32 v0, $0x4  }
0x1d: {  	vm2 =	veq.s32 v0, $0x80000000;
	v0 =	vshll.u32 v0, $0x11;
	v1 =	vand.u32 $0x1FF80, v1  }
0x1e: {  	v0 =	vand.u32 $0xE0000, v0;
	v1 =	vsel vm2, $0xFFFFFF80, v1  }
0x1f: {  	v0 =	vsel vm2, $0xFFFE0000, v0;
	v2 =	vand.u32 $0xFFFFFC00, v1  }
0x20: {  	v1 =	vand.u32 $0x380, v1;
	v0 =	vadd.s32 v0, v2  }
0x21: {  	v0 =	vor.u32 v1, v0  }
0x22: {  	v0 =	vshrl.u32 v0, $0x3;
	_ =	sdelay $0x3  }
0x23: {  	s13 =	simm.s32 $0x2080  }
0x24: {  	[tilespmem:s13], [sflag:$0x1] =	stream.indirect_vreg.gather [hbm:s2], $0x80, v0, vm0, $0x38;
	[tilespmem:$0x4080] =	vst v63  }
0x25: {  	s14 =	simm.s32 $0x2480;
	s31 =	simm.s32 $0x10  }
0x26: {  	[tilespmem:s14], [sflag:$0x1] =	stream.indirect_vreg.gather [hbm:s2], $0x80, v0, vm1, $0x38;
	[tilespmem:$0x4080] =	vst v63  }
0x27: {  	s14 =	simm.s32 $0x80;
	v0 =	vld.msk [tilespmem:s31+$0x40 ss:$0x1], $0xffff  }
.LBB2_5:
0x28: {  	p0 =	sne.s32 s14, $0xC0;
	_ =	sdelay $0x4  }
0x29: {  	v1 =	vshll.u32 v0, $0x4  }
0x2a: {  	vm2 =	veq.s32 v0, $0x80000000;
	v0 =	vshll.u32 v0, $0x11;
	v1 =	vand.u32 $0x1FF80, v1  }
0x2b: {  	v0 =	vand.u32 $0xE0000, v0;
	v1 =	vsel vm2, $0xFFFFFF80, v1  }
0x2c: {  	v0 =	vsel vm2, $0xFFFE0000, v0;
	v2 =	vand.u32 $0xFFFFFC00, v1  }
0x2d: {  	v1 =	vand.u32 $0x380, v1;
	v0 =	vadd.s32 v0, v2  }
0x2e: {  	v0 =	vor.u32 v1, v0  }
0x2f: {  	v0 =	vshrl.u32 v0, $0x3;
	_ =	sdelay $0x3  }
.Ltmp4:
0x30: {  	s13 =	sadd.s32 $0x800, s13;
	(pc) =	sbr.rel @p0 .LBB2_5-.Ltmp4, $4  }
0x31: {  	[tilespmem:s13], [sflag:$0x1] =	stream.indirect_vreg.gather [hbm:s2], $0x80, v0, vm0, $0x38;
	[tilespmem:$0x4080] =	vst v63  }
0x32: {  	s15 =	sshra.s32 s14, $0x2;
	s16 =	sadd.s32 $0x400, s13  }
0x33: {  	[tilespmem:s16], [sflag:$0x1] =	stream.indirect_vreg.gather [hbm:s2], $0x80, v0, vm1, $0x38;
	[tilespmem:$0x4080] =	vst v63  }
0x34: {  	s14 =	sadd.s32 $0x40, s14;
	v0 =	vld.msk [tilespmem:s15+$0x40 ss:$0x1], $0xffff  }
0x35: {  	_ =	sdelay $0x3  }
0x36: {  	v1 =	vshll.u32 v0, $0x4  }
0x37: {  	vm2 =	veq.s32 v0, $0x80000000;
	v63 =	vshll.u32 v0, $0x11;
	v1 =	vand.u32 $0x1FF80, v1  }
0x38: {  	v0 =	vand.u32 $0xE0000, v63;
	v1 =	vsel vm2, $0xFFFFFF80, v1  }
0x39: {  	v0 =	vsel vm2, $0xFFFE0000, v0;
	v2 =	vand.u32 $0xFFFFFC00, v1  }
0x3a: {  	v1 =	vand.u32 $0x380, v1;
	v0 =	vadd.s32 v0, v2  }
0x3b: {  	v0 =	vor.u32 v1, v0  }
0x3c: {  	v0 =	vshrl.u32 v0, $0x3;
	_ =	sdelay $0x3  }
0x3d: {  	s13 =	sadd.s32 $0x800, s13  }
0x3e: {  	[tilespmem:s13], [sflag:$0x1] =	stream.indirect_vreg.gather [hbm:s2], $0x80, v0, vm0, $0x38;
	[tilespmem:$0x4080] =	vst v63  }
0x3f: {  	s13 =	sadd.s32 $0x400, s13  }
0x40: {  	[tilespmem:s13], [sflag:$0x1] =	stream.indirect_vreg.gather [hbm:s2], $0x80, v0, vm1, $0x38;
	[tilespmem:$0x4080] =	vst v63  }
0x41: {  	s12 =	sshll.u32 s12, $0x4;
	s14 =	simm.s32 $0x80;
	_ =	swait.ge [sflag:s4], $0x2000  }
0x42: {  	s15 =	simm.s32 $0x2480;
	s12 =	sadd.s32 s12, s7;
	[sflag:s4] =	ssyncset.done $0x0  }
0x43: {  	s16 =	sadd.s32 $0x0, s12;
	s13 =	simm.s32 $0x2080;
	[sflag:s4] =	ssyncadd.s32 $0xFFFFE000  }
.LBB2_7:
0x44: {  	[hbm:s16] =	stream.linear.scatter [tilespmem:s13], [sflag:$0x3], $0x400, $0x38;
	[tilespmem:$0x4080] =	vst v63  }
0x45: {  	s16 =	smov.u32 s14;
	s13 =	smov.u32 s15;
	p0 =	sne.s32 s14, $0x380  }
.Ltmp5:
0x46: {  	s14 =	sadd.s32 $0x80, s14;
	(pc) =	sbr.rel @p0 .LBB2_7-.Ltmp5, $2  }
0x47: {  	_ =	sdelay $0x2  }
0x48: {  	s15 =	sadd.s32 $0x400, s15;
	s16 =	sadd.s32 s16, s12  }
.Ltmp6:
0x49: {  	(pc) =	sbr.rel .LBB2_9-.Ltmp6, $2  }
0x4a: {  	_ =	sdelay $0x2  }
0x4b: {  	[hbm:s16] =	stream.linear.scatter [tilespmem:s13], [sflag:$0x3], $0x400, $0x38;
	[tilespmem:$0x4080] =	vst v63  }
.LBB2_2:
.Ltmp7:
0x4c: {  	(pc) =	sbr.rel .LBB2_10-.Ltmp7, $4  }
0x4d: {  	_ = 	snop  }
0x4e: {  	s12 =	sshrl.u32 s11, $0x3  }
0x4f: {  	s13 =	sand.u32 $0x7, s11;
	s12 =	sadd.s32 s3, s12  }
0x50: {  	[tilespmem:s9], [sflag:$0x2] =	stream.linear.gather [hbm4b:s12+s13], $0x40, $0x38;
	[tilespmem:$0x4080] =	vst v63  }
.LBB2_11:
0x51: {  	s2 =	simm.s32 $0x3  }
0x52: {  	_ =	swait.ge [sflag:s2], $0x2000  }
0x53: {  	[sflag:s2] =	ssyncset.done $0x0  }
0x54: {  	[sflag:s2] =	ssyncadd.s32 $0xFFFFE000  }
0x55: {  	_ =	sfence.sel $0x180000  }
0x56: {  	s3 =	simm.s32 $0x2;
	[bflag:$0x0] =	sbarrier.arrive $0xFFFF  }
0x57: {  	[sflag:s3] =	ssyncpa.u1 $0x1  }
0x58: {  	s31 =	simm.s32 $0x1;
	[sflag:s2] =	ssyncpa.u1 $0x1  }
0x59: {  	[sflag:s31] =	ssyncpa.u1 $0x1  }
0x5a: {  	p0 =	sne.s32 s1, $0x0;
	_ =	strace $0x9000004D  }
0x5b: {  	s0 =	sadd.s32 @!p0 $0x100000, s0;
	[bflag:$0x2] =	sbarrier.arrive $0xFFFF  }
0x5c: {  	[sflag:s0] =	ssyncadd.tile.s32 @!p0 $0x1;
	_ =	shalt  }
.Lfunc_end2:
_tile_overlayer_lowered:
.L_overlay_start_2:
0x5d: {  	(tag) =	ssettag $0x2  }
0x5e: {  	s0 =	rddreg [dreg:$0x0];
	s2 =	stileid.u32  }
0x5f: {  	s1 =	rddreg [dreg:$0x1];
	p0 =	sne.s32 s2, $0x0  }
0x60: {  	s3 =	rddreg [dreg:$0x2];
	[bflag:$0x3] =	sbarrier.arrive $0xFFFF;
	s2 =	simm.s32 @!p0 $0x1C01  }
0x61: {  	[timem:s3], [sflag:s2] =	dma.local @!p0 [hbm:s0], s1  }
0x62: {  	s0 =	simm.s32 @!p0 $0x1  }
0x63: {  	_ =	swait.ge @!p0 [sflag:s0], s1  }
0x64: {  	s1 =	ssub.s32 @!p0 $0x0, s1;
	[sflag:s0] =	ssyncset.done @!p0 $0x0  }
0x65: {  	[sflag:s0] =	ssyncadd.s32 @!p0 s1  }
0x66: {  	[bflag:$0x3] =	sbarrier.arrive $0xFFFF  }
0x67: {  	_ =	shalt  }

// kernel: gather_offload_async_start.2
scs
__scs_entry_jumppad:
0x0: {  	(pc) =	sbr.rel $0x88, $3  }
0x1: {  	(tag) =	ssettag $0x0;
	lr =	simm.s32 $0x1  }
0x2: {  	[smem:$0x3F7F] =	sst lr;
	_ =	strace $0xD0000000  }
0x3: {  	_ = 	snop  }
0x4: {  	_ = 	snop  }
0x5: {  	_ = 	snop  }
0x6: {  	_ = 	snop  }
0x7: {  	_ = 	snop  }
__scs_overlays_trampoline_lowered:
0x8: {  	[smem:$0x3F8E] =	sst s0  }
0x9: {  	[smem:$0x3F8F] =	sst s1  }
0xa: {  	[smem:$0x3F90] =	sst s2  }
0xb: {  	[smem:$0x3F91] =	sst s3  }
0xc: {  	[smem:$0x3F92] =	sst s4  }
0xd: {  	[smem:$0x3F93] =	sst s5  }
0xe: {  	[smem:$0x3F94] =	sst s6  }
0xf: {  	[smem:$0x3F95] =	sst s7  }
0x10: {  	[smem:$0x3F96] =	sst s8  }
0x11: {  	[smem:$0x3F97] =	sst s9;
	s0 =	simm.s32 @!p0 $0x0  }
0x12: {  	s1 =	sld [smem:$0x3F7D];
	s0 =	simm.s32 @p0 $0x1  }
0x13: {  	[smem:$0x3F98] =	sst s0;
	s0 =	simm.s32 @!p1 $0x0  }
0x14: {  	s2 =	sld [smem:$0x3F7C];
	s0 =	simm.s32 @p1 $0x1  }
0x15: {  	[smem:$0x3F99] =	sst s0;
	s0 =	simm.s32 @!p2 $0x0  }
0x16: {  	s3 =	sld [smem:$0x3FDB];
	s0 =	simm.s32 @p2 $0x1  }
0x17: {  	s4 =	simm.s32 $0x1BF5;
	[smem:$0x3F9B] =	sst s0  }
0x18: {  	s0 =	sld [smem:$0x3F7E];
	_ =	swait.ge [sflag:s4], $0x0  }
0x19: {  	s7 =	sld [smem:$0x3F7F]  }
0x1a: {  	s8 =	sadd.s32 $0xFFFFE003, lr  }
0x1b: {  	s9 =	sadd.s32 $0xFFFFFEF7, lr;
	s5 =	simm.s32 $0xFFFFFFFF;
	p2 =	slt.u32 s8, $0xFFFFF086  }
0x1c: {  	p1 =	slt.u32 s9, $0xF7A;
	s5 =	simm.s32 @!p2 $0x0  }
0x1d: {  	s5 =	simm.s32 @p1 $0x1;
	p0 =	seq.s32 s7, s2  }
0x1e: {  	s7 =	smul.u32 @!p0 $0xF7A, s2;
	p2 =	seq.s32 @!p0 s5, $0x0  }
0x1f: {  	s9 =	smul.u32 $0xF7A, s1;
	s8 =	simm.s32 @!p0 $0x1BF5;
	p2 =	por !p2, p0  }
0x20: {  	[sflag:s8] =	ssyncset.s32 @!p0 $0xFFFFF086;
	s6 =	sadd.s32 @!p0 s3, s7;
	s7 =	simm.s32 @!p0 $0x108  }
0x21: {  	s3 =	sadd.s32 s3, s9;
	s6 =	sadd.s32 @!p0 $0x88, s6;
	s7 =	simm.s32 @p2 $0x1082  }
0x22: {  	[simem:s7], [sflag:s8] =	dma.local @!p0 [hbm:s6], $0xF7A  }
0x23: {  	s9 =	sor.u32 $0xD0000000, s2;
	s6 =	simm.s32 $0x108;
	_ =	swait.ge @!p0 [sflag:s8], $0x0  }
0x24: {  	s3 =	sadd.s32 $0x88, s3;
	s6 =	simm.s32 @!p1 $0x1082;
	[sflag:s4] =	ssyncset.s32 $0xFFFFF086  }
0x25: {  	[simem:s6], [sflag:s4] =	dma.local [hbm:s3], $0xF7A  }
0x26: {  	[smem:$0x3F7F] =	sst s1;
	(tag) =	ssettag s2;
	_ =	strace s9  }
0x27: {  	s1 =	sld [smem:$0x3F8F]  }
0x28: {  	s2 =	sld [smem:$0x3F90]  }
0x29: {  	s4 =	sld [smem:$0x3F92]  }
0x2a: {  	p0 =	seq.s32 s5, $0x0;
	s5 =	sld [smem:$0x3F93]  }
0x2b: {  	s6 =	sld [smem:$0x3F94]  }
0x2c: {  	s7 =	sld [smem:$0x3F95]  }
0x2d: {  	s3 =	simm.s32 $0x108;
	s8 =	sld [smem:$0x3F96]  }
0x2e: {  	s3 =	simm.s32 @!p0 $0x1082;
	s9 =	sld [smem:$0x3F97]  }
0x2f: {  	lr =	sadd.s32 s0, s3;
	s0 =	sld [smem:$0x3F8E]  }
0x30: {  	s3 =	sld [smem:$0x3F91]  }
0x31: {  	[smem:$0x3F9A] =	sst s10  }
0x32: {  	s10 =	sld [smem:$0x3F98];
	_ =	sdelay $0x3  }
0x33: {  	p0 =	seq.s32 s10, $0x1;
	s10 =	sld [smem:$0x3F9A];
	_ =	sdelay $0x3  }
0x34: {  	[smem:$0x3F9A] =	sst s10  }
0x35: {  	s10 =	sld [smem:$0x3F99];
	_ =	sdelay $0x3  }
0x36: {  	p1 =	seq.s32 s10, $0x1;
	s10 =	sld [smem:$0x3F9A];
	_ =	sdelay $0x3  }
0x37: {  	[smem:$0x3F9A] =	sst s10  }
0x38: {  	s10 =	sld [smem:$0x3F9B]  }
0x39: {  	_ = 	snop;
	(pc) =	sbr.ind lr, $3  }
0x3a: {  	_ = 	snop  }
0x3b: {  	_ = 	snop  }
0x3c: {  	p2 =	seq.s32 s10, $0x1;
	s10 =	sld [smem:$0x3F9A]  }
0x3d: {  	_ =	shalt  }
0x3e: {  	_ =	shalt  }
0x3f: {  	_ =	shalt  }
0x40: {  	_ =	shalt  }
0x41: {  	_ =	shalt  }
0x42: {  	_ =	shalt  }
0x43: {  	_ =	shalt  }
0x44: {  	_ =	shalt  }
0x45: {  	_ =	shalt  }
0x46: {  	_ =	shalt  }
0x47: {  	_ =	shalt  }
0x48: {  	_ =	shalt  }
0x49: {  	_ =	shalt  }
0x4a: {  	_ =	shalt  }
0x4b: {  	_ =	shalt  }
0x4c: {  	_ =	shalt  }
0x4d: {  	_ =	shalt  }
0x4e: {  	_ =	shalt  }
0x4f: {  	_ =	shalt  }
0x50: {  	_ =	shalt  }
0x51: {  	_ =	shalt  }
0x52: {  	_ =	shalt  }
0x53: {  	_ =	shalt  }
0x54: {  	_ =	shalt  }
0x55: {  	_ =	shalt  }
0x56: {  	_ =	shalt  }
0x57: {  	_ =	shalt  }
0x58: {  	_ =	shalt  }
0x59: {  	_ =	shalt  }
0x5a: {  	_ =	shalt  }
0x5b: {  	_ =	shalt  }
0x5c: {  	_ =	shalt  }
0x5d: {  	_ =	shalt  }
0x5e: {  	_ =	shalt  }
0x5f: {  	_ =	shalt  }
0x60: {  	_ =	shalt  }
0x61: {  	_ =	shalt  }
0x62: {  	_ =	shalt  }
0x63: {  	_ =	shalt  }
0x64: {  	_ =	shalt  }
0x65: {  	_ =	shalt  }
0x66: {  	_ =	shalt  }
0x67: {  	_ =	shalt  }
0x68: {  	_ =	shalt  }
0x69: {  	_ =	shalt  }
0x6a: {  	_ =	shalt  }
0x6b: {  	_ =	shalt  }
0x6c: {  	_ =	shalt  }
0x6d: {  	_ =	shalt  }
0x6e: {  	_ =	shalt  }
0x6f: {  	_ =	shalt  }
0x70: {  	_ =	shalt  }
0x71: {  	_ =	shalt  }
0x72: {  	_ =	shalt  }
0x73: {  	_ =	shalt  }
0x74: {  	_ =	shalt  }
0x75: {  	_ =	shalt  }
0x76: {  	_ =	shalt  }
0x77: {  	_ =	shalt  }
0x78: {  	_ =	shalt  }
0x79: {  	_ =	shalt  }
0x7a: {  	_ =	shalt  }
0x7b: {  	_ =	shalt  }
0x7c: {  	_ =	shalt  }
0x7d: {  	_ =	shalt  }
0x7e: {  	_ =	shalt  }
0x7f: {  	_ =	shalt  }
0x80: {  	_ =	shalt  }
0x81: {  	_ =	shalt  }
0x82: {  	_ =	shalt  }
0x83: {  	_ =	shalt  }
0x84: {  	_ =	shalt  }
0x85: {  	_ =	shalt  }
0x86: {  	_ =	shalt  }
0x87: {  	_ =	shalt  }
.Lfunc_end0:
.L_simem_size_0:
called_computation.4_lowered:
.L_overlay_start_0:
0x88: {  	s2 =	sld [smem:$0x3FD9]  }
0x89: {  	s3 =	sld [smem:$0x3FFE];
	_ =	sdelay $0x1  }
0x8a: {  	s1 =	srdreg.scid  }
0x8b: {  	s0 =	sand.u32 $0x1, s1  }
0x8c: {  	s17 =	sshll.u32 s0, $0xA;
	s2 =	sadd.s32 s3, s2  }
0x8d: {  	s2 =	sadd.s32 s2, s17  }
0x8e: {  	[smem:$0x3FA6] =	sst s2  }
0x8f: {  	_ = 	snop  }
0x90: {  	(tm) =	ssettm $0x1  }
0x91: {  	s18 =	sld [smem:$0x3FFB];
	_ =	sdelay $0x3  }
0x92: {  	_ =	strace s18  }
0x93: {  	s2 =	sld [smem:$0x3FFC];
	_ =	sdelay $0x3  }
0x94: {  	_ =	strace s2  }
0x95: {  	s2 =	sld [smem:$0x3FFD];
	_ =	sdelay $0x3  }
0x96: {  	_ =	strace s2  }
0x97: {  	_ =	strace $0x8FFFFFFF  }
0x98: {  	s19 =	sld [smem:$0x3FDB];
	_ =	sdelay $0x1  }
0x99: {  	s20 =	simm.s32 $_scs_section_size  }
0x9a: {  	s4 =	simm.s32 $_size__tile_overlayer_lowered;
	s5 =	simm.s32 $_tile_overlayer_lowered  }
0x9b: {  	s6 =	simm.s32 $0x1BFF;
	s21 =	sshll.u32 s5, $0x1;
	s3 =	sadd.s32 s20, s19  }
0x9c: {  	s22 =	simm.s32 $0x0;
	s4 =	sshll.u32 s4, $0x1;
	s5 =	sadd.s32 s21, s3  }
0x9d: {  	[timem:s22], [sflag:s6] =	dma.local [hbm:s5], s4  }
0x9e: {  	_ =	swait.ge [sflag:s6], s4  }
0x9f: {  	s4 =	ssub.s32 $0x0, s4;
	[sflag:s6] =	ssyncset.done $0x0  }
0xa0: {  	[sflag:s6] =	ssyncadd.s32 s4;
	_ =	sdelay $0x1  }
0xa1: {  	s23 =	simm.s32 $0x1B8B  }
0xa2: {  	_ =	swait.ge [sflag:s23], $0x1  }
0xa3: {  	[sflag:s23] =	ssyncset.done $0x0  }
0xa4: {  	[sflag:s23] =	ssyncadd.s32 $0xFFFFFFFF  }
0xa5: {  	s4 =	sld [smem:$0x0]  }
0xa6: {  	s5 =	sand.u32 $0xFFFFFFFE, s1  }
0xa7: {  	p0 =	sne.s32 s1, s5  }
0xa8: {  	s5 =	sshll.u32 @p0 s5, $0xE  }
0xa9: {  	s5 =	sadd.s32 @p0 $0x11B8D, s5;
	s6 =	sshll.u32 @p0 s4, $0x11  }
0xaa: {  	s5 =	sor.u32 @p0 s6, s5  }
0xab: {  	[sflag:s5] =	ssyncadd.remote.s32 @p0 $0x1;
	_ =	sdelay $0x1  }
0xac: {  	s5 =	simm.s32 @p0 $0x1B8D  }
0xad: {  	_ =	swait.eq @p0 [sflag:s5], $0x1  }
0xae: {  	[sflag:s5] =	ssyncadd.s32 @p0 $0xFFFFFFFF  }
0xaf: {  	s6 =	sshll.u32 @!p0 s1, $0xE  }
0xb0: {  	s6 =	sor.u32 @!p0 $0x4000, s6;
	s5 =	simm.s32 @!p0 $0x1B8D  }
0xb1: {  	s4 =	sshll.u32 @!p0 s4, $0x11;
	s6 =	sadd.s32 @!p0 $0x11B8D, s6;
	_ =	swait.eq @!p0 [sflag:s5], $0x1  }
0xb2: {  	s4 =	sor.u32 @!p0 s4, s6;
	[sflag:s5] =	ssyncadd.s32 @!p0 $0xFFFFFFFF  }
0xb3: {  	s25 =	simm.s32 $0x1B8E;
	s24 =	sld [smem:$0x3FFE];
	[sflag:s4] =	ssyncadd.remote.s32 @!p0 $0x1  }
0xb4: {  	s26 =	simm.s32 $execute0_lowered;
	[smem:$0x3FD2] =	sst s25  }
0xb5: {  	s5 =	sshll.u32 s26, $0x1;
	_ =	strace $0x80000049;
	[dreg:$0x1] =	wrdreg $0xFFFFFFFF  }
0xb6: {  	s28 =	simm.s32 $_size_execute0_lowered;
	s3 =	sadd.s32 s3, s5;
	[dreg:$0x0] =	wrdreg $0x0  }
0xb7: {  	s5 =	sshll.u32 s28, $0x1;
	[dreg:$0x2] =	wrdreg s3  }
0xb8: {  	[dreg:$0x3] =	wrdreg s5  }
0xb9: {  	[dreg:$0x4] =	wrdreg $0xC0  }
0xba: {  	_ =	task [dreg:s22], $0x5FFFF  }
0xbb: {  	[dreg:$0x1] =	wrdreg $0xFFFFFFFF  }
0xbc: {  	[dreg:$0x0] =	wrdreg $0x60  }
0xbd: {  	[dreg:$0x2] =	wrdreg s24  }
0xbe: {  	[dreg:$0x3] =	wrdreg $0xA  }
0xbf: {  	_ =	task.clear_ibuf [dreg:s22], $0x4FFFF;
	_ =	strace $0x90000049  }
0xc0: {  	s29 =	simm.s32 $0xA;
	_ =	strace $0x8000004B  }
0xc1: {  	_ =	swait.ge [sflag:s29], $0x1  }
0xc2: {  	[sflag:s29] =	ssyncadd.s32 $0xFFFFFFFF  }
0xc3: {  	_ =	strace $0x9000004B  }
0xc4: {  	_ =	sfence  }
0xc5: {  	s30 =	sld [smem:$0x0];
	_ =	sdelay $0x2  }
0xc6: {  	s31 =	sshll.u32 s1, $0xD;
	s1 =	sshrl.u32 s1, $0x2  }
0xc7: {  	s4 =	sand.u32 $0x4000, s31;
	s1 =	sadd.s32 s1, s30  }
0xc8: {  	s0 =	sor.u32 s4, s0;
	s1 =	sshll.u32 s1, $0x11  }
0xc9: {  	s0 =	sor.u32 s1, s0  }
0xca: {  	s0 =	sadd.s32 $0x8F2B, s0  }
0xcb: {  	[sflag:s0] =	ssyncadd.remote.s32 $0x1  }
0xcc: {  	_ =	sfence.sel $0xFFFF  }
0xcd: {  	[dreg:$0x0] =	wrdreg $0xFFFFFFFF;
	(pc) =	sbr.abs _section_cstart, $3  }
0xce: {  	[dreg:$0x1] =	wrdreg $0xFFFFFFFF  }
0xcf: {  	_ =	task.clear_ibuf [dreg:s22], $0x2FFFF;
	_ =	strace $0x9FFFFFFF  }
0xd0: {  	(tm) =	ssettm $0x7FFFFFFF  }
0xd1: {  	_ =	shalt  }
tec
execute0_lowered:
.L_overlay_start_1:
0x0: {  	(tag) =	ssettag $0x1  }
0x1: {  	s7 =	rddreg [dreg:$0x0]  }
0x2: {  	s0 =	rddreg [dreg:$0x1];
	_ =	strace $0x8000004A  }
0x3: {  	s1 =	srdreg.scid;
	s4 =	simm.s32 $0x1;
	s9 =	simm.s32 $0x3  }
0x4: {  	s12 =	simm.s32 $0x0;
	s10 =	simm.s32 $0x0;
	s5 =	sshll.u32 s1, $0x4  }
.Ltmp0:
0x5: {  	s1 =	stileid.u32;
	s5 =	sand.u32 $0x10, s5;
	(pc) =	sbr.rel .LBB2_1-.Ltmp0, $4  }
0x6: {  	s2 =	sadd.s32 $0x42000, s7;
	s3 =	sadd.s32 $0xA2000, s7;
	s6 =	sor.u32 s1, s5  }
0x7: {  	[sflag:s4] =	ssyncpa.u1 $0x0;
	s5 =	simm.s32 $0x2;
	s6 =	sshll.u32 s6, $0x8  }
0x8: {  	s7 =	sadd.s32 $0xA2400, s7;
	[sflag:s5] =	ssyncpa.u1 $0x0;
	s8 =	sadd.s32 $0x100, s6  }
0x9: {  	vm0 =	vmmov $0xff;
	vm1 =	vcmask $0x3F20;
	[sflag:s9] =	ssyncpa.u1 $0x0;
	s9 =	simm.s32 $0x100;
	s11 =	smov.u32 s6  }
.LBB2_9:
0xa: {  	p0 =	seq.s32 s10, $0x2  }
.Ltmp1:
0xb: {  	_ = 	snop;
	(pc) =	sbr.rel @p0 .LBB2_11-.Ltmp1, $1  }
0xc: {  	_ =	sdelay $0x3  }
.LBB2_10:
0xd: {  	s12 =	sadd.s32 $0x100, s11  }
0xe: {  	s13 =	smov.u32 s6;
	p0 =	slt.s32 s12, s8  }
0xf: {  	s13 =	smov.u32 @p0 s12  }
0x10: {  	s10 =	sadd.s32 $0x1, s10;
	s12 =	smov.u32 s11;
	s11 =	smov.u32 s13  }
.LBB2_1:
0x11: {  	p0 =	sne.s32 s10, $0x0  }
.Ltmp2:
0x12: {  	_ = 	snop;
	(pc) =	sbr.rel @!p0 .LBB2_2-.Ltmp2, $1  }
0x13: {  	_ =	sdelay $0x3  }
0x14: {  	s13 =	sand.u32 $0x1, s10  }
0x15: {  	p0 =	seq.s32 s13, $0x0  }
.Ltmp3:
0x16: {  	_ = 	snop;
	(pc) =	sbr.rel @p0 .LBB2_9-.Ltmp3, $1  }
0x17: {  	_ =	sdelay $0x3  }
0x18: {  	_ =	swait.ge [sflag:s5], $0x100  }
0x19: {  	[sflag:s5] =	ssyncset.done $0x0  }
0x1a: {  	s13 =	simm.s32 $0x0;
	[sflag:s5] =	ssyncadd.s32 $0xFFFFFF00  }
0x1b: {  	v0 =	vld.msk [tilespmem:s13+$0x100 ss:$0x1], $0xffff;
	_ =	sdelay $0x4  }
0x1c: {  	v1 =	vshll.u32 v0, $0x4  }
0x1d: {  	vm2 =	veq.s32 v0, $0x80000000;
	v0 =	vshll.u32 v0, $0x12;
	v1 =	vand.u32 $0x3FF80, v1  }
0x1e: {  	v0 =	vand.u32 $0x1C0000, v0;
	v1 =	vsel vm2, $0xFFFFFF80, v1  }
0x1f: {  	v0 =	vsel vm2, $0xFFFC0000, v0;
	v2 =	vand.u32 $0xFFFFFC00, v1  }
0x20: {  	v1 =	vand.u32 $0x380, v1;
	v0 =	vadd.s32 v0, v2  }
0x21: {  	v0 =	vor.u32 v1, v0  }
0x22: {  	v0 =	vshrl.u32 v0, $0x3;
	_ =	sdelay $0x3  }
0x23: {  	s13 =	simm.s32 $0x8200  }
0x24: {  	[tilespmem:s13], [sflag:$0x1] =	stream.indirect_vreg.gather [hbm:s2], $0x80, v0, vm0, $0x38;
	[tilespmem:$0x10200] =	vst v63  }
0x25: {  	s14 =	simm.s32 $0x8600;
	s31 =	simm.s32 $0x10  }
0x26: {  	[tilespmem:s14], [sflag:$0x1] =	stream.indirect_vreg.gather [hbm:s2], $0x80, v0, vm1, $0x38;
	[tilespmem:$0x10200] =	vst v63  }
0x27: {  	s14 =	simm.s32 $0x80;
	v0 =	vld.msk [tilespmem:s31+$0x100 ss:$0x1], $0xffff  }
.LBB2_5:
0x28: {  	p0 =	sne.s32 s14, $0x3C0;
	_ =	sdelay $0x4  }
0x29: {  	v1 =	vshll.u32 v0, $0x4  }
0x2a: {  	vm2 =	veq.s32 v0, $0x80000000;
	v0 =	vshll.u32 v0, $0x12;
	v1 =	vand.u32 $0x3FF80, v1  }
0x2b: {  	v0 =	vand.u32 $0x1C0000, v0;
	v1 =	vsel vm2, $0xFFFFFF80, v1  }
0x2c: {  	v0 =	vsel vm2, $0xFFFC0000, v0;
	v2 =	vand.u32 $0xFFFFFC00, v1  }
0x2d: {  	v1 =	vand.u32 $0x380, v1;
	v0 =	vadd.s32 v0, v2  }
0x2e: {  	v0 =	vor.u32 v1, v0  }
0x2f: {  	v0 =	vshrl.u32 v0, $0x3;
	_ =	sdelay $0x3  }
.Ltmp4:
0x30: {  	s13 =	sadd.s32 $0x800, s13;
	(pc) =	sbr.rel @p0 .LBB2_5-.Ltmp4, $4  }
0x31: {  	[tilespmem:s13], [sflag:$0x1] =	stream.indirect_vreg.gather [hbm:s2], $0x80, v0, vm0, $0x38;
	[tilespmem:$0x10200] =	vst v63  }
0x32: {  	s15 =	sshra.s32 s14, $0x2;
	s16 =	sadd.s32 $0x400, s13  }
0x33: {  	[tilespmem:s16], [sflag:$0x1] =	stream.indirect_vreg.gather [hbm:s2], $0x80, v0, vm1, $0x38;
	[tilespmem:$0x10200] =	vst v63  }
0x34: {  	s14 =	sadd.s32 $0x40, s14;
	v0 =	vld.msk [tilespmem:s15+$0x100 ss:$0x1], $0xffff  }
0x35: {  	_ =	sdelay $0x3  }
0x36: {  	v1 =	vshll.u32 v0, $0x4  }
0x37: {  	vm2 =	veq.s32 v0, $0x80000000;
	v63 =	vshll.u32 v0, $0x12;
	v1 =	vand.u32 $0x3FF80, v1  }
0x38: {  	v0 =	vand.u32 $0x1C0000, v63;
	v1 =	vsel vm2, $0xFFFFFF80, v1  }
0x39: {  	v0 =	vsel vm2, $0xFFFC0000, v0;
	v2 =	vand.u32 $0xFFFFFC00, v1  }
0x3a: {  	v1 =	vand.u32 $0x380, v1;
	v0 =	vadd.s32 v0, v2  }
0x3b: {  	v0 =	vor.u32 v1, v0  }
0x3c: {  	v0 =	vshrl.u32 v0, $0x3;
	_ =	sdelay $0x3  }
0x3d: {  	s13 =	sadd.s32 $0x800, s13  }
0x3e: {  	[tilespmem:s13], [sflag:$0x1] =	stream.indirect_vreg.gather [hbm:s2], $0x80, v0, vm0, $0x38;
	[tilespmem:$0x10200] =	vst v63  }
0x3f: {  	s13 =	sadd.s32 $0x400, s13  }
0x40: {  	[tilespmem:s13], [sflag:$0x1] =	stream.indirect_vreg.gather [hbm:s2], $0x80, v0, vm1, $0x38;
	[tilespmem:$0x10200] =	vst v63  }
0x41: {  	s12 =	sshll.u32 s12, $0x4;
	s14 =	simm.s32 $0x80;
	_ =	swait.ge [sflag:s4], $0x8000  }
0x42: {  	s15 =	simm.s32 $0x8600;
	s12 =	sadd.s32 s12, s7;
	[sflag:s4] =	ssyncset.done $0x0  }
0x43: {  	s16 =	sadd.s32 $0x0, s12;
	s13 =	simm.s32 $0x8200;
	[sflag:s4] =	ssyncadd.s32 $0xFFFF8000  }
.LBB2_7:
0x44: {  	[hbm:s16] =	stream.linear.scatter [tilespmem:s13], [sflag:$0x3], $0x400, $0x38;
	[tilespmem:$0x10200] =	vst v63  }
0x45: {  	s16 =	smov.u32 s14;
	s13 =	smov.u32 s15;
	p0 =	sne.s32 s14, $0xF80  }
.Ltmp5:
0x46: {  	s14 =	sadd.s32 $0x80, s14;
	(pc) =	sbr.rel @p0 .LBB2_7-.Ltmp5, $2  }
0x47: {  	_ =	sdelay $0x2  }
0x48: {  	s15 =	sadd.s32 $0x400, s15;
	s16 =	sadd.s32 s16, s12  }
.Ltmp6:
0x49: {  	(pc) =	sbr.rel .LBB2_9-.Ltmp6, $2  }
0x4a: {  	_ =	sdelay $0x2  }
0x4b: {  	[hbm:s16] =	stream.linear.scatter [tilespmem:s13], [sflag:$0x3], $0x400, $0x38;
	[tilespmem:$0x10200] =	vst v63  }
.LBB2_2:
.Ltmp7:
0x4c: {  	(pc) =	sbr.rel .LBB2_10-.Ltmp7, $4  }
0x4d: {  	_ = 	snop  }
0x4e: {  	s12 =	sshrl.u32 s11, $0x3  }
0x4f: {  	s13 =	sand.u32 $0x7, s11;
	s12 =	sadd.s32 s3, s12  }
0x50: {  	[tilespmem:s9], [sflag:$0x2] =	stream.linear.gather [hbm4b:s12+s13], $0x100, $0x38;
	[tilespmem:$0x10200] =	vst v63  }
.LBB2_11:
0x51: {  	s2 =	simm.s32 $0x3  }
0x52: {  	_ =	swait.ge [sflag:s2], $0x8000  }
0x53: {  	[sflag:s2] =	ssyncset.done $0x0  }
0x54: {  	[sflag:s2] =	ssyncadd.s32 $0xFFFF8000  }
0x55: {  	_ =	sfence.sel $0x180000  }
0x56: {  	s3 =	simm.s32 $0x2;
	[bflag:$0x0] =	sbarrier.arrive $0xFFFF  }
0x57: {  	[sflag:s3] =	ssyncpa.u1 $0x1  }
0x58: {  	s31 =	simm.s32 $0x1;
	[sflag:s2] =	ssyncpa.u1 $0x1  }
0x59: {  	[sflag:s31] =	ssyncpa.u1 $0x1  }
0x5a: {  	p0 =	sne.s32 s1, $0x0;
	_ =	strace $0x9000004A  }
0x5b: {  	s0 =	sadd.s32 @!p0 $0x100000, s0;
	[bflag:$0x2] =	sbarrier.arrive $0xFFFF  }
0x5c: {  	[sflag:s0] =	ssyncadd.tile.s32 @!p0 $0x1;
	_ =	shalt  }
.Lfunc_end2:
_tile_overlayer_lowered:
.L_overlay_start_2:
0x5d: {  	(tag) =	ssettag $0x2  }
0x5e: {  	s0 =	rddreg [dreg:$0x0];
	s2 =	stileid.u32  }
0x5f: {  	s1 =	rddreg [dreg:$0x1];
	p0 =	sne.s32 s2, $0x0  }
0x60: {  	s3 =	rddreg [dreg:$0x2];
	[bflag:$0x3] =	sbarrier.arrive $0xFFFF;
	s2 =	simm.s32 @!p0 $0x1C01  }
0x61: {  	[timem:s3], [sflag:s2] =	dma.local @!p0 [hbm:s0], s1  }
0x62: {  	s0 =	simm.s32 @!p0 $0x1  }
0x63: {  	_ =	swait.ge @!p0 [sflag:s0], s1  }
0x64: {  	s1 =	ssub.s32 @!p0 $0x0, s1;
	[sflag:s0] =	ssyncset.done @!p0 $0x0  }
0x65: {  	[sflag:s0] =	ssyncadd.s32 @!p0 s1  }
0x66: {  	[bflag:$0x3] =	sbarrier.arrive $0xFFFF  }
0x67: {  	_ =	shalt  }

// kernel: gather_offload_async_start.3
scs
__scs_entry_jumppad:
0x0: {  	(pc) =	sbr.rel $0x88, $3  }
0x1: {  	(tag) =	ssettag $0x0;
	lr =	simm.s32 $0x1  }
0x2: {  	[smem:$0x3F7F] =	sst lr;
	_ =	strace $0xD0000000  }
0x3: {  	_ = 	snop  }
0x4: {  	_ = 	snop  }
0x5: {  	_ = 	snop  }
0x6: {  	_ = 	snop  }
0x7: {  	_ = 	snop  }
__scs_overlays_trampoline_lowered:
0x8: {  	[smem:$0x3F8E] =	sst s0  }
0x9: {  	[smem:$0x3F8F] =	sst s1  }
0xa: {  	[smem:$0x3F90] =	sst s2  }
0xb: {  	[smem:$0x3F91] =	sst s3  }
0xc: {  	[smem:$0x3F92] =	sst s4  }
0xd: {  	[smem:$0x3F93] =	sst s5  }
0xe: {  	[smem:$0x3F94] =	sst s6  }
0xf: {  	[smem:$0x3F95] =	sst s7  }
0x10: {  	[smem:$0x3F96] =	sst s8  }
0x11: {  	[smem:$0x3F97] =	sst s9;
	s0 =	simm.s32 @!p0 $0x0  }
0x12: {  	s1 =	sld [smem:$0x3F7D];
	s0 =	simm.s32 @p0 $0x1  }
0x13: {  	[smem:$0x3F98] =	sst s0;
	s0 =	simm.s32 @!p1 $0x0  }
0x14: {  	s2 =	sld [smem:$0x3F7C];
	s0 =	simm.s32 @p1 $0x1  }
0x15: {  	[smem:$0x3F99] =	sst s0;
	s0 =	simm.s32 @!p2 $0x0  }
0x16: {  	s3 =	sld [smem:$0x3FDB];
	s0 =	simm.s32 @p2 $0x1  }
0x17: {  	s4 =	simm.s32 $0x1BF5;
	[smem:$0x3F9B] =	sst s0  }
0x18: {  	s0 =	sld [smem:$0x3F7E];
	_ =	swait.ge [sflag:s4], $0x0  }
0x19: {  	s7 =	sld [smem:$0x3F7F]  }
0x1a: {  	s8 =	sadd.s32 $0xFFFFE003, lr  }
0x1b: {  	s9 =	sadd.s32 $0xFFFFFEF7, lr;
	s5 =	simm.s32 $0xFFFFFFFF;
	p2 =	slt.u32 s8, $0xFFFFF086  }
0x1c: {  	p1 =	slt.u32 s9, $0xF7A;
	s5 =	simm.s32 @!p2 $0x0  }
0x1d: {  	s5 =	simm.s32 @p1 $0x1;
	p0 =	seq.s32 s7, s2  }
0x1e: {  	s7 =	smul.u32 @!p0 $0xF7A, s2;
	p2 =	seq.s32 @!p0 s5, $0x0  }
0x1f: {  	s9 =	smul.u32 $0xF7A, s1;
	s8 =	simm.s32 @!p0 $0x1BF5;
	p2 =	por !p2, p0  }
0x20: {  	[sflag:s8] =	ssyncset.s32 @!p0 $0xFFFFF086;
	s6 =	sadd.s32 @!p0 s3, s7;
	s7 =	simm.s32 @!p0 $0x108  }
0x21: {  	s3 =	sadd.s32 s3, s9;
	s6 =	sadd.s32 @!p0 $0x88, s6;
	s7 =	simm.s32 @p2 $0x1082  }
0x22: {  	[simem:s7], [sflag:s8] =	dma.local @!p0 [hbm:s6], $0xF7A  }
0x23: {  	s9 =	sor.u32 $0xD0000000, s2;
	s6 =	simm.s32 $0x108;
	_ =	swait.ge @!p0 [sflag:s8], $0x0  }
0x24: {  	s3 =	sadd.s32 $0x88, s3;
	s6 =	simm.s32 @!p1 $0x1082;
	[sflag:s4] =	ssyncset.s32 $0xFFFFF086  }
0x25: {  	[simem:s6], [sflag:s4] =	dma.local [hbm:s3], $0xF7A  }
0x26: {  	[smem:$0x3F7F] =	sst s1;
	(tag) =	ssettag s2;
	_ =	strace s9  }
0x27: {  	s1 =	sld [smem:$0x3F8F]  }
0x28: {  	s2 =	sld [smem:$0x3F90]  }
0x29: {  	s4 =	sld [smem:$0x3F92]  }
0x2a: {  	p0 =	seq.s32 s5, $0x0;
	s5 =	sld [smem:$0x3F93]  }
0x2b: {  	s6 =	sld [smem:$0x3F94]  }
0x2c: {  	s7 =	sld [smem:$0x3F95]  }
0x2d: {  	s3 =	simm.s32 $0x108;
	s8 =	sld [smem:$0x3F96]  }
0x2e: {  	s3 =	simm.s32 @!p0 $0x1082;
	s9 =	sld [smem:$0x3F97]  }
0x2f: {  	lr =	sadd.s32 s0, s3;
	s0 =	sld [smem:$0x3F8E]  }
0x30: {  	s3 =	sld [smem:$0x3F91]  }
0x31: {  	[smem:$0x3F9A] =	sst s10  }
0x32: {  	s10 =	sld [smem:$0x3F98];
	_ =	sdelay $0x3  }
0x33: {  	p0 =	seq.s32 s10, $0x1;
	s10 =	sld [smem:$0x3F9A];
	_ =	sdelay $0x3  }
0x34: {  	[smem:$0x3F9A] =	sst s10  }
0x35: {  	s10 =	sld [smem:$0x3F99];
	_ =	sdelay $0x3  }
0x36: {  	p1 =	seq.s32 s10, $0x1;
	s10 =	sld [smem:$0x3F9A];
	_ =	sdelay $0x3  }
0x37: {  	[smem:$0x3F9A] =	sst s10  }
0x38: {  	s10 =	sld [smem:$0x3F9B]  }
0x39: {  	_ = 	snop;
	(pc) =	sbr.ind lr, $3  }
0x3a: {  	_ = 	snop  }
0x3b: {  	_ = 	snop  }
0x3c: {  	p2 =	seq.s32 s10, $0x1;
	s10 =	sld [smem:$0x3F9A]  }
0x3d: {  	_ =	shalt  }
0x3e: {  	_ =	shalt  }
0x3f: {  	_ =	shalt  }
0x40: {  	_ =	shalt  }
0x41: {  	_ =	shalt  }
0x42: {  	_ =	shalt  }
0x43: {  	_ =	shalt  }
0x44: {  	_ =	shalt  }
0x45: {  	_ =	shalt  }
0x46: {  	_ =	shalt  }
0x47: {  	_ =	shalt  }
0x48: {  	_ =	shalt  }
0x49: {  	_ =	shalt  }
0x4a: {  	_ =	shalt  }
0x4b: {  	_ =	shalt  }
0x4c: {  	_ =	shalt  }
0x4d: {  	_ =	shalt  }
0x4e: {  	_ =	shalt  }
0x4f: {  	_ =	shalt  }
0x50: {  	_ =	shalt  }
0x51: {  	_ =	shalt  }
0x52: {  	_ =	shalt  }
0x53: {  	_ =	shalt  }
0x54: {  	_ =	shalt  }
0x55: {  	_ =	shalt  }
0x56: {  	_ =	shalt  }
0x57: {  	_ =	shalt  }
0x58: {  	_ =	shalt  }
0x59: {  	_ =	shalt  }
0x5a: {  	_ =	shalt  }
0x5b: {  	_ =	shalt  }
0x5c: {  	_ =	shalt  }
0x5d: {  	_ =	shalt  }
0x5e: {  	_ =	shalt  }
0x5f: {  	_ =	shalt  }
0x60: {  	_ =	shalt  }
0x61: {  	_ =	shalt  }
0x62: {  	_ =	shalt  }
0x63: {  	_ =	shalt  }
0x64: {  	_ =	shalt  }
0x65: {  	_ =	shalt  }
0x66: {  	_ =	shalt  }
0x67: {  	_ =	shalt  }
0x68: {  	_ =	shalt  }
0x69: {  	_ =	shalt  }
0x6a: {  	_ =	shalt  }
0x6b: {  	_ =	shalt  }
0x6c: {  	_ =	shalt  }
0x6d: {  	_ =	shalt  }
0x6e: {  	_ =	shalt  }
0x6f: {  	_ =	shalt  }
0x70: {  	_ =	shalt  }
0x71: {  	_ =	shalt  }
0x72: {  	_ =	shalt  }
0x73: {  	_ =	shalt  }
0x74: {  	_ =	shalt  }
0x75: {  	_ =	shalt  }
0x76: {  	_ =	shalt  }
0x77: {  	_ =	shalt  }
0x78: {  	_ =	shalt  }
0x79: {  	_ =	shalt  }
0x7a: {  	_ =	shalt  }
0x7b: {  	_ =	shalt  }
0x7c: {  	_ =	shalt  }
0x7d: {  	_ =	shalt  }
0x7e: {  	_ =	shalt  }
0x7f: {  	_ =	shalt  }
0x80: {  	_ =	shalt  }
0x81: {  	_ =	shalt  }
0x82: {  	_ =	shalt  }
0x83: {  	_ =	shalt  }
0x84: {  	_ =	shalt  }
0x85: {  	_ =	shalt  }
0x86: {  	_ =	shalt  }
0x87: {  	_ =	shalt  }
.Lfunc_end0:
.L_simem_size_0:
called_computation.5_lowered:
.L_overlay_start_0:
0x88: {  	s2 =	sld [smem:$0x3FD9]  }
0x89: {  	s3 =	sld [smem:$0x3FFE];
	_ =	sdelay $0x1  }
0x8a: {  	s1 =	srdreg.scid  }
0x8b: {  	s0 =	sand.u32 $0x1, s1  }
0x8c: {  	s17 =	sshll.u32 s0, $0xA;
	s2 =	sadd.s32 s3, s2  }
0x8d: {  	s2 =	sadd.s32 s2, s17  }
0x8e: {  	[smem:$0x3FA6] =	sst s2  }
0x8f: {  	_ = 	snop  }
0x90: {  	(tm) =	ssettm $0x1  }
0x91: {  	s18 =	sld [smem:$0x3FFB];
	_ =	sdelay $0x3  }
0x92: {  	_ =	strace s18  }
0x93: {  	s2 =	sld [smem:$0x3FFC];
	_ =	sdelay $0x3  }
0x94: {  	_ =	strace s2  }
0x95: {  	s2 =	sld [smem:$0x3FFD];
	_ =	sdelay $0x3  }
0x96: {  	_ =	strace s2  }
0x97: {  	_ =	strace $0x8FFFFFFF  }
0x98: {  	s19 =	sld [smem:$0x3FDB];
	_ =	sdelay $0x1  }
0x99: {  	s20 =	simm.s32 $_scs_section_size  }
0x9a: {  	s4 =	simm.s32 $_size__tile_overlayer_lowered;
	s5 =	simm.s32 $_tile_overlayer_lowered  }
0x9b: {  	s6 =	simm.s32 $0x1BFF;
	s21 =	sshll.u32 s5, $0x1;
	s3 =	sadd.s32 s20, s19  }
0x9c: {  	s22 =	simm.s32 $0x0;
	s4 =	sshll.u32 s4, $0x1;
	s5 =	sadd.s32 s21, s3  }
0x9d: {  	[timem:s22], [sflag:s6] =	dma.local [hbm:s5], s4  }
0x9e: {  	_ =	swait.ge [sflag:s6], s4  }
0x9f: {  	s4 =	ssub.s32 $0x0, s4;
	[sflag:s6] =	ssyncset.done $0x0  }
0xa0: {  	[sflag:s6] =	ssyncadd.s32 s4;
	_ =	sdelay $0x1  }
0xa1: {  	s23 =	simm.s32 $0x1B8B  }
0xa2: {  	_ =	swait.ge [sflag:s23], $0x1  }
0xa3: {  	[sflag:s23] =	ssyncset.done $0x0  }
0xa4: {  	[sflag:s23] =	ssyncadd.s32 $0xFFFFFFFF  }
0xa5: {  	s4 =	sld [smem:$0x0]  }
0xa6: {  	s5 =	sand.u32 $0xFFFFFFFE, s1  }
0xa7: {  	p0 =	sne.s32 s1, s5  }
0xa8: {  	s5 =	sshll.u32 @p0 s5, $0xE  }
0xa9: {  	s5 =	sadd.s32 @p0 $0x11B8D, s5;
	s6 =	sshll.u32 @p0 s4, $0x11  }
0xaa: {  	s5 =	sor.u32 @p0 s6, s5  }
0xab: {  	[sflag:s5] =	ssyncadd.remote.s32 @p0 $0x1;
	_ =	sdelay $0x1  }
0xac: {  	s5 =	simm.s32 @p0 $0x1B8D  }
0xad: {  	_ =	swait.eq @p0 [sflag:s5], $0x1  }
0xae: {  	[sflag:s5] =	ssyncadd.s32 @p0 $0xFFFFFFFF  }
0xaf: {  	s6 =	sshll.u32 @!p0 s1, $0xE  }
0xb0: {  	s6 =	sor.u32 @!p0 $0x4000, s6;
	s5 =	simm.s32 @!p0 $0x1B8D  }
0xb1: {  	s4 =	sshll.u32 @!p0 s4, $0x11;
	s6 =	sadd.s32 @!p0 $0x11B8D, s6;
	_ =	swait.eq @!p0 [sflag:s5], $0x1  }
0xb2: {  	s4 =	sor.u32 @!p0 s4, s6;
	[sflag:s5] =	ssyncadd.s32 @!p0 $0xFFFFFFFF  }
0xb3: {  	s25 =	simm.s32 $0x1B8E;
	s24 =	sld [smem:$0x3FFE];
	[sflag:s4] =	ssyncadd.remote.s32 @!p0 $0x1  }
0xb4: {  	s26 =	simm.s32 $execute0_lowered;
	[smem:$0x3FD2] =	sst s25  }
0xb5: {  	s5 =	sshll.u32 s26, $0x1;
	_ =	strace $0x8000004F;
	[dreg:$0x1] =	wrdreg $0xFFFFFFFF  }
0xb6: {  	s28 =	simm.s32 $_size_execute0_lowered;
	s3 =	sadd.s32 s3, s5;
	[dreg:$0x0] =	wrdreg $0x0  }
0xb7: {  	s5 =	sshll.u32 s28, $0x1;
	[dreg:$0x2] =	wrdreg s3  }
0xb8: {  	[dreg:$0x3] =	wrdreg s5  }
0xb9: {  	[dreg:$0x4] =	wrdreg $0xC0  }
0xba: {  	_ =	task [dreg:s22], $0x5FFFF  }
0xbb: {  	[dreg:$0x1] =	wrdreg $0xFFFFFFFF  }
0xbc: {  	[dreg:$0x0] =	wrdreg $0x60  }
0xbd: {  	[dreg:$0x2] =	wrdreg s24  }
0xbe: {  	[dreg:$0x3] =	wrdreg $0xA  }
0xbf: {  	_ =	task.clear_ibuf [dreg:s22], $0x4FFFF;
	_ =	strace $0x9000004F  }
0xc0: {  	s29 =	simm.s32 $0xA;
	_ =	strace $0x80000051  }
0xc1: {  	_ =	swait.ge [sflag:s29], $0x1  }
0xc2: {  	[sflag:s29] =	ssyncadd.s32 $0xFFFFFFFF  }
0xc3: {  	_ =	strace $0x90000051  }
0xc4: {  	_ =	sfence  }
0xc5: {  	s30 =	sld [smem:$0x0];
	_ =	sdelay $0x2  }
0xc6: {  	s31 =	sshll.u32 s1, $0xD;
	s1 =	sshrl.u32 s1, $0x2  }
0xc7: {  	s4 =	sand.u32 $0x4000, s31;
	s1 =	sadd.s32 s1, s30  }
0xc8: {  	s0 =	sor.u32 s4, s0;
	s1 =	sshll.u32 s1, $0x11  }
0xc9: {  	s0 =	sor.u32 s1, s0  }
0xca: {  	s0 =	sadd.s32 $0x8F2B, s0  }
0xcb: {  	[sflag:s0] =	ssyncadd.remote.s32 $0x1  }
0xcc: {  	_ =	sfence.sel $0xFFFF  }
0xcd: {  	[dreg:$0x0] =	wrdreg $0xFFFFFFFF;
	(pc) =	sbr.abs _section_cstart, $3  }
0xce: {  	[dreg:$0x1] =	wrdreg $0xFFFFFFFF  }
0xcf: {  	_ =	task.clear_ibuf [dreg:s22], $0x2FFFF;
	_ =	strace $0x9FFFFFFF  }
0xd0: {  	(tm) =	ssettm $0x7FFFFFFF  }
0xd1: {  	_ =	shalt  }
tec
execute0_lowered:
.L_overlay_start_1:
0x0: {  	(tag) =	ssettag $0x1  }
0x1: {  	s7 =	rddreg [dreg:$0x0]  }
0x2: {  	s0 =	rddreg [dreg:$0x1];
	_ =	strace $0x80000050  }
0x3: {  	s1 =	srdreg.scid;
	s4 =	simm.s32 $0x1;
	s9 =	simm.s32 $0x3  }
0x4: {  	s12 =	simm.s32 $0x0;
	s10 =	simm.s32 $0x0;
	s5 =	sshll.u32 s1, $0x4  }
.Ltmp0:
0x5: {  	s1 =	stileid.u32;
	s5 =	sand.u32 $0x10, s5;
	(pc) =	sbr.rel .LBB2_1-.Ltmp0, $4  }
0x6: {  	s2 =	sadd.s32 $0xA2400, s7;
	s3 =	sadd.s32 $0xA2000, s7;
	s6 =	sor.u32 s1, s5  }
0x7: {  	[sflag:s4] =	ssyncpa.u1 $0x0;
	s5 =	simm.s32 $0x2;
	s6 =	sshll.u32 s6, $0x6  }
0x8: {  	s7 =	sadd.s32 $0xC3600, s7;
	[sflag:s5] =	ssyncpa.u1 $0x0;
	s8 =	sadd.s32 $0x40, s6  }
0x9: {  	vm0 =	vmmov $0xff;
	vm1 =	vcmask $0x3F20;
	[sflag:s9] =	ssyncpa.u1 $0x0;
	s9 =	simm.s32 $0x40;
	s11 =	smov.u32 s6  }
.LBB2_9:
0xa: {  	p0 =	seq.s32 s10, $0x2  }
.Ltmp1:
0xb: {  	_ = 	snop;
	(pc) =	sbr.rel @p0 .LBB2_11-.Ltmp1, $1  }
0xc: {  	_ =	sdelay $0x3  }
.LBB2_10:
0xd: {  	s12 =	sadd.s32 $0x40, s11  }
0xe: {  	s13 =	smov.u32 s6;
	p0 =	slt.s32 s12, s8  }
0xf: {  	s13 =	smov.u32 @p0 s12  }
0x10: {  	s10 =	sadd.s32 $0x1, s10;
	s12 =	smov.u32 s11;
	s11 =	smov.u32 s13  }
.LBB2_1:
0x11: {  	p0 =	sne.s32 s10, $0x0  }
.Ltmp2:
0x12: {  	_ = 	snop;
	(pc) =	sbr.rel @!p0 .LBB2_2-.Ltmp2, $1  }
0x13: {  	_ =	sdelay $0x3  }
0x14: {  	s13 =	sand.u32 $0x1, s10  }
0x15: {  	p0 =	seq.s32 s13, $0x0  }
.Ltmp3:
0x16: {  	_ = 	snop;
	(pc) =	sbr.rel @p0 .LBB2_9-.Ltmp3, $1  }
0x17: {  	_ =	sdelay $0x3  }
0x18: {  	_ =	swait.ge [sflag:s5], $0x40  }
0x19: {  	[sflag:s5] =	ssyncset.done $0x0  }
0x1a: {  	s13 =	simm.s32 $0x0;
	[sflag:s5] =	ssyncadd.s32 $0xFFFFFFC0  }
0x1b: {  	v0 =	vld.msk [tilespmem:s13+$0x40 ss:$0x1], $0xffff;
	_ =	sdelay $0x4  }
0x1c: {  	v1 =	vshll.u32 v0, $0x4  }
0x1d: {  	vm2 =	veq.s32 v0, $0x80000000;
	v0 =	vshll.u32 v0, $0x11;
	v1 =	vand.u32 $0x1FF80, v1  }
0x1e: {  	v0 =	vand.u32 $0xE0000, v0;
	v1 =	vsel vm2, $0xFFFFFF80, v1  }
0x1f: {  	v0 =	vsel vm2, $0xFFFE0000, v0;
	v2 =	vand.u32 $0xFFFFFC00, v1  }
0x20: {  	v1 =	vand.u32 $0x380, v1;
	v0 =	vadd.s32 v0, v2  }
0x21: {  	v0 =	vor.u32 v1, v0  }
0x22: {  	v0 =	vshrl.u32 v0, $0x3;
	_ =	sdelay $0x3  }
0x23: {  	s13 =	simm.s32 $0x2080  }
0x24: {  	[tilespmem:s13], [sflag:$0x1] =	stream.indirect_vreg.gather [hbm:s2], $0x80, v0, vm0, $0x38;
	[tilespmem:$0x4080] =	vst v63  }
0x25: {  	s14 =	simm.s32 $0x2480;
	s31 =	simm.s32 $0x10  }
0x26: {  	[tilespmem:s14], [sflag:$0x1] =	stream.indirect_vreg.gather [hbm:s2], $0x80, v0, vm1, $0x38;
	[tilespmem:$0x4080] =	vst v63  }
0x27: {  	s14 =	simm.s32 $0x80;
	v0 =	vld.msk [tilespmem:s31+$0x40 ss:$0x1], $0xffff  }
.LBB2_5:
0x28: {  	p0 =	sne.s32 s14, $0xC0;
	_ =	sdelay $0x4  }
0x29: {  	v1 =	vshll.u32 v0, $0x4  }
0x2a: {  	vm2 =	veq.s32 v0, $0x80000000;
	v0 =	vshll.u32 v0, $0x11;
	v1 =	vand.u32 $0x1FF80, v1  }
0x2b: {  	v0 =	vand.u32 $0xE0000, v0;
	v1 =	vsel vm2, $0xFFFFFF80, v1  }
0x2c: {  	v0 =	vsel vm2, $0xFFFE0000, v0;
	v2 =	vand.u32 $0xFFFFFC00, v1  }
0x2d: {  	v1 =	vand.u32 $0x380, v1;
	v0 =	vadd.s32 v0, v2  }
0x2e: {  	v0 =	vor.u32 v1, v0  }
0x2f: {  	v0 =	vshrl.u32 v0, $0x3;
	_ =	sdelay $0x3  }
.Ltmp4:
0x30: {  	s13 =	sadd.s32 $0x800, s13;
	(pc) =	sbr.rel @p0 .LBB2_5-.Ltmp4, $4  }
0x31: {  	[tilespmem:s13], [sflag:$0x1] =	stream.indirect_vreg.gather [hbm:s2], $0x80, v0, vm0, $0x38;
	[tilespmem:$0x4080] =	vst v63  }
0x32: {  	s15 =	sshra.s32 s14, $0x2;
	s16 =	sadd.s32 $0x400, s13  }
0x33: {  	[tilespmem:s16], [sflag:$0x1] =	stream.indirect_vreg.gather [hbm:s2], $0x80, v0, vm1, $0x38;
	[tilespmem:$0x4080] =	vst v63  }
0x34: {  	s14 =	sadd.s32 $0x40, s14;
	v0 =	vld.msk [tilespmem:s15+$0x40 ss:$0x1], $0xffff  }
0x35: {  	_ =	sdelay $0x3  }
0x36: {  	v1 =	vshll.u32 v0, $0x4  }
0x37: {  	vm2 =	veq.s32 v0, $0x80000000;
	v63 =	vshll.u32 v0, $0x11;
	v1 =	vand.u32 $0x1FF80, v1  }
0x38: {  	v0 =	vand.u32 $0xE0000, v63;
	v1 =	vsel vm2, $0xFFFFFF80, v1  }
0x39: {  	v0 =	vsel vm2, $0xFFFE0000, v0;
	v2 =	vand.u32 $0xFFFFFC00, v1  }
0x3a: {  	v1 =	vand.u32 $0x380, v1;
	v0 =	vadd.s32 v0, v2  }
0x3b: {  	v0 =	vor.u32 v1, v0  }
0x3c: {  	v0 =	vshrl.u32 v0, $0x3;
	_ =	sdelay $0x3  }
0x3d: {  	s13 =	sadd.s32 $0x800, s13  }
0x3e: {  	[tilespmem:s13], [sflag:$0x1] =	stream.indirect_vreg.gather [hbm:s2], $0x80, v0, vm0, $0x38;
	[tilespmem:$0x4080] =	vst v63  }
0x3f: {  	s13 =	sadd.s32 $0x400, s13  }
0x40: {  	[tilespmem:s13], [sflag:$0x1] =	stream.indirect_vreg.gather [hbm:s2], $0x80, v0, vm1, $0x38;
	[tilespmem:$0x4080] =	vst v63  }
0x41: {  	s12 =	sshll.u32 s12, $0x4;
	s14 =	simm.s32 $0x80;
	_ =	swait.ge [sflag:s4], $0x2000  }
0x42: {  	s15 =	simm.s32 $0x2480;
	s12 =	sadd.s32 s12, s7;
	[sflag:s4] =	ssyncset.done $0x0  }
0x43: {  	s16 =	sadd.s32 $0x0, s12;
	s13 =	simm.s32 $0x2080;
	[sflag:s4] =	ssyncadd.s32 $0xFFFFE000  }
.LBB2_7:
0x44: {  	[hbm:s16] =	stream.linear.scatter [tilespmem:s13], [sflag:$0x3], $0x400, $0x38;
	[tilespmem:$0x4080] =	vst v63  }
0x45: {  	s16 =	smov.u32 s14;
	s13 =	smov.u32 s15;
	p0 =	sne.s32 s14, $0x380  }
.Ltmp5:
0x46: {  	s14 =	sadd.s32 $0x80, s14;
	(pc) =	sbr.rel @p0 .LBB2_7-.Ltmp5, $2  }
0x47: {  	_ =	sdelay $0x2  }
0x48: {  	s15 =	sadd.s32 $0x400, s15;
	s16 =	sadd.s32 s16, s12  }
.Ltmp6:
0x49: {  	(pc) =	sbr.rel .LBB2_9-.Ltmp6, $2  }
0x4a: {  	_ =	sdelay $0x2  }
0x4b: {  	[hbm:s16] =	stream.linear.scatter [tilespmem:s13], [sflag:$0x3], $0x400, $0x38;
	[tilespmem:$0x4080] =	vst v63  }
.LBB2_2:
.Ltmp7:
0x4c: {  	(pc) =	sbr.rel .LBB2_10-.Ltmp7, $4  }
0x4d: {  	_ = 	snop  }
0x4e: {  	s12 =	sshrl.u32 s11, $0x3  }
0x4f: {  	s13 =	sand.u32 $0x7, s11;
	s12 =	sadd.s32 s3, s12  }
0x50: {  	[tilespmem:s9], [sflag:$0x2] =	stream.linear.gather [hbm4b:s12+s13], $0x40, $0x38;
	[tilespmem:$0x4080] =	vst v63  }
.LBB2_11:
0x51: {  	s2 =	simm.s32 $0x3  }
0x52: {  	_ =	swait.ge [sflag:s2], $0x2000  }
0x53: {  	[sflag:s2] =	ssyncset.done $0x0  }
0x54: {  	[sflag:s2] =	ssyncadd.s32 $0xFFFFE000  }
0x55: {  	_ =	sfence.sel $0x180000  }
0x56: {  	s3 =	simm.s32 $0x2;
	[bflag:$0x0] =	sbarrier.arrive $0xFFFF  }
0x57: {  	[sflag:s3] =	ssyncpa.u1 $0x1  }
0x58: {  	s31 =	simm.s32 $0x1;
	[sflag:s2] =	ssyncpa.u1 $0x1  }
0x59: {  	[sflag:s31] =	ssyncpa.u1 $0x1  }
0x5a: {  	p0 =	sne.s32 s1, $0x0;
	_ =	strace $0x90000050  }
0x5b: {  	s0 =	sadd.s32 @!p0 $0x100000, s0;
	[bflag:$0x2] =	sbarrier.arrive $0xFFFF  }
0x5c: {  	[sflag:s0] =	ssyncadd.tile.s32 @!p0 $0x1;
	_ =	shalt  }
.Lfunc_end2:
_tile_overlayer_lowered:
.L_overlay_start_2:
0x5d: {  	(tag) =	ssettag $0x2  }
0x5e: {  	s0 =	rddreg [dreg:$0x0];
	s2 =	stileid.u32  }
0x5f: {  	s1 =	rddreg [dreg:$0x1];
	p0 =	sne.s32 s2, $0x0  }
0x60: {  	s3 =	rddreg [dreg:$0x2];
	[bflag:$0x3] =	sbarrier.arrive $0xFFFF;
	s2 =	simm.s32 @!p0 $0x1C01  }
0x61: {  	[timem:s3], [sflag:s2] =	dma.local @!p0 [hbm:s0], s1  }
0x62: {  	s0 =	simm.s32 @!p0 $0x1  }
0x63: {  	_ =	swait.ge @!p0 [sflag:s0], s1  }
0x64: {  	s1 =	ssub.s32 @!p0 $0x0, s1;
	[sflag:s0] =	ssyncset.done @!p0 $0x0  }
0x65: {  	[sflag:s0] =	ssyncadd.s32 @!p0 s1  }
0x66: {  	[bflag:$0x3] =	sbarrier.arrive $0xFFFF  }
0x67: {  	_ =	shalt  }

// kernel: gather_offload_async_start
scs
__scs_entry_jumppad:
0x0: {  	(pc) =	sbr.rel $0x88, $3  }
0x1: {  	(tag) =	ssettag $0x0;
	lr =	simm.s32 $0x1  }
0x2: {  	[smem:$0x3F7F] =	sst lr;
	_ =	strace $0xD0000000  }
0x3: {  	_ = 	snop  }
0x4: {  	_ = 	snop  }
0x5: {  	_ = 	snop  }
0x6: {  	_ = 	snop  }
0x7: {  	_ = 	snop  }
__scs_overlays_trampoline_lowered:
0x8: {  	[smem:$0x3F8E] =	sst s0  }
0x9: {  	[smem:$0x3F8F] =	sst s1  }
0xa: {  	[smem:$0x3F90] =	sst s2  }
0xb: {  	[smem:$0x3F91] =	sst s3  }
0xc: {  	[smem:$0x3F92] =	sst s4  }
0xd: {  	[smem:$0x3F93] =	sst s5  }
0xe: {  	[smem:$0x3F94] =	sst s6  }
0xf: {  	[smem:$0x3F95] =	sst s7  }
0x10: {  	[smem:$0x3F96] =	sst s8  }
0x11: {  	[smem:$0x3F97] =	sst s9;
	s0 =	simm.s32 @!p0 $0x0  }
0x12: {  	s1 =	sld [smem:$0x3F7D];
	s0 =	simm.s32 @p0 $0x1  }
0x13: {  	[smem:$0x3F98] =	sst s0;
	s0 =	simm.s32 @!p1 $0x0  }
0x14: {  	s2 =	sld [smem:$0x3F7C];
	s0 =	simm.s32 @p1 $0x1  }
0x15: {  	[smem:$0x3F99] =	sst s0;
	s0 =	simm.s32 @!p2 $0x0  }
0x16: {  	s3 =	sld [smem:$0x3FDB];
	s0 =	simm.s32 @p2 $0x1  }
0x17: {  	s4 =	simm.s32 $0x1BF5;
	[smem:$0x3F9B] =	sst s0  }
0x18: {  	s0 =	sld [smem:$0x3F7E];
	_ =	swait.ge [sflag:s4], $0x0  }
0x19: {  	s7 =	sld [smem:$0x3F7F]  }
0x1a: {  	s8 =	sadd.s32 $0xFFFFE003, lr  }
0x1b: {  	s9 =	sadd.s32 $0xFFFFFEF7, lr;
	s5 =	simm.s32 $0xFFFFFFFF;
	p2 =	slt.u32 s8, $0xFFFFF086  }
0x1c: {  	p1 =	slt.u32 s9, $0xF7A;
	s5 =	simm.s32 @!p2 $0x0  }
0x1d: {  	s5 =	simm.s32 @p1 $0x1;
	p0 =	seq.s32 s7, s2  }
0x1e: {  	s7 =	smul.u32 @!p0 $0xF7A, s2;
	p2 =	seq.s32 @!p0 s5, $0x0  }
0x1f: {  	s9 =	smul.u32 $0xF7A, s1;
	s8 =	simm.s32 @!p0 $0x1BF5;
	p2 =	por !p2, p0  }
0x20: {  	[sflag:s8] =	ssyncset.s32 @!p0 $0xFFFFF086;
	s6 =	sadd.s32 @!p0 s3, s7;
	s7 =	simm.s32 @!p0 $0x108  }
0x21: {  	s3 =	sadd.s32 s3, s9;
	s6 =	sadd.s32 @!p0 $0x88, s6;
	s7 =	simm.s32 @p2 $0x1082  }
0x22: {  	[simem:s7], [sflag:s8] =	dma.local @!p0 [hbm:s6], $0xF7A  }
0x23: {  	s9 =	sor.u32 $0xD0000000, s2;
	s6 =	simm.s32 $0x108;
	_ =	swait.ge @!p0 [sflag:s8], $0x0  }
0x24: {  	s3 =	sadd.s32 $0x88, s3;
	s6 =	simm.s32 @!p1 $0x1082;
	[sflag:s4] =	ssyncset.s32 $0xFFFFF086  }
0x25: {  	[simem:s6], [sflag:s4] =	dma.local [hbm:s3], $0xF7A  }
0x26: {  	[smem:$0x3F7F] =	sst s1;
	(tag) =	ssettag s2;
	_ =	strace s9  }
0x27: {  	s1 =	sld [smem:$0x3F8F]  }
0x28: {  	s2 =	sld [smem:$0x3F90]  }
0x29: {  	s4 =	sld [smem:$0x3F92]  }
0x2a: {  	p0 =	seq.s32 s5, $0x0;
	s5 =	sld [smem:$0x3F93]  }
0x2b: {  	s6 =	sld [smem:$0x3F94]  }
0x2c: {  	s7 =	sld [smem:$0x3F95]  }
0x2d: {  	s3 =	simm.s32 $0x108;
	s8 =	sld [smem:$0x3F96]  }
0x2e: {  	s3 =	simm.s32 @!p0 $0x1082;
	s9 =	sld [smem:$0x3F97]  }
0x2f: {  	lr =	sadd.s32 s0, s3;
	s0 =	sld [smem:$0x3F8E]  }
0x30: {  	s3 =	sld [smem:$0x3F91]  }
0x31: {  	[smem:$0x3F9A] =	sst s10  }
0x32: {  	s10 =	sld [smem:$0x3F98];
	_ =	sdelay $0x3  }
0x33: {  	p0 =	seq.s32 s10, $0x1;
	s10 =	sld [smem:$0x3F9A];
	_ =	sdelay $0x3  }
0x34: {  	[smem:$0x3F9A] =	sst s10  }
0x35: {  	s10 =	sld [smem:$0x3F99];
	_ =	sdelay $0x3  }
0x36: {  	p1 =	seq.s32 s10, $0x1;
	s10 =	sld [smem:$0x3F9A];
	_ =	sdelay $0x3  }
0x37: {  	[smem:$0x3F9A] =	sst s10  }
0x38: {  	s10 =	sld [smem:$0x3F9B]  }
0x39: {  	_ = 	snop;
	(pc) =	sbr.ind lr, $3  }
0x3a: {  	_ = 	snop  }
0x3b: {  	_ = 	snop  }
0x3c: {  	p2 =	seq.s32 s10, $0x1;
	s10 =	sld [smem:$0x3F9A]  }
0x3d: {  	_ =	shalt  }
0x3e: {  	_ =	shalt  }
0x3f: {  	_ =	shalt  }
0x40: {  	_ =	shalt  }
0x41: {  	_ =	shalt  }
0x42: {  	_ =	shalt  }
0x43: {  	_ =	shalt  }
0x44: {  	_ =	shalt  }
0x45: {  	_ =	shalt  }
0x46: {  	_ =	shalt  }
0x47: {  	_ =	shalt  }
0x48: {  	_ =	shalt  }
0x49: {  	_ =	shalt  }
0x4a: {  	_ =	shalt  }
0x4b: {  	_ =	shalt  }
0x4c: {  	_ =	shalt  }
0x4d: {  	_ =	shalt  }
0x4e: {  	_ =	shalt  }
0x4f: {  	_ =	shalt  }
0x50: {  	_ =	shalt  }
0x51: {  	_ =	shalt  }
0x52: {  	_ =	shalt  }
0x53: {  	_ =	shalt  }
0x54: {  	_ =	shalt  }
0x55: {  	_ =	shalt  }
0x56: {  	_ =	shalt  }
0x57: {  	_ =	shalt  }
0x58: {  	_ =	shalt  }
0x59: {  	_ =	shalt  }
0x5a: {  	_ =	shalt  }
0x5b: {  	_ =	shalt  }
0x5c: {  	_ =	shalt  }
0x5d: {  	_ =	shalt  }
0x5e: {  	_ =	shalt  }
0x5f: {  	_ =	shalt  }
0x60: {  	_ =	shalt  }
0x61: {  	_ =	shalt  }
0x62: {  	_ =	shalt  }
0x63: {  	_ =	shalt  }
0x64: {  	_ =	shalt  }
0x65: {  	_ =	shalt  }
0x66: {  	_ =	shalt  }
0x67: {  	_ =	shalt  }
0x68: {  	_ =	shalt  }
0x69: {  	_ =	shalt  }
0x6a: {  	_ =	shalt  }
0x6b: {  	_ =	shalt  }
0x6c: {  	_ =	shalt  }
0x6d: {  	_ =	shalt  }
0x6e: {  	_ =	shalt  }
0x6f: {  	_ =	shalt  }
0x70: {  	_ =	shalt  }
0x71: {  	_ =	shalt  }
0x72: {  	_ =	shalt  }
0x73: {  	_ =	shalt  }
0x74: {  	_ =	shalt  }
0x75: {  	_ =	shalt  }
0x76: {  	_ =	shalt  }
0x77: {  	_ =	shalt  }
0x78: {  	_ =	shalt  }
0x79: {  	_ =	shalt  }
0x7a: {  	_ =	shalt  }
0x7b: {  	_ =	shalt  }
0x7c: {  	_ =	shalt  }
0x7d: {  	_ =	shalt  }
0x7e: {  	_ =	shalt  }
0x7f: {  	_ =	shalt  }
0x80: {  	_ =	shalt  }
0x81: {  	_ =	shalt  }
0x82: {  	_ =	shalt  }
0x83: {  	_ =	shalt  }
0x84: {  	_ =	shalt  }
0x85: {  	_ =	shalt  }
0x86: {  	_ =	shalt  }
0x87: {  	_ =	shalt  }
.Lfunc_end0:
.L_simem_size_0:
called_computation.2_lowered:
.L_overlay_start_0:
0x88: {  	s2 =	sld [smem:$0x3FD9]  }
0x89: {  	s3 =	sld [smem:$0x3FFE];
	_ =	sdelay $0x1  }
0x8a: {  	s1 =	srdreg.scid  }
0x8b: {  	s0 =	sand.u32 $0x1, s1  }
0x8c: {  	s17 =	sshll.u32 s0, $0xA;
	s2 =	sadd.s32 s3, s2  }
0x8d: {  	s2 =	sadd.s32 s2, s17  }
0x8e: {  	[smem:$0x3FA6] =	sst s2  }
0x8f: {  	_ = 	snop  }
0x90: {  	s2 =	sld [smem:$0x3FD0];
	(tm) =	ssettm $0x1  }
0x91: {  	s18 =	sld [smem:$0x3FFB];
	_ =	sdelay $0x3  }
0x92: {  	_ =	strace s18  }
0x93: {  	s3 =	sld [smem:$0x3FFC];
	_ =	sdelay $0x3  }
0x94: {  	_ =	strace s3  }
0x95: {  	s3 =	sld [smem:$0x3FFD];
	_ =	sdelay $0x3  }
0x96: {  	_ =	strace s3  }
0x97: {  	_ =	strace $0x8FFFFFFF  }
0x98: {  	s19 =	sld [smem:$0x3FDB];
	_ =	sdelay $0x1  }
0x99: {  	s4 =	simm.s32 $_scs_section_size  }
0x9a: {  	s5 =	simm.s32 $_size__tile_overlayer_lowered;
	s6 =	simm.s32 $_tile_overlayer_lowered  }
0x9b: {  	s22 =	simm.s32 $0x1BFF;
	s21 =	sshll.u32 s6, $0x1;
	s3 =	sadd.s32 s4, s19  }
0x9c: {  	s7 =	simm.s32 $0x0;
	s20 =	sshll.u32 s5, $0x1;
	s5 =	sadd.s32 s21, s3  }
0x9d: {  	[timem:s7], [sflag:s22] =	dma.local [hbm:s5], s20  }
0x9e: {  	_ =	swait.ge [sflag:s22], s20  }
0x9f: {  	s4 =	ssub.s32 $0x0, s20;
	[sflag:s22] =	ssyncset.done $0x0  }
0xa0: {  	[sflag:s22] =	ssyncadd.s32 s4;
	_ =	sdelay $0x1  }
0xa1: {  	s23 =	simm.s32 $0x1B8B  }
0xa2: {  	_ =	swait.ge [sflag:s23], $0x1  }
0xa3: {  	[sflag:s23] =	ssyncset.done $0x0  }
0xa4: {  	s25 =	simm.s32 $0x1B8E;
	s24 =	sld [smem:$0x3FFE];
	[sflag:s23] =	ssyncadd.s32 $0xFFFFFFFF  }
0xa5: {  	s26 =	simm.s32 $execute0_lowered;
	[smem:$0x3FD2] =	sst s25  }
0xa6: {  	s5 =	sshll.u32 s26, $0x1;
	_ =	strace $0x80000046;
	[dreg:$0x1] =	wrdreg $0xFFFFFFFF  }
0xa7: {  	s28 =	simm.s32 $_size_execute0_lowered;
	s3 =	sadd.s32 s3, s5;
	[dreg:$0x0] =	wrdreg $0x0  }
0xa8: {  	s5 =	sshll.u32 s28, $0x1;
	[dreg:$0x2] =	wrdreg s3  }
0xa9: {  	[dreg:$0x3] =	wrdreg s5  }
0xaa: {  	[dreg:$0x4] =	wrdreg $0xC0  }
0xab: {  	_ =	task [dreg:s7], $0x5FFFF  }
0xac: {  	[dreg:$0x1] =	wrdreg $0xFFFFFFFF  }
0xad: {  	[dreg:$0x0] =	wrdreg $0x60  }
0xae: {  	[dreg:$0x2] =	wrdreg s24  }
0xaf: {  	[dreg:$0x3] =	wrdreg s2  }
0xb0: {  	[dreg:$0x4] =	wrdreg $0x9  }
0xb1: {  	_ =	task.clear_ibuf [dreg:s7], $0x5FFFF;
	_ =	strace $0x90000046  }
0xb2: {  	s29 =	simm.s32 $0x9;
	_ =	strace $0x80000048  }
0xb3: {  	_ =	swait.ge [sflag:s29], $0x1  }
0xb4: {  	[sflag:s29] =	ssyncadd.s32 $0xFFFFFFFF  }
0xb5: {  	_ =	strace $0x90000048  }
0xb6: {  	_ =	sfence  }
0xb7: {  	s30 =	sld [smem:$0x0];
	_ =	sdelay $0x2  }
0xb8: {  	s31 =	sshll.u32 s1, $0xD;
	s1 =	sshrl.u32 s1, $0x2  }
0xb9: {  	s3 =	sand.u32 $0x4000, s31;
	s1 =	sadd.s32 s1, s30  }
0xba: {  	s0 =	sor.u32 s3, s0;
	s1 =	sshll.u32 s1, $0x11  }
0xbb: {  	s0 =	sor.u32 s1, s0  }
0xbc: {  	s0 =	sadd.s32 $0x8F2B, s0  }
0xbd: {  	[sflag:s0] =	ssyncadd.remote.s32 $0x1  }
0xbe: {  	_ =	sfence.sel $0xFFFF  }
0xbf: {  	[dreg:$0x0] =	wrdreg $0xFFFFFFFF;
	(pc) =	sbr.abs _section_cstart, $3  }
0xc0: {  	[dreg:$0x1] =	wrdreg $0xFFFFFFFF  }
0xc1: {  	_ =	task.clear_ibuf [dreg:s7], $0x2FFFF;
	_ =	strace $0x9FFFFFFF  }
0xc2: {  	(tm) =	ssettm $0x7FFFFFFF  }
0xc3: {  	_ =	shalt  }
tec
execute0_lowered:
.L_overlay_start_1:
0x0: {  	(tag) =	ssettag $0x1  }
0x1: {  	s7 =	rddreg [dreg:$0x0]  }
0x2: {  	s2 =	rddreg [dreg:$0x1]  }
0x3: {  	s0 =	rddreg [dreg:$0x2]  }
0x4: {  	s1 =	srdreg.scid;
	_ =	strace $0x80000047;
	s4 =	simm.s32 $0x1  }
0x5: {  	s9 =	simm.s32 $0x3;
	s12 =	simm.s32 $0x0;
	s5 =	sshll.u32 s1, $0x4  }
.Ltmp0:
0x6: {  	s1 =	stileid.u32;
	s5 =	sand.u32 $0x10, s5;
	(pc) =	sbr.rel .LBB2_1-.Ltmp0, $4  }
0x7: {  	s10 =	simm.s32 $0x0;
	s3 =	sadd.s32 $0x2000, s7;
	s6 =	sor.u32 s1, s5  }
0x8: {  	[sflag:s4] =	ssyncpa.u1 $0x0;
	s5 =	simm.s32 $0x2;
	s6 =	sshll.u32 s6, $0x8  }
0x9: {  	s7 =	sadd.s32 $0x82000, s7;
	[sflag:s5] =	ssyncpa.u1 $0x0;
	s8 =	sadd.s32 $0x100, s6  }
0xa: {  	vm0 =	vmmov $0xff;
	vm1 =	vcmask $0x3F20;
	[sflag:s9] =	ssyncpa.u1 $0x0;
	s9 =	simm.s32 $0x100;
	s11 =	smov.u32 s6  }
.LBB2_9:
0xb: {  	p0 =	seq.s32 s10, $0x2  }
.Ltmp1:
0xc: {  	_ = 	snop;
	(pc) =	sbr.rel @p0 .LBB2_11-.Ltmp1, $1  }
0xd: {  	_ =	sdelay $0x3  }
.LBB2_10:
0xe: {  	s12 =	sadd.s32 $0x100, s11  }
0xf: {  	s13 =	smov.u32 s6;
	p0 =	slt.s32 s12, s8  }
0x10: {  	s13 =	smov.u32 @p0 s12  }
0x11: {  	s10 =	sadd.s32 $0x1, s10;
	s12 =	smov.u32 s11;
	s11 =	smov.u32 s13  }
.LBB2_1:
0x12: {  	p0 =	sne.s32 s10, $0x0  }
.Ltmp2:
0x13: {  	_ = 	snop;
	(pc) =	sbr.rel @!p0 .LBB2_2-.Ltmp2, $1  }
0x14: {  	_ =	sdelay $0x3  }
0x15: {  	s13 =	sand.u32 $0x1, s10  }
0x16: {  	p0 =	seq.s32 s13, $0x0  }
.Ltmp3:
0x17: {  	_ = 	snop;
	(pc) =	sbr.rel @p0 .LBB2_9-.Ltmp3, $1  }
0x18: {  	_ =	sdelay $0x3  }
0x19: {  	_ =	swait.ge [sflag:s5], $0x100  }
0x1a: {  	[sflag:s5] =	ssyncset.done $0x0  }
0x1b: {  	s13 =	simm.s32 $0x0;
	[sflag:s5] =	ssyncadd.s32 $0xFFFFFF00  }
0x1c: {  	v0 =	vld.msk [tilespmem:s13+$0x100 ss:$0x1], $0xffff;
	_ =	sdelay $0x4  }
0x1d: {  	v1 =	vshll.u32 v0, $0x4  }
0x1e: {  	vm2 =	veq.s32 v0, $0x80000000;
	v0 =	vshll.u32 v0, $0x12;
	v1 =	vand.u32 $0x3FF80, v1  }
0x1f: {  	v0 =	vand.u32 $0x1C0000, v0;
	v1 =	vsel vm2, $0xFFFFFF80, v1  }
0x20: {  	v0 =	vsel vm2, $0xFFFC0000, v0;
	v2 =	vand.u32 $0xFFFFFC00, v1  }
0x21: {  	v1 =	vand.u32 $0x380, v1;
	v0 =	vadd.s32 v0, v2  }
0x22: {  	v0 =	vor.u32 v1, v0  }
0x23: {  	v0 =	vshrl.u32 v0, $0x3;
	_ =	sdelay $0x3  }
0x24: {  	s13 =	simm.s32 $0x8200  }
0x25: {  	[tilespmem:s13], [sflag:$0x1] =	stream.indirect_vreg.gather [hbm:s3], $0x80, v0, vm0, $0x38;
	[tilespmem:$0x10200] =	vst v63  }
0x26: {  	s14 =	simm.s32 $0x8600;
	s31 =	simm.s32 $0x10  }
0x27: {  	[tilespmem:s14], [sflag:$0x1] =	stream.indirect_vreg.gather [hbm:s3], $0x80, v0, vm1, $0x38;
	[tilespmem:$0x10200] =	vst v63  }
0x28: {  	s14 =	simm.s32 $0x80;
	v0 =	vld.msk [tilespmem:s31+$0x100 ss:$0x1], $0xffff  }
.LBB2_5:
0x29: {  	p0 =	sne.s32 s14, $0x3C0;
	_ =	sdelay $0x4  }
0x2a: {  	v1 =	vshll.u32 v0, $0x4  }
0x2b: {  	vm2 =	veq.s32 v0, $0x80000000;
	v0 =	vshll.u32 v0, $0x12;
	v1 =	vand.u32 $0x3FF80, v1  }
0x2c: {  	v0 =	vand.u32 $0x1C0000, v0;
	v1 =	vsel vm2, $0xFFFFFF80, v1  }
0x2d: {  	v0 =	vsel vm2, $0xFFFC0000, v0;
	v2 =	vand.u32 $0xFFFFFC00, v1  }
0x2e: {  	v1 =	vand.u32 $0x380, v1;
	v0 =	vadd.s32 v0, v2  }
0x2f: {  	v0 =	vor.u32 v1, v0  }
0x30: {  	v0 =	vshrl.u32 v0, $0x3;
	_ =	sdelay $0x3  }
.Ltmp4:
0x31: {  	s13 =	sadd.s32 $0x800, s13;
	(pc) =	sbr.rel @p0 .LBB2_5-.Ltmp4, $4  }
0x32: {  	[tilespmem:s13], [sflag:$0x1] =	stream.indirect_vreg.gather [hbm:s3], $0x80, v0, vm0, $0x38;
	[tilespmem:$0x10200] =	vst v63  }
0x33: {  	s15 =	sshra.s32 s14, $0x2;
	s16 =	sadd.s32 $0x400, s13  }
0x34: {  	[tilespmem:s16], [sflag:$0x1] =	stream.indirect_vreg.gather [hbm:s3], $0x80, v0, vm1, $0x38;
	[tilespmem:$0x10200] =	vst v63  }
0x35: {  	s14 =	sadd.s32 $0x40, s14;
	v0 =	vld.msk [tilespmem:s15+$0x100 ss:$0x1], $0xffff  }
0x36: {  	_ =	sdelay $0x3  }
0x37: {  	v1 =	vshll.u32 v0, $0x4  }
0x38: {  	vm2 =	veq.s32 v0, $0x80000000;
	v63 =	vshll.u32 v0, $0x12;
	v1 =	vand.u32 $0x3FF80, v1  }
0x39: {  	v0 =	vand.u32 $0x1C0000, v63;
	v1 =	vsel vm2, $0xFFFFFF80, v1  }
0x3a: {  	v0 =	vsel vm2, $0xFFFC0000, v0;
	v2 =	vand.u32 $0xFFFFFC00, v1  }
0x3b: {  	v1 =	vand.u32 $0x380, v1;
	v0 =	vadd.s32 v0, v2  }
0x3c: {  	v0 =	vor.u32 v1, v0  }
0x3d: {  	v0 =	vshrl.u32 v0, $0x3;
	_ =	sdelay $0x3  }
0x3e: {  	s13 =	sadd.s32 $0x800, s13  }
0x3f: {  	[tilespmem:s13], [sflag:$0x1] =	stream.indirect_vreg.gather [hbm:s3], $0x80, v0, vm0, $0x38;
	[tilespmem:$0x10200] =	vst v63  }
0x40: {  	s13 =	sadd.s32 $0x400, s13  }
0x41: {  	[tilespmem:s13], [sflag:$0x1] =	stream.indirect_vreg.gather [hbm:s3], $0x80, v0, vm1, $0x38;
	[tilespmem:$0x10200] =	vst v63  }
0x42: {  	s12 =	sshll.u32 s12, $0x4;
	s14 =	simm.s32 $0x80;
	_ =	swait.ge [sflag:s4], $0x8000  }
0x43: {  	s15 =	simm.s32 $0x8600;
	s12 =	sadd.s32 s12, s7;
	[sflag:s4] =	ssyncset.done $0x0  }
0x44: {  	s16 =	sadd.s32 $0x0, s12;
	s13 =	simm.s32 $0x8200;
	[sflag:s4] =	ssyncadd.s32 $0xFFFF8000  }
.LBB2_7:
0x45: {  	[hbm:s16] =	stream.linear.scatter [tilespmem:s13], [sflag:$0x3], $0x400, $0x38;
	[tilespmem:$0x10200] =	vst v63  }
0x46: {  	s16 =	smov.u32 s14;
	s13 =	smov.u32 s15;
	p0 =	sne.s32 s14, $0xF80  }
.Ltmp5:
0x47: {  	s14 =	sadd.s32 $0x80, s14;
	(pc) =	sbr.rel @p0 .LBB2_7-.Ltmp5, $2  }
0x48: {  	_ =	sdelay $0x2  }
0x49: {  	s15 =	sadd.s32 $0x400, s15;
	s16 =	sadd.s32 s16, s12  }
.Ltmp6:
0x4a: {  	(pc) =	sbr.rel .LBB2_9-.Ltmp6, $2  }
0x4b: {  	_ =	sdelay $0x2  }
0x4c: {  	[hbm:s16] =	stream.linear.scatter [tilespmem:s13], [sflag:$0x3], $0x400, $0x38;
	[tilespmem:$0x10200] =	vst v63  }
.LBB2_2:
.Ltmp7:
0x4d: {  	(pc) =	sbr.rel .LBB2_10-.Ltmp7, $4  }
0x4e: {  	_ = 	snop  }
0x4f: {  	s12 =	sshrl.u32 s11, $0x3  }
0x50: {  	s13 =	sand.u32 $0x7, s11;
	s12 =	sadd.s32 s2, s12  }
0x51: {  	[tilespmem:s9], [sflag:$0x2] =	stream.linear.gather [hbm4b:s12+s13], $0x100, $0x38;
	[tilespmem:$0x10200] =	vst v63  }
.LBB2_11:
0x52: {  	s2 =	simm.s32 $0x3  }
0x53: {  	_ =	swait.ge [sflag:s2], $0x8000  }
0x54: {  	[sflag:s2] =	ssyncset.done $0x0  }
0x55: {  	[sflag:s2] =	ssyncadd.s32 $0xFFFF8000  }
0x56: {  	_ =	sfence.sel $0x180000  }
0x57: {  	s3 =	simm.s32 $0x2;
	[bflag:$0x0] =	sbarrier.arrive $0xFFFF  }
0x58: {  	[sflag:s3] =	ssyncpa.u1 $0x1  }
0x59: {  	s31 =	simm.s32 $0x1;
	[sflag:s2] =	ssyncpa.u1 $0x1  }
0x5a: {  	[sflag:s31] =	ssyncpa.u1 $0x1  }
0x5b: {  	p0 =	sne.s32 s1, $0x0;
	_ =	strace $0x90000047  }
0x5c: {  	s0 =	sadd.s32 @!p0 $0x100000, s0;
	[bflag:$0x2] =	sbarrier.arrive $0xFFFF  }
0x5d: {  	[sflag:s0] =	ssyncadd.tile.s32 @!p0 $0x1;
	_ =	shalt  }
.Lfunc_end2:
_tile_overlayer_lowered:
.L_overlay_start_2:
0x5e: {  	(tag) =	ssettag $0x2  }
0x5f: {  	s0 =	rddreg [dreg:$0x0];
	s2 =	stileid.u32  }
0x60: {  	s1 =	rddreg [dreg:$0x1];
	p0 =	sne.s32 s2, $0x0  }
0x61: {  	s3 =	rddreg [dreg:$0x2];
	[bflag:$0x3] =	sbarrier.arrive $0xFFFF;
	s2 =	simm.s32 @!p0 $0x1C01  }
0x62: {  	[timem:s3], [sflag:s2] =	dma.local @!p0 [hbm:s0], s1  }
0x63: {  	s0 =	simm.s32 @!p0 $0x1  }
0x64: {  	_ =	swait.ge @!p0 [sflag:s0], s1  }
0x65: {  	s1 =	ssub.s32 @!p0 $0x0, s1;
	[sflag:s0] =	ssyncset.done @!p0 $0x0  }
0x66: {  	[sflag:s0] =	ssyncadd.s32 @!p0 s1  }
0x67: {  	[bflag:$0x3] =	sbarrier.arrive $0xFFFF  }
0x68: {  	_ =	shalt  }

// kernel: sparse-core-data-format-call.1.cloned.1.call-start
scs
called_computation.1_lowered:
.L_overlay_start_0:
0x0: {  	s1 =	sld [smem:$0x3FD9]  }
0x1: {  	s2 =	sld [smem:$0x3FFE];
	_ =	sdelay $0x1  }
0x2: {  	s3 =	srdreg.scid  }
0x3: {  	s0 =	sand.u32 $0x1, s3  }
0x4: {  	s17 =	sshll.u32 s0, $0xA;
	s1 =	sadd.s32 s2, s1  }
0x5: {  	s1 =	sadd.s32 s1, s17  }
0x6: {  	[smem:$0x3FA6] =	sst s1  }
0x7: {  	_ = 	snop  }
0x8: {  	(tm) =	ssettm $0x1  }
0x9: {  	s18 =	sld [smem:$0x3FFB];
	_ =	sdelay $0x3  }
0xa: {  	_ =	strace s18  }
0xb: {  	s1 =	sld [smem:$0x3FFC];
	_ =	sdelay $0x3  }
0xc: {  	_ =	strace s1  }
0xd: {  	s1 =	sld [smem:$0x3FFD];
	_ =	sdelay $0x3  }
0xe: {  	_ =	strace s1  }
0xf: {  	_ =	strace $0x8FFFFFFF  }
0x10: {  	s19 =	sld [smem:$0x3FDB];
	_ =	sdelay $0x1  }
0x11: {  	s20 =	simm.s32 $_scs_section_size  }
0x12: {  	s4 =	simm.s32 $_size__tile_overlayer_lowered;
	s5 =	simm.s32 $_tile_overlayer_lowered  }
0x13: {  	s23 =	simm.s32 $0x1BFF;
	s22 =	sshll.u32 s5, $0x1;
	s1 =	sadd.s32 s20, s19  }
0x14: {  	s6 =	simm.s32 $0x0;
	s21 =	sshll.u32 s4, $0x1;
	s4 =	sadd.s32 s22, s1  }
0x15: {  	[timem:s6], [sflag:s23] =	dma.local [hbm:s4], s21  }
0x16: {  	_ =	swait.ge [sflag:s23], s21  }
0x17: {  	s2 =	ssub.s32 $0x0, s21;
	[sflag:s23] =	ssyncset.done $0x0  }
0x18: {  	[sflag:s23] =	ssyncadd.s32 s2;
	_ =	sdelay $0x1  }
0x19: {  	s24 =	simm.s32 $0x1B8B  }
0x1a: {  	_ =	swait.ge [sflag:s24], $0x1  }
0x1b: {  	[sflag:s24] =	ssyncset.done $0x0  }
0x1c: {  	s26 =	simm.s32 $0x1B8E;
	s25 =	sld [smem:$0x3FFE];
	[sflag:s24] =	ssyncadd.s32 $0xFFFFFFFF  }
0x1d: {  	s27 =	simm.s32 $execute0_lowered;
	[smem:$0x3FD2] =	sst s26  }
0x1e: {  	s4 =	sshll.u32 s27, $0x1;
	_ =	strace $0x80000052;
	[dreg:$0x1] =	wrdreg $0xFFFFFFFF  }
0x1f: {  	s28 =	simm.s32 $_size_execute0_lowered;
	s1 =	sadd.s32 s1, s4;
	[dreg:$0x0] =	wrdreg $0x0  }
0x20: {  	s4 =	sshll.u32 s28, $0x1;
	[dreg:$0x2] =	wrdreg s1  }
0x21: {  	[dreg:$0x3] =	wrdreg s4  }
0x22: {  	[dreg:$0x4] =	wrdreg $0xC0  }
0x23: {  	_ =	task [dreg:s6], $0x5FFFF  }
0x24: {  	[dreg:$0x1] =	wrdreg $0xFFFFFFFF  }
0x25: {  	[dreg:$0x0] =	wrdreg $0x60  }
0x26: {  	[dreg:$0x2] =	wrdreg s25  }
0x27: {  	[dreg:$0x3] =	wrdreg $0x9  }
0x28: {  	_ =	task.clear_ibuf [dreg:s6], $0x4FFFF;
	_ =	strace $0x90000052  }
0x29: {  	s29 =	simm.s32 $0x9;
	_ =	strace $0x80000054  }
0x2a: {  	_ =	swait.ge [sflag:s29], $0x1  }
0x2b: {  	[sflag:s29] =	ssyncadd.s32 $0xFFFFFFFF  }
0x2c: {  	_ =	strace $0x90000054  }
0x2d: {  	_ =	sfence  }
0x2e: {  	s30 =	sld [smem:$0x0];
	_ =	sdelay $0x2  }
0x2f: {  	s31 =	sshll.u32 s3, $0xD;
	s3 =	sshrl.u32 s3, $0x2  }
0x30: {  	s2 =	sand.u32 $0x4000, s31;
	s1 =	sadd.s32 s3, s30  }
0x31: {  	s0 =	sor.u32 s2, s0;
	s1 =	sshll.u32 s1, $0x11  }
0x32: {  	s0 =	sor.u32 s1, s0  }
0x33: {  	s0 =	sadd.s32 $0x8F2B, s0  }
0x34: {  	[sflag:s0] =	ssyncadd.remote.s32 $0x1  }
0x35: {  	_ =	sfence.sel $0xFFFF  }
0x36: {  	[dreg:$0x0] =	wrdreg $0xFFFFFFFF;
	(pc) =	sbr.abs _section_cstart, $3  }
0x37: {  	[dreg:$0x1] =	wrdreg $0xFFFFFFFF  }
0x38: {  	_ =	task.clear_ibuf [dreg:s6], $0x2FFFF;
	_ =	strace $0x9FFFFFFF  }
0x39: {  	(tm) =	ssettm $0x7FFFFFFF  }
tec
execute0_lowered:
.L_overlay_start_1:
0x0: {  	(tag) =	ssettag $0x1  }
0x1: {  	s0 =	stileid.u32;
	s1 =	srdreg.scid  }
0x2: {  	s7 =	rddreg [dreg:$0x0];
	s9 =	simm.s32 $0x2;
	s16 =	simm.s32 $0x0  }
0x3: {  	p0 =	por $0x0, $0x0;
	s10 =	simm.s32 $0x400;
	s15 =	simm.s32 $0x0  }
0x4: {  	s17 =	simm.s32 $0x0;
	s2 =	sshll.u32 s0, $0x4;
	s1 =	sshll.u32 s1, $0x1  }
0x5: {  	s14 =	simm.s32 $0x0;
	s2 =	sand.u32 $0x80, s2;
	s3 =	sand.u32 $0x2, s1  }
0x6: {  	s1 =	rddreg [dreg:$0x1];
	_ =	strace $0x80000053;
	s4 =	ssub.s32 $0x100, s2  }
0x7: {  	s5 =	ssub.s32 $0x40, s3;
	s11 =	smov.u32 s3;
	s6 =	sshrl.u32 s4, $0x8  }
0x8: {  	s4 =	sshrl.u32 s4, $0x7;
	s8 =	sshrl.u32 s5, $0x1;
	s5 =	sshrl.u32 s5, $0x2  }
.Ltmp0:
0x9: {  	s4 =	sand.u32 $0x1, s4;
	s8 =	sand.u32 $0x1, s8;
	(pc) =	sbr.rel .LBB1_1-.Ltmp0, $4  }
0xa: {  	s12 =	smov.u32 s2;
	s6 =	sadd.s32 s6, s4;
	s8 =	sadd.s32 s5, s8  }
0xb: {  	s4 =	sadd.s32 $0x314400, s7;
	s5 =	simm.s32 $0x1;
	s6 =	smul.u32 s6, s8  }
0xc: {  	s7 =	sadd.s32 $0x414400, s7;
	[sflag:s5] =	ssyncpa.u1 $0x0;
	s8 =	sand.u32 $0x7, s0  }
0xd: {  	[sflag:s9] =	ssyncpa.u1 $0x0;
	s13 =	smov.u32 s8;
	s9 =	sadd.s32 $0x1, s6  }
.LBB1_4:
0xe: {  	v11 =	vld [tilespmem:s21+$0xFFFFFFE0];
	v12 =	vcombine.low v6, v7  }
0xf: {  	v3 =	vperm.xlane.i2c.b16 v3;
	[tilespmem:s23+$0x3870 ss:$0x81] =	vst.msk $0xffff, v9;
	v45 =	vld [tilespmem:s21+$0xFFFFFFF0];
	v4 =	vperm.xlane.i2c.b16 v4  }
0x10: {  	v46 =	vcombine.high v6, v7;
	[tilespmem:s20+$0x2040 ss:$0x81] =	vst.msk $0xffff, v10;
	v47 =	vld [tilespmem:s21+$0x0];
	v5 =	vperm.xlane.i2c.b16 v5  }
0x11: {  	v49 =	vld [tilespmem:s21+$0x10];
	v1 =	vperm.xlane.i2c.b16 v1;
	[tilespmem:s23+$0x810 ss:$0x81] =	vst.msk $0xffff, v12;
	v48 =	vcombine.low v8, v3  }
0x12: {  	v51 =	vld [tilespmem:s21+$0xFFFFFFC0];
	v58 =	vperm.xlane.i2c.b16 v2;
	v50 =	vcombine.low v4, v0;
	[tilespmem:s23+$0x2850 ss:$0x81] =	vst.msk $0xffff, v46  }
0x13: {  	s27 =	sshra.s32 s22, $0x2;
	v3 =	vcombine.high v8, v3;
	v52 =	vcombine.low v1, v5;
	[tilespmem:s23+$0x1020 ss:$0x81] =	vst.msk $0xffff, v48  }
0x14: {  	s18 =	sadd.s32 s27, s18;
	v1 =	vcombine.high v1, v5;
	v55 =	vcombine.high v4, v0;
	[tilespmem:s23+$0x0 ss:$0x81] =	vst.msk $0xffff, v50  }
0x15: {  	[tilespmem:s18+$0x1830 ss:$0x81] =	vst.msk $0xffff, v52;
	v11 =	vperm.xlane.i2c.b16 v11;
	v53 =	vperm.xlane.i2c.b16 v45  }
0x16: {  	[tilespmem:s23+$0x3060 ss:$0x81] =	vst.msk $0xffff, v3;
	v54 =	vperm.xlane.i2c.b16 v47;
	v57 =	vperm.xlane.i2c.b16 v49  }
0x17: {  	[tilespmem:s18+$0x3870 ss:$0x81] =	vst.msk $0xffff, v1;
	v60 =	vperm.xlane.i2c.b16 v51;
	v56 =	vcombine.low v11, v53  }
0x18: {  	[tilespmem:s23+$0x2040 ss:$0x81] =	vst.msk $0xffff, v55;
	v61 =	vcombine.low v54, v57  }
0x19: {  	v63 =	vcombine.low v60, v58;
	[tilespmem:s18+$0x810 ss:$0x81] =	vst.msk $0xffff, v56  }
0x1a: {  	s17 =	sshll.u32 s17, $0x11;
	s28 =	sshrl.u32 s15, $0x1;
	v59 =	vcombine.high v11, v53;
	[tilespmem:s18+$0x1020 ss:$0x81] =	vst.msk $0xffff, v61  }
0x1b: {  	s16 =	sshll.u32 s16, $0xB;
	s29 =	sshrl.u32 s15, $0x3;
	s17 =	sadd.s32 s7, s17;
	v62 =	vcombine.high v54, v57;
	[tilespmem:s18+$0x0 ss:$0x81] =	vst.msk $0xffff, v63  }
0x1c: {  	s30 =	sand.u32 $0x7, s15;
	s20 =	sand.u32 $0x7C0, s28;
	s16 =	sadd.s32 s16, s17;
	v0 =	vcombine.high v60, v58;
	[tilespmem:s18+$0x2850 ss:$0x81] =	vst.msk $0xffff, v59  }
0x1d: {  	s31 =	sand.u32 $0xF, s29;
	s15 =	sshll.u32 s30, $0x12;
	s16 =	sadd.s32 s20, s16;
	[tilespmem:s18+$0x3060 ss:$0x81] =	vst.msk $0xffff, v62  }
0x1e: {  	s15 =	sor.u32 $0x200, s15;
	s16 =	sadd.s32 s31, s16;
	[tilespmem:s18+$0x2040 ss:$0x81] =	vst.msk $0xffff, v0  }
0x1f: {  	[hbm4b:s16+s15] =	stream.strided.scatter [tilespmem:s19], [sflag:$0x2], $0x4000, s10, s15, $0x20;
	[tilespmem:$0x10100] =	vst v63  }
.LBB1_5:
0x20: {  	s18 =	sadd.s32 $0x4, s11  }
0x21: {  	s15 =	sadd.s32 $0x100, s12;
	s19 =	smov.u32 s12;
	p2 =	sgt.s32 s18, $0x3F  }
0x22: {  	s19 =	smov.u32 @p2 s15  }
0x23: {  	s21 =	smov.u32 s13;
	s15 =	sadd.s32 $0x8, s13;
	p3 =	sgt.s32 s19, $0xFF  }
0x24: {  	s21 =	smov.u32 @p3 s15  }
0x25: {  	s18 =	smov.u32 @p2 s3;
	p2 =	sgt.s32 s21, $0x7  }
0x26: {  	p1 =	slt.u32 s14, $0x2;
	s21 =	smov.u32 @p2 s8;
	p2 =	sne.s32 s14, s9  }
.Ltmp1:
0x27: {  	s20 =	simm.s32 @!p1 $0x2;
	(pc) =	sbr.rel @!p2 .LBB1_6-.Ltmp1, $4  }
0x28: {  	s16 =	smov.u32 s11;
	s17 =	smov.u32 s13;
	_ =	swait.ge @!p1 [sflag:s20], $0x4000  }
0x29: {  	p0 =	por !p0, !p0;
	[sflag:s20] =	ssyncset.done @!p1 $0x0;
	s11 =	smov.u32 s18  }
0x2a: {  	s19 =	smov.u32 @p3 s2;
	s15 =	smov.u32 s12;
	[sflag:s20] =	ssyncadd.s32 @!p1 $0xFFFFC000  }
0x2b: {  	s12 =	smov.u32 s19;
	s14 =	sadd.s32 $0x1, s14;
	s13 =	smov.u32 s21  }
.LBB1_1:
0x2c: {  	p1 =	sge.u32 s14, s6;
	s31 =	sadd.s32 $0xFFFFFFFF, s14  }
0x2d: {  	s18 =	sshll.u32 @!p1 s13, $0x11;
	s19 =	sshll.u32 @!p1 s12, $0x9;
	s20 =	sshll.u32 @!p1 s11, $0x3  }
0x2e: {  	s21 =	sxor.u32 @!p1 $0xFFFFFFFF, s14;
	s18 =	sadd.s32 @!p1 s4, s18;
	s20 =	sand.u32 @!p1 $0x1F0, s20  }
0x2f: {  	s18 =	sadd.s32 @!p1 s19, s18;
	s19 =	sshll.u32 @!p1 s21, $0xE;
	s21 =	simm.s32 @!p1 $0x1000  }
0x30: {  	s18 =	sadd.s32 @!p1 s20, s18;
	s19 =	sand.u32 @!p1 $0x4000, s19;
	s20 =	simm.s32 @!p1 $0x80  }
0x31: {  	[tilespmem:s19], [sflag:$0x1] =	stream.strided.gather @!p1 [hbm4b:s18+s20], $0x4000, s21, s20, $0x38;
	[tilespmem:$0x10100] =	vst v63  }
0x32: {  	p1 =	sge.u32 s31, s6  }
.Ltmp2:
0x33: {  	_ = 	snop;
	(pc) =	sbr.rel @p1 .LBB1_5-.Ltmp2, $1  }
0x34: {  	_ =	sdelay $0x3  }
0x35: {  	s18 =	simm.s32 $0x1  }
0x36: {  	_ =	swait.ge [sflag:s5], $0x4000;
	s18 =	simm.s32 @!p0 $0x0  }
0x37: {  	[sflag:s5] =	ssyncset.done $0x0;
	s19 =	sshll.u32 s18, $0xE  }
0x38: {  	[sflag:s5] =	ssyncadd.s32 $0xFFFFC000;
	s19 =	sor.u32 $0x40, s19  }
0x39: {  	v0 =	vld [tilespmem:s19+$0x20]  }
0x3a: {  	v1 =	vld [tilespmem:s19+$0x30]  }
0x3b: {  	v2 =	vld [tilespmem:s19+$0xFFFFFFD0]  }
0x3c: {  	v3 =	vld [tilespmem:s19+$0xFFFFFFE0]  }
0x3d: {  	v4 =	vld [tilespmem:s19+$0xFFFFFFF0]  }
0x3e: {  	v5 =	vld [tilespmem:s19+$0x0]  }
0x3f: {  	v6 =	vld [tilespmem:s19+$0x10]  }
0x40: {  	v7 =	vld [tilespmem:s19+$0xFFFFFFC0]  }
0x41: {  	s18 =	smul.u32 $0x10200, s18;
	v1 =	vperm.xlane.i2c.b16 v1;
	v0 =	vperm.xlane.i2c.b16 v0  }
0x42: {  	s19 =	sadd.s32 $0x80, s19;
	v10 =	vperm.xlane.i2c.b16 v2;
	v3 =	vperm.xlane.i2c.b16 v3  }
0x43: {  	s18 =	sshrl.u32 s18, $0x2;
	v9 =	vld [tilespmem:s19+$0x30];
	v4 =	vperm.xlane.i2c.b16 v4;
	v5 =	vperm.xlane.i2c.b16 v5  }
0x44: {  	s18 =	sor.u32 $0x8000, s18;
	v2 =	vld [tilespmem:s19+$0x20];
	v6 =	vperm.xlane.i2c.b16 v6;
	v8 =	vcombine.low v0, v1  }
0x45: {  	v12 =	vld [tilespmem:s19+$0xFFFFFFF0];
	s20 =	sadd.s32 $0x0, s18;
	v13 =	vperm.xlane.i2c.b16 v7;
	v11 =	vcombine.low v3, v4  }
0x46: {  	v0 =	vcombine.high v0, v1;
	v1 =	vld [tilespmem:s19+$0xFFFFFFD0];
	v7 =	vcombine.low v5, v6;
	[tilespmem:s20+$0x1830 ss:$0x81] =	vst.msk $0xffff, v8  }
0x47: {  	v8 =	vld [tilespmem:s19+$0xFFFFFFE0];
	[tilespmem:s20+$0x810 ss:$0x81] =	vst.msk $0xffff, v11  }
0x48: {  	v14 =	vld [tilespmem:s19+$0x0];
	v9 =	vperm.xlane.i2c.b16 v9;
	v5 =	vcombine.high v5, v6;
	[tilespmem:s20+$0x1020 ss:$0x81] =	vst.msk $0xffff, v7  }
0x49: {  	s21 =	sand.u32 $0x1, s14;
	[tilespmem:s20+$0x3870 ss:$0x81] =	vst.msk $0xffff, v0;
	v0 =	vcombine.high v3, v4;
	v3 =	vld [tilespmem:s19+$0x10];
	v2 =	vperm.xlane.i2c.b16 v2  }
0x4a: {  	s22 =	smul.u32 $0x10200, s21;
	s21 =	sadd.s32 $0x80, s19;
	v11 =	vcombine.low v13, v10;
	v7 =	vperm.xlane.i2c.b16 v12;
	v4 =	vld [tilespmem:s19+$0xFFFFFFC0];
	[tilespmem:s20+$0x3060 ss:$0x81] =	vst.msk $0xffff, v5  }
0x4b: {  	v5 =	vld [tilespmem:s21+$0x30];
	[tilespmem:s20+$0x2850 ss:$0x81] =	vst.msk $0xffff, v0;
	v0 =	vperm.xlane.i2c.b16 v1;
	v15 =	vcombine.low v2, v9  }
0x4c: {  	s31 =	sshrl.u32 s22, $0x2;
	s23 =	sadd.s32 $0x1, s18;
	[tilespmem:s20+$0x0 ss:$0x81] =	vst.msk $0xffff, v11;
	v1 =	vld [tilespmem:s21+$0x20];
	v9 =	vcombine.high v2, v9;
	v6 =	vperm.xlane.i2c.b16 v8  }
0x4d: {  	s24 =	simm.s32 $0xC;
	s22 =	simm.s32 $0x8;
	v10 =	vcombine.high v13, v10;
	s19 =	sor.u32 $0x8000, s31;
	v2 =	vld [tilespmem:s21+$0xFFFFFFD0];
	v8 =	vperm.xlane.i2c.b16 v14;
	[tilespmem:s23+$0x1830 ss:$0x81] =	vst.msk $0xffff, v15  }
.LBB1_3:
0x4e: {  	p1 =	sne.s32 s24, $0x1FC;
	v11 =	vld [tilespmem:s21+$0xFFFFFFE0];
	v12 =	vcombine.low v6, v7;
	v3 =	vperm.xlane.i2c.b16 v3;
	[tilespmem:s23+$0x3870 ss:$0x81] =	vst.msk $0xffff, v9  }
0x4f: {  	v13 =	vperm.xlane.i2c.b16 v4;
	v4 =	vcombine.high v6, v7;
	v9 =	vld [tilespmem:s21+$0xFFFFFFF0];
	[tilespmem:s20+$0x2040 ss:$0x81] =	vst.msk $0xffff, v10;
	s20 =	smov.u32 s23  }
0x50: {  	v10 =	vld [tilespmem:s21+$0x0];
	[tilespmem:s20+$0x810 ss:$0x81] =	vst.msk $0xffff, v12;
	v6 =	vcombine.low v8, v3;
	v7 =	vcombine.high v8, v3  }
.Ltmp3:
0x51: {  	v8 =	vperm.xlane.i2c.b16 v5;
	v12 =	vperm.xlane.i2c.b16 v1;
	v3 =	vld [tilespmem:s21+$0x10];
	[tilespmem:s20+$0x2850 ss:$0x81] =	vst.msk $0xffff, v4;
	(pc) =	sbr.rel @p1 .LBB1_3-.Ltmp3, $4  }
0x52: {  	v14 =	vperm.xlane.i2c.b16 v2;
	v2 =	vcombine.low v13, v0;
	v4 =	vld [tilespmem:s21+$0xFFFFFFC0];
	s21 =	sadd.s32 $0x80, s21;
	[tilespmem:s20+$0x1020 ss:$0x81] =	vst.msk $0xffff, v6  }
0x53: {  	s23 =	sshra.s32 s22, $0x2;
	s22 =	smov.u32 s24;
	v1 =	vld [tilespmem:s21+$0x20];
	v6 =	vperm.xlane.i2c.b16 v11;
	v11 =	vcombine.low v12, v8;
	[tilespmem:s20+$0x3060 ss:$0x81] =	vst.msk $0xffff, v7  }
0x54: {  	s23 =	sadd.s32 s23, s18;
	v5 =	vld [tilespmem:s21+$0x30];
	v7 =	vperm.xlane.i2c.b16 v9;
	v9 =	vcombine.high v12, v8;
	[tilespmem:s20+$0x0 ss:$0x81] =	vst.msk $0xffff, v2  }
0x55: {  	s24 =	sadd.s32 $0x4, s24;
	v2 =	vld [tilespmem:s21+$0xFFFFFFD0];
	v8 =	vperm.xlane.i2c.b16 v10;
	[tilespmem:s23+$0x1830 ss:$0x81] =	vst.msk $0xffff, v11;
	v10 =	vcombine.high v13, v0;
	v0 =	vmov v14  }
.Ltmp4:
0x56: {  	_ = 	snop;
	(pc) =	sbr.rel .LBB1_4-.Ltmp4, $1  }
0x57: {  	_ =	sdelay $0x3  }
.LBB1_6:
0x58: {  	_ =	sfence.sel $0x180000  }
0x59: {  	s2 =	simm.s32 $0x1;
	[bflag:$0x0] =	sbarrier.arrive $0xFFFF  }
0x5a: {  	s31 =	simm.s32 $0x2;
	[sflag:s2] =	ssyncpa.u1 $0x1  }
0x5b: {  	[sflag:s31] =	ssyncpa.u1 $0x1  }
0x5c: {  	p0 =	sne.s32 s0, $0x0;
	_ =	strace $0x90000053  }
0x5d: {  	s0 =	sadd.s32 @!p0 $0x100000, s1;
	[bflag:$0x2] =	sbarrier.arrive $0xFFFF  }
0x5e: {  	[sflag:s0] =	ssyncadd.tile.s32 @!p0 $0x1;
	_ =	shalt  }
.Lfunc_end1:
_tile_overlayer_lowered:
.L_overlay_start_2:
0x5f: {  	(tag) =	ssettag $0x2  }
0x60: {  	s0 =	rddreg [dreg:$0x0];
	s2 =	stileid.u32  }
0x61: {  	s1 =	rddreg [dreg:$0x1];
	p0 =	sne.s32 s2, $0x0  }
0x62: {  	s3 =	rddreg [dreg:$0x2];
	[bflag:$0x3] =	sbarrier.arrive $0xFFFF;
	s2 =	simm.s32 @!p0 $0x1C01  }
0x63: {  	[timem:s3], [sflag:s2] =	dma.local @!p0 [hbm:s0], s1  }
0x64: {  	s0 =	simm.s32 @!p0 $0x1  }
0x65: {  	_ =	swait.ge @!p0 [sflag:s0], s1  }
0x66: {  	s1 =	ssub.s32 @!p0 $0x0, s1;
	[sflag:s0] =	ssyncset.done @!p0 $0x0  }
0x67: {  	[sflag:s0] =	ssyncadd.s32 @!p0 s1  }
0x68: {  	[bflag:$0x3] =	sbarrier.arrive $0xFFFF  }
0x69: {  	_ =	shalt  }

// kernel: sparse-core-data-format-call.cloned.1.call-start
scs
called_computation_lowered:
.L_overlay_start_0:
0x0: {  	s1 =	sld [smem:$0x3FD9]  }
0x1: {  	s2 =	sld [smem:$0x3FFE];
	_ =	sdelay $0x1  }
0x2: {  	s3 =	srdreg.scid  }
0x3: {  	s0 =	sand.u32 $0x1, s3  }
0x4: {  	s17 =	sshll.u32 s0, $0xA;
	s1 =	sadd.s32 s2, s1  }
0x5: {  	s1 =	sadd.s32 s1, s17  }
0x6: {  	[smem:$0x3FA6] =	sst s1  }
0x7: {  	_ = 	snop  }
0x8: {  	(tm) =	ssettm $0x1  }
0x9: {  	s18 =	sld [smem:$0x3FFB];
	_ =	sdelay $0x3  }
0xa: {  	_ =	strace s18  }
0xb: {  	s1 =	sld [smem:$0x3FFC];
	_ =	sdelay $0x3  }
0xc: {  	_ =	strace s1  }
0xd: {  	s1 =	sld [smem:$0x3FFD];
	_ =	sdelay $0x3  }
0xe: {  	_ =	strace s1  }
0xf: {  	_ =	strace $0x8FFFFFFF  }
0x10: {  	s19 =	sld [smem:$0x3FDB];
	_ =	sdelay $0x1  }
0x11: {  	s20 =	simm.s32 $_scs_section_size  }
0x12: {  	s4 =	simm.s32 $_size__tile_overlayer_lowered;
	s5 =	simm.s32 $_tile_overlayer_lowered  }
0x13: {  	s23 =	simm.s32 $0x1BFF;
	s22 =	sshll.u32 s5, $0x1;
	s1 =	sadd.s32 s20, s19  }
0x14: {  	s6 =	simm.s32 $0x0;
	s21 =	sshll.u32 s4, $0x1;
	s4 =	sadd.s32 s22, s1  }
0x15: {  	[timem:s6], [sflag:s23] =	dma.local [hbm:s4], s21  }
0x16: {  	_ =	swait.ge [sflag:s23], s21  }
0x17: {  	s2 =	ssub.s32 $0x0, s21;
	[sflag:s23] =	ssyncset.done $0x0  }
0x18: {  	[sflag:s23] =	ssyncadd.s32 s2;
	_ =	sdelay $0x1  }
0x19: {  	s24 =	simm.s32 $0x1B8B  }
0x1a: {  	_ =	swait.ge [sflag:s24], $0x1  }
0x1b: {  	[sflag:s24] =	ssyncset.done $0x0  }
0x1c: {  	s26 =	simm.s32 $0x1B8E;
	s25 =	sld [smem:$0x3FFE];
	[sflag:s24] =	ssyncadd.s32 $0xFFFFFFFF  }
0x1d: {  	s27 =	simm.s32 $execute0_lowered;
	[smem:$0x3FD2] =	sst s26  }
0x1e: {  	s4 =	sshll.u32 s27, $0x1;
	_ =	strace $0x80000055;
	[dreg:$0x1] =	wrdreg $0xFFFFFFFF  }
0x1f: {  	s28 =	simm.s32 $_size_execute0_lowered;
	s1 =	sadd.s32 s1, s4;
	[dreg:$0x0] =	wrdreg $0x0  }
0x20: {  	s4 =	sshll.u32 s28, $0x1;
	[dreg:$0x2] =	wrdreg s1  }
0x21: {  	[dreg:$0x3] =	wrdreg s4  }
0x22: {  	[dreg:$0x4] =	wrdreg $0xC0  }
0x23: {  	_ =	task [dreg:s6], $0x5FFFF  }
0x24: {  	[dreg:$0x1] =	wrdreg $0xFFFFFFFF  }
0x25: {  	[dreg:$0x0] =	wrdreg $0x60  }
0x26: {  	[dreg:$0x2] =	wrdreg s25  }
0x27: {  	[dreg:$0x3] =	wrdreg $0x9  }
0x28: {  	_ =	task.clear_ibuf [dreg:s6], $0x4FFFF;
	_ =	strace $0x90000055  }
0x29: {  	s29 =	simm.s32 $0x9;
	_ =	strace $0x80000057  }
0x2a: {  	_ =	swait.ge [sflag:s29], $0x1  }
0x2b: {  	[sflag:s29] =	ssyncadd.s32 $0xFFFFFFFF  }
0x2c: {  	_ =	strace $0x90000057  }
0x2d: {  	_ =	sfence  }
0x2e: {  	s30 =	sld [smem:$0x0];
	_ =	sdelay $0x2  }
0x2f: {  	s31 =	sshll.u32 s3, $0xD;
	s3 =	sshrl.u32 s3, $0x2  }
0x30: {  	s2 =	sand.u32 $0x4000, s31;
	s1 =	sadd.s32 s3, s30  }
0x31: {  	s0 =	sor.u32 s2, s0;
	s1 =	sshll.u32 s1, $0x11  }
0x32: {  	s0 =	sor.u32 s1, s0  }
0x33: {  	s0 =	sadd.s32 $0x8F2B, s0  }
0x34: {  	[sflag:s0] =	ssyncadd.remote.s32 $0x1  }
0x35: {  	_ =	sfence.sel $0xFFFF  }
0x36: {  	[dreg:$0x0] =	wrdreg $0xFFFFFFFF;
	(pc) =	sbr.abs _section_cstart, $3  }
0x37: {  	[dreg:$0x1] =	wrdreg $0xFFFFFFFF  }
0x38: {  	_ =	task.clear_ibuf [dreg:s6], $0x2FFFF;
	_ =	strace $0x9FFFFFFF  }
0x39: {  	(tm) =	ssettm $0x7FFFFFFF  }
tec
execute0_lowered:
.L_overlay_start_1:
0x0: {  	(tag) =	ssettag $0x1  }
0x1: {  	s0 =	stileid.u32;
	s1 =	srdreg.scid  }
0x2: {  	s8 =	rddreg [dreg:$0x0];
	s7 =	simm.s32 $0x1;
	s6 =	simm.s32 $0x1  }
0x3: {  	s31 =	simm.s32 $0x2;
	s19 =	simm.s32 $0x0;
	s10 =	simm.s32 $0x1000  }
0x4: {  	s17 =	simm.s32 $0x0;
	s2 =	sshll.u32 s0, $0x4;
	s1 =	sshll.u32 s1, $0x8  }
0x5: {  	s16 =	simm.s32 $0x0;
	s18 =	simm.s32 $0x0;
	s1 =	sor.u32 s2, s1  }
0x6: {  	s11 =	simm.s32 $0x0;
	s12 =	simm.s32 $0x0;
	s2 =	sand.u32 $0x180, s1  }
0x7: {  	s15 =	simm.s32 $0x0;
	s3 =	sadd.s32 $0x114400, s8;
	s5 =	ssub.s32 $0x400, s2  }
0x8: {  	s1 =	rddreg [dreg:$0x1];
	_ =	strace $0x80000056;
	s4 =	sand.u32 $0x180, s5  }
.Ltmp0:
0x9: {  	[sflag:s6] =	ssyncpa.u1 $0x0;
	p0 =	sne.s32 s4, $0x0;
	(pc) =	sbr.rel .LBB1_1-.Ltmp0, $4  }
0xa: {  	s13 =	smov.u32 s2;
	s9 =	sshrl.u32 s5, $0x9;
	s7 =	simm.s32 @!p0 $0x0  }
0xb: {  	s5 =	sand.u32 $0x7, s0;
	[sflag:s31] =	ssyncpa.u1 $0x0;
	s7 =	sadd.s32 s7, s9  }
0xc: {  	s4 =	sadd.s32 $0x214400, s8;
	s8 =	sadd.s32 $0x218400, s8;
	s7 =	sshll.u32 s7, $0x3  }
0xd: {  	s14 =	smov.u32 s5;
	p0 =	por $0x0, $0x0;
	s9 =	sor.u32 $0x1, s7  }
.LBB1_4:
0xe: {  	v11 =	vld [tilespmem:s24+$0xFFFFFFE0];
	v12 =	vcombine.low v6, v7  }
0xf: {  	v3 =	vperm.xlane.i2c.b16 v3;
	[tilespmem:s25+$0x3870 ss:$0x81] =	vst.msk $0xffff, v9;
	v45 =	vld [tilespmem:s24+$0xFFFFFFF0];
	v4 =	vperm.xlane.i2c.b16 v4  }
0x10: {  	v46 =	vcombine.high v6, v7;
	[tilespmem:s23+$0x2040 ss:$0x81] =	vst.msk $0xffff, v10;
	v47 =	vld [tilespmem:s24+$0x0];
	v5 =	vperm.xlane.i2c.b16 v5  }
0x11: {  	v49 =	vld [tilespmem:s24+$0x10];
	v1 =	vperm.xlane.i2c.b16 v1;
	[tilespmem:s25+$0x810 ss:$0x81] =	vst.msk $0xffff, v12;
	v48 =	vcombine.low v8, v3  }
0x12: {  	v51 =	vld [tilespmem:s24+$0xFFFFFFC0];
	v58 =	vperm.xlane.i2c.b16 v2;
	v50 =	vcombine.low v4, v0;
	[tilespmem:s25+$0x2850 ss:$0x81] =	vst.msk $0xffff, v46  }
0x13: {  	s29 =	sshra.s32 s26, $0x2;
	v3 =	vcombine.high v8, v3;
	v52 =	vcombine.low v1, v5;
	[tilespmem:s25+$0x1020 ss:$0x81] =	vst.msk $0xffff, v48  }
0x14: {  	s22 =	sadd.s32 s29, s22;
	v1 =	vcombine.high v1, v5;
	v55 =	vcombine.high v4, v0;
	[tilespmem:s25+$0x0 ss:$0x81] =	vst.msk $0xffff, v50  }
0x15: {  	[tilespmem:s22+$0x1830 ss:$0x81] =	vst.msk $0xffff, v52;
	v11 =	vperm.xlane.i2c.b16 v11;
	v53 =	vperm.xlane.i2c.b16 v45  }
0x16: {  	s30 =	sshll.u32 s19, $0xA;
	[tilespmem:s25+$0x3060 ss:$0x81] =	vst.msk $0xffff, v3;
	v54 =	vperm.xlane.i2c.b16 v47;
	v57 =	vperm.xlane.i2c.b16 v49  }
0x17: {  	s31 =	sshll.u32 s16, $0x3;
	s26 =	sshll.u32 s19, $0x7;
	s27 =	sshll.u32 s16, $0x1;
	[tilespmem:s22+$0x3870 ss:$0x81] =	vst.msk $0xffff, v1;
	v60 =	vperm.xlane.i2c.b16 v51;
	v56 =	vcombine.low v11, v53  }
0x18: {  	s18 =	sshll.u32 s18, $0x11;
	s17 =	sshll.u32 s17, $0xE;
	s23 =	sand.u32 $0x3E000, s30;
	[tilespmem:s25+$0x2040 ss:$0x81] =	vst.msk $0xffff, v55;
	v61 =	vcombine.low v54, v57  }
0x19: {  	s24 =	sand.u32 $0x3FC00, s31;
	s19 =	sand.u32 $0x300, s26;
	s28 =	sadd.s32 s18, s17;
	v63 =	vcombine.low v60, v58;
	[tilespmem:s22+$0x810 ss:$0x81] =	vst.msk $0xffff, v56  }
0x1a: {  	s29 =	sand.u32 $0x7, s16;
	s23 =	sadd.s32 s24, s23;
	s24 =	sand.u32 $0xF0, s27;
	v59 =	vcombine.high v11, v53;
	[tilespmem:s22+$0x1020 ss:$0x81] =	vst.msk $0xffff, v61  }
0x1b: {  	s18 =	sadd.s32 s18, s8;
	s16 =	sshll.u32 s29, $0x12;
	s19 =	sor.u32 s24, s19;
	v62 =	vcombine.high v54, v57;
	[tilespmem:s22+$0x0 ss:$0x81] =	vst.msk $0xffff, v63  }
0x1c: {  	s23 =	sshrl.u32 s23, $0x4;
	s24 =	sadd.s32 s4, s28;
	s19 =	sshrl.u32 s19, $0x4;
	v0 =	vcombine.high v60, v58;
	[tilespmem:s22+$0x2850 ss:$0x81] =	vst.msk $0xffff, v59  }
0x1d: {  	s17 =	sadd.s32 s17, s18;
	s23 =	sand.u32 $0x3FC0, s23;
	s24 =	sadd.s32 s19, s24;
	[tilespmem:s22+$0x3060 ss:$0x81] =	vst.msk $0xffff, v62  }
0x1e: {  	s16 =	sor.u32 $0x200, s16;
	s17 =	sadd.s32 s19, s17;
	s30 =	sadd.s32 s23, s24;
	[tilespmem:s22+$0x2040 ss:$0x81] =	vst.msk $0xffff, v0  }
0x1f: {  	[hbm4b:s30+s16] =	stream.strided.scatter [tilespmem:s21], [sflag:$0x2], $0x2000, s10, s16, $0x20;
	[tilespmem:$0x10100] =	vst v63  }
0x20: {  	s31 =	sadd.s32 $0xA040, s20;
	s17 =	sadd.s32 s23, s17  }
0x21: {  	[hbm4b:s17+s16] =	stream.strided.scatter [tilespmem:s31], [sflag:$0x2], $0x2000, s10, s16, $0x20;
	[tilespmem:$0x10100] =	vst v63  }
.LBB1_5:
0x22: {  	s20 =	sadd.s32 $0x80, s11  }
0x23: {  	s16 =	sadd.s32 $0x2, s12;
	s21 =	smov.u32 s12;
	p2 =	sgt.s32 s20, $0xFF  }
0x24: {  	s21 =	smov.u32 @p2 s16  }
0x25: {  	s22 =	smov.u32 s13;
	s16 =	sadd.s32 $0x200, s13;
	p3 =	sgt.s32 s21, $0x7  }
0x26: {  	s22 =	smov.u32 @p3 s16  }
0x27: {  	s23 =	smov.u32 s14;
	s16 =	sadd.s32 $0x8, s14;
	p4 =	sgt.s32 s22, $0x3FF  }
0x28: {  	p1 =	slt.u32 s15, $0x2;
	s23 =	smov.u32 @p4 s16  }
0x29: {  	s19 =	smov.u32 s11;
	s20 =	simm.s32 @p2 $0x0;
	p2 =	sgt.s32 s23, $0x7  }
0x2a: {  	s24 =	simm.s32 @!p1 $0x2;
	s23 =	smov.u32 @p2 s5;
	p2 =	sne.s32 s15, s9  }
.Ltmp1:
0x2b: {  	s17 =	smov.u32 s12;
	_ =	swait.ge @!p1 [sflag:s24], $0x4000;
	(pc) =	sbr.rel @!p2 .LBB1_6-.Ltmp1, $4  }
0x2c: {  	s18 =	smov.u32 s14;
	p0 =	por !p0, !p0;
	[sflag:s24] =	ssyncset.done @!p1 $0x0  }
0x2d: {  	s11 =	smov.u32 s20;
	s21 =	simm.s32 @p3 $0x0;
	[sflag:s24] =	ssyncadd.s32 @!p1 $0xFFFFC000  }
0x2e: {  	s12 =	smov.u32 s21;
	s22 =	smov.u32 @p4 s2;
	s16 =	smov.u32 s13  }
0x2f: {  	s13 =	smov.u32 s22;
	s15 =	sadd.s32 $0x1, s15;
	s14 =	smov.u32 s23  }
.LBB1_1:
0x30: {  	p1 =	sge.u32 s15, s7  }
0x31: {  	s20 =	sshll.u32 @!p1 s11, $0x3;
	s21 =	sshll.u32 @!p1 s12, $0x7  }
0x32: {  	s20 =	sand.u32 @!p1 $0x400, s20;
	s21 =	sand.u32 @!p1 $0x300, s21  }
0x33: {  	s31 =	sadd.s32 $0xFFFFFFFF, s15;
	s20 =	sor.u32 @!p1 s21, s20;
	s21 =	sshll.u32 @!p1 s14, $0x11  }
0x34: {  	s22 =	sshll.u32 @!p1 s13, $0x7;
	s23 =	sshrl.u32 @!p1 s11, $0x3;
	s21 =	sadd.s32 @!p1 s3, s21  }
0x35: {  	s24 =	sxor.u32 @!p1 $0xFFFFFFFF, s15;
	s23 =	sand.u32 @!p1 $0xF, s23;
	s21 =	sadd.s32 @!p1 s22, s21  }
0x36: {  	s20 =	sshrl.u32 @!p1 s20, $0x4;
	s22 =	sand.u32 @!p1 $0x7, s11;
	s21 =	sadd.s32 @!p1 s23, s21  }
0x37: {  	s22 =	sshll.u32 @!p1 s22, $0x12;
	s20 =	sadd.s32 @!p1 s20, s21;
	s21 =	sshll.u32 @!p1 s24, $0xE  }
0x38: {  	s23 =	simm.s32 @!p1 $0x400;
	s22 =	sor.u32 @!p1 $0x80, s22;
	s21 =	sand.u32 @!p1 $0x4000, s21  }
0x39: {  	[tilespmem:s21], [sflag:$0x1] =	stream.strided.gather @!p1 [hbm4b:s20+s22], $0x4000, s23, s22, $0x38;
	[tilespmem:$0x10100] =	vst v63  }
0x3a: {  	p1 =	sge.u32 s31, s7  }
.Ltmp2:
0x3b: {  	_ = 	snop;
	(pc) =	sbr.rel @p1 .LBB1_5-.Ltmp2, $1  }
0x3c: {  	_ =	sdelay $0x3  }
0x3d: {  	s20 =	simm.s32 $0x1  }
0x3e: {  	_ =	swait.ge [sflag:s6], $0x4000;
	s20 =	simm.s32 @!p0 $0x0  }
0x3f: {  	[sflag:s6] =	ssyncset.done $0x0;
	s21 =	sshll.u32 s20, $0xE  }
0x40: {  	[sflag:s6] =	ssyncadd.s32 $0xFFFFC000;
	s21 =	sor.u32 $0x40, s21  }
0x41: {  	v0 =	vld [tilespmem:s21+$0x20]  }
0x42: {  	v1 =	vld [tilespmem:s21+$0x30]  }
0x43: {  	v2 =	vld [tilespmem:s21+$0xFFFFFFD0]  }
0x44: {  	v3 =	vld [tilespmem:s21+$0xFFFFFFE0]  }
0x45: {  	v4 =	vld [tilespmem:s21+$0xFFFFFFF0]  }
0x46: {  	v5 =	vld [tilespmem:s21+$0x0]  }
0x47: {  	v6 =	vld [tilespmem:s21+$0x10]  }
0x48: {  	v7 =	vld [tilespmem:s21+$0xFFFFFFC0]  }
0x49: {  	s20 =	smul.u32 $0x10200, s20;
	v1 =	vperm.xlane.i2c.b16 v1;
	v0 =	vperm.xlane.i2c.b16 v0  }
0x4a: {  	s21 =	sadd.s32 $0x80, s21;
	v10 =	vperm.xlane.i2c.b16 v2;
	v3 =	vperm.xlane.i2c.b16 v3  }
0x4b: {  	s20 =	sshrl.u32 s20, $0x2;
	v9 =	vld [tilespmem:s21+$0x30];
	v4 =	vperm.xlane.i2c.b16 v4;
	v5 =	vperm.xlane.i2c.b16 v5  }
0x4c: {  	s22 =	sor.u32 $0x8000, s20;
	v2 =	vld [tilespmem:s21+$0x20];
	v6 =	vperm.xlane.i2c.b16 v6;
	v8 =	vcombine.low v0, v1  }
0x4d: {  	v12 =	vld [tilespmem:s21+$0xFFFFFFF0];
	s23 =	sadd.s32 $0x0, s22;
	v13 =	vperm.xlane.i2c.b16 v7;
	v11 =	vcombine.low v3, v4  }
0x4e: {  	v0 =	vcombine.high v0, v1;
	v1 =	vld [tilespmem:s21+$0xFFFFFFD0];
	v7 =	vcombine.low v5, v6;
	[tilespmem:s23+$0x1830 ss:$0x81] =	vst.msk $0xffff, v8  }
0x4f: {  	v8 =	vld [tilespmem:s21+$0xFFFFFFE0];
	[tilespmem:s23+$0x810 ss:$0x81] =	vst.msk $0xffff, v11  }
0x50: {  	v14 =	vld [tilespmem:s21+$0x0];
	v9 =	vperm.xlane.i2c.b16 v9;
	v5 =	vcombine.high v5, v6;
	[tilespmem:s23+$0x1020 ss:$0x81] =	vst.msk $0xffff, v7  }
0x51: {  	s31 =	sand.u32 $0x1, s15;
	[tilespmem:s23+$0x3870 ss:$0x81] =	vst.msk $0xffff, v0;
	v0 =	vcombine.high v3, v4;
	v3 =	vld [tilespmem:s21+$0x10];
	v2 =	vperm.xlane.i2c.b16 v2  }
0x52: {  	s20 =	smul.u32 $0x10200, s31;
	s24 =	sadd.s32 $0x80, s21;
	v11 =	vcombine.low v13, v10;
	v7 =	vperm.xlane.i2c.b16 v12;
	v4 =	vld [tilespmem:s21+$0xFFFFFFC0];
	[tilespmem:s23+$0x3060 ss:$0x81] =	vst.msk $0xffff, v5  }
0x53: {  	v5 =	vld [tilespmem:s24+$0x30];
	[tilespmem:s23+$0x2850 ss:$0x81] =	vst.msk $0xffff, v0;
	v0 =	vperm.xlane.i2c.b16 v1;
	v15 =	vcombine.low v2, v9  }
0x54: {  	s25 =	sadd.s32 $0x1, s22;
	s20 =	sshrl.u32 s20, $0x2;
	[tilespmem:s23+$0x0 ss:$0x81] =	vst.msk $0xffff, v11;
	v1 =	vld [tilespmem:s24+$0x20];
	v9 =	vcombine.high v2, v9;
	v6 =	vperm.xlane.i2c.b16 v8  }
0x55: {  	s26 =	simm.s32 $0x8;
	s27 =	simm.s32 $0xC;
	v10 =	vcombine.high v13, v10;
	s21 =	sor.u32 $0x8000, s20;
	v2 =	vld [tilespmem:s24+$0xFFFFFFD0];
	v8 =	vperm.xlane.i2c.b16 v14;
	[tilespmem:s25+$0x1830 ss:$0x81] =	vst.msk $0xffff, v15  }
.LBB1_3:
0x56: {  	p1 =	sne.s32 s27, $0x1FC;
	v11 =	vld [tilespmem:s24+$0xFFFFFFE0];
	v12 =	vcombine.low v6, v7;
	v3 =	vperm.xlane.i2c.b16 v3;
	[tilespmem:s25+$0x3870 ss:$0x81] =	vst.msk $0xffff, v9  }
0x57: {  	v13 =	vperm.xlane.i2c.b16 v4;
	v4 =	vcombine.high v6, v7;
	v9 =	vld [tilespmem:s24+$0xFFFFFFF0];
	[tilespmem:s23+$0x2040 ss:$0x81] =	vst.msk $0xffff, v10;
	s23 =	smov.u32 s25  }
0x58: {  	v10 =	vld [tilespmem:s24+$0x0];
	[tilespmem:s23+$0x810 ss:$0x81] =	vst.msk $0xffff, v12;
	v6 =	vcombine.low v8, v3;
	v7 =	vcombine.high v8, v3  }
.Ltmp3:
0x59: {  	v8 =	vperm.xlane.i2c.b16 v5;
	v12 =	vperm.xlane.i2c.b16 v1;
	v3 =	vld [tilespmem:s24+$0x10];
	[tilespmem:s23+$0x2850 ss:$0x81] =	vst.msk $0xffff, v4;
	(pc) =	sbr.rel @p1 .LBB1_3-.Ltmp3, $4  }
0x5a: {  	v14 =	vperm.xlane.i2c.b16 v2;
	v2 =	vcombine.low v13, v0;
	v4 =	vld [tilespmem:s24+$0xFFFFFFC0];
	s24 =	sadd.s32 $0x80, s24;
	[tilespmem:s23+$0x1020 ss:$0x81] =	vst.msk $0xffff, v6  }
0x5b: {  	s25 =	sshra.s32 s26, $0x2;
	s26 =	smov.u32 s27;
	v1 =	vld [tilespmem:s24+$0x20];
	v6 =	vperm.xlane.i2c.b16 v11;
	v11 =	vcombine.low v12, v8;
	[tilespmem:s23+$0x3060 ss:$0x81] =	vst.msk $0xffff, v7  }
0x5c: {  	s25 =	sadd.s32 s25, s22;
	v5 =	vld [tilespmem:s24+$0x30];
	v7 =	vperm.xlane.i2c.b16 v9;
	v9 =	vcombine.high v12, v8;
	[tilespmem:s23+$0x0 ss:$0x81] =	vst.msk $0xffff, v2  }
0x5d: {  	s27 =	sadd.s32 $0x4, s27;
	v2 =	vld [tilespmem:s24+$0xFFFFFFD0];
	v8 =	vperm.xlane.i2c.b16 v10;
	[tilespmem:s25+$0x1830 ss:$0x81] =	vst.msk $0xffff, v11;
	v10 =	vcombine.high v13, v0;
	v0 =	vmov v14  }
.Ltmp4:
0x5e: {  	_ = 	snop;
	(pc) =	sbr.rel .LBB1_4-.Ltmp4, $1  }
0x5f: {  	_ =	sdelay $0x3  }
.LBB1_6:
0x60: {  	_ =	sfence.sel $0x180000  }
0x61: {  	s2 =	simm.s32 $0x1;
	[bflag:$0x0] =	sbarrier.arrive $0xFFFF  }
0x62: {  	s31 =	simm.s32 $0x2;
	[sflag:s2] =	ssyncpa.u1 $0x1  }
0x63: {  	[sflag:s31] =	ssyncpa.u1 $0x1  }
0x64: {  	p0 =	sne.s32 s0, $0x0;
	_ =	strace $0x90000056  }
0x65: {  	s0 =	sadd.s32 @!p0 $0x100000, s1;
	[bflag:$0x2] =	sbarrier.arrive $0xFFFF  }
0x66: {  	[sflag:s0] =	ssyncadd.tile.s32 @!p0 $0x1;
	_ =	shalt  }
.Lfunc_end1:
_tile_overlayer_lowered:
.L_overlay_start_2:
0x67: {  	(tag) =	ssettag $0x2  }
0x68: {  	s0 =	rddreg [dreg:$0x0];
	s2 =	stileid.u32  }
0x69: {  	s1 =	rddreg [dreg:$0x1];
	p0 =	sne.s32 s2, $0x0  }
0x6a: {  	s3 =	rddreg [dreg:$0x2];
	[bflag:$0x3] =	sbarrier.arrive $0xFFFF;
	s2 =	simm.s32 @!p0 $0x1C01  }
0x6b: {  	[timem:s3], [sflag:s2] =	dma.local @!p0 [hbm:s0], s1  }
0x6c: {  	s0 =	simm.s32 @!p0 $0x1  }
0x6d: {  	_ =	swait.ge @!p0 [sflag:s0], s1  }
0x6e: {  	s1 =	ssub.s32 @!p0 $0x0, s1;
	[sflag:s0] =	ssyncset.done @!p0 $0x0  }
0x6f: {  	[sflag:s0] =	ssyncadd.s32 @!p0 s1  }
0x70: {  	[bflag:$0x3] =	sbarrier.arrive $0xFFFF  }
0x71: {  	_ =	shalt  }

</sc_bundles>
